<compile_context>
chip_gen: v7x
topology: tpu7x:2x2x1
jax: 0.10.2.dev20260603
libtpu: 0.0.44.dev20260713+nightly
codegen_flags: <defaults>
</compile_context>

<pallas_src>
import functools

import jax
import jax.numpy as jnp
from jax import lax
from jax.experimental import pallas as pl
from jax.experimental.pallas import tpu as pltpu
from jax.experimental.pallas import tpu_sc as plsc

_N = 10000
_NPAD = 10240
_E = 160000
_EPAD = 163840
_V = 100000
_H = 256
_HH = 128
_C = 128
_NC = 2
_NS = 16
_NW = _NC * _NS
_RPW = _NPAD // _NW
_ZROWS = _NPAD // _NS

_sc_mesh = functools.partial(
    plsc.VectorSubcoreMesh, core_axis_name="c", subcore_axis_name="s"
)


@functools.partial(
    pl.kernel,
    out_type=(
        jax.ShapeDtypeStruct((_NPAD, _H), jnp.float32),
        jax.ShapeDtypeStruct((_NS, 4, _NPAD), jnp.float32),
    ),
    mesh=_sc_mesh(),
    scratch_types=[
        pltpu.VMEM((4, 80), jnp.int32),
        pltpu.VMEM((4, 80, _H), jnp.float32),
        pltpu.VMEM((80, 128), jnp.int32),
        pltpu.VMEM((_NPAD,), jnp.float32),
        pltpu.VMEM((_NPAD,), jnp.float32),
        pltpu.SemaphoreType.DMA,
        pltpu.SemaphoreType.DMA,
        pltpu.SemaphoreType.DMA,
        pltpu.SemaphoreType.DMA,
        pltpu.SemaphoreType.DMA,
    ],
    compiler_params=pltpu.CompilerParams(needs_layout_passes=False),
)
def _gather_hist(emb, ids, ehist, x_out, degp, ids_v, rows_v, eidx_v,
                 hist_a, hist_b, sg0, sg1, sg2, sg3, sw):
    c = lax.axis_index("c")
    s = lax.axis_index("s")
    wid = c * _NS + s
    gsem = (sg0, sg1, sg2, sg3)

    pltpu.sync_copy(ids.at[wid], ids_v)
    dg = [
        pltpu.async_copy(emb.at[ids_v.at[j]], rows_v.at[j], gsem[j])
        for j in range(4)
    ]

    ones = jnp.ones((16,), jnp.float32)
    zeros = jnp.zeros((16,), jnp.float32)
    for a, href in ((0, hist_a), (1, hist_b)):
        @pl.loop(0, _NPAD // 16)
        def _zero(i):
            href[pl.ds(i * 16, 16)] = zeros

        pltpu.sync_copy(ehist.at[c, a, s], eidx_v)

        @pl.loop(0, 80)
        def _accum(r):
            for jj in range(8):
                plsc.addupdate_scatter(
                    href, [eidx_v[r, pl.ds(jj * 16, 16)]], ones)

        pltpu.sync_copy(href, degp.at[s, c * 2 + a])

    dw = []
    for j in range(4):
        dg[j].wait()
        dw.append(
            pltpu.async_copy(
                rows_v.at[j], x_out.at[pl.ds(wid * _RPW + j * 80, 80)], sw
            )
        )
    for d in dw:
        d.wait()


def _make_spmm(nb, k, split_by_core, nseg):

    assert nb % (2 * nseg) == 0
    seg_nb = nb // nseg
    assert seg_nb % 8 == 0

    @functools.partial(
        pl.kernel,
        out_type=jax.ShapeDtypeStruct((_NC, _NPAD, _HH), jnp.float32),
        mesh=_sc_mesh(),
        scratch_types=[
            pltpu.VMEM((seg_nb, k), jnp.int32),
            pltpu.VMEM((seg_nb, k), jnp.int32),
            pltpu.VMEM((k, _HH), jnp.float32),
            pltpu.VMEM((k, _HH), jnp.float32),
            pltpu.VMEM((k, _HH), jnp.float32),
            pltpu.VMEM((k, _HH), jnp.float32),
            pltpu.VMEM_SHARED((_NPAD, _HH), jnp.float32),
            pltpu.SemaphoreType.DMA,
            pltpu.SemaphoreType.DMA,
            pltpu.SemaphoreType.DMA,
            pltpu.SemaphoreType.DMA,
            pltpu.SemaphoreType.DMA,
            pltpu.SemaphoreType.DMA,
            pltpu.SemaphoreType.DMA,
            pltpu.SemaphoreType.DMA,
        ],
        compiler_params=pltpu.CompilerParams(needs_layout_passes=False),
    )
    def spmm(table, srci, dsti, out, idxs_v, idxd_v, b0, b1, b2, b3, acc,
             g0, g1, g2, g3, s0, s1, s2, s3):
        c = lax.axis_index("c")
        s = lax.axis_index("s")
        bufs = (b0, b1, b2, b3)
        gsem = (g0, g1, g2, g3)
        ssem = (s0, s1, s2, s3)

        zeros = jnp.zeros((16,), jnp.float32)

        @pl.loop(0, k)
        def _zrow(i):
            for j in range(_HH // 16):
                b0[i, pl.ds(j * 16, 16)] = zeros

        for t in range(_ZROWS // k):
            pltpu.sync_copy(b0, acc.at[pl.ds(s * _ZROWS + t * k, k)])
        plsc.subcore_barrier()

        def g_start(j, b):
            pltpu.async_copy(table.at[idxs_v.at[j]], bufs[b], gsem[b])

        def g_wait(j, b):
            pltpu.make_async_copy(table.at[idxs_v.at[j]], bufs[b],
                                  gsem[b]).wait()

        def s_start(j, b):
            pltpu.async_copy(bufs[b], acc.at[idxd_v.at[j]], ssem[b],
                             add=True)

        def s_wait(j, b):
            pltpu.make_async_copy(bufs[b], acc.at[idxd_v.at[j]],
                                  ssem[b]).wait()

        for seg in range(nseg):
            lo = seg * seg_nb
            if split_by_core:
                pltpu.sync_copy(srci.at[c, s, pl.ds(lo, seg_nb)], idxs_v)
                pltpu.sync_copy(dsti.at[s, pl.ds(lo, seg_nb)], idxd_v)
            else:
                wid = c * _NS + s
                pltpu.sync_copy(srci.at[wid, pl.ds(lo, seg_nb)], idxs_v)
                pltpu.sync_copy(dsti.at[wid, pl.ds(lo, seg_nb)], idxd_v)

            g_start(0, 0)
            g_start(1, 1)
            g_wait(0, 0); s_start(0, 0); g_start(2, 2)
            g_wait(1, 1); s_start(1, 1); g_start(3, 3)
            g_wait(2, 2); s_start(2, 2); s_wait(0, 0); g_start(4, 0)
            g_wait(3, 3); s_start(3, 3); s_wait(1, 1); g_start(5, 1)

            @pl.loop(1, seg_nb // 4)
            def _steady(jj):
                for b in range(4):
                    j = jj * 4 + b
                    bn = (b + 2) % 4
                    g_wait(j, b)
                    s_start(j, b)
                    s_wait(j - 2, bn)

                    @pl.when(j + 2 < seg_nb)
                    def _():
                        g_start(j + 2, bn)

            s_wait(seg_nb - 2, 2)
            s_wait(seg_nb - 1, 3)

        plsc.subcore_barrier()
        pltpu.sync_copy(acc.at[pl.ds(s * _ZROWS, _ZROWS)],
                        out.at[c, pl.ds(s * _ZROWS, _ZROWS)])

    return spmm


_K1 = 64
_K2 = 64
_spmm_l1 = _make_spmm(_EPAD // _NS // _K1, _K1, True, 4)
_spmm_l2 = _make_spmm(_EPAD // _NW // _K2, _K2, False, 2)


_BM = 1024


def _scale_body(x_ref, degp_ref, s1_ref, nt_ref):
    d = degp_ref[0]
    for i in range(1, _NS):
        d = d + degp_ref[i]
    nt = lax.rsqrt(jnp.clip(d, 1.0, None)).T
    nt_ref[...] = nt
    t = x_ref[...] * nt[:, 0:1]
    s1_ref[0] = t[:, :_HH]
    s1_ref[1] = t[:, _HH:]


def _mlp_body(a_ref, nt_ref, w1_ref, b1_ref, w2_ref, z_ref):
    h = jnp.concatenate([a_ref[0], a_ref[1]], axis=1) * nt_ref[:, 1:2]
    h = jnp.dot(h, w1_ref[...], preferred_element_type=jnp.float32)
    h = jnp.maximum(h + b1_ref[...], 0.0) * nt_ref[:, 2:3]
    z_ref[...] = jnp.dot(h, w2_ref[...], preferred_element_type=jnp.float32)


def _fin_body(a_ref, nt_ref, b2_ref, o_ref):
    o_ref[...] = (a_ref[0] + a_ref[1]) * nt_ref[:, 3:4] + b2_ref[...]


def _tc_scale(x, degp):
    return pl.pallas_call(
        _scale_body,
        grid=(_NPAD // _BM,),
        in_specs=[
            pl.BlockSpec((_BM, _H), lambda i: (i, 0)),
            pl.BlockSpec((_NS, 4, _BM), lambda i: (0, 0, i)),
        ],
        out_specs=[
            pl.BlockSpec((_NC, _BM, _HH), lambda i: (0, i, 0)),
            pl.BlockSpec((_BM, 4), lambda i: (i, 0)),
        ],
        out_shape=[
            jax.ShapeDtypeStruct((_NC, _NPAD, _HH), jnp.float32),
            jax.ShapeDtypeStruct((_NPAD, 4), jnp.float32),
        ],
    )(x, degp)


def _tc_mlp(agg0, norms_t, w1, b1, w2):
    return pl.pallas_call(
        _mlp_body,
        grid=(_NPAD // _BM,),
        in_specs=[
            pl.BlockSpec((_NC, _BM, _HH), lambda i: (0, i, 0)),
            pl.BlockSpec((_BM, 4), lambda i: (i, 0)),
            pl.BlockSpec((_H, _H), lambda i: (0, 0)),
            pl.BlockSpec((1, _H), lambda i: (0, 0)),
            pl.BlockSpec((_H, _C), lambda i: (0, 0)),
        ],
        out_specs=pl.BlockSpec((_BM, _C), lambda i: (i, 0)),
        out_shape=jax.ShapeDtypeStruct((_NPAD, _C), jnp.float32),
    )(agg0, norms_t, w1, b1, w2)


def _tc_fin(agg1, norms_t, b2):
    return pl.pallas_call(
        _fin_body,
        grid=(_NPAD // _BM,),
        in_specs=[
            pl.BlockSpec((_NC, _BM, _C), lambda i: (0, i, 0)),
            pl.BlockSpec((_BM, 4), lambda i: (i, 0)),
            pl.BlockSpec((1, _C), lambda i: (0, 0)),
        ],
        out_specs=pl.BlockSpec((_BM, _C), lambda i: (i, 0)),
        out_shape=jax.ShapeDtypeStruct((_NPAD, _C), jnp.float32),
    )(agg1, norms_t, b2)


@jax.jit
def kernel(inputs, edge_index0, edge_index1, emb, W1, b1, W2, b2):
    padfill = _N + (jnp.arange(_EPAD - _E, dtype=jnp.int32) % (_NPAD - _N))

    def pad_e(v):
        return jnp.concatenate([v, padfill])

    src0 = pad_e(edge_index0[0])
    dst0 = pad_e(edge_index0[1])
    src1 = pad_e(edge_index1[0])
    dst1 = pad_e(edge_index1[1])

    ids = jnp.concatenate(
        [inputs, jnp.zeros((_NPAD - _N,), jnp.int32)]
    ).reshape(_NW, 4, 80)
    ehist = jnp.stack([src0, dst0, src1, dst1]).reshape(2, 2, _NS, 80, 128)

    x, degp = _gather_hist(emb, ids, ehist)
    s1, norms_t = _tc_scale(x, degp)

    src_a = jnp.stack([src0, src0 + _NPAD]).reshape(_NC, _NS, -1, _K1)
    dst_a = dst0.reshape(_NS, -1, _K1)
    agg0 = _spmm_l1(s1.reshape(_NC * _NPAD, _HH), src_a, dst_a)

    z2 = _tc_mlp(agg0, norms_t, W1, b1.reshape(1, _H), W2)

    src_b = src1.reshape(_NW, -1, _K2)
    dst_b = dst1.reshape(_NW, -1, _K2)
    agg1 = _spmm_l2(z2, src_b, dst_b)

    out = _tc_fin(agg1, norms_t, b2.reshape(1, _C))
    return out[:_N]

# --- scband reference (transcript-rebuilt; emitter-appended) ---
"""Pipeline reference for scband-model-89318139887894 (READ-ONLY COPY).

The authoritative reference and input builder live on the scoring server;
editing this copy changes nothing except your own understanding.
"""

import jax, jax.numpy as jnp
import numpy as np

N = 10000          # nodes in the sampled mini-batch blocks
E = 160000         # edges per MFG block (avg_degree=16)
NUM_NODES = 100000 # full-graph embedding table rows
H = 256            # h_feats
C = 128            # num_classes


def setup_inputs(seed: int = 0) -> dict:
    key = jax.random.key(seed)
    ks = jax.random.split(key, 8)
    inputs = jax.random.randint(ks[0], (N,), 0, NUM_NODES, dtype=jnp.int32)
    edge_index0 = jax.random.randint(ks[1], (2, E), 0, N, dtype=jnp.int32)
    edge_index1 = jax.random.randint(ks[2], (2, E), 0, N, dtype=jnp.int32)
    emb = jax.random.normal(ks[3], (NUM_NODES, H), dtype=jnp.float32) * 0.05
    W1 = jax.random.normal(ks[4], (H, H), dtype=jnp.float32) * (1.0 / np.sqrt(H))
    b1 = jnp.zeros((H,), dtype=jnp.float32)
    W2 = jax.random.normal(ks[5], (H, C), dtype=jnp.float32) * (1.0 / np.sqrt(H))
    b2 = jnp.zeros((C,), dtype=jnp.float32)
    return {"inputs": inputs, "edge_index0": edge_index0, "edge_index1": edge_index1,
            "emb": emb, "W1": W1, "b1": b1, "W2": W2, "b2": b2}


def _gcn_layer(x, src, dst, W, b, n):
    # DGL GraphConv with norm='both': D_out^{-1/2} A D_in^{-1/2} X W + b
    deg_out = jnp.bincount(src, length=n).astype(x.dtype)
    deg_in = jnp.bincount(dst, length=n).astype(x.dtype)
    norm_out = 1.0 / jnp.sqrt(jnp.clip(deg_out, 1.0, None))
    norm_in = 1.0 / jnp.sqrt(jnp.clip(deg_in, 1.0, None))
    h = x * norm_out[:, None]
    m = jnp.take(h, src, axis=0)
    agg = jnp.zeros((n, x.shape[1]), x.dtype).at[dst].add(m)
    agg = agg * norm_in[:, None]
    return agg @ W + b


def reference(inputs, edge_index0, edge_index1, emb, W1, b1, W2, b2):
    # conv1 = PSEmbedGraphConv: embedding lookup for seed node ids, then graph conv
    x = jnp.take(emb, inputs, axis=0)                       # [N, H]
    h = _gcn_layer(x, edge_index0[0], edge_index0[1], W1, b1, N)
    h = jax.nn.relu(h)
    # conv2 = GraphConv(h_feats, num_classes)
    out = _gcn_layer(h, edge_index1[0], edge_index1[1], W2, b2, N)
    return out

if __name__ == "__main__":
    import jax
    _d = setup_inputs()
    print(jax.jit(kernel)(*tuple(_d.values())))

</pallas_src>

<mosaic_0001>
#map = affine_map<(d0, d1) -> (0, 0)>
#map1 = affine_map<(d0, d1) -> (0, 0, 0, 0)>
#map2 = affine_map<(d0, d1) -> (0, 0, 0)>
module attributes {stable_mosaic.version = 14 : i64} {
  func.func @spmm(%arg0: i32, %arg1: i32, %arg2: memref<20480x128xf32, #tpu.memory_space<hbm>>, %arg3: memref<2x16x160x64xi32, #tpu.memory_space<hbm>>, %arg4: memref<16x160x64xi32, #tpu.memory_space<hbm>>, %arg5: memref<2x10240x128xf32, #tpu.memory_space<hbm>>, %arg6: memref<40x64xi32, #tpu.memory_space<vmem>>, %arg7: memref<40x64xi32, #tpu.memory_space<vmem>>, %arg8: memref<64x128xf32, #tpu.memory_space<vmem>>, %arg9: memref<64x128xf32, #tpu.memory_space<vmem>>, %arg10: memref<64x128xf32, #tpu.memory_space<vmem>>, %arg11: memref<64x128xf32, #tpu.memory_space<vmem>>, %arg12: memref<10240x128xf32, #tpu.memory_space<vmem_shared>>, %arg13: memref<!tpu.dma_semaphore, #tpu.memory_space<semaphore_mem>>, %arg14: memref<!tpu.dma_semaphore, #tpu.memory_space<semaphore_mem>>, %arg15: memref<!tpu.dma_semaphore, #tpu.memory_space<semaphore_mem>>, %arg16: memref<!tpu.dma_semaphore, #tpu.memory_space<semaphore_mem>>, %arg17: memref<!tpu.dma_semaphore, #tpu.memory_space<semaphore_mem>>, %arg18: memref<!tpu.dma_semaphore, #tpu.memory_space<semaphore_mem>>, %arg19: memref<!tpu.dma_semaphore, #tpu.memory_space<semaphore_mem>>, %arg20: memref<!tpu.dma_semaphore, #tpu.memory_space<semaphore_mem>>) attributes {dimension_semantics = [#tpu.dimension_semantics<core_parallel>, #tpu.dimension_semantics<subcore_parallel>], iteration_bounds = array<i64: 2, 16>, scalar_prefetch = 0 : i64, scratch_operands = 15 : i64, tpu.core_type = #tpu.core_type<sc_vector_subcore>, window_params = [{transform_indices = #map}, {transform_indices = #map1}, {transform_indices = #map2}, {transform_indices = #map2}]} {
    %broadcast_in_dim3A = arith.constant 0.000000e+00 : f32
    %broadcast_in_dim3A_0 = vector.broadcast %broadcast_in_dim3A : f32 to vector<16xf32>
    %scan3A = arith.constant 0 : i32
    %scan3A_1 = arith.constant 64 : i32
    %scan3A_2 = arith.addi %scan3A, %scan3A_1 : i32
    %scan3A_3 = arith.constant 1 : i32
    scf.for %scan3A_570 = %scan3A to %scan3A_2 step %scan3A_3  : i32 {
      %mul3A_571 = arith.constant 1 : i32
      %mul3A_572 = arith.muli %scan3A_570, %mul3A_571 : i32
      %add3A_573 = arith.constant 0 : i32
      %add3A_574 = arith.addi %add3A_573, %mul3A_572 : i32
      %swap3A = arith.index_cast %add3A_574 : i32 to index
      %swap3A_575 = arith.constant 0 : index
      %swap3A_576 = tpu.vector_load %arg8[%swap3A, %swap3A_575] {strides = array<i32>} : memref<64x128xf32, #tpu.memory_space<vmem>>, vector<16xf32>,
      tpu.vector_store %arg8[%swap3A, %swap3A_575], %broadcast_in_dim3A_0 {strides = array<i32>} : memref<64x128xf32, #tpu.memory_space<vmem>>, vector<16xf32>,
      %swap3A_577 = arith.index_cast %add3A_574 : i32 to index
      %swap3A_578 = arith.constant 16 : index
      %swap3A_579 = tpu.vector_load %arg8[%swap3A_577, %swap3A_578] {strides = array<i32>} : memref<64x128xf32, #tpu.memory_space<vmem>>, vector<16xf32>,
      tpu.vector_store %arg8[%swap3A_577, %swap3A_578], %broadcast_in_dim3A_0 {strides = array<i32>} : memref<64x128xf32, #tpu.memory_space<vmem>>, vector<16xf32>,
      %swap3A_580 = arith.index_cast %add3A_574 : i32 to index
      %swap3A_581 = arith.constant 32 : index
      %swap3A_582 = tpu.vector_load %arg8[%swap3A_580, %swap3A_581] {strides = array<i32>} : memref<64x128xf32, #tpu.memory_space<vmem>>, vector<16xf32>,
      tpu.vector_store %arg8[%swap3A_580, %swap3A_581], %broadcast_in_dim3A_0 {strides = array<i32>} : memref<64x128xf32, #tpu.memory_space<vmem>>, vector<16xf32>,
      %swap3A_583 = arith.index_cast %add3A_574 : i32 to index
      %swap3A_584 = arith.constant 48 : index
      %swap3A_585 = tpu.vector_load %arg8[%swap3A_583, %swap3A_584] {strides = array<i32>} : memref<64x128xf32, #tpu.memory_space<vmem>>, vector<16xf32>,
      tpu.vector_store %arg8[%swap3A_583, %swap3A_584], %broadcast_in_dim3A_0 {strides = array<i32>} : memref<64x128xf32, #tpu.memory_space<vmem>>, vector<16xf32>,
      %swap3A_586 = arith.index_cast %add3A_574 : i32 to index
      %swap3A_587 = arith.constant 64 : index
      %swap3A_588 = tpu.vector_load %arg8[%swap3A_586, %swap3A_587] {strides = array<i32>} : memref<64x128xf32, #tpu.memory_space<vmem>>, vector<16xf32>,
      tpu.vector_store %arg8[%swap3A_586, %swap3A_587], %broadcast_in_dim3A_0 {strides = array<i32>} : memref<64x128xf32, #tpu.memory_space<vmem>>, vector<16xf32>,
      %swap3A_589 = arith.index_cast %add3A_574 : i32 to index
      %swap3A_590 = arith.constant 80 : index
      %swap3A_591 = tpu.vector_load %arg8[%swap3A_589, %swap3A_590] {strides = array<i32>} : memref<64x128xf32, #tpu.memory_space<vmem>>, vector<16xf32>,
      tpu.vector_store %arg8[%swap3A_589, %swap3A_590], %broadcast_in_dim3A_0 {strides = array<i32>} : memref<64x128xf32, #tpu.memory_space<vmem>>, vector<16xf32>,
      %swap3A_592 = arith.index_cast %add3A_574 : i32 to index
      %swap3A_593 = arith.constant 96 : index
      %swap3A_594 = tpu.vector_load %arg8[%swap3A_592, %swap3A_593] {strides = array<i32>} : memref<64x128xf32, #tpu.memory_space<vmem>>, vector<16xf32>,
      tpu.vector_store %arg8[%swap3A_592, %swap3A_593], %broadcast_in_dim3A_0 {strides = array<i32>} : memref<64x128xf32, #tpu.memory_space<vmem>>, vector<16xf32>,
      %swap3A_595 = arith.index_cast %add3A_574 : i32 to index
      %swap3A_596 = arith.constant 112 : index
      %swap3A_597 = tpu.vector_load %arg8[%swap3A_595, %swap3A_596] {strides = array<i32>} : memref<64x128xf32, #tpu.memory_space<vmem>>, vector<16xf32>,
      tpu.vector_store %arg8[%swap3A_595, %swap3A_596], %broadcast_in_dim3A_0 {strides = array<i32>} : memref<64x128xf32, #tpu.memory_space<vmem>>, vector<16xf32>,
    }
    %scan3A_4 = arith.constant 64 : i32
    %mul3A = arith.constant 640 : i32
    %mul3A_5 = arith.muli %arg1, %mul3A : i32
    %add3A = arith.constant 0 : i32
    %add3A_6 = arith.addi %mul3A_5, %add3A : i32
    "tpu.region"() ({
      %run_scoped3A = tpu.sem_alloc : memref<!tpu.dma_semaphore, #tpu.memory_space<semaphore_mem>>
      %dma_start3A_570 = arith.constant 0 : i32
      %dma_start3A_571 = tpu.memref_slice %arg12[%add3A_6, %dma_start3A_570] : memref<10240x128xf32, #tpu.memory_space<vmem_shared>> -> memref<64x128xf32, #tpu.memory_space<vmem_shared>>
      %dma_start3A_572 = arith.constant 0 : i32
      %dma_start3A_573 = tpu.memref_slice %arg12[%add3A_6, %dma_start3A_572] : memref<10240x128xf32, #tpu.memory_space<vmem_shared>> -> memref<64x128xf32, #tpu.memory_space<vmem_shared>>
      tpu.enqueue_dma source(%arg8 : memref<64x128xf32, #tpu.memory_space<vmem>>) target(%dma_start3A_573 : memref<64x128xf32, #tpu.memory_space<vmem_shared>>) target_semaphore(%run_scoped3A : memref<!tpu.dma_semaphore, #tpu.memory_space<semaphore_mem>>)
      %dma_wait3A_574 = arith.constant 0 : i32
      %dma_wait3A_575 = tpu.memref_slice %arg12[%add3A_6, %dma_wait3A_574] : memref<10240x128xf32, #tpu.memory_space<vmem_shared>> -> memref<64x128xf32, #tpu.memory_space<vmem_shared>>
      %dma_wait3A_576 = arith.constant 0 : i32
      %dma_wait3A_577 = tpu.memref_slice %arg12[%add3A_6, %dma_wait3A_576] : memref<10240x128xf32, #tpu.memory_space<vmem_shared>> -> memref<64x128xf32, #tpu.memory_space<vmem_shared>>
      tpu.wait_dma2 semaphore(%run_scoped3A : memref<!tpu.dma_semaphore, #tpu.memory_space<semaphore_mem>>) src(%arg8 : memref<64x128xf32, #tpu.memory_space<vmem>>) dst(%dma_wait3A_577 : memref<64x128xf32, #tpu.memory_space<vmem_shared>>)
      tpu.yield
    }) : () -> ()
    %mul3A_7 = arith.constant 640 : i32
    %mul3A_8 = arith.muli %arg1, %mul3A_7 : i32
    %add3A_9 = arith.constant 64 : i32
    %add3A_10 = arith.addi %mul3A_8, %add3A_9 : i32
    "tpu.region"() ({
      %run_scoped3A = tpu.sem_alloc : memref<!tpu.dma_semaphore, #tpu.memory_space<semaphore_mem>>
      %dma_start3A_570 = arith.constant 0 : i32
      %dma_start3A_571 = tpu.memref_slice %arg12[%add3A_10, %dma_start3A_570] : memref<10240x128xf32, #tpu.memory_space<vmem_shared>> -> memref<64x128xf32, #tpu.memory_space<vmem_shared>>
      %dma_start3A_572 = arith.constant 0 : i32
      %dma_start3A_573 = tpu.memref_slice %arg12[%add3A_10, %dma_start3A_572] : memref<10240x128xf32, #tpu.memory_space<vmem_shared>> -> memref<64x128xf32, #tpu.memory_space<vmem_shared>>
      tpu.enqueue_dma source(%arg8 : memref<64x128xf32, #tpu.memory_space<vmem>>) target(%dma_start3A_573 : memref<64x128xf32, #tpu.memory_space<vmem_shared>>) target_semaphore(%run_scoped3A : memref<!tpu.dma_semaphore, #tpu.memory_space<semaphore_mem>>)
      %dma_wait3A_574 = arith.constant 0 : i32
      %dma_wait3A_575 = tpu.memref_slice %arg12[%add3A_10, %dma_wait3A_574] : memref<10240x128xf32, #tpu.memory_space<vmem_shared>> -> memref<64x128xf32, #tpu.memory_space<vmem_shared>>
      %dma_wait3A_576 = arith.constant 0 : i32
      %dma_wait3A_577 = tpu.memref_slice %arg12[%add3A_10, %dma_wait3A_576] : memref<10240x128xf32, #tpu.memory_space<vmem_shared>> -> memref<64x128xf32, #tpu.memory_space<vmem_shared>>
      tpu.wait_dma2 semaphore(%run_scoped3A : memref<!tpu.dma_semaphore, #tpu.memory_space<semaphore_mem>>) src(%arg8 : memref<64x128xf32, #tpu.memory_space<vmem>>) dst(%dma_wait3A_577 : memref<64x128xf32, #tpu.memory_space<vmem_shared>>)
      tpu.yield
    }) : () -> ()
    %mul3A_11 = arith.constant 640 : i32
    %mul3A_12 = arith.muli %arg1, %mul3A_11 : i32
    %add3A_13 = arith.constant 128 : i32
    %add3A_14 = arith.addi %mul3A_12, %add3A_13 : i32
    "tpu.region"() ({
      %run_scoped3A = tpu.sem_alloc : memref<!tpu.dma_semaphore, #tpu.memory_space<semaphore_mem>>
      %dma_start3A_570 = arith.constant 0 : i32
      %dma_start3A_571 = tpu.memref_slice %arg12[%add3A_14, %dma_start3A_570] : memref<10240x128xf32, #tpu.memory_space<vmem_shared>> -> memref<64x128xf32, #tpu.memory_space<vmem_shared>>
      %dma_start3A_572 = arith.constant 0 : i32
      %dma_start3A_573 = tpu.memref_slice %arg12[%add3A_14, %dma_start3A_572] : memref<10240x128xf32, #tpu.memory_space<vmem_shared>> -> memref<64x128xf32, #tpu.memory_space<vmem_shared>>
      tpu.enqueue_dma source(%arg8 : memref<64x128xf32, #tpu.memory_space<vmem>>) target(%dma_start3A_573 : memref<64x128xf32, #tpu.memory_space<vmem_shared>>) target_semaphore(%run_scoped3A : memref<!tpu.dma_semaphore, #tpu.memory_space<semaphore_mem>>)
      %dma_wait3A_574 = arith.constant 0 : i32
      %dma_wait3A_575 = tpu.memref_slice %arg12[%add3A_14, %dma_wait3A_574] : memref<10240x128xf32, #tpu.memory_space<vmem_shared>> -> memref<64x128xf32, #tpu.memory_space<vmem_shared>>
      %dma_wait3A_576 = arith.constant 0 : i32
      %dma_wait3A_577 = tpu.memref_slice %arg12[%add3A_14, %dma_wait3A_576] : memref<10240x128xf32, #tpu.memory_space<vmem_shared>> -> memref<64x128xf32, #tpu.memory_space<vmem_shared>>
      tpu.wait_dma2 semaphore(%run_scoped3A : memref<!tpu.dma_semaphore, #tpu.memory_space<semaphore_mem>>) src(%arg8 : memref<64x128xf32, #tpu.memory_space<vmem>>) dst(%dma_wait3A_577 : memref<64x128xf32, #tpu.memory_space<vmem_shared>>)
      tpu.yield
    }) : () -> ()
    %mul3A_15 = arith.constant 640 : i32
    %mul3A_16 = arith.muli %arg1, %mul3A_15 : i32
    %add3A_17 = arith.constant 192 : i32
    %add3A_18 = arith.addi %mul3A_16, %add3A_17 : i32
    "tpu.region"() ({
      %run_scoped3A = tpu.sem_alloc : memref<!tpu.dma_semaphore, #tpu.memory_space<semaphore_mem>>
      %dma_start3A_570 = arith.constant 0 : i32
      %dma_start3A_571 = tpu.memref_slice %arg12[%add3A_18, %dma_start3A_570] : memref<10240x128xf32, #tpu.memory_space<vmem_shared>> -> memref<64x128xf32, #tpu.memory_space<vmem_shared>>
      %dma_start3A_572 = arith.constant 0 : i32
      %dma_start3A_573 = tpu.memref_slice %arg12[%add3A_18, %dma_start3A_572] : memref<10240x128xf32, #tpu.memory_space<vmem_shared>> -> memref<64x128xf32, #tpu.memory_space<vmem_shared>>
      tpu.enqueue_dma source(%arg8 : memref<64x128xf32, #tpu.memory_space<vmem>>) target(%dma_start3A_573 : memref<64x128xf32, #tpu.memory_space<vmem_shared>>) target_semaphore(%run_scoped3A : memref<!tpu.dma_semaphore, #tpu.memory_space<semaphore_mem>>)
      %dma_wait3A_574 = arith.constant 0 : i32
      %dma_wait3A_575 = tpu.memref_slice %arg12[%add3A_18, %dma_wait3A_574] : memref<10240x128xf32, #tpu.memory_space<vmem_shared>> -> memref<64x128xf32, #tpu.memory_space<vmem_shared>>
      %dma_wait3A_576 = arith.constant 0 : i32
      %dma_wait3A_577 = tpu.memref_slice %arg12[%add3A_18, %dma_wait3A_576] : memref<10240x128xf32, #tpu.memory_space<vmem_shared>> -> memref<64x128xf32, #tpu.memory_space<vmem_shared>>
      tpu.wait_dma2 semaphore(%run_scoped3A : memref<!tpu.dma_semaphore, #tpu.memory_space<semaphore_mem>>) src(%arg8 : memref<64x128xf32, #tpu.memory_space<vmem>>) dst(%dma_wait3A_577 : memref<64x128xf32, #tpu.memory_space<vmem_shared>>)
      tpu.yield
    }) : () -> ()
    %mul3A_19 = arith.constant 640 : i32
    %mul3A_20 = arith.muli %arg1, %mul3A_19 : i32
    %add3A_21 = arith.constant 256 : i32
    %add3A_22 = arith.addi %mul3A_20, %add3A_21 : i32
    "tpu.region"() ({
      %run_scoped3A = tpu.sem_alloc : memref<!tpu.dma_semaphore, #tpu.memory_space<semaphore_mem>>
      %dma_start3A_570 = arith.constant 0 : i32
      %dma_start3A_571 = tpu.memref_slice %arg12[%add3A_22, %dma_start3A_570] : memref<10240x128xf32, #tpu.memory_space<vmem_shared>> -> memref<64x128xf32, #tpu.memory_space<vmem_shared>>
      %dma_start3A_572 = arith.constant 0 : i32
      %dma_start3A_573 = tpu.memref_slice %arg12[%add3A_22, %dma_start3A_572] : memref<10240x128xf32, #tpu.memory_space<vmem_shared>> -> memref<64x128xf32, #tpu.memory_space<vmem_shared>>
      tpu.enqueue_dma source(%arg8 : memref<64x128xf32, #tpu.memory_space<vmem>>) target(%dma_start3A_573 : memref<64x128xf32, #tpu.memory_space<vmem_shared>>) target_semaphore(%run_scoped3A : memref<!tpu.dma_semaphore, #tpu.memory_space<semaphore_mem>>)
      %dma_wait3A_574 = arith.constant 0 : i32
      %dma_wait3A_575 = tpu.memref_slice %arg12[%add3A_22, %dma_wait3A_574] : memref<10240x128xf32, #tpu.memory_space<vmem_shared>> -> memref<64x128xf32, #tpu.memory_space<vmem_shared>>
      %dma_wait3A_576 = arith.constant 0 : i32
      %dma_wait3A_577 = tpu.memref_slice %arg12[%add3A_22, %dma_wait3A_576] : memref<10240x128xf32, #tpu.memory_space<vmem_shared>> -> memref<64x128xf32, #tpu.memory_space<vmem_shared>>
      tpu.wait_dma2 semaphore(%run_scoped3A : memref<!tpu.dma_semaphore, #tpu.memory_space<semaphore_mem>>) src(%arg8 : memref<64x128xf32, #tpu.memory_space<vmem>>) dst(%dma_wait3A_577 : memref<64x128xf32, #tpu.memory_space<vmem_shared>>)
      tpu.yield
    }) : () -> ()
    %mul3A_23 = arith.constant 640 : i32
    %mul3A_24 = arith.muli %arg1, %mul3A_23 : i32
    %add3A_25 = arith.constant 320 : i32
    %add3A_26 = arith.addi %mul3A_24, %add3A_25 : i32
    "tpu.region"() ({
      %run_scoped3A = tpu.sem_alloc : memref<!tpu.dma_semaphore, #tpu.memory_space<semaphore_mem>>
      %dma_start3A_570 = arith.constant 0 : i32
      %dma_start3A_571 = tpu.memref_slice %arg12[%add3A_26, %dma_start3A_570] : memref<10240x128xf32, #tpu.memory_space<vmem_shared>> -> memref<64x128xf32, #tpu.memory_space<vmem_shared>>
      %dma_start3A_572 = arith.constant 0 : i32
      %dma_start3A_573 = tpu.memref_slice %arg12[%add3A_26, %dma_start3A_572] : memref<10240x128xf32, #tpu.memory_space<vmem_shared>> -> memref<64x128xf32, #tpu.memory_space<vmem_shared>>
      tpu.enqueue_dma source(%arg8 : memref<64x128xf32, #tpu.memory_space<vmem>>) target(%dma_start3A_573 : memref<64x128xf32, #tpu.memory_space<vmem_shared>>) target_semaphore(%run_scoped3A : memref<!tpu.dma_semaphore, #tpu.memory_space<semaphore_mem>>)
      %dma_wait3A_574 = arith.constant 0 : i32
      %dma_wait3A_575 = tpu.memref_slice %arg12[%add3A_26, %dma_wait3A_574] : memref<10240x128xf32, #tpu.memory_space<vmem_shared>> -> memref<64x128xf32, #tpu.memory_space<vmem_shared>>
      %dma_wait3A_576 = arith.constant 0 : i32
      %dma_wait3A_577 = tpu.memref_slice %arg12[%add3A_26, %dma_wait3A_576] : memref<10240x128xf32, #tpu.memory_space<vmem_shared>> -> memref<64x128xf32, #tpu.memory_space<vmem_shared>>
      tpu.wait_dma2 semaphore(%run_scoped3A : memref<!tpu.dma_semaphore, #tpu.memory_space<semaphore_mem>>) src(%arg8 : memref<64x128xf32, #tpu.memory_space<vmem>>) dst(%dma_wait3A_577 : memref<64x128xf32, #tpu.memory_space<vmem_shared>>)
      tpu.yield
    }) : () -> ()
    %mul3A_27 = arith.constant 640 : i32
    %mul3A_28 = arith.muli %arg1, %mul3A_27 : i32
    %add3A_29 = arith.constant 384 : i32
    %add3A_30 = arith.addi %mul3A_28, %add3A_29 : i32
    "tpu.region"() ({
      %run_scoped3A = tpu.sem_alloc : memref<!tpu.dma_semaphore, #tpu.memory_space<semaphore_mem>>
      %dma_start3A_570 = arith.constant 0 : i32
      %dma_start3A_571 = tpu.memref_slice %arg12[%add3A_30, %dma_start3A_570] : memref<10240x128xf32, #tpu.memory_space<vmem_shared>> -> memref<64x128xf32, #tpu.memory_space<vmem_shared>>
      %dma_start3A_572 = arith.constant 0 : i32
      %dma_start3A_573 = tpu.memref_slice %arg12[%add3A_30, %dma_start3A_572] : memref<10240x128xf32, #tpu.memory_space<vmem_shared>> -> memref<64x128xf32, #tpu.memory_space<vmem_shared>>
      tpu.enqueue_dma source(%arg8 : memref<64x128xf32, #tpu.memory_space<vmem>>) target(%dma_start3A_573 : memref<64x128xf32, #tpu.memory_space<vmem_shared>>) target_semaphore(%run_scoped3A : memref<!tpu.dma_semaphore, #tpu.memory_space<semaphore_mem>>)
      %dma_wait3A_574 = arith.constant 0 : i32
      %dma_wait3A_575 = tpu.memref_slice %arg12[%add3A_30, %dma_wait3A_574] : memref<10240x128xf32, #tpu.memory_space<vmem_shared>> -> memref<64x128xf32, #tpu.memory_space<vmem_shared>>
      %dma_wait3A_576 = arith.constant 0 : i32
      %dma_wait3A_577 = tpu.memref_slice %arg12[%add3A_30, %dma_wait3A_576] : memref<10240x128xf32, #tpu.memory_space<vmem_shared>> -> memref<64x128xf32, #tpu.memory_space<vmem_shared>>
      tpu.wait_dma2 semaphore(%run_scoped3A : memref<!tpu.dma_semaphore, #tpu.memory_space<semaphore_mem>>) src(%arg8 : memref<64x128xf32, #tpu.memory_space<vmem>>) dst(%dma_wait3A_577 : memref<64x128xf32, #tpu.memory_space<vmem_shared>>)
      tpu.yield
    }) : () -> ()
    %mul3A_31 = arith.constant 640 : i32
    %mul3A_32 = arith.muli %arg1, %mul3A_31 : i32
    %add3A_33 = arith.constant 448 : i32
    %add3A_34 = arith.addi %mul3A_32, %add3A_33 : i32
    "tpu.region"() ({
      %run_scoped3A = tpu.sem_alloc : memref<!tpu.dma_semaphore, #tpu.memory_space<semaphore_mem>>
      %dma_start3A_570 = arith.constant 0 : i32
      %dma_start3A_571 = tpu.memref_slice %arg12[%add3A_34, %dma_start3A_570] : memref<10240x128xf32, #tpu.memory_space<vmem_shared>> -> memref<64x128xf32, #tpu.memory_space<vmem_shared>>
      %dma_start3A_572 = arith.constant 0 : i32
      %dma_start3A_573 = tpu.memref_slice %arg12[%add3A_34, %dma_start3A_572] : memref<10240x128xf32, #tpu.memory_space<vmem_shared>> -> memref<64x128xf32, #tpu.memory_space<vmem_shared>>
      tpu.enqueue_dma source(%arg8 : memref<64x128xf32, #tpu.memory_space<vmem>>) target(%dma_start3A_573 : memref<64x128xf32, #tpu.memory_space<vmem_shared>>) target_semaphore(%run_scoped3A : memref<!tpu.dma_semaphore, #tpu.memory_space<semaphore_mem>>)
      %dma_wait3A_574 = arith.constant 0 : i32
      %dma_wait3A_575 = tpu.memref_slice %arg12[%add3A_34, %dma_wait3A_574] : memref<10240x128xf32, #tpu.memory_space<vmem_shared>> -> memref<64x128xf32, #tpu.memory_space<vmem_shared>>
      %dma_wait3A_576 = arith.constant 0 : i32
      %dma_wait3A_577 = tpu.memref_slice %arg12[%add3A_34, %dma_wait3A_576] : memref<10240x128xf32, #tpu.memory_space<vmem_shared>> -> memref<64x128xf32, #tpu.memory_space<vmem_shared>>
      tpu.wait_dma2 semaphore(%run_scoped3A : memref<!tpu.dma_semaphore, #tpu.memory_space<semaphore_mem>>) src(%arg8 : memref<64x128xf32, #tpu.memory_space<vmem>>) dst(%dma_wait3A_577 : memref<64x128xf32, #tpu.memory_space<vmem_shared>>)
      tpu.yield
    }) : () -> ()
    %mul3A_35 = arith.constant 640 : i32
    %mul3A_36 = arith.muli %arg1, %mul3A_35 : i32
    %add3A_37 = arith.constant 512 : i32
    %add3A_38 = arith.addi %mul3A_36, %add3A_37 : i32
    "tpu.region"() ({
      %run_scoped3A = tpu.sem_alloc : memref<!tpu.dma_semaphore, #tpu.memory_space<semaphore_mem>>
      %dma_start3A_570 = arith.constant 0 : i32
      %dma_start3A_571 = tpu.memref_slice %arg12[%add3A_38, %dma_start3A_570] : memref<10240x128xf32, #tpu.memory_space<vmem_shared>> -> memref<64x128xf32, #tpu.memory_space<vmem_shared>>
      %dma_start3A_572 = arith.constant 0 : i32
      %dma_start3A_573 = tpu.memref_slice %arg12[%add3A_38, %dma_start3A_572] : memref<10240x128xf32, #tpu.memory_space<vmem_shared>> -> memref<64x128xf32, #tpu.memory_space<vmem_shared>>
      tpu.enqueue_dma source(%arg8 : memref<64x128xf32, #tpu.memory_space<vmem>>) target(%dma_start3A_573 : memref<64x128xf32, #tpu.memory_space<vmem_shared>>) target_semaphore(%run_scoped3A : memref<!tpu.dma_semaphore, #tpu.memory_space<semaphore_mem>>)
      %dma_wait3A_574 = arith.constant 0 : i32
      %dma_wait3A_575 = tpu.memref_slice %arg12[%add3A_38, %dma_wait3A_574] : memref<10240x128xf32, #tpu.memory_space<vmem_shared>> -> memref<64x128xf32, #tpu.memory_space<vmem_shared>>
      %dma_wait3A_576 = arith.constant 0 : i32
      %dma_wait3A_577 = tpu.memref_slice %arg12[%add3A_38, %dma_wait3A_576] : memref<10240x128xf32, #tpu.memory_space<vmem_shared>> -> memref<64x128xf32, #tpu.memory_space<vmem_shared>>
      tpu.wait_dma2 semaphore(%run_scoped3A : memref<!tpu.dma_semaphore, #tpu.memory_space<semaphore_mem>>) src(%arg8 : memref<64x128xf32, #tpu.memory_space<vmem>>) dst(%dma_wait3A_577 : memref<64x128xf32, #tpu.memory_space<vmem_shared>>)
      tpu.yield
    }) : () -> ()
    %mul3A_39 = arith.constant 640 : i32
    %mul3A_40 = arith.muli %arg1, %mul3A_39 : i32
    %add3A_41 = arith.constant 576 : i32
    %add3A_42 = arith.addi %mul3A_40, %add3A_41 : i32
    "tpu.region"() ({
      %run_scoped3A = tpu.sem_alloc : memref<!tpu.dma_semaphore, #tpu.memory_space<semaphore_mem>>
      %dma_start3A_570 = arith.constant 0 : i32
      %dma_start3A_571 = tpu.memref_slice %arg12[%add3A_42, %dma_start3A_570] : memref<10240x128xf32, #tpu.memory_space<vmem_shared>> -> memref<64x128xf32, #tpu.memory_space<vmem_shared>>
      %dma_start3A_572 = arith.constant 0 : i32
      %dma_start3A_573 = tpu.memref_slice %arg12[%add3A_42, %dma_start3A_572] : memref<10240x128xf32, #tpu.memory_space<vmem_shared>> -> memref<64x128xf32, #tpu.memory_space<vmem_shared>>
      tpu.enqueue_dma source(%arg8 : memref<64x128xf32, #tpu.memory_space<vmem>>) target(%dma_start3A_573 : memref<64x128xf32, #tpu.memory_space<vmem_shared>>) target_semaphore(%run_scoped3A : memref<!tpu.dma_semaphore, #tpu.memory_space<semaphore_mem>>)
      %dma_wait3A_574 = arith.constant 0 : i32
      %dma_wait3A_575 = tpu.memref_slice %arg12[%add3A_42, %dma_wait3A_574] : memref<10240x128xf32, #tpu.memory_space<vmem_shared>> -> memref<64x128xf32, #tpu.memory_space<vmem_shared>>
      %dma_wait3A_576 = arith.constant 0 : i32
      %dma_wait3A_577 = tpu.memref_slice %arg12[%add3A_42, %dma_wait3A_576] : memref<10240x128xf32, #tpu.memory_space<vmem_shared>> -> memref<64x128xf32, #tpu.memory_space<vmem_shared>>
      tpu.wait_dma2 semaphore(%run_scoped3A : memref<!tpu.dma_semaphore, #tpu.memory_space<semaphore_mem>>) src(%arg8 : memref<64x128xf32, #tpu.memory_space<vmem>>) dst(%dma_wait3A_577 : memref<64x128xf32, #tpu.memory_space<vmem_shared>>)
      tpu.yield
    }) : () -> ()
    %barrier3A = arith.constant 0 : index
    tpu.barrier barrier_id(%barrier3A)
    "tpu.region"() ({
      %run_scoped3A = tpu.sem_alloc : memref<!tpu.dma_semaphore, #tpu.memory_space<semaphore_mem>>
      %dma_start3A_570 = arith.constant 0 : i32
      %dma_start3A_571 = arith.constant 0 : i32
      %dma_start3A_572 = tpu.memref_slice %arg3[%arg0, %arg1, %dma_start3A_570, %dma_start3A_571] : memref<2x16x160x64xi32, #tpu.memory_space<hbm>> -> memref<1x1x40x64xi32, #tpu.memory_space<hbm>>
      %dma_start3A_573 = tpu.memref_squeeze %dma_start3A_572 : memref<1x1x40x64xi32, #tpu.memory_space<hbm>> -> memref<40x64xi32, #tpu.memory_space<hbm>>
      %dma_start3A_574 = arith.constant 0 : i32
      %dma_start3A_575 = arith.constant 0 : i32
      %dma_start3A_576 = tpu.memref_slice %arg3[%arg0, %arg1, %dma_start3A_574, %dma_start3A_575] : memref<2x16x160x64xi32, #tpu.memory_space<hbm>> -> memref<1x1x40x64xi32, #tpu.memory_space<hbm>>
      %dma_start3A_577 = tpu.memref_squeeze %dma_start3A_576 : memref<1x1x40x64xi32, #tpu.memory_space<hbm>> -> memref<40x64xi32, #tpu.memory_space<hbm>>
      tpu.enqueue_dma source(%dma_start3A_577 : memref<40x64xi32, #tpu.memory_space<hbm>>) target(%arg6 : memref<40x64xi32, #tpu.memory_space<vmem>>) target_semaphore(%run_scoped3A : memref<!tpu.dma_semaphore, #tpu.memory_space<semaphore_mem>>)
      %dma_wait3A_578 = arith.constant 0 : i32
      %dma_wait3A_579 = arith.constant 0 : i32
      %dma_wait3A_580 = tpu.memref_slice %arg3[%arg0, %arg1, %dma_wait3A_578, %dma_wait3A_579] : memref<2x16x160x64xi32, #tpu.memory_space<hbm>> -> memref<1x1x40x64xi32, #tpu.memory_space<hbm>>
      %dma_wait3A_581 = tpu.memref_squeeze %dma_wait3A_580 : memref<1x1x40x64xi32, #tpu.memory_space<hbm>> -> memref<40x64xi32, #tpu.memory_space<hbm>>
      %dma_wait3A_582 = arith.constant 0 : i32
      %dma_wait3A_583 = arith.constant 0 : i32
      %dma_wait3A_584 = tpu.memref_slice %arg3[%arg0, %arg1, %dma_wait3A_582, %dma_wait3A_583] : memref<2x16x160x64xi32, #tpu.memory_space<hbm>> -> memref<1x1x40x64xi32, #tpu.memory_space<hbm>>
      %dma_wait3A_585 = tpu.memref_squeeze %dma_wait3A_584 : memref<1x1x40x64xi32, #tpu.memory_space<hbm>> -> memref<40x64xi32, #tpu.memory_space<hbm>>
      tpu.wait_dma2 semaphore(%run_scoped3A : memref<!tpu.dma_semaphore, #tpu.memory_space<semaphore_mem>>) src(%dma_wait3A_585 : memref<40x64xi32, #tpu.memory_space<hbm>>) dst(%arg6 : memref<40x64xi32, #tpu.memory_space<vmem>>)
      tpu.yield
    }) : () -> ()
    "tpu.region"() ({
      %run_scoped3A = tpu.sem_alloc : memref<!tpu.dma_semaphore, #tpu.memory_space<semaphore_mem>>
      %dma_start3A_570 = arith.constant 0 : i32
      %dma_start3A_571 = arith.constant 0 : i32
      %dma_start3A_572 = tpu.memref_slice %arg4[%arg1, %dma_start3A_570, %dma_start3A_571] : memref<16x160x64xi32, #tpu.memory_space<hbm>> -> memref<1x40x64xi32, #tpu.memory_space<hbm>>
      %dma_start3A_573 = tpu.memref_squeeze %dma_start3A_572 : memref<1x40x64xi32, #tpu.memory_space<hbm>> -> memref<40x64xi32, #tpu.memory_space<hbm>>
      %dma_start3A_574 = arith.constant 0 : i32
      %dma_start3A_575 = arith.constant 0 : i32
      %dma_start3A_576 = tpu.memref_slice %arg4[%arg1, %dma_start3A_574, %dma_start3A_575] : memref<16x160x64xi32, #tpu.memory_space<hbm>> -> memref<1x40x64xi32, #tpu.memory_space<hbm>>
      %dma_start3A_577 = tpu.memref_squeeze %dma_start3A_576 : memref<1x40x64xi32, #tpu.memory_space<hbm>> -> memref<40x64xi32, #tpu.memory_space<hbm>>
      tpu.enqueue_dma source(%dma_start3A_577 : memref<40x64xi32, #tpu.memory_space<hbm>>) target(%arg7 : memref<40x64xi32, #tpu.memory_space<vmem>>) target_semaphore(%run_scoped3A : memref<!tpu.dma_semaphore, #tpu.memory_space<semaphore_mem>>)
      %dma_wait3A_578 = arith.constant 0 : i32
      %dma_wait3A_579 = arith.constant 0 : i32
      %dma_wait3A_580 = tpu.memref_slice %arg4[%arg1, %dma_wait3A_578, %dma_wait3A_579] : memref<16x160x64xi32, #tpu.memory_space<hbm>> -> memref<1x40x64xi32, #tpu.memory_space<hbm>>
      %dma_wait3A_581 = tpu.memref_squeeze %dma_wait3A_580 : memref<1x40x64xi32, #tpu.memory_space<hbm>> -> memref<40x64xi32, #tpu.memory_space<hbm>>
      %dma_wait3A_582 = arith.constant 0 : i32
      %dma_wait3A_583 = arith.constant 0 : i32
      %dma_wait3A_584 = tpu.memref_slice %arg4[%arg1, %dma_wait3A_582, %dma_wait3A_583] : memref<16x160x64xi32, #tpu.memory_space<hbm>> -> memref<1x40x64xi32, #tpu.memory_space<hbm>>
      %dma_wait3A_585 = tpu.memref_squeeze %dma_wait3A_584 : memref<1x40x64xi32, #tpu.memory_space<hbm>> -> memref<40x64xi32, #tpu.memory_space<hbm>>
      tpu.wait_dma2 semaphore(%run_scoped3A : memref<!tpu.dma_semaphore, #tpu.memory_space<semaphore_mem>>) src(%dma_wait3A_585 : memref<40x64xi32, #tpu.memory_space<hbm>>) dst(%arg7 : memref<40x64xi32, #tpu.memory_space<vmem>>)
      tpu.yield
    }) : () -> ()
    %dma_start3A = arith.constant 0 : i32
    %dma_start3A_43 = arith.constant 0 : i32
    %dma_start3A_44 = tpu.memref_slice %arg6[%dma_start3A, %dma_start3A_43] : memref<40x64xi32, #tpu.memory_space<vmem>> -> memref<1x64xi32, #tpu.memory_space<vmem>>
    %dma_start3A_45 = tpu.memref_squeeze %dma_start3A_44 : memref<1x64xi32, #tpu.memory_space<vmem>> -> memref<64xi32, #tpu.memory_space<vmem>>
    %dma_start3A_46 = arith.constant 0 : i32
    %dma_start3A_47 = arith.constant 0 : i32
    %dma_start3A_48 = tpu.memref_slice %arg2[%dma_start3A_46, %dma_start3A_47] : memref<20480x128xf32, #tpu.memory_space<hbm>> -> memref<20480x128xf32, #tpu.memory_space<hbm>>
    tpu.enqueue_indirect_dma source(%dma_start3A_48 : memref<20480x128xf32, #tpu.memory_space<hbm>>) target(%arg8 : memref<64x128xf32, #tpu.memory_space<vmem>>) offsets(%dma_start3A_45 : memref<64xi32, #tpu.memory_space<vmem>>) semaphore(%arg13 : memref<!tpu.dma_semaphore, #tpu.memory_space<semaphore_mem>>)
    %dma_start3A_49 = arith.constant 1 : i32
    %dma_start3A_50 = arith.constant 0 : i32
    %dma_start3A_51 = tpu.memref_slice %arg6[%dma_start3A_49, %dma_start3A_50] : memref<40x64xi32, #tpu.memory_space<vmem>> -> memref<1x64xi32, #tpu.memory_space<vmem>>
    %dma_start3A_52 = tpu.memref_squeeze %dma_start3A_51 : memref<1x64xi32, #tpu.memory_space<vmem>> -> memref<64xi32, #tpu.memory_space<vmem>>
    %dma_start3A_53 = arith.constant 0 : i32
    %dma_start3A_54 = arith.constant 0 : i32
    %dma_start3A_55 = tpu.memref_slice %arg2[%dma_start3A_53, %dma_start3A_54] : memref<20480x128xf32, #tpu.memory_space<hbm>> -> memref<20480x128xf32, #tpu.memory_space<hbm>>
    tpu.enqueue_indirect_dma source(%dma_start3A_55 : memref<20480x128xf32, #tpu.memory_space<hbm>>) target(%arg9 : memref<64x128xf32, #tpu.memory_space<vmem>>) offsets(%dma_start3A_52 : memref<64xi32, #tpu.memory_space<vmem>>) semaphore(%arg14 : memref<!tpu.dma_semaphore, #tpu.memory_space<semaphore_mem>>)
    %dma_wait3A = arith.constant 0 : i32
    %dma_wait3A_56 = arith.constant 0 : i32
    %dma_wait3A_57 = tpu.memref_slice %arg6[%dma_wait3A, %dma_wait3A_56] : memref<40x64xi32, #tpu.memory_space<vmem>> -> memref<1x64xi32, #tpu.memory_space<vmem>>
    %dma_wait3A_58 = tpu.memref_squeeze %dma_wait3A_57 : memref<1x64xi32, #tpu.memory_space<vmem>> -> memref<64xi32, #tpu.memory_space<vmem>>
    %dma_wait3A_59 = arith.constant 0 : i32
    %dma_wait3A_60 = arith.constant 0 : i32
    %dma_wait3A_61 = tpu.memref_slice %arg2[%dma_wait3A_59, %dma_wait3A_60] : memref<20480x128xf32, #tpu.memory_space<hbm>> -> memref<20480x128xf32, #tpu.memory_space<hbm>>
    tpu.wait_indirect_dma semaphore(%arg13 : memref<!tpu.dma_semaphore, #tpu.memory_space<semaphore_mem>>) src(%dma_wait3A_61 : memref<20480x128xf32, #tpu.memory_space<hbm>>) dst(%arg8 : memref<64x128xf32, #tpu.memory_space<vmem>>)
    %dma_start3A_62 = arith.constant 0 : i32
    %dma_start3A_63 = arith.constant 0 : i32
    %dma_start3A_64 = tpu.memref_slice %arg7[%dma_start3A_62, %dma_start3A_63] : memref<40x64xi32, #tpu.memory_space<vmem>> -> memref<1x64xi32, #tpu.memory_space<vmem>>
    %dma_start3A_65 = tpu.memref_squeeze %dma_start3A_64 : memref<1x64xi32, #tpu.memory_space<vmem>> -> memref<64xi32, #tpu.memory_space<vmem>>
    %dma_start3A_66 = arith.constant 0 : i32
    %dma_start3A_67 = arith.constant 0 : i32
    %dma_start3A_68 = tpu.memref_slice %arg12[%dma_start3A_66, %dma_start3A_67] : memref<10240x128xf32, #tpu.memory_space<vmem_shared>> -> memref<10240x128xf32, #tpu.memory_space<vmem_shared>>
    tpu.enqueue_indirect_dma source(%arg8 : memref<64x128xf32, #tpu.memory_space<vmem>>) target(%dma_start3A_68 : memref<10240x128xf32, #tpu.memory_space<vmem_shared>>) offsets(%dma_start3A_65 : memref<64xi32, #tpu.memory_space<vmem>>) semaphore(%arg17 : memref<!tpu.dma_semaphore, #tpu.memory_space<semaphore_mem>>) {add = true}
    %dma_start3A_69 = arith.constant 2 : i32
    %dma_start3A_70 = arith.constant 0 : i32
    %dma_start3A_71 = tpu.memref_slice %arg6[%dma_start3A_69, %dma_start3A_70] : memref<40x64xi32, #tpu.memory_space<vmem>> -> memref<1x64xi32, #tpu.memory_space<vmem>>
    %dma_start3A_72 = tpu.memref_squeeze %dma_start3A_71 : memref<1x64xi32, #tpu.memory_space<vmem>> -> memref<64xi32, #tpu.memory_space<vmem>>
    %dma_start3A_73 = arith.constant 0 : i32
    %dma_start3A_74 = arith.constant 0 : i32
    %dma_start3A_75 = tpu.memref_slice %arg2[%dma_start3A_73, %dma_start3A_74] : memref<20480x128xf32, #tpu.memory_space<hbm>> -> memref<20480x128xf32, #tpu.memory_space<hbm>>
    tpu.enqueue_indirect_dma source(%dma_start3A_75 : memref<20480x128xf32, #tpu.memory_space<hbm>>) target(%arg10 : memref<64x128xf32, #tpu.memory_space<vmem>>) offsets(%dma_start3A_72 : memref<64xi32, #tpu.memory_space<vmem>>) semaphore(%arg15 : memref<!tpu.dma_semaphore, #tpu.memory_space<semaphore_mem>>)
    %dma_wait3A_76 = arith.constant 1 : i32
    %dma_wait3A_77 = arith.constant 0 : i32
    %dma_wait3A_78 = tpu.memref_slice %arg6[%dma_wait3A_76, %dma_wait3A_77] : memref<40x64xi32, #tpu.memory_space<vmem>> -> memref<1x64xi32, #tpu.memory_space<vmem>>
    %dma_wait3A_79 = tpu.memref_squeeze %dma_wait3A_78 : memref<1x64xi32, #tpu.memory_space<vmem>> -> memref<64xi32, #tpu.memory_space<vmem>>
    %dma_wait3A_80 = arith.constant 0 : i32
    %dma_wait3A_81 = arith.constant 0 : i32
    %dma_wait3A_82 = tpu.memref_slice %arg2[%dma_wait3A_80, %dma_wait3A_81] : memref<20480x128xf32, #tpu.memory_space<hbm>> -> memref<20480x128xf32, #tpu.memory_space<hbm>>
    tpu.wait_indirect_dma semaphore(%arg14 : memref<!tpu.dma_semaphore, #tpu.memory_space<semaphore_mem>>) src(%dma_wait3A_82 : memref<20480x128xf32, #tpu.memory_space<hbm>>) dst(%arg9 : memref<64x128xf32, #tpu.memory_space<vmem>>)
    %dma_start3A_83 = arith.constant 1 : i32
    %dma_start3A_84 = arith.constant 0 : i32
    %dma_start3A_85 = tpu.memref_slice %arg7[%dma_start3A_83, %dma_start3A_84] : memref<40x64xi32, #tpu.memory_space<vmem>> -> memref<1x64xi32, #tpu.memory_space<vmem>>
    %dma_start3A_86 = tpu.memref_squeeze %dma_start3A_85 : memref<1x64xi32, #tpu.memory_space<vmem>> -> memref<64xi32, #tpu.memory_space<vmem>>
    %dma_start3A_87 = arith.constant 0 : i32
    %dma_start3A_88 = arith.constant 0 : i32
    %dma_start3A_89 = tpu.memref_slice %arg12[%dma_start3A_87, %dma_start3A_88] : memref<10240x128xf32, #tpu.memory_space<vmem_shared>> -> memref<10240x128xf32, #tpu.memory_space<vmem_shared>>
    tpu.enqueue_indirect_dma source(%arg9 : memref<64x128xf32, #tpu.memory_space<vmem>>) target(%dma_start3A_89 : memref<10240x128xf32, #tpu.memory_space<vmem_shared>>) offsets(%dma_start3A_86 : memref<64xi32, #tpu.memory_space<vmem>>) semaphore(%arg18 : memref<!tpu.dma_semaphore, #tpu.memory_space<semaphore_mem>>) {add = true}
    %dma_start3A_90 = arith.constant 3 : i32
    %dma_start3A_91 = arith.constant 0 : i32
    %dma_start3A_92 = tpu.memref_slice %arg6[%dma_start3A_90, %dma_start3A_91] : memref<40x64xi32, #tpu.memory_space<vmem>> -> memref<1x64xi32, #tpu.memory_space<vmem>>
    %dma_start3A_93 = tpu.memref_squeeze %dma_start3A_92 : memref<1x64xi32, #tpu.memory_space<vmem>> -> memref<64xi32, #tpu.memory_space<vmem>>
    %dma_start3A_94 = arith.constant 0 : i32
    %dma_start3A_95 = arith.constant 0 : i32
    %dma_start3A_96 = tpu.memref_slice %arg2[%dma_start3A_94, %dma_start3A_95] : memref<20480x128xf32, #tpu.memory_space<hbm>> -> memref<20480x128xf32, #tpu.memory_space<hbm>>
    tpu.enqueue_indirect_dma source(%dma_start3A_96 : memref<20480x128xf32, #tpu.memory_space<hbm>>) target(%arg11 : memref<64x128xf32, #tpu.memory_space<vmem>>) offsets(%dma_start3A_93 : memref<64xi32, #tpu.memory_space<vmem>>) semaphore(%arg16 : memref<!tpu.dma_semaphore, #tpu.memory_space<semaphore_mem>>)
    %dma_wait3A_97 = arith.constant 2 : i32
    %dma_wait3A_98 = arith.constant 0 : i32
    %dma_wait3A_99 = tpu.memref_slice %arg6[%dma_wait3A_97, %dma_wait3A_98] : memref<40x64xi32, #tpu.memory_space<vmem>> -> memref<1x64xi32, #tpu.memory_space<vmem>>
    %dma_wait3A_100 = tpu.memref_squeeze %dma_wait3A_99 : memref<1x64xi32, #tpu.memory_space<vmem>> -> memref<64xi32, #tpu.memory_space<vmem>>
    %dma_wait3A_101 = arith.constant 0 : i32
    %dma_wait3A_102 = arith.constant 0 : i32
    %dma_wait3A_103 = tpu.memref_slice %arg2[%dma_wait3A_101, %dma_wait3A_102] : memref<20480x128xf32, #tpu.memory_space<hbm>> -> memref<20480x128xf32, #tpu.memory_space<hbm>>
    tpu.wait_indirect_dma semaphore(%arg15 : memref<!tpu.dma_semaphore, #tpu.memory_space<semaphore_mem>>) src(%dma_wait3A_103 : memref<20480x128xf32, #tpu.memory_space<hbm>>) dst(%arg10 : memref<64x128xf32, #tpu.memory_space<vmem>>)
    %dma_start3A_104 = arith.constant 2 : i32
    %dma_start3A_105 = arith.constant 0 : i32
    %dma_start3A_106 = tpu.memref_slice %arg7[%dma_start3A_104, %dma_start3A_105] : memref<40x64xi32, #tpu.memory_space<vmem>> -> memref<1x64xi32, #tpu.memory_space<vmem>>
    %dma_start3A_107 = tpu.memref_squeeze %dma_start3A_106 : memref<1x64xi32, #tpu.memory_space<vmem>> -> memref<64xi32, #tpu.memory_space<vmem>>
    %dma_start3A_108 = arith.constant 0 : i32
    %dma_start3A_109 = arith.constant 0 : i32
    %dma_start3A_110 = tpu.memref_slice %arg12[%dma_start3A_108, %dma_start3A_109] : memref<10240x128xf32, #tpu.memory_space<vmem_shared>> -> memref<10240x128xf32, #tpu.memory_space<vmem_shared>>
    tpu.enqueue_indirect_dma source(%arg10 : memref<64x128xf32, #tpu.memory_space<vmem>>) target(%dma_start3A_110 : memref<10240x128xf32, #tpu.memory_space<vmem_shared>>) offsets(%dma_start3A_107 : memref<64xi32, #tpu.memory_space<vmem>>) semaphore(%arg19 : memref<!tpu.dma_semaphore, #tpu.memory_space<semaphore_mem>>) {add = true}
    %dma_wait3A_111 = arith.constant 0 : i32
    %dma_wait3A_112 = arith.constant 0 : i32
    %dma_wait3A_113 = tpu.memref_slice %arg7[%dma_wait3A_111, %dma_wait3A_112] : memref<40x64xi32, #tpu.memory_space<vmem>> -> memref<1x64xi32, #tpu.memory_space<vmem>>
    %dma_wait3A_114 = tpu.memref_squeeze %dma_wait3A_113 : memref<1x64xi32, #tpu.memory_space<vmem>> -> memref<64xi32, #tpu.memory_space<vmem>>
    %dma_wait3A_115 = arith.constant 0 : i32
    %dma_wait3A_116 = arith.constant 0 : i32
    %dma_wait3A_117 = tpu.memref_slice %arg12[%dma_wait3A_115, %dma_wait3A_116] : memref<10240x128xf32, #tpu.memory_space<vmem_shared>> -> memref<10240x128xf32, #tpu.memory_space<vmem_shared>>
    tpu.wait_indirect_dma semaphore(%arg17 : memref<!tpu.dma_semaphore, #tpu.memory_space<semaphore_mem>>) src(%arg8 : memref<64x128xf32, #tpu.memory_space<vmem>>) dst(%dma_wait3A_117 : memref<10240x128xf32, #tpu.memory_space<vmem_shared>>)
    %dma_start3A_118 = arith.constant 4 : i32
    %dma_start3A_119 = arith.constant 0 : i32
    %dma_start3A_120 = tpu.memref_slice %arg6[%dma_start3A_118, %dma_start3A_119] : memref<40x64xi32, #tpu.memory_space<vmem>> -> memref<1x64xi32, #tpu.memory_space<vmem>>
    %dma_start3A_121 = tpu.memref_squeeze %dma_start3A_120 : memref<1x64xi32, #tpu.memory_space<vmem>> -> memref<64xi32, #tpu.memory_space<vmem>>
    %dma_start3A_122 = arith.constant 0 : i32
    %dma_start3A_123 = arith.constant 0 : i32
    %dma_start3A_124 = tpu.memref_slice %arg2[%dma_start3A_122, %dma_start3A_123] : memref<20480x128xf32, #tpu.memory_space<hbm>> -> memref<20480x128xf32, #tpu.memory_space<hbm>>
    tpu.enqueue_indirect_dma source(%dma_start3A_124 : memref<20480x128xf32, #tpu.memory_space<hbm>>) target(%arg8 : memref<64x128xf32, #tpu.memory_space<vmem>>) offsets(%dma_start3A_121 : memref<64xi32, #tpu.memory_space<vmem>>) semaphore(%arg13 : memref<!tpu.dma_semaphore, #tpu.memory_space<semaphore_mem>>)
    %dma_wait3A_125 = arith.constant 3 : i32
    %dma_wait3A_126 = arith.constant 0 : i32
    %dma_wait3A_127 = tpu.memref_slice %arg6[%dma_wait3A_125, %dma_wait3A_126] : memref<40x64xi32, #tpu.memory_space<vmem>> -> memref<1x64xi32, #tpu.memory_space<vmem>>
    %dma_wait3A_128 = tpu.memref_squeeze %dma_wait3A_127 : memref<1x64xi32, #tpu.memory_space<vmem>> -> memref<64xi32, #tpu.memory_space<vmem>>
    %dma_wait3A_129 = arith.constant 0 : i32
    %dma_wait3A_130 = arith.constant 0 : i32
    %dma_wait3A_131 = tpu.memref_slice %arg2[%dma_wait3A_129, %dma_wait3A_130] : memref<20480x128xf32, #tpu.memory_space<hbm>> -> memref<20480x128xf32, #tpu.memory_space<hbm>>
    tpu.wait_indirect_dma semaphore(%arg16 : memref<!tpu.dma_semaphore, #tpu.memory_space<semaphore_mem>>) src(%dma_wait3A_131 : memref<20480x128xf32, #tpu.memory_space<hbm>>) dst(%arg11 : memref<64x128xf32, #tpu.memory_space<vmem>>)
    %dma_start3A_132 = arith.constant 3 : i32
    %dma_start3A_133 = arith.constant 0 : i32
    %dma_start3A_134 = tpu.memref_slice %arg7[%dma_start3A_132, %dma_start3A_133] : memref<40x64xi32, #tpu.memory_space<vmem>> -> memref<1x64xi32, #tpu.memory_space<vmem>>
    %dma_start3A_135 = tpu.memref_squeeze %dma_start3A_134 : memref<1x64xi32, #tpu.memory_space<vmem>> -> memref<64xi32, #tpu.memory_space<vmem>>
    %dma_start3A_136 = arith.constant 0 : i32
    %dma_start3A_137 = arith.constant 0 : i32
    %dma_start3A_138 = tpu.memref_slice %arg12[%dma_start3A_136, %dma_start3A_137] : memref<10240x128xf32, #tpu.memory_space<vmem_shared>> -> memref<10240x128xf32, #tpu.memory_space<vmem_shared>>
    tpu.enqueue_indirect_dma source(%arg11 : memref<64x128xf32, #tpu.memory_space<vmem>>) target(%dma_start3A_138 : memref<10240x128xf32, #tpu.memory_space<vmem_shared>>) offsets(%dma_start3A_135 : memref<64xi32, #tpu.memory_space<vmem>>) semaphore(%arg20 : memref<!tpu.dma_semaphore, #tpu.memory_space<semaphore_mem>>) {add = true}
    %dma_wait3A_139 = arith.constant 1 : i32
    %dma_wait3A_140 = arith.constant 0 : i32
    %dma_wait3A_141 = tpu.memref_slice %arg7[%dma_wait3A_139, %dma_wait3A_140] : memref<40x64xi32, #tpu.memory_space<vmem>> -> memref<1x64xi32, #tpu.memory_space<vmem>>
    %dma_wait3A_142 = tpu.memref_squeeze %dma_wait3A_141 : memref<1x64xi32, #tpu.memory_space<vmem>> -> memref<64xi32, #tpu.memory_space<vmem>>
    %dma_wait3A_143 = arith.constant 0 : i32
    %dma_wait3A_144 = arith.constant 0 : i32
    %dma_wait3A_145 = tpu.memref_slice %arg12[%dma_wait3A_143, %dma_wait3A_144] : memref<10240x128xf32, #tpu.memory_space<vmem_shared>> -> memref<10240x128xf32, #tpu.memory_space<vmem_shared>>
    tpu.wait_indirect_dma semaphore(%arg18 : memref<!tpu.dma_semaphore, #tpu.memory_space<semaphore_mem>>) src(%arg9 : memref<64x128xf32, #tpu.memory_space<vmem>>) dst(%dma_wait3A_145 : memref<10240x128xf32, #tpu.memory_space<vmem_shared>>)
    %dma_start3A_146 = arith.constant 5 : i32
    %dma_start3A_147 = arith.constant 0 : i32
    %dma_start3A_148 = tpu.memref_slice %arg6[%dma_start3A_146, %dma_start3A_147] : memref<40x64xi32, #tpu.memory_space<vmem>> -> memref<1x64xi32, #tpu.memory_space<vmem>>
    %dma_start3A_149 = tpu.memref_squeeze %dma_start3A_148 : memref<1x64xi32, #tpu.memory_space<vmem>> -> memref<64xi32, #tpu.memory_space<vmem>>
    %dma_start3A_150 = arith.constant 0 : i32
    %dma_start3A_151 = arith.constant 0 : i32
    %dma_start3A_152 = tpu.memref_slice %arg2[%dma_start3A_150, %dma_start3A_151] : memref<20480x128xf32, #tpu.memory_space<hbm>> -> memref<20480x128xf32, #tpu.memory_space<hbm>>
    tpu.enqueue_indirect_dma source(%dma_start3A_152 : memref<20480x128xf32, #tpu.memory_space<hbm>>) target(%arg9 : memref<64x128xf32, #tpu.memory_space<vmem>>) offsets(%dma_start3A_149 : memref<64xi32, #tpu.memory_space<vmem>>) semaphore(%arg14 : memref<!tpu.dma_semaphore, #tpu.memory_space<semaphore_mem>>)
    %scan3A_153 = arith.constant 0 : i32
    %scan3A_154 = arith.constant 9 : i32
    %scan3A_155 = arith.addi %scan3A_153, %scan3A_154 : i32
    %scan3A_156 = arith.constant 1 : i32
    scf.for %scan3A_570 = %scan3A_153 to %scan3A_155 step %scan3A_156  : i32 {
      %mul3A_571 = arith.constant 1 : i32
      %mul3A_572 = arith.muli %scan3A_570, %mul3A_571 : i32
      %add3A_573 = arith.constant 1 : i32
      %add3A_574 = arith.addi %add3A_573, %mul3A_572 : i32
      %mul3A_575 = arith.constant 4 : i32
      %mul3A_576 = arith.muli %add3A_574, %mul3A_575 : i32
      %add3A_577 = arith.constant 0 : i32
      %add3A_578 = arith.addi %mul3A_576, %add3A_577 : i32
      %dma_wait3A_579 = arith.constant 0 : i32
      %dma_wait3A_580 = tpu.memref_slice %arg6[%add3A_578, %dma_wait3A_579] : memref<40x64xi32, #tpu.memory_space<vmem>> -> memref<1x64xi32, #tpu.memory_space<vmem>>
      %dma_wait3A_581 = tpu.memref_squeeze %dma_wait3A_580 : memref<1x64xi32, #tpu.memory_space<vmem>> -> memref<64xi32, #tpu.memory_space<vmem>>
      %dma_wait3A_582 = arith.constant 0 : i32
      %dma_wait3A_583 = arith.constant 0 : i32
      %dma_wait3A_584 = tpu.memref_slice %arg2[%dma_wait3A_582, %dma_wait3A_583] : memref<20480x128xf32, #tpu.memory_space<hbm>> -> memref<20480x128xf32, #tpu.memory_space<hbm>>
      tpu.wait_indirect_dma semaphore(%arg13 : memref<!tpu.dma_semaphore, #tpu.memory_space<semaphore_mem>>) src(%dma_wait3A_584 : memref<20480x128xf32, #tpu.memory_space<hbm>>) dst(%arg8 : memref<64x128xf32, #tpu.memory_space<vmem>>)
      %dma_start3A_585 = arith.constant 0 : i32
      %dma_start3A_586 = tpu.memref_slice %arg7[%add3A_578, %dma_start3A_585] : memref<40x64xi32, #tpu.memory_space<vmem>> -> memref<1x64xi32, #tpu.memory_space<vmem>>
      %dma_start3A_587 = tpu.memref_squeeze %dma_start3A_586 : memref<1x64xi32, #tpu.memory_space<vmem>> -> memref<64xi32, #tpu.memory_space<vmem>>
      %dma_start3A_588 = arith.constant 0 : i32
      %dma_start3A_589 = arith.constant 0 : i32
      %dma_start3A_590 = tpu.memref_slice %arg12[%dma_start3A_588, %dma_start3A_589] : memref<10240x128xf32, #tpu.memory_space<vmem_shared>> -> memref<10240x128xf32, #tpu.memory_space<vmem_shared>>
      tpu.enqueue_indirect_dma source(%arg8 : memref<64x128xf32, #tpu.memory_space<vmem>>) target(%dma_start3A_590 : memref<10240x128xf32, #tpu.memory_space<vmem_shared>>) offsets(%dma_start3A_587 : memref<64xi32, #tpu.memory_space<vmem>>) semaphore(%arg17 : memref<!tpu.dma_semaphore, #tpu.memory_space<semaphore_mem>>) {add = true}
      %sub3A = arith.constant 2 : i32
      %sub3A_591 = arith.subi %add3A_578, %sub3A : i32
      %dma_wait3A_592 = arith.constant 0 : i32
      %dma_wait3A_593 = tpu.memref_slice %arg7[%sub3A_591, %dma_wait3A_592] : memref<40x64xi32, #tpu.memory_space<vmem>> -> memref<1x64xi32, #tpu.memory_space<vmem>>
      %dma_wait3A_594 = tpu.memref_squeeze %dma_wait3A_593 : memref<1x64xi32, #tpu.memory_space<vmem>> -> memref<64xi32, #tpu.memory_space<vmem>>
      %dma_wait3A_595 = arith.constant 0 : i32
      %dma_wait3A_596 = arith.constant 0 : i32
      %dma_wait3A_597 = tpu.memref_slice %arg12[%dma_wait3A_595, %dma_wait3A_596] : memref<10240x128xf32, #tpu.memory_space<vmem_shared>> -> memref<10240x128xf32, #tpu.memory_space<vmem_shared>>
      tpu.wait_indirect_dma semaphore(%arg19 : memref<!tpu.dma_semaphore, #tpu.memory_space<semaphore_mem>>) src(%arg10 : memref<64x128xf32, #tpu.memory_space<vmem>>) dst(%dma_wait3A_597 : memref<10240x128xf32, #tpu.memory_space<vmem_shared>>)
      %add3A_598 = arith.constant 2 : i32
      %add3A_599 = arith.addi %add3A_578, %add3A_598 : i32
      %lt3A = arith.constant 40 : i32
      %lt3A_600 = arith.cmpi slt, %add3A_599, %lt3A : i32
      %convert_element_type3A = arith.extui %lt3A_600 : i1 to i32
      %cond3A = arith.constant 0 : i32
      %cond3A_601 = arith.cmpi ne, %convert_element_type3A, %cond3A : i32
      scf.if %cond3A_601 {
        %add3A_695 = arith.constant 2 : i32
        %add3A_696 = arith.addi %add3A_578, %add3A_695 : i32
        %dma_start3A_697 = arith.constant 0 : i32
        %dma_start3A_698 = tpu.memref_slice %arg6[%add3A_696, %dma_start3A_697] : memref<40x64xi32, #tpu.memory_space<vmem>> -> memref<1x64xi32, #tpu.memory_space<vmem>>
        %dma_start3A_699 = tpu.memref_squeeze %dma_start3A_698 : memref<1x64xi32, #tpu.memory_space<vmem>> -> memref<64xi32, #tpu.memory_space<vmem>>
        %dma_start3A_700 = arith.constant 0 : i32
        %dma_start3A_701 = arith.constant 0 : i32
        %dma_start3A_702 = tpu.memref_slice %arg2[%dma_start3A_700, %dma_start3A_701] : memref<20480x128xf32, #tpu.memory_space<hbm>> -> memref<20480x128xf32, #tpu.memory_space<hbm>>
        tpu.enqueue_indirect_dma source(%dma_start3A_702 : memref<20480x128xf32, #tpu.memory_space<hbm>>) target(%arg10 : memref<64x128xf32, #tpu.memory_space<vmem>>) offsets(%dma_start3A_699 : memref<64xi32, #tpu.memory_space<vmem>>) semaphore(%arg15 : memref<!tpu.dma_semaphore, #tpu.memory_space<semaphore_mem>>)
      } else {
      }
      %mul3A_602 = arith.constant 4 : i32
      %mul3A_603 = arith.muli %add3A_574, %mul3A_602 : i32
      %add3A_604 = arith.constant 1 : i32
      %add3A_605 = arith.addi %mul3A_603, %add3A_604 : i32
      %dma_wait3A_606 = arith.constant 0 : i32
      %dma_wait3A_607 = tpu.memref_slice %arg6[%add3A_605, %dma_wait3A_606] : memref<40x64xi32, #tpu.memory_space<vmem>> -> memref<1x64xi32, #tpu.memory_space<vmem>>
      %dma_wait3A_608 = tpu.memref_squeeze %dma_wait3A_607 : memref<1x64xi32, #tpu.memory_space<vmem>> -> memref<64xi32, #tpu.memory_space<vmem>>
      %dma_wait3A_609 = arith.constant 0 : i32
      %dma_wait3A_610 = arith.constant 0 : i32
      %dma_wait3A_611 = tpu.memref_slice %arg2[%dma_wait3A_609, %dma_wait3A_610] : memref<20480x128xf32, #tpu.memory_space<hbm>> -> memref<20480x128xf32, #tpu.memory_space<hbm>>
      tpu.wait_indirect_dma semaphore(%arg14 : memref<!tpu.dma_semaphore, #tpu.memory_space<semaphore_mem>>) src(%dma_wait3A_611 : memref<20480x128xf32, #tpu.memory_space<hbm>>) dst(%arg9 : memref<64x128xf32, #tpu.memory_space<vmem>>)
      %dma_start3A_612 = arith.constant 0 : i32
      %dma_start3A_613 = tpu.memref_slice %arg7[%add3A_605, %dma_start3A_612] : memref<40x64xi32, #tpu.memory_space<vmem>> -> memref<1x64xi32, #tpu.memory_space<vmem>>
      %dma_start3A_614 = tpu.memref_squeeze %dma_start3A_613 : memref<1x64xi32, #tpu.memory_space<vmem>> -> memref<64xi32, #tpu.memory_space<vmem>>
      %dma_start3A_615 = arith.constant 0 : i32
      %dma_start3A_616 = arith.constant 0 : i32
      %dma_start3A_617 = tpu.memref_slice %arg12[%dma_start3A_615, %dma_start3A_616] : memref<10240x128xf32, #tpu.memory_space<vmem_shared>> -> memref<10240x128xf32, #tpu.memory_space<vmem_shared>>
      tpu.enqueue_indirect_dma source(%arg9 : memref<64x128xf32, #tpu.memory_space<vmem>>) target(%dma_start3A_617 : memref<10240x128xf32, #tpu.memory_space<vmem_shared>>) offsets(%dma_start3A_614 : memref<64xi32, #tpu.memory_space<vmem>>) semaphore(%arg18 : memref<!tpu.dma_semaphore, #tpu.memory_space<semaphore_mem>>) {add = true}
      %sub3A_618 = arith.constant 2 : i32
      %sub3A_619 = arith.subi %add3A_605, %sub3A_618 : i32
      %dma_wait3A_620 = arith.constant 0 : i32
      %dma_wait3A_621 = tpu.memref_slice %arg7[%sub3A_619, %dma_wait3A_620] : memref<40x64xi32, #tpu.memory_space<vmem>> -> memref<1x64xi32, #tpu.memory_space<vmem>>
      %dma_wait3A_622 = tpu.memref_squeeze %dma_wait3A_621 : memref<1x64xi32, #tpu.memory_space<vmem>> -> memref<64xi32, #tpu.memory_space<vmem>>
      %dma_wait3A_623 = arith.constant 0 : i32
      %dma_wait3A_624 = arith.constant 0 : i32
      %dma_wait3A_625 = tpu.memref_slice %arg12[%dma_wait3A_623, %dma_wait3A_624] : memref<10240x128xf32, #tpu.memory_space<vmem_shared>> -> memref<10240x128xf32, #tpu.memory_space<vmem_shared>>
      tpu.wait_indirect_dma semaphore(%arg20 : memref<!tpu.dma_semaphore, #tpu.memory_space<semaphore_mem>>) src(%arg11 : memref<64x128xf32, #tpu.memory_space<vmem>>) dst(%dma_wait3A_625 : memref<10240x128xf32, #tpu.memory_space<vmem_shared>>)
      %add3A_626 = arith.constant 2 : i32
      %add3A_627 = arith.addi %add3A_605, %add3A_626 : i32
      %lt3A_628 = arith.constant 40 : i32
      %lt3A_629 = arith.cmpi slt, %add3A_627, %lt3A_628 : i32
      %convert_element_type3A_630 = arith.extui %lt3A_629 : i1 to i32
      %cond3A_631 = arith.constant 0 : i32
      %cond3A_632 = arith.cmpi ne, %convert_element_type3A_630, %cond3A_631 : i32
      scf.if %cond3A_632 {
        %add3A_695 = arith.constant 2 : i32
        %add3A_696 = arith.addi %add3A_605, %add3A_695 : i32
        %dma_start3A_697 = arith.constant 0 : i32
        %dma_start3A_698 = tpu.memref_slice %arg6[%add3A_696, %dma_start3A_697] : memref<40x64xi32, #tpu.memory_space<vmem>> -> memref<1x64xi32, #tpu.memory_space<vmem>>
        %dma_start3A_699 = tpu.memref_squeeze %dma_start3A_698 : memref<1x64xi32, #tpu.memory_space<vmem>> -> memref<64xi32, #tpu.memory_space<vmem>>
        %dma_start3A_700 = arith.constant 0 : i32
        %dma_start3A_701 = arith.constant 0 : i32
        %dma_start3A_702 = tpu.memref_slice %arg2[%dma_start3A_700, %dma_start3A_701] : memref<20480x128xf32, #tpu.memory_space<hbm>> -> memref<20480x128xf32, #tpu.memory_space<hbm>>
        tpu.enqueue_indirect_dma source(%dma_start3A_702 : memref<20480x128xf32, #tpu.memory_space<hbm>>) target(%arg11 : memref<64x128xf32, #tpu.memory_space<vmem>>) offsets(%dma_start3A_699 : memref<64xi32, #tpu.memory_space<vmem>>) semaphore(%arg16 : memref<!tpu.dma_semaphore, #tpu.memory_space<semaphore_mem>>)
      } else {
      }
      %mul3A_633 = arith.constant 4 : i32
      %mul3A_634 = arith.muli %add3A_574, %mul3A_633 : i32
      %add3A_635 = arith.constant 2 : i32
      %add3A_636 = arith.addi %mul3A_634, %add3A_635 : i32
      %dma_wait3A_637 = arith.constant 0 : i32
      %dma_wait3A_638 = tpu.memref_slice %arg6[%add3A_636, %dma_wait3A_637] : memref<40x64xi32, #tpu.memory_space<vmem>> -> memref<1x64xi32, #tpu.memory_space<vmem>>
      %dma_wait3A_639 = tpu.memref_squeeze %dma_wait3A_638 : memref<1x64xi32, #tpu.memory_space<vmem>> -> memref<64xi32, #tpu.memory_space<vmem>>
      %dma_wait3A_640 = arith.constant 0 : i32
      %dma_wait3A_641 = arith.constant 0 : i32
      %dma_wait3A_642 = tpu.memref_slice %arg2[%dma_wait3A_640, %dma_wait3A_641] : memref<20480x128xf32, #tpu.memory_space<hbm>> -> memref<20480x128xf32, #tpu.memory_space<hbm>>
      tpu.wait_indirect_dma semaphore(%arg15 : memref<!tpu.dma_semaphore, #tpu.memory_space<semaphore_mem>>) src(%dma_wait3A_642 : memref<20480x128xf32, #tpu.memory_space<hbm>>) dst(%arg10 : memref<64x128xf32, #tpu.memory_space<vmem>>)
      %dma_start3A_643 = arith.constant 0 : i32
      %dma_start3A_644 = tpu.memref_slice %arg7[%add3A_636, %dma_start3A_643] : memref<40x64xi32, #tpu.memory_space<vmem>> -> memref<1x64xi32, #tpu.memory_space<vmem>>
      %dma_start3A_645 = tpu.memref_squeeze %dma_start3A_644 : memref<1x64xi32, #tpu.memory_space<vmem>> -> memref<64xi32, #tpu.memory_space<vmem>>
      %dma_start3A_646 = arith.constant 0 : i32
      %dma_start3A_647 = arith.constant 0 : i32
      %dma_start3A_648 = tpu.memref_slice %arg12[%dma_start3A_646, %dma_start3A_647] : memref<10240x128xf32, #tpu.memory_space<vmem_shared>> -> memref<10240x128xf32, #tpu.memory_space<vmem_shared>>
      tpu.enqueue_indirect_dma source(%arg10 : memref<64x128xf32, #tpu.memory_space<vmem>>) target(%dma_start3A_648 : memref<10240x128xf32, #tpu.memory_space<vmem_shared>>) offsets(%dma_start3A_645 : memref<64xi32, #tpu.memory_space<vmem>>) semaphore(%arg19 : memref<!tpu.dma_semaphore, #tpu.memory_space<semaphore_mem>>) {add = true}
      %sub3A_649 = arith.constant 2 : i32
      %sub3A_650 = arith.subi %add3A_636, %sub3A_649 : i32
      %dma_wait3A_651 = arith.constant 0 : i32
      %dma_wait3A_652 = tpu.memref_slice %arg7[%sub3A_650, %dma_wait3A_651] : memref<40x64xi32, #tpu.memory_space<vmem>> -> memref<1x64xi32, #tpu.memory_space<vmem>>
      %dma_wait3A_653 = tpu.memref_squeeze %dma_wait3A_652 : memref<1x64xi32, #tpu.memory_space<vmem>> -> memref<64xi32, #tpu.memory_space<vmem>>
      %dma_wait3A_654 = arith.constant 0 : i32
      %dma_wait3A_655 = arith.constant 0 : i32
      %dma_wait3A_656 = tpu.memref_slice %arg12[%dma_wait3A_654, %dma_wait3A_655] : memref<10240x128xf32, #tpu.memory_space<vmem_shared>> -> memref<10240x128xf32, #tpu.memory_space<vmem_shared>>
      tpu.wait_indirect_dma semaphore(%arg17 : memref<!tpu.dma_semaphore, #tpu.memory_space<semaphore_mem>>) src(%arg8 : memref<64x128xf32, #tpu.memory_space<vmem>>) dst(%dma_wait3A_656 : memref<10240x128xf32, #tpu.memory_space<vmem_shared>>)
      %add3A_657 = arith.constant 2 : i32
      %add3A_658 = arith.addi %add3A_636, %add3A_657 : i32
      %lt3A_659 = arith.constant 40 : i32
      %lt3A_660 = arith.cmpi slt, %add3A_658, %lt3A_659 : i32
      %convert_element_type3A_661 = arith.extui %lt3A_660 : i1 to i32
      %cond3A_662 = arith.constant 0 : i32
      %cond3A_663 = arith.cmpi ne, %convert_element_type3A_661, %cond3A_662 : i32
      scf.if %cond3A_663 {
        %add3A_695 = arith.constant 2 : i32
        %add3A_696 = arith.addi %add3A_636, %add3A_695 : i32
        %dma_start3A_697 = arith.constant 0 : i32
        %dma_start3A_698 = tpu.memref_slice %arg6[%add3A_696, %dma_start3A_697] : memref<40x64xi32, #tpu.memory_space<vmem>> -> memref<1x64xi32, #tpu.memory_space<vmem>>
        %dma_start3A_699 = tpu.memref_squeeze %dma_start3A_698 : memref<1x64xi32, #tpu.memory_space<vmem>> -> memref<64xi32, #tpu.memory_space<vmem>>
        %dma_start3A_700 = arith.constant 0 : i32
        %dma_start3A_701 = arith.constant 0 : i32
        %dma_start3A_702 = tpu.memref_slice %arg2[%dma_start3A_700, %dma_start3A_701] : memref<20480x128xf32, #tpu.memory_space<hbm>> -> memref<20480x128xf32, #tpu.memory_space<hbm>>
        tpu.enqueue_indirect_dma source(%dma_start3A_702 : memref<20480x128xf32, #tpu.memory_space<hbm>>) target(%arg8 : memref<64x128xf32, #tpu.memory_space<vmem>>) offsets(%dma_start3A_699 : memref<64xi32, #tpu.memory_space<vmem>>) semaphore(%arg13 : memref<!tpu.dma_semaphore, #tpu.memory_space<semaphore_mem>>)
      } else {
      }
      %mul3A_664 = arith.constant 4 : i32
      %mul3A_665 = arith.muli %add3A_574, %mul3A_664 : i32
      %add3A_666 = arith.constant 3 : i32
      %add3A_667 = arith.addi %mul3A_665, %add3A_666 : i32
      %dma_wait3A_668 = arith.constant 0 : i32
      %dma_wait3A_669 = tpu.memref_slice %arg6[%add3A_667, %dma_wait3A_668] : memref<40x64xi32, #tpu.memory_space<vmem>> -> memref<1x64xi32, #tpu.memory_space<vmem>>
      %dma_wait3A_670 = tpu.memref_squeeze %dma_wait3A_669 : memref<1x64xi32, #tpu.memory_space<vmem>> -> memref<64xi32, #tpu.memory_space<vmem>>
      %dma_wait3A_671 = arith.constant 0 : i32
      %dma_wait3A_672 = arith.constant 0 : i32
      %dma_wait3A_673 = tpu.memref_slice %arg2[%dma_wait3A_671, %dma_wait3A_672] : memref<20480x128xf32, #tpu.memory_space<hbm>> -> memref<20480x128xf32, #tpu.memory_space<hbm>>
      tpu.wait_indirect_dma semaphore(%arg16 : memref<!tpu.dma_semaphore, #tpu.memory_space<semaphore_mem>>) src(%dma_wait3A_673 : memref<20480x128xf32, #tpu.memory_space<hbm>>) dst(%arg11 : memref<64x128xf32, #tpu.memory_space<vmem>>)
      %dma_start3A_674 = arith.constant 0 : i32
      %dma_start3A_675 = tpu.memref_slice %arg7[%add3A_667, %dma_start3A_674] : memref<40x64xi32, #tpu.memory_space<vmem>> -> memref<1x64xi32, #tpu.memory_space<vmem>>
      %dma_start3A_676 = tpu.memref_squeeze %dma_start3A_675 : memref<1x64xi32, #tpu.memory_space<vmem>> -> memref<64xi32, #tpu.memory_space<vmem>>
      %dma_start3A_677 = arith.constant 0 : i32
      %dma_start3A_678 = arith.constant 0 : i32
      %dma_start3A_679 = tpu.memref_slice %arg12[%dma_start3A_677, %dma_start3A_678] : memref<10240x128xf32, #tpu.memory_space<vmem_shared>> -> memref<10240x128xf32, #tpu.memory_space<vmem_shared>>
      tpu.enqueue_indirect_dma source(%arg11 : memref<64x128xf32, #tpu.memory_space<vmem>>) target(%dma_start3A_679 : memref<10240x128xf32, #tpu.memory_space<vmem_shared>>) offsets(%dma_start3A_676 : memref<64xi32, #tpu.memory_space<vmem>>) semaphore(%arg20 : memref<!tpu.dma_semaphore, #tpu.memory_space<semaphore_mem>>) {add = true}
      %sub3A_680 = arith.constant 2 : i32
      %sub3A_681 = arith.subi %add3A_667, %sub3A_680 : i32
      %dma_wait3A_682 = arith.constant 0 : i32
      %dma_wait3A_683 = tpu.memref_slice %arg7[%sub3A_681, %dma_wait3A_682] : memref<40x64xi32, #tpu.memory_space<vmem>> -> memref<1x64xi32, #tpu.memory_space<vmem>>
      %dma_wait3A_684 = tpu.memref_squeeze %dma_wait3A_683 : memref<1x64xi32, #tpu.memory_space<vmem>> -> memref<64xi32, #tpu.memory_space<vmem>>
      %dma_wait3A_685 = arith.constant 0 : i32
      %dma_wait3A_686 = arith.constant 0 : i32
      %dma_wait3A_687 = tpu.memref_slice %arg12[%dma_wait3A_685, %dma_wait3A_686] : memref<10240x128xf32, #tpu.memory_space<vmem_shared>> -> memref<10240x128xf32, #tpu.memory_space<vmem_shared>>
      tpu.wait_indirect_dma semaphore(%arg18 : memref<!tpu.dma_semaphore, #tpu.memory_space<semaphore_mem>>) src(%arg9 : memref<64x128xf32, #tpu.memory_space<vmem>>) dst(%dma_wait3A_687 : memref<10240x128xf32, #tpu.memory_space<vmem_shared>>)
      %add3A_688 = arith.constant 2 : i32
      %add3A_689 = arith.addi %add3A_667, %add3A_688 : i32
      %lt3A_690 = arith.constant 40 : i32
      %lt3A_691 = arith.cmpi slt, %add3A_689, %lt3A_690 : i32
      %convert_element_type3A_692 = arith.extui %lt3A_691 : i1 to i32
      %cond3A_693 = arith.constant 0 : i32
      %cond3A_694 = arith.cmpi ne, %convert_element_type3A_692, %cond3A_693 : i32
      scf.if %cond3A_694 {
        %add3A_695 = arith.constant 2 : i32
        %add3A_696 = arith.addi %add3A_667, %add3A_695 : i32
        %dma_start3A_697 = arith.constant 0 : i32
        %dma_start3A_698 = tpu.memref_slice %arg6[%add3A_696, %dma_start3A_697] : memref<40x64xi32, #tpu.memory_space<vmem>> -> memref<1x64xi32, #tpu.memory_space<vmem>>
        %dma_start3A_699 = tpu.memref_squeeze %dma_start3A_698 : memref<1x64xi32, #tpu.memory_space<vmem>> -> memref<64xi32, #tpu.memory_space<vmem>>
        %dma_start3A_700 = arith.constant 0 : i32
        %dma_start3A_701 = arith.constant 0 : i32
        %dma_start3A_702 = tpu.memref_slice %arg2[%dma_start3A_700, %dma_start3A_701] : memref<20480x128xf32, #tpu.memory_space<hbm>> -> memref<20480x128xf32, #tpu.memory_space<hbm>>
        tpu.enqueue_indirect_dma source(%dma_start3A_702 : memref<20480x128xf32, #tpu.memory_space<hbm>>) target(%arg9 : memref<64x128xf32, #tpu.memory_space<vmem>>) offsets(%dma_start3A_699 : memref<64xi32, #tpu.memory_space<vmem>>) semaphore(%arg14 : memref<!tpu.dma_semaphore, #tpu.memory_space<semaphore_mem>>)
      } else {
      }
    }
    %scan3A_157 = arith.constant 9 : i32
    %dma_wait3A_158 = arith.constant 38 : i32
    %dma_wait3A_159 = arith.constant 0 : i32
    %dma_wait3A_160 = tpu.memref_slice %arg7[%dma_wait3A_158, %dma_wait3A_159] : memref<40x64xi32, #tpu.memory_space<vmem>> -> memref<1x64xi32, #tpu.memory_space<vmem>>
    %dma_wait3A_161 = tpu.memref_squeeze %dma_wait3A_160 : memref<1x64xi32, #tpu.memory_space<vmem>> -> memref<64xi32, #tpu.memory_space<vmem>>
    %dma_wait3A_162 = arith.constant 0 : i32
    %dma_wait3A_163 = arith.constant 0 : i32
    %dma_wait3A_164 = tpu.memref_slice %arg12[%dma_wait3A_162, %dma_wait3A_163] : memref<10240x128xf32, #tpu.memory_space<vmem_shared>> -> memref<10240x128xf32, #tpu.memory_space<vmem_shared>>
    tpu.wait_indirect_dma semaphore(%arg19 : memref<!tpu.dma_semaphore, #tpu.memory_space<semaphore_mem>>) src(%arg10 : memref<64x128xf32, #tpu.memory_space<vmem>>) dst(%dma_wait3A_164 : memref<10240x128xf32, #tpu.memory_space<vmem_shared>>)
    %dma_wait3A_165 = arith.constant 39 : i32
    %dma_wait3A_166 = arith.constant 0 : i32
    %dma_wait3A_167 = tpu.memref_slice %arg7[%dma_wait3A_165, %dma_wait3A_166] : memref<40x64xi32, #tpu.memory_space<vmem>> -> memref<1x64xi32, #tpu.memory_space<vmem>>
    %dma_wait3A_168 = tpu.memref_squeeze %dma_wait3A_167 : memref<1x64xi32, #tpu.memory_space<vmem>> -> memref<64xi32, #tpu.memory_space<vmem>>
    %dma_wait3A_169 = arith.constant 0 : i32
    %dma_wait3A_170 = arith.constant 0 : i32
    %dma_wait3A_171 = tpu.memref_slice %arg12[%dma_wait3A_169, %dma_wait3A_170] : memref<10240x128xf32, #tpu.memory_space<vmem_shared>> -> memref<10240x128xf32, #tpu.memory_space<vmem_shared>>
    tpu.wait_indirect_dma semaphore(%arg20 : memref<!tpu.dma_semaphore, #tpu.memory_space<semaphore_mem>>) src(%arg11 : memref<64x128xf32, #tpu.memory_space<vmem>>) dst(%dma_wait3A_171 : memref<10240x128xf32, #tpu.memory_space<vmem_shared>>)
    "tpu.region"() ({
      %run_scoped3A = tpu.sem_alloc : memref<!tpu.dma_semaphore, #tpu.memory_space<semaphore_mem>>
      %dma_start3A_570 = arith.constant 40 : i32
      %dma_start3A_571 = arith.constant 0 : i32
      %dma_start3A_572 = tpu.memref_slice %arg3[%arg0, %arg1, %dma_start3A_570, %dma_start3A_571] : memref<2x16x160x64xi32, #tpu.memory_space<hbm>> -> memref<1x1x40x64xi32, #tpu.memory_space<hbm>>
      %dma_start3A_573 = tpu.memref_squeeze %dma_start3A_572 : memref<1x1x40x64xi32, #tpu.memory_space<hbm>> -> memref<40x64xi32, #tpu.memory_space<hbm>>
      %dma_start3A_574 = arith.constant 40 : i32
      %dma_start3A_575 = arith.constant 0 : i32
      %dma_start3A_576 = tpu.memref_slice %arg3[%arg0, %arg1, %dma_start3A_574, %dma_start3A_575] : memref<2x16x160x64xi32, #tpu.memory_space<hbm>> -> memref<1x1x40x64xi32, #tpu.memory_space<hbm>>
      %dma_start3A_577 = tpu.memref_squeeze %dma_start3A_576 : memref<1x1x40x64xi32, #tpu.memory_space<hbm>> -> memref<40x64xi32, #tpu.memory_space<hbm>>
      tpu.enqueue_dma source(%dma_start3A_577 : memref<40x64xi32, #tpu.memory_space<hbm>>) target(%arg6 : memref<40x64xi32, #tpu.memory_space<vmem>>) target_semaphore(%run_scoped3A : memref<!tpu.dma_semaphore, #tpu.memory_space<semaphore_mem>>)
      %dma_wait3A_578 = arith.constant 40 : i32
      %dma_wait3A_579 = arith.constant 0 : i32
      %dma_wait3A_580 = tpu.memref_slice %arg3[%arg0, %arg1, %dma_wait3A_578, %dma_wait3A_579] : memref<2x16x160x64xi32, #tpu.memory_space<hbm>> -> memref<1x1x40x64xi32, #tpu.memory_space<hbm>>
      %dma_wait3A_581 = tpu.memref_squeeze %dma_wait3A_580 : memref<1x1x40x64xi32, #tpu.memory_space<hbm>> -> memref<40x64xi32, #tpu.memory_space<hbm>>
      %dma_wait3A_582 = arith.constant 40 : i32
      %dma_wait3A_583 = arith.constant 0 : i32
      %dma_wait3A_584 = tpu.memref_slice %arg3[%arg0, %arg1, %dma_wait3A_582, %dma_wait3A_583] : memref<2x16x160x64xi32, #tpu.memory_space<hbm>> -> memref<1x1x40x64xi32, #tpu.memory_space<hbm>>
      %dma_wait3A_585 = tpu.memref_squeeze %dma_wait3A_584 : memref<1x1x40x64xi32, #tpu.memory_space<hbm>> -> memref<40x64xi32, #tpu.memory_space<hbm>>
      tpu.wait_dma2 semaphore(%run_scoped3A : memref<!tpu.dma_semaphore, #tpu.memory_space<semaphore_mem>>) src(%dma_wait3A_585 : memref<40x64xi32, #tpu.memory_space<hbm>>) dst(%arg6 : memref<40x64xi32, #tpu.memory_space<vmem>>)
      tpu.yield
    }) : () -> ()
    "tpu.region"() ({
      %run_scoped3A = tpu.sem_alloc : memref<!tpu.dma_semaphore, #tpu.memory_space<semaphore_mem>>
      %dma_start3A_570 = arith.constant 40 : i32
      %dma_start3A_571 = arith.constant 0 : i32
      %dma_start3A_572 = tpu.memref_slice %arg4[%arg1, %dma_start3A_570, %dma_start3A_571] : memref<16x160x64xi32, #tpu.memory_space<hbm>> -> memref<1x40x64xi32, #tpu.memory_space<hbm>>
      %dma_start3A_573 = tpu.memref_squeeze %dma_start3A_572 : memref<1x40x64xi32, #tpu.memory_space<hbm>> -> memref<40x64xi32, #tpu.memory_space<hbm>>
      %dma_start3A_574 = arith.constant 40 : i32
      %dma_start3A_575 = arith.constant 0 : i32
      %dma_start3A_576 = tpu.memref_slice %arg4[%arg1, %dma_start3A_574, %dma_start3A_575] : memref<16x160x64xi32, #tpu.memory_space<hbm>> -> memref<1x40x64xi32, #tpu.memory_space<hbm>>
      %dma_start3A_577 = tpu.memref_squeeze %dma_start3A_576 : memref<1x40x64xi32, #tpu.memory_space<hbm>> -> memref<40x64xi32, #tpu.memory_space<hbm>>
      tpu.enqueue_dma source(%dma_start3A_577 : memref<40x64xi32, #tpu.memory_space<hbm>>) target(%arg7 : memref<40x64xi32, #tpu.memory_space<vmem>>) target_semaphore(%run_scoped3A : memref<!tpu.dma_semaphore, #tpu.memory_space<semaphore_mem>>)
      %dma_wait3A_578 = arith.constant 40 : i32
      %dma_wait3A_579 = arith.constant 0 : i32
      %dma_wait3A_580 = tpu.memref_slice %arg4[%arg1, %dma_wait3A_578, %dma_wait3A_579] : memref<16x160x64xi32, #tpu.memory_space<hbm>> -> memref<1x40x64xi32, #tpu.memory_space<hbm>>
      %dma_wait3A_581 = tpu.memref_squeeze %dma_wait3A_580 : memref<1x40x64xi32, #tpu.memory_space<hbm>> -> memref<40x64xi32, #tpu.memory_space<hbm>>
      %dma_wait3A_582 = arith.constant 40 : i32
      %dma_wait3A_583 = arith.constant 0 : i32
      %dma_wait3A_584 = tpu.memref_slice %arg4[%arg1, %dma_wait3A_582, %dma_wait3A_583] : memref<16x160x64xi32, #tpu.memory_space<hbm>> -> memref<1x40x64xi32, #tpu.memory_space<hbm>>
      %dma_wait3A_585 = tpu.memref_squeeze %dma_wait3A_584 : memref<1x40x64xi32, #tpu.memory_space<hbm>> -> memref<40x64xi32, #tpu.memory_space<hbm>>
      tpu.wait_dma2 semaphore(%run_scoped3A : memref<!tpu.dma_semaphore, #tpu.memory_space<semaphore_mem>>) src(%dma_wait3A_585 : memref<40x64xi32, #tpu.memory_space<hbm>>) dst(%arg7 : memref<40x64xi32, #tpu.memory_space<vmem>>)
      tpu.yield
    }) : () -> ()
    %dma_start3A_172 = arith.constant 0 : i32
    %dma_start3A_173 = arith.constant 0 : i32
    %dma_start3A_174 = tpu.memref_slice %arg6[%dma_start3A_172, %dma_start3A_173] : memref<40x64xi32, #tpu.memory_space<vmem>> -> memref<1x64xi32, #tpu.memory_space<vmem>>
    %dma_start3A_175 = tpu.memref_squeeze %dma_start3A_174 : memref<1x64xi32, #tpu.memory_space<vmem>> -> memref<64xi32, #tpu.memory_space<vmem>>
    %dma_start3A_176 = arith.constant 0 : i32
    %dma_start3A_177 = arith.constant 0 : i32
    %dma_start3A_178 = tpu.memref_slice %arg2[%dma_start3A_176, %dma_start3A_177] : memref<20480x128xf32, #tpu.memory_space<hbm>> -> memref<20480x128xf32, #tpu.memory_space<hbm>>
    tpu.enqueue_indirect_dma source(%dma_start3A_178 : memref<20480x128xf32, #tpu.memory_space<hbm>>) target(%arg8 : memref<64x128xf32, #tpu.memory_space<vmem>>) offsets(%dma_start3A_175 : memref<64xi32, #tpu.memory_space<vmem>>) semaphore(%arg13 : memref<!tpu.dma_semaphore, #tpu.memory_space<semaphore_mem>>)
    %dma_start3A_179 = arith.constant 1 : i32
    %dma_start3A_180 = arith.constant 0 : i32
    %dma_start3A_181 = tpu.memref_slice %arg6[%dma_start3A_179, %dma_start3A_180] : memref<40x64xi32, #tpu.memory_space<vmem>> -> memref<1x64xi32, #tpu.memory_space<vmem>>
    %dma_start3A_182 = tpu.memref_squeeze %dma_start3A_181 : memref<1x64xi32, #tpu.memory_space<vmem>> -> memref<64xi32, #tpu.memory_space<vmem>>
    %dma_start3A_183 = arith.constant 0 : i32
    %dma_start3A_184 = arith.constant 0 : i32
    %dma_start3A_185 = tpu.memref_slice %arg2[%dma_start3A_183, %dma_start3A_184] : memref<20480x128xf32, #tpu.memory_space<hbm>> -> memref<20480x128xf32, #tpu.memory_space<hbm>>
    tpu.enqueue_indirect_dma source(%dma_start3A_185 : memref<20480x128xf32, #tpu.memory_space<hbm>>) target(%arg9 : memref<64x128xf32, #tpu.memory_space<vmem>>) offsets(%dma_start3A_182 : memref<64xi32, #tpu.memory_space<vmem>>) semaphore(%arg14 : memref<!tpu.dma_semaphore, #tpu.memory_space<semaphore_mem>>)
    %dma_wait3A_186 = arith.constant 0 : i32
    %dma_wait3A_187 = arith.constant 0 : i32
    %dma_wait3A_188 = tpu.memref_slice %arg6[%dma_wait3A_186, %dma_wait3A_187] : memref<40x64xi32, #tpu.memory_space<vmem>> -> memref<1x64xi32, #tpu.memory_space<vmem>>
    %dma_wait3A_189 = tpu.memref_squeeze %dma_wait3A_188 : memref<1x64xi32, #tpu.memory_space<vmem>> -> memref<64xi32, #tpu.memory_space<vmem>>
    %dma_wait3A_190 = arith.constant 0 : i32
    %dma_wait3A_191 = arith.constant 0 : i32
    %dma_wait3A_192 = tpu.memref_slice %arg2[%dma_wait3A_190, %dma_wait3A_191] : memref<20480x128xf32, #tpu.memory_space<hbm>> -> memref<20480x128xf32, #tpu.memory_space<hbm>>
    tpu.wait_indirect_dma semaphore(%arg13 : memref<!tpu.dma_semaphore, #tpu.memory_space<semaphore_mem>>) src(%dma_wait3A_192 : memref<20480x128xf32, #tpu.memory_space<hbm>>) dst(%arg8 : memref<64x128xf32, #tpu.memory_space<vmem>>)
    %dma_start3A_193 = arith.constant 0 : i32
    %dma_start3A_194 = arith.constant 0 : i32
    %dma_start3A_195 = tpu.memref_slice %arg7[%dma_start3A_193, %dma_start3A_194] : memref<40x64xi32, #tpu.memory_space<vmem>> -> memref<1x64xi32, #tpu.memory_space<vmem>>
    %dma_start3A_196 = tpu.memref_squeeze %dma_start3A_195 : memref<1x64xi32, #tpu.memory_space<vmem>> -> memref<64xi32, #tpu.memory_space<vmem>>
    %dma_start3A_197 = arith.constant 0 : i32
    %dma_start3A_198 = arith.constant 0 : i32
    %dma_start3A_199 = tpu.memref_slice %arg12[%dma_start3A_197, %dma_start3A_198] : memref<10240x128xf32, #tpu.memory_space<vmem_shared>> -> memref<10240x128xf32, #tpu.memory_space<vmem_shared>>
    tpu.enqueue_indirect_dma source(%arg8 : memref<64x128xf32, #tpu.memory_space<vmem>>) target(%dma_start3A_199 : memref<10240x128xf32, #tpu.memory_space<vmem_shared>>) offsets(%dma_start3A_196 : memref<64xi32, #tpu.memory_space<vmem>>) semaphore(%arg17 : memref<!tpu.dma_semaphore, #tpu.memory_space<semaphore_mem>>) {add = true}
    %dma_start3A_200 = arith.constant 2 : i32
    %dma_start3A_201 = arith.constant 0 : i32
    %dma_start3A_202 = tpu.memref_slice %arg6[%dma_start3A_200, %dma_start3A_201] : memref<40x64xi32, #tpu.memory_space<vmem>> -> memref<1x64xi32, #tpu.memory_space<vmem>>
    %dma_start3A_203 = tpu.memref_squeeze %dma_start3A_202 : memref<1x64xi32, #tpu.memory_space<vmem>> -> memref<64xi32, #tpu.memory_space<vmem>>
    %dma_start3A_204 = arith.constant 0 : i32
    %dma_start3A_205 = arith.constant 0 : i32
    %dma_start3A_206 = tpu.memref_slice %arg2[%dma_start3A_204, %dma_start3A_205] : memref<20480x128xf32, #tpu.memory_space<hbm>> -> memref<20480x128xf32, #tpu.memory_space<hbm>>
    tpu.enqueue_indirect_dma source(%dma_start3A_206 : memref<20480x128xf32, #tpu.memory_space<hbm>>) target(%arg10 : memref<64x128xf32, #tpu.memory_space<vmem>>) offsets(%dma_start3A_203 : memref<64xi32, #tpu.memory_space<vmem>>) semaphore(%arg15 : memref<!tpu.dma_semaphore, #tpu.memory_space<semaphore_mem>>)
    %dma_wait3A_207 = arith.constant 1 : i32
    %dma_wait3A_208 = arith.constant 0 : i32
    %dma_wait3A_209 = tpu.memref_slice %arg6[%dma_wait3A_207, %dma_wait3A_208] : memref<40x64xi32, #tpu.memory_space<vmem>> -> memref<1x64xi32, #tpu.memory_space<vmem>>
    %dma_wait3A_210 = tpu.memref_squeeze %dma_wait3A_209 : memref<1x64xi32, #tpu.memory_space<vmem>> -> memref<64xi32, #tpu.memory_space<vmem>>
    %dma_wait3A_211 = arith.constant 0 : i32
    %dma_wait3A_212 = arith.constant 0 : i32
    %dma_wait3A_213 = tpu.memref_slice %arg2[%dma_wait3A_211, %dma_wait3A_212] : memref<20480x128xf32, #tpu.memory_space<hbm>> -> memref<20480x128xf32, #tpu.memory_space<hbm>>
    tpu.wait_indirect_dma semaphore(%arg14 : memref<!tpu.dma_semaphore, #tpu.memory_space<semaphore_mem>>) src(%dma_wait3A_213 : memref<20480x128xf32, #tpu.memory_space<hbm>>) dst(%arg9 : memref<64x128xf32, #tpu.memory_space<vmem>>)
    %dma_start3A_214 = arith.constant 1 : i32
    %dma_start3A_215 = arith.constant 0 : i32
    %dma_start3A_216 = tpu.memref_slice %arg7[%dma_start3A_214, %dma_start3A_215] : memref<40x64xi32, #tpu.memory_space<vmem>> -> memref<1x64xi32, #tpu.memory_space<vmem>>
    %dma_start3A_217 = tpu.memref_squeeze %dma_start3A_216 : memref<1x64xi32, #tpu.memory_space<vmem>> -> memref<64xi32, #tpu.memory_space<vmem>>
    %dma_start3A_218 = arith.constant 0 : i32
    %dma_start3A_219 = arith.constant 0 : i32
    %dma_start3A_220 = tpu.memref_slice %arg12[%dma_start3A_218, %dma_start3A_219] : memref<10240x128xf32, #tpu.memory_space<vmem_shared>> -> memref<10240x128xf32, #tpu.memory_space<vmem_shared>>
    tpu.enqueue_indirect_dma source(%arg9 : memref<64x128xf32, #tpu.memory_space<vmem>>) target(%dma_start3A_220 : memref<10240x128xf32, #tpu.memory_space<vmem_shared>>) offsets(%dma_start3A_217 : memref<64xi32, #tpu.memory_space<vmem>>) semaphore(%arg18 : memref<!tpu.dma_semaphore, #tpu.memory_space<semaphore_mem>>) {add = true}
    %dma_start3A_221 = arith.constant 3 : i32
    %dma_start3A_222 = arith.constant 0 : i32
    %dma_start3A_223 = tpu.memref_slice %arg6[%dma_start3A_221, %dma_start3A_222] : memref<40x64xi32, #tpu.memory_space<vmem>> -> memref<1x64xi32, #tpu.memory_space<vmem>>
    %dma_start3A_224 = tpu.memref_squeeze %dma_start3A_223 : memref<1x64xi32, #tpu.memory_space<vmem>> -> memref<64xi32, #tpu.memory_space<vmem>>
    %dma_start3A_225 = arith.constant 0 : i32
    %dma_start3A_226 = arith.constant 0 : i32
    %dma_start3A_227 = tpu.memref_slice %arg2[%dma_start3A_225, %dma_start3A_226] : memref<20480x128xf32, #tpu.memory_space<hbm>> -> memref<20480x128xf32, #tpu.memory_space<hbm>>
    tpu.enqueue_indirect_dma source(%dma_start3A_227 : memref<20480x128xf32, #tpu.memory_space<hbm>>) target(%arg11 : memref<64x128xf32, #tpu.memory_space<vmem>>) offsets(%dma_start3A_224 : memref<64xi32, #tpu.memory_space<vmem>>) semaphore(%arg16 : memref<!tpu.dma_semaphore, #tpu.memory_space<semaphore_mem>>)
    %dma_wait3A_228 = arith.constant 2 : i32
    %dma_wait3A_229 = arith.constant 0 : i32
    %dma_wait3A_230 = tpu.memref_slice %arg6[%dma_wait3A_228, %dma_wait3A_229] : memref<40x64xi32, #tpu.memory_space<vmem>> -> memref<1x64xi32, #tpu.memory_space<vmem>>
    %dma_wait3A_231 = tpu.memref_squeeze %dma_wait3A_230 : memref<1x64xi32, #tpu.memory_space<vmem>> -> memref<64xi32, #tpu.memory_space<vmem>>
    %dma_wait3A_232 = arith.constant 0 : i32
    %dma_wait3A_233 = arith.constant 0 : i32
    %dma_wait3A_234 = tpu.memref_slice %arg2[%dma_wait3A_232, %dma_wait3A_233] : memref<20480x128xf32, #tpu.memory_space<hbm>> -> memref<20480x128xf32, #tpu.memory_space<hbm>>
    tpu.wait_indirect_dma semaphore(%arg15 : memref<!tpu.dma_semaphore, #tpu.memory_space<semaphore_mem>>) src(%dma_wait3A_234 : memref<20480x128xf32, #tpu.memory_space<hbm>>) dst(%arg10 : memref<64x128xf32, #tpu.memory_space<vmem>>)
    %dma_start3A_235 = arith.constant 2 : i32
    %dma_start3A_236 = arith.constant 0 : i32
    %dma_start3A_237 = tpu.memref_slice %arg7[%dma_start3A_235, %dma_start3A_236] : memref<40x64xi32, #tpu.memory_space<vmem>> -> memref<1x64xi32, #tpu.memory_space<vmem>>
    %dma_start3A_238 = tpu.memref_squeeze %dma_start3A_237 : memref<1x64xi32, #tpu.memory_space<vmem>> -> memref<64xi32, #tpu.memory_space<vmem>>
    %dma_start3A_239 = arith.constant 0 : i32
    %dma_start3A_240 = arith.constant 0 : i32
    %dma_start3A_241 = tpu.memref_slice %arg12[%dma_start3A_239, %dma_start3A_240] : memref<10240x128xf32, #tpu.memory_space<vmem_shared>> -> memref<10240x128xf32, #tpu.memory_space<vmem_shared>>
    tpu.enqueue_indirect_dma source(%arg10 : memref<64x128xf32, #tpu.memory_space<vmem>>) target(%dma_start3A_241 : memref<10240x128xf32, #tpu.memory_space<vmem_shared>>) offsets(%dma_start3A_238 : memref<64xi32, #tpu.memory_space<vmem>>) semaphore(%arg19 : memref<!tpu.dma_semaphore, #tpu.memory_space<semaphore_mem>>) {add = true}
    %dma_wait3A_242 = arith.constant 0 : i32
    %dma_wait3A_243 = arith.constant 0 : i32
    %dma_wait3A_244 = tpu.memref_slice %arg7[%dma_wait3A_242, %dma_wait3A_243] : memref<40x64xi32, #tpu.memory_space<vmem>> -> memref<1x64xi32, #tpu.memory_space<vmem>>
    %dma_wait3A_245 = tpu.memref_squeeze %dma_wait3A_244 : memref<1x64xi32, #tpu.memory_space<vmem>> -> memref<64xi32, #tpu.memory_space<vmem>>
    %dma_wait3A_246 = arith.constant 0 : i32
    %dma_wait3A_247 = arith.constant 0 : i32
    %dma_wait3A_248 = tpu.memref_slice %arg12[%dma_wait3A_246, %dma_wait3A_247] : memref<10240x128xf32, #tpu.memory_space<vmem_shared>> -> memref<10240x128xf32, #tpu.memory_space<vmem_shared>>
    tpu.wait_indirect_dma semaphore(%arg17 : memref<!tpu.dma_semaphore, #tpu.memory_space<semaphore_mem>>) src(%arg8 : memref<64x128xf32, #tpu.memory_space<vmem>>) dst(%dma_wait3A_248 : memref<10240x128xf32, #tpu.memory_space<vmem_shared>>)
    %dma_start3A_249 = arith.constant 4 : i32
    %dma_start3A_250 = arith.constant 0 : i32
    %dma_start3A_251 = tpu.memref_slice %arg6[%dma_start3A_249, %dma_start3A_250] : memref<40x64xi32, #tpu.memory_space<vmem>> -> memref<1x64xi32, #tpu.memory_space<vmem>>
    %dma_start3A_252 = tpu.memref_squeeze %dma_start3A_251 : memref<1x64xi32, #tpu.memory_space<vmem>> -> memref<64xi32, #tpu.memory_space<vmem>>
    %dma_start3A_253 = arith.constant 0 : i32
    %dma_start3A_254 = arith.constant 0 : i32
    %dma_start3A_255 = tpu.memref_slice %arg2[%dma_start3A_253, %dma_start3A_254] : memref<20480x128xf32, #tpu.memory_space<hbm>> -> memref<20480x128xf32, #tpu.memory_space<hbm>>
    tpu.enqueue_indirect_dma source(%dma_start3A_255 : memref<20480x128xf32, #tpu.memory_space<hbm>>) target(%arg8 : memref<64x128xf32, #tpu.memory_space<vmem>>) offsets(%dma_start3A_252 : memref<64xi32, #tpu.memory_space<vmem>>) semaphore(%arg13 : memref<!tpu.dma_semaphore, #tpu.memory_space<semaphore_mem>>)
    %dma_wait3A_256 = arith.constant 3 : i32
    %dma_wait3A_257 = arith.constant 0 : i32
    %dma_wait3A_258 = tpu.memref_slice %arg6[%dma_wait3A_256, %dma_wait3A_257] : memref<40x64xi32, #tpu.memory_space<vmem>> -> memref<1x64xi32, #tpu.memory_space<vmem>>
    %dma_wait3A_259 = tpu.memref_squeeze %dma_wait3A_258 : memref<1x64xi32, #tpu.memory_space<vmem>> -> memref<64xi32, #tpu.memory_space<vmem>>
    %dma_wait3A_260 = arith.constant 0 : i32
    %dma_wait3A_261 = arith.constant 0 : i32
    %dma_wait3A_262 = tpu.memref_slice %arg2[%dma_wait3A_260, %dma_wait3A_261] : memref<20480x128xf32, #tpu.memory_space<hbm>> -> memref<20480x128xf32, #tpu.memory_space<hbm>>
    tpu.wait_indirect_dma semaphore(%arg16 : memref<!tpu.dma_semaphore, #tpu.memory_space<semaphore_mem>>) src(%dma_wait3A_262 : memref<20480x128xf32, #tpu.memory_space<hbm>>) dst(%arg11 : memref<64x128xf32, #tpu.memory_space<vmem>>)
    %dma_start3A_263 = arith.constant 3 : i32
    %dma_start3A_264 = arith.constant 0 : i32
    %dma_start3A_265 = tpu.memref_slice %arg7[%dma_start3A_263, %dma_start3A_264] : memref<40x64xi32, #tpu.memory_space<vmem>> -> memref<1x64xi32, #tpu.memory_space<vmem>>
    %dma_start3A_266 = tpu.memref_squeeze %dma_start3A_265 : memref<1x64xi32, #tpu.memory_space<vmem>> -> memref<64xi32, #tpu.memory_space<vmem>>
    %dma_start3A_267 = arith.constant 0 : i32
    %dma_start3A_268 = arith.constant 0 : i32
    %dma_start3A_269 = tpu.memref_slice %arg12[%dma_start3A_267, %dma_start3A_268] : memref<10240x128xf32, #tpu.memory_space<vmem_shared>> -> memref<10240x128xf32, #tpu.memory_space<vmem_shared>>
    tpu.enqueue_indirect_dma source(%arg11 : memref<64x128xf32, #tpu.memory_space<vmem>>) target(%dma_start3A_269 : memref<10240x128xf32, #tpu.memory_space<vmem_shared>>) offsets(%dma_start3A_266 : memref<64xi32, #tpu.memory_space<vmem>>) semaphore(%arg20 : memref<!tpu.dma_semaphore, #tpu.memory_space<semaphore_mem>>) {add = true}
    %dma_wait3A_270 = arith.constant 1 : i32
    %dma_wait3A_271 = arith.constant 0 : i32
    %dma_wait3A_272 = tpu.memref_slice %arg7[%dma_wait3A_270, %dma_wait3A_271] : memref<40x64xi32, #tpu.memory_space<vmem>> -> memref<1x64xi32, #tpu.memory_space<vmem>>
    %dma_wait3A_273 = tpu.memref_squeeze %dma_wait3A_272 : memref<1x64xi32, #tpu.memory_space<vmem>> -> memref<64xi32, #tpu.memory_space<vmem>>
    %dma_wait3A_274 = arith.constant 0 : i32
    %dma_wait3A_275 = arith.constant 0 : i32
    %dma_wait3A_276 = tpu.memref_slice %arg12[%dma_wait3A_274, %dma_wait3A_275] : memref<10240x128xf32, #tpu.memory_space<vmem_shared>> -> memref<10240x128xf32, #tpu.memory_space<vmem_shared>>
    tpu.wait_indirect_dma semaphore(%arg18 : memref<!tpu.dma_semaphore, #tpu.memory_space<semaphore_mem>>) src(%arg9 : memref<64x128xf32, #tpu.memory_space<vmem>>) dst(%dma_wait3A_276 : memref<10240x128xf32, #tpu.memory_space<vmem_shared>>)
    %dma_start3A_277 = arith.constant 5 : i32
    %dma_start3A_278 = arith.constant 0 : i32
    %dma_start3A_279 = tpu.memref_slice %arg6[%dma_start3A_277, %dma_start3A_278] : memref<40x64xi32, #tpu.memory_space<vmem>> -> memref<1x64xi32, #tpu.memory_space<vmem>>
    %dma_start3A_280 = tpu.memref_squeeze %dma_start3A_279 : memref<1x64xi32, #tpu.memory_space<vmem>> -> memref<64xi32, #tpu.memory_space<vmem>>
    %dma_start3A_281 = arith.constant 0 : i32
    %dma_start3A_282 = arith.constant 0 : i32
    %dma_start3A_283 = tpu.memref_slice %arg2[%dma_start3A_281, %dma_start3A_282] : memref<20480x128xf32, #tpu.memory_space<hbm>> -> memref<20480x128xf32, #tpu.memory_space<hbm>>
    tpu.enqueue_indirect_dma source(%dma_start3A_283 : memref<20480x128xf32, #tpu.memory_space<hbm>>) target(%arg9 : memref<64x128xf32, #tpu.memory_space<vmem>>) offsets(%dma_start3A_280 : memref<64xi32, #tpu.memory_space<vmem>>) semaphore(%arg14 : memref<!tpu.dma_semaphore, #tpu.memory_space<semaphore_mem>>)
    %scan3A_284 = arith.constant 0 : i32
    %scan3A_285 = arith.constant 9 : i32
    %scan3A_286 = arith.addi %scan3A_284, %scan3A_285 : i32
    %scan3A_287 = arith.constant 1 : i32
    scf.for %scan3A_570 = %scan3A_284 to %scan3A_286 step %scan3A_287  : i32 {
      %mul3A_571 = arith.constant 1 : i32
      %mul3A_572 = arith.muli %scan3A_570, %mul3A_571 : i32
      %add3A_573 = arith.constant 1 : i32
      %add3A_574 = arith.addi %add3A_573, %mul3A_572 : i32
      %mul3A_575 = arith.constant 4 : i32
      %mul3A_576 = arith.muli %add3A_574, %mul3A_575 : i32
      %add3A_577 = arith.constant 0 : i32
      %add3A_578 = arith.addi %mul3A_576, %add3A_577 : i32
      %dma_wait3A_579 = arith.constant 0 : i32
      %dma_wait3A_580 = tpu.memref_slice %arg6[%add3A_578, %dma_wait3A_579] : memref<40x64xi32, #tpu.memory_space<vmem>> -> memref<1x64xi32, #tpu.memory_space<vmem>>
      %dma_wait3A_581 = tpu.memref_squeeze %dma_wait3A_580 : memref<1x64xi32, #tpu.memory_space<vmem>> -> memref<64xi32, #tpu.memory_space<vmem>>
      %dma_wait3A_582 = arith.constant 0 : i32
      %dma_wait3A_583 = arith.constant 0 : i32
      %dma_wait3A_584 = tpu.memref_slice %arg2[%dma_wait3A_582, %dma_wait3A_583] : memref<20480x128xf32, #tpu.memory_space<hbm>> -> memref<20480x128xf32, #tpu.memory_space<hbm>>
      tpu.wait_indirect_dma semaphore(%arg13 : memref<!tpu.dma_semaphore, #tpu.memory_space<semaphore_mem>>) src(%dma_wait3A_584 : memref<20480x128xf32, #tpu.memory_space<hbm>>) dst(%arg8 : memref<64x128xf32, #tpu.memory_space<vmem>>)
      %dma_start3A_585 = arith.constant 0 : i32
      %dma_start3A_586 = tpu.memref_slice %arg7[%add3A_578, %dma_start3A_585] : memref<40x64xi32, #tpu.memory_space<vmem>> -> memref<1x64xi32, #tpu.memory_space<vmem>>
      %dma_start3A_587 = tpu.memref_squeeze %dma_start3A_586 : memref<1x64xi32, #tpu.memory_space<vmem>> -> memref<64xi32, #tpu.memory_space<vmem>>
      %dma_start3A_588 = arith.constant 0 : i32
      %dma_start3A_589 = arith.constant 0 : i32
      %dma_start3A_590 = tpu.memref_slice %arg12[%dma_start3A_588, %dma_start3A_589] : memref<10240x128xf32, #tpu.memory_space<vmem_shared>> -> memref<10240x128xf32, #tpu.memory_space<vmem_shared>>
      tpu.enqueue_indirect_dma source(%arg8 : memref<64x128xf32, #tpu.memory_space<vmem>>) target(%dma_start3A_590 : memref<10240x128xf32, #tpu.memory_space<vmem_shared>>) offsets(%dma_start3A_587 : memref<64xi32, #tpu.memory_space<vmem>>) semaphore(%arg17 : memref<!tpu.dma_semaphore, #tpu.memory_space<semaphore_mem>>) {add = true}
      %sub3A = arith.constant 2 : i32
      %sub3A_591 = arith.subi %add3A_578, %sub3A : i32
      %dma_wait3A_592 = arith.constant 0 : i32
      %dma_wait3A_593 = tpu.memref_slice %arg7[%sub3A_591, %dma_wait3A_592] : memref<40x64xi32, #tpu.memory_space<vmem>> -> memref<1x64xi32, #tpu.memory_space<vmem>>
      %dma_wait3A_594 = tpu.memref_squeeze %dma_wait3A_593 : memref<1x64xi32, #tpu.memory_space<vmem>> -> memref<64xi32, #tpu.memory_space<vmem>>
      %dma_wait3A_595 = arith.constant 0 : i32
      %dma_wait3A_596 = arith.constant 0 : i32
      %dma_wait3A_597 = tpu.memref_slice %arg12[%dma_wait3A_595, %dma_wait3A_596] : memref<10240x128xf32, #tpu.memory_space<vmem_shared>> -> memref<10240x128xf32, #tpu.memory_space<vmem_shared>>
      tpu.wait_indirect_dma semaphore(%arg19 : memref<!tpu.dma_semaphore, #tpu.memory_space<semaphore_mem>>) src(%arg10 : memref<64x128xf32, #tpu.memory_space<vmem>>) dst(%dma_wait3A_597 : memref<10240x128xf32, #tpu.memory_space<vmem_shared>>)
      %add3A_598 = arith.constant 2 : i32
      %add3A_599 = arith.addi %add3A_578, %add3A_598 : i32
      %lt3A = arith.constant 40 : i32
      %lt3A_600 = arith.cmpi slt, %add3A_599, %lt3A : i32
      %convert_element_type3A = arith.extui %lt3A_600 : i1 to i32
      %cond3A = arith.constant 0 : i32
      %cond3A_601 = arith.cmpi ne, %convert_element_type3A, %cond3A : i32
      scf.if %cond3A_601 {
        %add3A_695 = arith.constant 2 : i32
        %add3A_696 = arith.addi %add3A_578, %add3A_695 : i32
        %dma_start3A_697 = arith.constant 0 : i32
        %dma_start3A_698 = tpu.memref_slice %arg6[%add3A_696, %dma_start3A_697] : memref<40x64xi32, #tpu.memory_space<vmem>> -> memref<1x64xi32, #tpu.memory_space<vmem>>
        %dma_start3A_699 = tpu.memref_squeeze %dma_start3A_698 : memref<1x64xi32, #tpu.memory_space<vmem>> -> memref<64xi32, #tpu.memory_space<vmem>>
        %dma_start3A_700 = arith.constant 0 : i32
        %dma_start3A_701 = arith.constant 0 : i32
        %dma_start3A_702 = tpu.memref_slice %arg2[%dma_start3A_700, %dma_start3A_701] : memref<20480x128xf32, #tpu.memory_space<hbm>> -> memref<20480x128xf32, #tpu.memory_space<hbm>>
        tpu.enqueue_indirect_dma source(%dma_start3A_702 : memref<20480x128xf32, #tpu.memory_space<hbm>>) target(%arg10 : memref<64x128xf32, #tpu.memory_space<vmem>>) offsets(%dma_start3A_699 : memref<64xi32, #tpu.memory_space<vmem>>) semaphore(%arg15 : memref<!tpu.dma_semaphore, #tpu.memory_space<semaphore_mem>>)
      } else {
      }
      %mul3A_602 = arith.constant 4 : i32
      %mul3A_603 = arith.muli %add3A_574, %mul3A_602 : i32
      %add3A_604 = arith.constant 1 : i32
      %add3A_605 = arith.addi %mul3A_603, %add3A_604 : i32
      %dma_wait3A_606 = arith.constant 0 : i32
      %dma_wait3A_607 = tpu.memref_slice %arg6[%add3A_605, %dma_wait3A_606] : memref<40x64xi32, #tpu.memory_space<vmem>> -> memref<1x64xi32, #tpu.memory_space<vmem>>
      %dma_wait3A_608 = tpu.memref_squeeze %dma_wait3A_607 : memref<1x64xi32, #tpu.memory_space<vmem>> -> memref<64xi32, #tpu.memory_space<vmem>>
      %dma_wait3A_609 = arith.constant 0 : i32
      %dma_wait3A_610 = arith.constant 0 : i32
      %dma_wait3A_611 = tpu.memref_slice %arg2[%dma_wait3A_609, %dma_wait3A_610] : memref<20480x128xf32, #tpu.memory_space<hbm>> -> memref<20480x128xf32, #tpu.memory_space<hbm>>
      tpu.wait_indirect_dma semaphore(%arg14 : memref<!tpu.dma_semaphore, #tpu.memory_space<semaphore_mem>>) src(%dma_wait3A_611 : memref<20480x128xf32, #tpu.memory_space<hbm>>) dst(%arg9 : memref<64x128xf32, #tpu.memory_space<vmem>>)
      %dma_start3A_612 = arith.constant 0 : i32
      %dma_start3A_613 = tpu.memref_slice %arg7[%add3A_605, %dma_start3A_612] : memref<40x64xi32, #tpu.memory_space<vmem>> -> memref<1x64xi32, #tpu.memory_space<vmem>>
      %dma_start3A_614 = tpu.memref_squeeze %dma_start3A_613 : memref<1x64xi32, #tpu.memory_space<vmem>> -> memref<64xi32, #tpu.memory_space<vmem>>
      %dma_start3A_615 = arith.constant 0 : i32
      %dma_start3A_616 = arith.constant 0 : i32
      %dma_start3A_617 = tpu.memref_slice %arg12[%dma_start3A_615, %dma_start3A_616] : memref<10240x128xf32, #tpu.memory_space<vmem_shared>> -> memref<10240x128xf32, #tpu.memory_space<vmem_shared>>
      tpu.enqueue_indirect_dma source(%arg9 : memref<64x128xf32, #tpu.memory_space<vmem>>) target(%dma_start3A_617 : memref<10240x128xf32, #tpu.memory_space<vmem_shared>>) offsets(%dma_start3A_614 : memref<64xi32, #tpu.memory_space<vmem>>) semaphore(%arg18 : memref<!tpu.dma_semaphore, #tpu.memory_space<semaphore_mem>>) {add = true}
      %sub3A_618 = arith.constant 2 : i32
      %sub3A_619 = arith.subi %add3A_605, %sub3A_618 : i32
      %dma_wait3A_620 = arith.constant 0 : i32
      %dma_wait3A_621 = tpu.memref_slice %arg7[%sub3A_619, %dma_wait3A_620] : memref<40x64xi32, #tpu.memory_space<vmem>> -> memref<1x64xi32, #tpu.memory_space<vmem>>
      %dma_wait3A_622 = tpu.memref_squeeze %dma_wait3A_621 : memref<1x64xi32, #tpu.memory_space<vmem>> -> memref<64xi32, #tpu.memory_space<vmem>>
      %dma_wait3A_623 = arith.constant 0 : i32
      %dma_wait3A_624 = arith.constant 0 : i32
      %dma_wait3A_625 = tpu.memref_slice %arg12[%dma_wait3A_623, %dma_wait3A_624] : memref<10240x128xf32, #tpu.memory_space<vmem_shared>> -> memref<10240x128xf32, #tpu.memory_space<vmem_shared>>
      tpu.wait_indirect_dma semaphore(%arg20 : memref<!tpu.dma_semaphore, #tpu.memory_space<semaphore_mem>>) src(%arg11 : memref<64x128xf32, #tpu.memory_space<vmem>>) dst(%dma_wait3A_625 : memref<10240x128xf32, #tpu.memory_space<vmem_shared>>)
      %add3A_626 = arith.constant 2 : i32
      %add3A_627 = arith.addi %add3A_605, %add3A_626 : i32
      %lt3A_628 = arith.constant 40 : i32
      %lt3A_629 = arith.cmpi slt, %add3A_627, %lt3A_628 : i32
      %convert_element_type3A_630 = arith.extui %lt3A_629 : i1 to i32
      %cond3A_631 = arith.constant 0 : i32
      %cond3A_632 = arith.cmpi ne, %convert_element_type3A_630, %cond3A_631 : i32
      scf.if %cond3A_632 {
        %add3A_695 = arith.constant 2 : i32
        %add3A_696 = arith.addi %add3A_605, %add3A_695 : i32
        %dma_start3A_697 = arith.constant 0 : i32
        %dma_start3A_698 = tpu.memref_slice %arg6[%add3A_696, %dma_start3A_697] : memref<40x64xi32, #tpu.memory_space<vmem>> -> memref<1x64xi32, #tpu.memory_space<vmem>>
        %dma_start3A_699 = tpu.memref_squeeze %dma_start3A_698 : memref<1x64xi32, #tpu.memory_space<vmem>> -> memref<64xi32, #tpu.memory_space<vmem>>
        %dma_start3A_700 = arith.constant 0 : i32
        %dma_start3A_701 = arith.constant 0 : i32
        %dma_start3A_702 = tpu.memref_slice %arg2[%dma_start3A_700, %dma_start3A_701] : memref<20480x128xf32, #tpu.memory_space<hbm>> -> memref<20480x128xf32, #tpu.memory_space<hbm>>
        tpu.enqueue_indirect_dma source(%dma_start3A_702 : memref<20480x128xf32, #tpu.memory_space<hbm>>) target(%arg11 : memref<64x128xf32, #tpu.memory_space<vmem>>) offsets(%dma_start3A_699 : memref<64xi32, #tpu.memory_space<vmem>>) semaphore(%arg16 : memref<!tpu.dma_semaphore, #tpu.memory_space<semaphore_mem>>)
      } else {
      }
      %mul3A_633 = arith.constant 4 : i32
      %mul3A_634 = arith.muli %add3A_574, %mul3A_633 : i32
      %add3A_635 = arith.constant 2 : i32
      %add3A_636 = arith.addi %mul3A_634, %add3A_635 : i32
      %dma_wait3A_637 = arith.constant 0 : i32
      %dma_wait3A_638 = tpu.memref_slice %arg6[%add3A_636, %dma_wait3A_637] : memref<40x64xi32, #tpu.memory_space<vmem>> -> memref<1x64xi32, #tpu.memory_space<vmem>>
      %dma_wait3A_639 = tpu.memref_squeeze %dma_wait3A_638 : memref<1x64xi32, #tpu.memory_space<vmem>> -> memref<64xi32, #tpu.memory_space<vmem>>
      %dma_wait3A_640 = arith.constant 0 : i32
      %dma_wait3A_641 = arith.constant 0 : i32
      %dma_wait3A_642 = tpu.memref_slice %arg2[%dma_wait3A_640, %dma_wait3A_641] : memref<20480x128xf32, #tpu.memory_space<hbm>> -> memref<20480x128xf32, #tpu.memory_space<hbm>>
      tpu.wait_indirect_dma semaphore(%arg15 : memref<!tpu.dma_semaphore, #tpu.memory_space<semaphore_mem>>) src(%dma_wait3A_642 : memref<20480x128xf32, #tpu.memory_space<hbm>>) dst(%arg10 : memref<64x128xf32, #tpu.memory_space<vmem>>)
      %dma_start3A_643 = arith.constant 0 : i32
      %dma_start3A_644 = tpu.memref_slice %arg7[%add3A_636, %dma_start3A_643] : memref<40x64xi32, #tpu.memory_space<vmem>> -> memref<1x64xi32, #tpu.memory_space<vmem>>
      %dma_start3A_645 = tpu.memref_squeeze %dma_start3A_644 : memref<1x64xi32, #tpu.memory_space<vmem>> -> memref<64xi32, #tpu.memory_space<vmem>>
      %dma_start3A_646 = arith.constant 0 : i32
      %dma_start3A_647 = arith.constant 0 : i32
      %dma_start3A_648 = tpu.memref_slice %arg12[%dma_start3A_646, %dma_start3A_647] : memref<10240x128xf32, #tpu.memory_space<vmem_shared>> -> memref<10240x128xf32, #tpu.memory_space<vmem_shared>>
      tpu.enqueue_indirect_dma source(%arg10 : memref<64x128xf32, #tpu.memory_space<vmem>>) target(%dma_start3A_648 : memref<10240x128xf32, #tpu.memory_space<vmem_shared>>) offsets(%dma_start3A_645 : memref<64xi32, #tpu.memory_space<vmem>>) semaphore(%arg19 : memref<!tpu.dma_semaphore, #tpu.memory_space<semaphore_mem>>) {add = true}
      %sub3A_649 = arith.constant 2 : i32
      %sub3A_650 = arith.subi %add3A_636, %sub3A_649 : i32
      %dma_wait3A_651 = arith.constant 0 : i32
      %dma_wait3A_652 = tpu.memref_slice %arg7[%sub3A_650, %dma_wait3A_651] : memref<40x64xi32, #tpu.memory_space<vmem>> -> memref<1x64xi32, #tpu.memory_space<vmem>>
      %dma_wait3A_653 = tpu.memref_squeeze %dma_wait3A_652 : memref<1x64xi32, #tpu.memory_space<vmem>> -> memref<64xi32, #tpu.memory_space<vmem>>
      %dma_wait3A_654 = arith.constant 0 : i32
      %dma_wait3A_655 = arith.constant 0 : i32
      %dma_wait3A_656 = tpu.memref_slice %arg12[%dma_wait3A_654, %dma_wait3A_655] : memref<10240x128xf32, #tpu.memory_space<vmem_shared>> -> memref<10240x128xf32, #tpu.memory_space<vmem_shared>>
      tpu.wait_indirect_dma semaphore(%arg17 : memref<!tpu.dma_semaphore, #tpu.memory_space<semaphore_mem>>) src(%arg8 : memref<64x128xf32, #tpu.memory_space<vmem>>) dst(%dma_wait3A_656 : memref<10240x128xf32, #tpu.memory_space<vmem_shared>>)
      %add3A_657 = arith.constant 2 : i32
      %add3A_658 = arith.addi %add3A_636, %add3A_657 : i32
      %lt3A_659 = arith.constant 40 : i32
      %lt3A_660 = arith.cmpi slt, %add3A_658, %lt3A_659 : i32
      %convert_element_type3A_661 = arith.extui %lt3A_660 : i1 to i32
      %cond3A_662 = arith.constant 0 : i32
      %cond3A_663 = arith.cmpi ne, %convert_element_type3A_661, %cond3A_662 : i32
      scf.if %cond3A_663 {
        %add3A_695 = arith.constant 2 : i32
        %add3A_696 = arith.addi %add3A_636, %add3A_695 : i32
        %dma_start3A_697 = arith.constant 0 : i32
        %dma_start3A_698 = tpu.memref_slice %arg6[%add3A_696, %dma_start3A_697] : memref<40x64xi32, #tpu.memory_space<vmem>> -> memref<1x64xi32, #tpu.memory_space<vmem>>
        %dma_start3A_699 = tpu.memref_squeeze %dma_start3A_698 : memref<1x64xi32, #tpu.memory_space<vmem>> -> memref<64xi32, #tpu.memory_space<vmem>>
        %dma_start3A_700 = arith.constant 0 : i32
        %dma_start3A_701 = arith.constant 0 : i32
        %dma_start3A_702 = tpu.memref_slice %arg2[%dma_start3A_700, %dma_start3A_701] : memref<20480x128xf32, #tpu.memory_space<hbm>> -> memref<20480x128xf32, #tpu.memory_space<hbm>>
        tpu.enqueue_indirect_dma source(%dma_start3A_702 : memref<20480x128xf32, #tpu.memory_space<hbm>>) target(%arg8 : memref<64x128xf32, #tpu.memory_space<vmem>>) offsets(%dma_start3A_699 : memref<64xi32, #tpu.memory_space<vmem>>) semaphore(%arg13 : memref<!tpu.dma_semaphore, #tpu.memory_space<semaphore_mem>>)
      } else {
      }
      %mul3A_664 = arith.constant 4 : i32
      %mul3A_665 = arith.muli %add3A_574, %mul3A_664 : i32
      %add3A_666 = arith.constant 3 : i32
      %add3A_667 = arith.addi %mul3A_665, %add3A_666 : i32
      %dma_wait3A_668 = arith.constant 0 : i32
      %dma_wait3A_669 = tpu.memref_slice %arg6[%add3A_667, %dma_wait3A_668] : memref<40x64xi32, #tpu.memory_space<vmem>> -> memref<1x64xi32, #tpu.memory_space<vmem>>
      %dma_wait3A_670 = tpu.memref_squeeze %dma_wait3A_669 : memref<1x64xi32, #tpu.memory_space<vmem>> -> memref<64xi32, #tpu.memory_space<vmem>>
      %dma_wait3A_671 = arith.constant 0 : i32
      %dma_wait3A_672 = arith.constant 0 : i32
      %dma_wait3A_673 = tpu.memref_slice %arg2[%dma_wait3A_671, %dma_wait3A_672] : memref<20480x128xf32, #tpu.memory_space<hbm>> -> memref<20480x128xf32, #tpu.memory_space<hbm>>
      tpu.wait_indirect_dma semaphore(%arg16 : memref<!tpu.dma_semaphore, #tpu.memory_space<semaphore_mem>>) src(%dma_wait3A_673 : memref<20480x128xf32, #tpu.memory_space<hbm>>) dst(%arg11 : memref<64x128xf32, #tpu.memory_space<vmem>>)
      %dma_start3A_674 = arith.constant 0 : i32
      %dma_start3A_675 = tpu.memref_slice %arg7[%add3A_667, %dma_start3A_674] : memref<40x64xi32, #tpu.memory_space<vmem>> -> memref<1x64xi32, #tpu.memory_space<vmem>>
      %dma_start3A_676 = tpu.memref_squeeze %dma_start3A_675 : memref<1x64xi32, #tpu.memory_space<vmem>> -> memref<64xi32, #tpu.memory_space<vmem>>
      %dma_start3A_677 = arith.constant 0 : i32
      %dma_start3A_678 = arith.constant 0 : i32
      %dma_start3A_679 = tpu.memref_slice %arg12[%dma_start3A_677, %dma_start3A_678] : memref<10240x128xf32, #tpu.memory_space<vmem_shared>> -> memref<10240x128xf32, #tpu.memory_space<vmem_shared>>
      tpu.enqueue_indirect_dma source(%arg11 : memref<64x128xf32, #tpu.memory_space<vmem>>) target(%dma_start3A_679 : memref<10240x128xf32, #tpu.memory_space<vmem_shared>>) offsets(%dma_start3A_676 : memref<64xi32, #tpu.memory_space<vmem>>) semaphore(%arg20 : memref<!tpu.dma_semaphore, #tpu.memory_space<semaphore_mem>>) {add = true}
      %sub3A_680 = arith.constant 2 : i32
      %sub3A_681 = arith.subi %add3A_667, %sub3A_680 : i32
      %dma_wait3A_682 = arith.constant 0 : i32
      %dma_wait3A_683 = tpu.memref_slice %arg7[%sub3A_681, %dma_wait3A_682] : memref<40x64xi32, #tpu.memory_space<vmem>> -> memref<1x64xi32, #tpu.memory_space<vmem>>
      %dma_wait3A_684 = tpu.memref_squeeze %dma_wait3A_683 : memref<1x64xi32, #tpu.memory_space<vmem>> -> memref<64xi32, #tpu.memory_space<vmem>>
      %dma_wait3A_685 = arith.constant 0 : i32
      %dma_wait3A_686 = arith.constant 0 : i32
      %dma_wait3A_687 = tpu.memref_slice %arg12[%dma_wait3A_685, %dma_wait3A_686] : memref<10240x128xf32, #tpu.memory_space<vmem_shared>> -> memref<10240x128xf32, #tpu.memory_space<vmem_shared>>
      tpu.wait_indirect_dma semaphore(%arg18 : memref<!tpu.dma_semaphore, #tpu.memory_space<semaphore_mem>>) src(%arg9 : memref<64x128xf32, #tpu.memory_space<vmem>>) dst(%dma_wait3A_687 : memref<10240x128xf32, #tpu.memory_space<vmem_shared>>)
      %add3A_688 = arith.constant 2 : i32
      %add3A_689 = arith.addi %add3A_667, %add3A_688 : i32
      %lt3A_690 = arith.constant 40 : i32
      %lt3A_691 = arith.cmpi slt, %add3A_689, %lt3A_690 : i32
      %convert_element_type3A_692 = arith.extui %lt3A_691 : i1 to i32
      %cond3A_693 = arith.constant 0 : i32
      %cond3A_694 = arith.cmpi ne, %convert_element_type3A_692, %cond3A_693 : i32
      scf.if %cond3A_694 {
        %add3A_695 = arith.constant 2 : i32
        %add3A_696 = arith.addi %add3A_667, %add3A_695 : i32
        %dma_start3A_697 = arith.constant 0 : i32
        %dma_start3A_698 = tpu.memref_slice %arg6[%add3A_696, %dma_start3A_697] : memref<40x64xi32, #tpu.memory_space<vmem>> -> memref<1x64xi32, #tpu.memory_space<vmem>>
        %dma_start3A_699 = tpu.memref_squeeze %dma_start3A_698 : memref<1x64xi32, #tpu.memory_space<vmem>> -> memref<64xi32, #tpu.memory_space<vmem>>
        %dma_start3A_700 = arith.constant 0 : i32
        %dma_start3A_701 = arith.constant 0 : i32
        %dma_start3A_702 = tpu.memref_slice %arg2[%dma_start3A_700, %dma_start3A_701] : memref<20480x128xf32, #tpu.memory_space<hbm>> -> memref<20480x128xf32, #tpu.memory_space<hbm>>
        tpu.enqueue_indirect_dma source(%dma_start3A_702 : memref<20480x128xf32, #tpu.memory_space<hbm>>) target(%arg9 : memref<64x128xf32, #tpu.memory_space<vmem>>) offsets(%dma_start3A_699 : memref<64xi32, #tpu.memory_space<vmem>>) semaphore(%arg14 : memref<!tpu.dma_semaphore, #tpu.memory_space<semaphore_mem>>)
      } else {
      }
    }
    %scan3A_288 = arith.constant 9 : i32
    %dma_wait3A_289 = arith.constant 38 : i32
    %dma_wait3A_290 = arith.constant 0 : i32
    %dma_wait3A_291 = tpu.memref_slice %arg7[%dma_wait3A_289, %dma_wait3A_290] : memref<40x64xi32, #tpu.memory_space<vmem>> -> memref<1x64xi32, #tpu.memory_space<vmem>>
    %dma_wait3A_292 = tpu.memref_squeeze %dma_wait3A_291 : memref<1x64xi32, #tpu.memory_space<vmem>> -> memref<64xi32, #tpu.memory_space<vmem>>
    %dma_wait3A_293 = arith.constant 0 : i32
    %dma_wait3A_294 = arith.constant 0 : i32
    %dma_wait3A_295 = tpu.memref_slice %arg12[%dma_wait3A_293, %dma_wait3A_294] : memref<10240x128xf32, #tpu.memory_space<vmem_shared>> -> memref<10240x128xf32, #tpu.memory_space<vmem_shared>>
    tpu.wait_indirect_dma semaphore(%arg19 : memref<!tpu.dma_semaphore, #tpu.memory_space<semaphore_mem>>) src(%arg10 : memref<64x128xf32, #tpu.memory_space<vmem>>) dst(%dma_wait3A_295 : memref<10240x128xf32, #tpu.memory_space<vmem_shared>>)
    %dma_wait3A_296 = arith.constant 39 : i32
    %dma_wait3A_297 = arith.constant 0 : i32
    %dma_wait3A_298 = tpu.memref_slice %arg7[%dma_wait3A_296, %dma_wait3A_297] : memref<40x64xi32, #tpu.memory_space<vmem>> -> memref<1x64xi32, #tpu.memory_space<vmem>>
    %dma_wait3A_299 = tpu.memref_squeeze %dma_wait3A_298 : memref<1x64xi32, #tpu.memory_space<vmem>> -> memref<64xi32, #tpu.memory_space<vmem>>
    %dma_wait3A_300 = arith.constant 0 : i32
    %dma_wait3A_301 = arith.constant 0 : i32
    %dma_wait3A_302 = tpu.memref_slice %arg12[%dma_wait3A_300, %dma_wait3A_301] : memref<10240x128xf32, #tpu.memory_space<vmem_shared>> -> memref<10240x128xf32, #tpu.memory_space<vmem_shared>>
    tpu.wait_indirect_dma semaphore(%arg20 : memref<!tpu.dma_semaphore, #tpu.memory_space<semaphore_mem>>) src(%arg11 : memref<64x128xf32, #tpu.memory_space<vmem>>) dst(%dma_wait3A_302 : memref<10240x128xf32, #tpu.memory_space<vmem_shared>>)
    "tpu.region"() ({
      %run_scoped3A = tpu.sem_alloc : memref<!tpu.dma_semaphore, #tpu.memory_space<semaphore_mem>>
      %dma_start3A_570 = arith.constant 80 : i32
      %dma_start3A_571 = arith.constant 0 : i32
      %dma_start3A_572 = tpu.memref_slice %arg3[%arg0, %arg1, %dma_start3A_570, %dma_start3A_571] : memref<2x16x160x64xi32, #tpu.memory_space<hbm>> -> memref<1x1x40x64xi32, #tpu.memory_space<hbm>>
      %dma_start3A_573 = tpu.memref_squeeze %dma_start3A_572 : memref<1x1x40x64xi32, #tpu.memory_space<hbm>> -> memref<40x64xi32, #tpu.memory_space<hbm>>
      %dma_start3A_574 = arith.constant 80 : i32
      %dma_start3A_575 = arith.constant 0 : i32
      %dma_start3A_576 = tpu.memref_slice %arg3[%arg0, %arg1, %dma_start3A_574, %dma_start3A_575] : memref<2x16x160x64xi32, #tpu.memory_space<hbm>> -> memref<1x1x40x64xi32, #tpu.memory_space<hbm>>
      %dma_start3A_577 = tpu.memref_squeeze %dma_start3A_576 : memref<1x1x40x64xi32, #tpu.memory_space<hbm>> -> memref<40x64xi32, #tpu.memory_space<hbm>>
      tpu.enqueue_dma source(%dma_start3A_577 : memref<40x64xi32, #tpu.memory_space<hbm>>) target(%arg6 : memref<40x64xi32, #tpu.memory_space<vmem>>) target_semaphore(%run_scoped3A : memref<!tpu.dma_semaphore, #tpu.memory_space<semaphore_mem>>)
      %dma_wait3A_578 = arith.constant 80 : i32
      %dma_wait3A_579 = arith.constant 0 : i32
      %dma_wait3A_580 = tpu.memref_slice %arg3[%arg0, %arg1, %dma_wait3A_578, %dma_wait3A_579] : memref<2x16x160x64xi32, #tpu.memory_space<hbm>> -> memref<1x1x40x64xi32, #tpu.memory_space<hbm>>
      %dma_wait3A_581 = tpu.memref_squeeze %dma_wait3A_580 : memref<1x1x40x64xi32, #tpu.memory_space<hbm>> -> memref<40x64xi32, #tpu.memory_space<hbm>>
      %dma_wait3A_582 = arith.constant 80 : i32
      %dma_wait3A_583 = arith.constant 0 : i32
      %dma_wait3A_584 = tpu.memref_slice %arg3[%arg0, %arg1, %dma_wait3A_582, %dma_wait3A_583] : memref<2x16x160x64xi32, #tpu.memory_space<hbm>> -> memref<1x1x40x64xi32, #tpu.memory_space<hbm>>
      %dma_wait3A_585 = tpu.memref_squeeze %dma_wait3A_584 : memref<1x1x40x64xi32, #tpu.memory_space<hbm>> -> memref<40x64xi32, #tpu.memory_space<hbm>>
      tpu.wait_dma2 semaphore(%run_scoped3A : memref<!tpu.dma_semaphore, #tpu.memory_space<semaphore_mem>>) src(%dma_wait3A_585 : memref<40x64xi32, #tpu.memory_space<hbm>>) dst(%arg6 : memref<40x64xi32, #tpu.memory_space<vmem>>)
      tpu.yield
    }) : () -> ()
    "tpu.region"() ({
      %run_scoped3A = tpu.sem_alloc : memref<!tpu.dma_semaphore, #tpu.memory_space<semaphore_mem>>
      %dma_start3A_570 = arith.constant 80 : i32
      %dma_start3A_571 = arith.constant 0 : i32
      %dma_start3A_572 = tpu.memref_slice %arg4[%arg1, %dma_start3A_570, %dma_start3A_571] : memref<16x160x64xi32, #tpu.memory_space<hbm>> -> memref<1x40x64xi32, #tpu.memory_space<hbm>>
      %dma_start3A_573 = tpu.memref_squeeze %dma_start3A_572 : memref<1x40x64xi32, #tpu.memory_space<hbm>> -> memref<40x64xi32, #tpu.memory_space<hbm>>
      %dma_start3A_574 = arith.constant 80 : i32
      %dma_start3A_575 = arith.constant 0 : i32
      %dma_start3A_576 = tpu.memref_slice %arg4[%arg1, %dma_start3A_574, %dma_start3A_575] : memref<16x160x64xi32, #tpu.memory_space<hbm>> -> memref<1x40x64xi32, #tpu.memory_space<hbm>>
      %dma_start3A_577 = tpu.memref_squeeze %dma_start3A_576 : memref<1x40x64xi32, #tpu.memory_space<hbm>> -> memref<40x64xi32, #tpu.memory_space<hbm>>
      tpu.enqueue_dma source(%dma_start3A_577 : memref<40x64xi32, #tpu.memory_space<hbm>>) target(%arg7 : memref<40x64xi32, #tpu.memory_space<vmem>>) target_semaphore(%run_scoped3A : memref<!tpu.dma_semaphore, #tpu.memory_space<semaphore_mem>>)
      %dma_wait3A_578 = arith.constant 80 : i32
      %dma_wait3A_579 = arith.constant 0 : i32
      %dma_wait3A_580 = tpu.memref_slice %arg4[%arg1, %dma_wait3A_578, %dma_wait3A_579] : memref<16x160x64xi32, #tpu.memory_space<hbm>> -> memref<1x40x64xi32, #tpu.memory_space<hbm>>
      %dma_wait3A_581 = tpu.memref_squeeze %dma_wait3A_580 : memref<1x40x64xi32, #tpu.memory_space<hbm>> -> memref<40x64xi32, #tpu.memory_space<hbm>>
      %dma_wait3A_582 = arith.constant 80 : i32
      %dma_wait3A_583 = arith.constant 0 : i32
      %dma_wait3A_584 = tpu.memref_slice %arg4[%arg1, %dma_wait3A_582, %dma_wait3A_583] : memref<16x160x64xi32, #tpu.memory_space<hbm>> -> memref<1x40x64xi32, #tpu.memory_space<hbm>>
      %dma_wait3A_585 = tpu.memref_squeeze %dma_wait3A_584 : memref<1x40x64xi32, #tpu.memory_space<hbm>> -> memref<40x64xi32, #tpu.memory_space<hbm>>
      tpu.wait_dma2 semaphore(%run_scoped3A : memref<!tpu.dma_semaphore, #tpu.memory_space<semaphore_mem>>) src(%dma_wait3A_585 : memref<40x64xi32, #tpu.memory_space<hbm>>) dst(%arg7 : memref<40x64xi32, #tpu.memory_space<vmem>>)
      tpu.yield
    }) : () -> ()
    %dma_start3A_303 = arith.constant 0 : i32
    %dma_start3A_304 = arith.constant 0 : i32
    %dma_start3A_305 = tpu.memref_slice %arg6[%dma_start3A_303, %dma_start3A_304] : memref<40x64xi32, #tpu.memory_space<vmem>> -> memref<1x64xi32, #tpu.memory_space<vmem>>
    %dma_start3A_306 = tpu.memref_squeeze %dma_start3A_305 : memref<1x64xi32, #tpu.memory_space<vmem>> -> memref<64xi32, #tpu.memory_space<vmem>>
    %dma_start3A_307 = arith.constant 0 : i32
    %dma_start3A_308 = arith.constant 0 : i32
    %dma_start3A_309 = tpu.memref_slice %arg2[%dma_start3A_307, %dma_start3A_308] : memref<20480x128xf32, #tpu.memory_space<hbm>> -> memref<20480x128xf32, #tpu.memory_space<hbm>>
    tpu.enqueue_indirect_dma source(%dma_start3A_309 : memref<20480x128xf32, #tpu.memory_space<hbm>>) target(%arg8 : memref<64x128xf32, #tpu.memory_space<vmem>>) offsets(%dma_start3A_306 : memref<64xi32, #tpu.memory_space<vmem>>) semaphore(%arg13 : memref<!tpu.dma_semaphore, #tpu.memory_space<semaphore_mem>>)
    %dma_start3A_310 = arith.constant 1 : i32
    %dma_start3A_311 = arith.constant 0 : i32
    %dma_start3A_312 = tpu.memref_slice %arg6[%dma_start3A_310, %dma_start3A_311] : memref<40x64xi32, #tpu.memory_space<vmem>> -> memref<1x64xi32, #tpu.memory_space<vmem>>
    %dma_start3A_313 = tpu.memref_squeeze %dma_start3A_312 : memref<1x64xi32, #tpu.memory_space<vmem>> -> memref<64xi32, #tpu.memory_space<vmem>>
    %dma_start3A_314 = arith.constant 0 : i32
    %dma_start3A_315 = arith.constant 0 : i32
    %dma_start3A_316 = tpu.memref_slice %arg2[%dma_start3A_314, %dma_start3A_315] : memref<20480x128xf32, #tpu.memory_space<hbm>> -> memref<20480x128xf32, #tpu.memory_space<hbm>>
    tpu.enqueue_indirect_dma source(%dma_start3A_316 : memref<20480x128xf32, #tpu.memory_space<hbm>>) target(%arg9 : memref<64x128xf32, #tpu.memory_space<vmem>>) offsets(%dma_start3A_313 : memref<64xi32, #tpu.memory_space<vmem>>) semaphore(%arg14 : memref<!tpu.dma_semaphore, #tpu.memory_space<semaphore_mem>>)
    %dma_wait3A_317 = arith.constant 0 : i32
    %dma_wait3A_318 = arith.constant 0 : i32
    %dma_wait3A_319 = tpu.memref_slice %arg6[%dma_wait3A_317, %dma_wait3A_318] : memref<40x64xi32, #tpu.memory_space<vmem>> -> memref<1x64xi32, #tpu.memory_space<vmem>>
    %dma_wait3A_320 = tpu.memref_squeeze %dma_wait3A_319 : memref<1x64xi32, #tpu.memory_space<vmem>> -> memref<64xi32, #tpu.memory_space<vmem>>
    %dma_wait3A_321 = arith.constant 0 : i32
    %dma_wait3A_322 = arith.constant 0 : i32
    %dma_wait3A_323 = tpu.memref_slice %arg2[%dma_wait3A_321, %dma_wait3A_322] : memref<20480x128xf32, #tpu.memory_space<hbm>> -> memref<20480x128xf32, #tpu.memory_space<hbm>>
    tpu.wait_indirect_dma semaphore(%arg13 : memref<!tpu.dma_semaphore, #tpu.memory_space<semaphore_mem>>) src(%dma_wait3A_323 : memref<20480x128xf32, #tpu.memory_space<hbm>>) dst(%arg8 : memref<64x128xf32, #tpu.memory_space<vmem>>)
    %dma_start3A_324 = arith.constant 0 : i32
    %dma_start3A_325 = arith.constant 0 : i32
    %dma_start3A_326 = tpu.memref_slice %arg7[%dma_start3A_324, %dma_start3A_325] : memref<40x64xi32, #tpu.memory_space<vmem>> -> memref<1x64xi32, #tpu.memory_space<vmem>>
    %dma_start3A_327 = tpu.memref_squeeze %dma_start3A_326 : memref<1x64xi32, #tpu.memory_space<vmem>> -> memref<64xi32, #tpu.memory_space<vmem>>
    %dma_start3A_328 = arith.constant 0 : i32
    %dma_start3A_329 = arith.constant 0 : i32
    %dma_start3A_330 = tpu.memref_slice %arg12[%dma_start3A_328, %dma_start3A_329] : memref<10240x128xf32, #tpu.memory_space<vmem_shared>> -> memref<10240x128xf32, #tpu.memory_space<vmem_shared>>
    tpu.enqueue_indirect_dma source(%arg8 : memref<64x128xf32, #tpu.memory_space<vmem>>) target(%dma_start3A_330 : memref<10240x128xf32, #tpu.memory_space<vmem_shared>>) offsets(%dma_start3A_327 : memref<64xi32, #tpu.memory_space<vmem>>) semaphore(%arg17 : memref<!tpu.dma_semaphore, #tpu.memory_space<semaphore_mem>>) {add = true}
    %dma_start3A_331 = arith.constant 2 : i32
    %dma_start3A_332 = arith.constant 0 : i32
    %dma_start3A_333 = tpu.memref_slice %arg6[%dma_start3A_331, %dma_start3A_332] : memref<40x64xi32, #tpu.memory_space<vmem>> -> memref<1x64xi32, #tpu.memory_space<vmem>>
    %dma_start3A_334 = tpu.memref_squeeze %dma_start3A_333 : memref<1x64xi32, #tpu.memory_space<vmem>> -> memref<64xi32, #tpu.memory_space<vmem>>
    %dma_start3A_335 = arith.constant 0 : i32
    %dma_start3A_336 = arith.constant 0 : i32
    %dma_start3A_337 = tpu.memref_slice %arg2[%dma_start3A_335, %dma_start3A_336] : memref<20480x128xf32, #tpu.memory_space<hbm>> -> memref<20480x128xf32, #tpu.memory_space<hbm>>
    tpu.enqueue_indirect_dma source(%dma_start3A_337 : memref<20480x128xf32, #tpu.memory_space<hbm>>) target(%arg10 : memref<64x128xf32, #tpu.memory_space<vmem>>) offsets(%dma_start3A_334 : memref<64xi32, #tpu.memory_space<vmem>>) semaphore(%arg15 : memref<!tpu.dma_semaphore, #tpu.memory_space<semaphore_mem>>)
    %dma_wait3A_338 = arith.constant 1 : i32
    %dma_wait3A_339 = arith.constant 0 : i32
    %dma_wait3A_340 = tpu.memref_slice %arg6[%dma_wait3A_338, %dma_wait3A_339] : memref<40x64xi32, #tpu.memory_space<vmem>> -> memref<1x64xi32, #tpu.memory_space<vmem>>
    %dma_wait3A_341 = tpu.memref_squeeze %dma_wait3A_340 : memref<1x64xi32, #tpu.memory_space<vmem>> -> memref<64xi32, #tpu.memory_space<vmem>>
    %dma_wait3A_342 = arith.constant 0 : i32
    %dma_wait3A_343 = arith.constant 0 : i32
    %dma_wait3A_344 = tpu.memref_slice %arg2[%dma_wait3A_342, %dma_wait3A_343] : memref<20480x128xf32, #tpu.memory_space<hbm>> -> memref<20480x128xf32, #tpu.memory_space<hbm>>
    tpu.wait_indirect_dma semaphore(%arg14 : memref<!tpu.dma_semaphore, #tpu.memory_space<semaphore_mem>>) src(%dma_wait3A_344 : memref<20480x128xf32, #tpu.memory_space<hbm>>) dst(%arg9 : memref<64x128xf32, #tpu.memory_space<vmem>>)
    %dma_start3A_345 = arith.constant 1 : i32
    %dma_start3A_346 = arith.constant 0 : i32
    %dma_start3A_347 = tpu.memref_slice %arg7[%dma_start3A_345, %dma_start3A_346] : memref<40x64xi32, #tpu.memory_space<vmem>> -> memref<1x64xi32, #tpu.memory_space<vmem>>
    %dma_start3A_348 = tpu.memref_squeeze %dma_start3A_347 : memref<1x64xi32, #tpu.memory_space<vmem>> -> memref<64xi32, #tpu.memory_space<vmem>>
    %dma_start3A_349 = arith.constant 0 : i32
    %dma_start3A_350 = arith.constant 0 : i32
    %dma_start3A_351 = tpu.memref_slice %arg12[%dma_start3A_349, %dma_start3A_350] : memref<10240x128xf32, #tpu.memory_space<vmem_shared>> -> memref<10240x128xf32, #tpu.memory_space<vmem_shared>>
    tpu.enqueue_indirect_dma source(%arg9 : memref<64x128xf32, #tpu.memory_space<vmem>>) target(%dma_start3A_351 : memref<10240x128xf32, #tpu.memory_space<vmem_shared>>) offsets(%dma_start3A_348 : memref<64xi32, #tpu.memory_space<vmem>>) semaphore(%arg18 : memref<!tpu.dma_semaphore, #tpu.memory_space<semaphore_mem>>) {add = true}
    %dma_start3A_352 = arith.constant 3 : i32
    %dma_start3A_353 = arith.constant 0 : i32
    %dma_start3A_354 = tpu.memref_slice %arg6[%dma_start3A_352, %dma_start3A_353] : memref<40x64xi32, #tpu.memory_space<vmem>> -> memref<1x64xi32, #tpu.memory_space<vmem>>
    %dma_start3A_355 = tpu.memref_squeeze %dma_start3A_354 : memref<1x64xi32, #tpu.memory_space<vmem>> -> memref<64xi32, #tpu.memory_space<vmem>>
    %dma_start3A_356 = arith.constant 0 : i32
    %dma_start3A_357 = arith.constant 0 : i32
    %dma_start3A_358 = tpu.memref_slice %arg2[%dma_start3A_356, %dma_start3A_357] : memref<20480x128xf32, #tpu.memory_space<hbm>> -> memref<20480x128xf32, #tpu.memory_space<hbm>>
    tpu.enqueue_indirect_dma source(%dma_start3A_358 : memref<20480x128xf32, #tpu.memory_space<hbm>>) target(%arg11 : memref<64x128xf32, #tpu.memory_space<vmem>>) offsets(%dma_start3A_355 : memref<64xi32, #tpu.memory_space<vmem>>) semaphore(%arg16 : memref<!tpu.dma_semaphore, #tpu.memory_space<semaphore_mem>>)
    %dma_wait3A_359 = arith.constant 2 : i32
    %dma_wait3A_360 = arith.constant 0 : i32
    %dma_wait3A_361 = tpu.memref_slice %arg6[%dma_wait3A_359, %dma_wait3A_360] : memref<40x64xi32, #tpu.memory_space<vmem>> -> memref<1x64xi32, #tpu.memory_space<vmem>>
    %dma_wait3A_362 = tpu.memref_squeeze %dma_wait3A_361 : memref<1x64xi32, #tpu.memory_space<vmem>> -> memref<64xi32, #tpu.memory_space<vmem>>
    %dma_wait3A_363 = arith.constant 0 : i32
    %dma_wait3A_364 = arith.constant 0 : i32
    %dma_wait3A_365 = tpu.memref_slice %arg2[%dma_wait3A_363, %dma_wait3A_364] : memref<20480x128xf32, #tpu.memory_space<hbm>> -> memref<20480x128xf32, #tpu.memory_space<hbm>>
    tpu.wait_indirect_dma semaphore(%arg15 : memref<!tpu.dma_semaphore, #tpu.memory_space<semaphore_mem>>) src(%dma_wait3A_365 : memref<20480x128xf32, #tpu.memory_space<hbm>>) dst(%arg10 : memref<64x128xf32, #tpu.memory_space<vmem>>)
    %dma_start3A_366 = arith.constant 2 : i32
    %dma_start3A_367 = arith.constant 0 : i32
    %dma_start3A_368 = tpu.memref_slice %arg7[%dma_start3A_366, %dma_start3A_367] : memref<40x64xi32, #tpu.memory_space<vmem>> -> memref<1x64xi32, #tpu.memory_space<vmem>>
    %dma_start3A_369 = tpu.memref_squeeze %dma_start3A_368 : memref<1x64xi32, #tpu.memory_space<vmem>> -> memref<64xi32, #tpu.memory_space<vmem>>
    %dma_start3A_370 = arith.constant 0 : i32
    %dma_start3A_371 = arith.constant 0 : i32
    %dma_start3A_372 = tpu.memref_slice %arg12[%dma_start3A_370, %dma_start3A_371] : memref<10240x128xf32, #tpu.memory_space<vmem_shared>> -> memref<10240x128xf32, #tpu.memory_space<vmem_shared>>
    tpu.enqueue_indirect_dma source(%arg10 : memref<64x128xf32, #tpu.memory_space<vmem>>) target(%dma_start3A_372 : memref<10240x128xf32, #tpu.memory_space<vmem_shared>>) offsets(%dma_start3A_369 : memref<64xi32, #tpu.memory_space<vmem>>) semaphore(%arg19 : memref<!tpu.dma_semaphore, #tpu.memory_space<semaphore_mem>>) {add = true}
    %dma_wait3A_373 = arith.constant 0 : i32
    %dma_wait3A_374 = arith.constant 0 : i32
    %dma_wait3A_375 = tpu.memref_slice %arg7[%dma_wait3A_373, %dma_wait3A_374] : memref<40x64xi32, #tpu.memory_space<vmem>> -> memref<1x64xi32, #tpu.memory_space<vmem>>
    %dma_wait3A_376 = tpu.memref_squeeze %dma_wait3A_375 : memref<1x64xi32, #tpu.memory_space<vmem>> -> memref<64xi32, #tpu.memory_space<vmem>>
    %dma_wait3A_377 = arith.constant 0 : i32
    %dma_wait3A_378 = arith.constant 0 : i32
    %dma_wait3A_379 = tpu.memref_slice %arg12[%dma_wait3A_377, %dma_wait3A_378] : memref<10240x128xf32, #tpu.memory_space<vmem_shared>> -> memref<10240x128xf32, #tpu.memory_space<vmem_shared>>
    tpu.wait_indirect_dma semaphore(%arg17 : memref<!tpu.dma_semaphore, #tpu.memory_space<semaphore_mem>>) src(%arg8 : memref<64x128xf32, #tpu.memory_space<vmem>>) dst(%dma_wait3A_379 : memref<10240x128xf32, #tpu.memory_space<vmem_shared>>)
    %dma_start3A_380 = arith.constant 4 : i32
    %dma_start3A_381 = arith.constant 0 : i32
    %dma_start3A_382 = tpu.memref_slice %arg6[%dma_start3A_380, %dma_start3A_381] : memref<40x64xi32, #tpu.memory_space<vmem>> -> memref<1x64xi32, #tpu.memory_space<vmem>>
    %dma_start3A_383 = tpu.memref_squeeze %dma_start3A_382 : memref<1x64xi32, #tpu.memory_space<vmem>> -> memref<64xi32, #tpu.memory_space<vmem>>
    %dma_start3A_384 = arith.constant 0 : i32
    %dma_start3A_385 = arith.constant 0 : i32
    %dma_start3A_386 = tpu.memref_slice %arg2[%dma_start3A_384, %dma_start3A_385] : memref<20480x128xf32, #tpu.memory_space<hbm>> -> memref<20480x128xf32, #tpu.memory_space<hbm>>
    tpu.enqueue_indirect_dma source(%dma_start3A_386 : memref<20480x128xf32, #tpu.memory_space<hbm>>) target(%arg8 : memref<64x128xf32, #tpu.memory_space<vmem>>) offsets(%dma_start3A_383 : memref<64xi32, #tpu.memory_space<vmem>>) semaphore(%arg13 : memref<!tpu.dma_semaphore, #tpu.memory_space<semaphore_mem>>)
    %dma_wait3A_387 = arith.constant 3 : i32
    %dma_wait3A_388 = arith.constant 0 : i32
    %dma_wait3A_389 = tpu.memref_slice %arg6[%dma_wait3A_387, %dma_wait3A_388] : memref<40x64xi32, #tpu.memory_space<vmem>> -> memref<1x64xi32, #tpu.memory_space<vmem>>
    %dma_wait3A_390 = tpu.memref_squeeze %dma_wait3A_389 : memref<1x64xi32, #tpu.memory_space<vmem>> -> memref<64xi32, #tpu.memory_space<vmem>>
    %dma_wait3A_391 = arith.constant 0 : i32
    %dma_wait3A_392 = arith.constant 0 : i32
    %dma_wait3A_393 = tpu.memref_slice %arg2[%dma_wait3A_391, %dma_wait3A_392] : memref<20480x128xf32, #tpu.memory_space<hbm>> -> memref<20480x128xf32, #tpu.memory_space<hbm>>
    tpu.wait_indirect_dma semaphore(%arg16 : memref<!tpu.dma_semaphore, #tpu.memory_space<semaphore_mem>>) src(%dma_wait3A_393 : memref<20480x128xf32, #tpu.memory_space<hbm>>) dst(%arg11 : memref<64x128xf32, #tpu.memory_space<vmem>>)
    %dma_start3A_394 = arith.constant 3 : i32
    %dma_start3A_395 = arith.constant 0 : i32
    %dma_start3A_396 = tpu.memref_slice %arg7[%dma_start3A_394, %dma_start3A_395] : memref<40x64xi32, #tpu.memory_space<vmem>> -> memref<1x64xi32, #tpu.memory_space<vmem>>
    %dma_start3A_397 = tpu.memref_squeeze %dma_start3A_396 : memref<1x64xi32, #tpu.memory_space<vmem>> -> memref<64xi32, #tpu.memory_space<vmem>>
    %dma_start3A_398 = arith.constant 0 : i32
    %dma_start3A_399 = arith.constant 0 : i32
    %dma_start3A_400 = tpu.memref_slice %arg12[%dma_start3A_398, %dma_start3A_399] : memref<10240x128xf32, #tpu.memory_space<vmem_shared>> -> memref<10240x128xf32, #tpu.memory_space<vmem_shared>>
    tpu.enqueue_indirect_dma source(%arg11 : memref<64x128xf32, #tpu.memory_space<vmem>>) target(%dma_start3A_400 : memref<10240x128xf32, #tpu.memory_space<vmem_shared>>) offsets(%dma_start3A_397 : memref<64xi32, #tpu.memory_space<vmem>>) semaphore(%arg20 : memref<!tpu.dma_semaphore, #tpu.memory_space<semaphore_mem>>) {add = true}
    %dma_wait3A_401 = arith.constant 1 : i32
    %dma_wait3A_402 = arith.constant 0 : i32
    %dma_wait3A_403 = tpu.memref_slice %arg7[%dma_wait3A_401, %dma_wait3A_402] : memref<40x64xi32, #tpu.memory_space<vmem>> -> memref<1x64xi32, #tpu.memory_space<vmem>>
    %dma_wait3A_404 = tpu.memref_squeeze %dma_wait3A_403 : memref<1x64xi32, #tpu.memory_space<vmem>> -> memref<64xi32, #tpu.memory_space<vmem>>
    %dma_wait3A_405 = arith.constant 0 : i32
    %dma_wait3A_406 = arith.constant 0 : i32
    %dma_wait3A_407 = tpu.memref_slice %arg12[%dma_wait3A_405, %dma_wait3A_406] : memref<10240x128xf32, #tpu.memory_space<vmem_shared>> -> memref<10240x128xf32, #tpu.memory_space<vmem_shared>>
    tpu.wait_indirect_dma semaphore(%arg18 : memref<!tpu.dma_semaphore, #tpu.memory_space<semaphore_mem>>) src(%arg9 : memref<64x128xf32, #tpu.memory_space<vmem>>) dst(%dma_wait3A_407 : memref<10240x128xf32, #tpu.memory_space<vmem_shared>>)
    %dma_start3A_408 = arith.constant 5 : i32
    %dma_start3A_409 = arith.constant 0 : i32
    %dma_start3A_410 = tpu.memref_slice %arg6[%dma_start3A_408, %dma_start3A_409] : memref<40x64xi32, #tpu.memory_space<vmem>> -> memref<1x64xi32, #tpu.memory_space<vmem>>
    %dma_start3A_411 = tpu.memref_squeeze %dma_start3A_410 : memref<1x64xi32, #tpu.memory_space<vmem>> -> memref<64xi32, #tpu.memory_space<vmem>>
    %dma_start3A_412 = arith.constant 0 : i32
    %dma_start3A_413 = arith.constant 0 : i32
    %dma_start3A_414 = tpu.memref_slice %arg2[%dma_start3A_412, %dma_start3A_413] : memref<20480x128xf32, #tpu.memory_space<hbm>> -> memref<20480x128xf32, #tpu.memory_space<hbm>>
    tpu.enqueue_indirect_dma source(%dma_start3A_414 : memref<20480x128xf32, #tpu.memory_space<hbm>>) target(%arg9 : memref<64x128xf32, #tpu.memory_space<vmem>>) offsets(%dma_start3A_411 : memref<64xi32, #tpu.memory_space<vmem>>) semaphore(%arg14 : memref<!tpu.dma_semaphore, #tpu.memory_space<semaphore_mem>>)
    %scan3A_415 = arith.constant 0 : i32
    %scan3A_416 = arith.constant 9 : i32
    %scan3A_417 = arith.addi %scan3A_415, %scan3A_416 : i32
    %scan3A_418 = arith.constant 1 : i32
    scf.for %scan3A_570 = %scan3A_415 to %scan3A_417 step %scan3A_418  : i32 {
      %mul3A_571 = arith.constant 1 : i32
      %mul3A_572 = arith.muli %scan3A_570, %mul3A_571 : i32
      %add3A_573 = arith.constant 1 : i32
      %add3A_574 = arith.addi %add3A_573, %mul3A_572 : i32
      %mul3A_575 = arith.constant 4 : i32
      %mul3A_576 = arith.muli %add3A_574, %mul3A_575 : i32
      %add3A_577 = arith.constant 0 : i32
      %add3A_578 = arith.addi %mul3A_576, %add3A_577 : i32
      %dma_wait3A_579 = arith.constant 0 : i32
      %dma_wait3A_580 = tpu.memref_slice %arg6[%add3A_578, %dma_wait3A_579] : memref<40x64xi32, #tpu.memory_space<vmem>> -> memref<1x64xi32, #tpu.memory_space<vmem>>
      %dma_wait3A_581 = tpu.memref_squeeze %dma_wait3A_580 : memref<1x64xi32, #tpu.memory_space<vmem>> -> memref<64xi32, #tpu.memory_space<vmem>>
      %dma_wait3A_582 = arith.constant 0 : i32
      %dma_wait3A_583 = arith.constant 0 : i32
      %dma_wait3A_584 = tpu.memref_slice %arg2[%dma_wait3A_582, %dma_wait3A_583] : memref<20480x128xf32, #tpu.memory_space<hbm>> -> memref<20480x128xf32, #tpu.memory_space<hbm>>
      tpu.wait_indirect_dma semaphore(%arg13 : memref<!tpu.dma_semaphore, #tpu.memory_space<semaphore_mem>>) src(%dma_wait3A_584 : memref<20480x128xf32, #tpu.memory_space<hbm>>) dst(%arg8 : memref<64x128xf32, #tpu.memory_space<vmem>>)
      %dma_start3A_585 = arith.constant 0 : i32
      %dma_start3A_586 = tpu.memref_slice %arg7[%add3A_578, %dma_start3A_585] : memref<40x64xi32, #tpu.memory_space<vmem>> -> memref<1x64xi32, #tpu.memory_space<vmem>>
      %dma_start3A_587 = tpu.memref_squeeze %dma_start3A_586 : memref<1x64xi32, #tpu.memory_space<vmem>> -> memref<64xi32, #tpu.memory_space<vmem>>
      %dma_start3A_588 = arith.constant 0 : i32
      %dma_start3A_589 = arith.constant 0 : i32
      %dma_start3A_590 = tpu.memref_slice %arg12[%dma_start3A_588, %dma_start3A_589] : memref<10240x128xf32, #tpu.memory_space<vmem_shared>> -> memref<10240x128xf32, #tpu.memory_space<vmem_shared>>
      tpu.enqueue_indirect_dma source(%arg8 : memref<64x128xf32, #tpu.memory_space<vmem>>) target(%dma_start3A_590 : memref<10240x128xf32, #tpu.memory_space<vmem_shared>>) offsets(%dma_start3A_587 : memref<64xi32, #tpu.memory_space<vmem>>) semaphore(%arg17 : memref<!tpu.dma_semaphore, #tpu.memory_space<semaphore_mem>>) {add = true}
      %sub3A = arith.constant 2 : i32
      %sub3A_591 = arith.subi %add3A_578, %sub3A : i32
      %dma_wait3A_592 = arith.constant 0 : i32
      %dma_wait3A_593 = tpu.memref_slice %arg7[%sub3A_591, %dma_wait3A_592] : memref<40x64xi32, #tpu.memory_space<vmem>> -> memref<1x64xi32, #tpu.memory_space<vmem>>
      %dma_wait3A_594 = tpu.memref_squeeze %dma_wait3A_593 : memref<1x64xi32, #tpu.memory_space<vmem>> -> memref<64xi32, #tpu.memory_space<vmem>>
      %dma_wait3A_595 = arith.constant 0 : i32
      %dma_wait3A_596 = arith.constant 0 : i32
      %dma_wait3A_597 = tpu.memref_slice %arg12[%dma_wait3A_595, %dma_wait3A_596] : memref<10240x128xf32, #tpu.memory_space<vmem_shared>> -> memref<10240x128xf32, #tpu.memory_space<vmem_shared>>
      tpu.wait_indirect_dma semaphore(%arg19 : memref<!tpu.dma_semaphore, #tpu.memory_space<semaphore_mem>>) src(%arg10 : memref<64x128xf32, #tpu.memory_space<vmem>>) dst(%dma_wait3A_597 : memref<10240x128xf32, #tpu.memory_space<vmem_shared>>)
      %add3A_598 = arith.constant 2 : i32
      %add3A_599 = arith.addi %add3A_578, %add3A_598 : i32
      %lt3A = arith.constant 40 : i32
      %lt3A_600 = arith.cmpi slt, %add3A_599, %lt3A : i32
      %convert_element_type3A = arith.extui %lt3A_600 : i1 to i32
      %cond3A = arith.constant 0 : i32
      %cond3A_601 = arith.cmpi ne, %convert_element_type3A, %cond3A : i32
      scf.if %cond3A_601 {
        %add3A_695 = arith.constant 2 : i32
        %add3A_696 = arith.addi %add3A_578, %add3A_695 : i32
        %dma_start3A_697 = arith.constant 0 : i32
        %dma_start3A_698 = tpu.memref_slice %arg6[%add3A_696, %dma_start3A_697] : memref<40x64xi32, #tpu.memory_space<vmem>> -> memref<1x64xi32, #tpu.memory_space<vmem>>
        %dma_start3A_699 = tpu.memref_squeeze %dma_start3A_698 : memref<1x64xi32, #tpu.memory_space<vmem>> -> memref<64xi32, #tpu.memory_space<vmem>>
        %dma_start3A_700 = arith.constant 0 : i32
        %dma_start3A_701 = arith.constant 0 : i32
        %dma_start3A_702 = tpu.memref_slice %arg2[%dma_start3A_700, %dma_start3A_701] : memref<20480x128xf32, #tpu.memory_space<hbm>> -> memref<20480x128xf32, #tpu.memory_space<hbm>>
        tpu.enqueue_indirect_dma source(%dma_start3A_702 : memref<20480x128xf32, #tpu.memory_space<hbm>>) target(%arg10 : memref<64x128xf32, #tpu.memory_space<vmem>>) offsets(%dma_start3A_699 : memref<64xi32, #tpu.memory_space<vmem>>) semaphore(%arg15 : memref<!tpu.dma_semaphore, #tpu.memory_space<semaphore_mem>>)
      } else {
      }
      %mul3A_602 = arith.constant 4 : i32
      %mul3A_603 = arith.muli %add3A_574, %mul3A_602 : i32
      %add3A_604 = arith.constant 1 : i32
      %add3A_605 = arith.addi %mul3A_603, %add3A_604 : i32
      %dma_wait3A_606 = arith.constant 0 : i32
      %dma_wait3A_607 = tpu.memref_slice %arg6[%add3A_605, %dma_wait3A_606] : memref<40x64xi32, #tpu.memory_space<vmem>> -> memref<1x64xi32, #tpu.memory_space<vmem>>
      %dma_wait3A_608 = tpu.memref_squeeze %dma_wait3A_607 : memref<1x64xi32, #tpu.memory_space<vmem>> -> memref<64xi32, #tpu.memory_space<vmem>>
      %dma_wait3A_609 = arith.constant 0 : i32
      %dma_wait3A_610 = arith.constant 0 : i32
      %dma_wait3A_611 = tpu.memref_slice %arg2[%dma_wait3A_609, %dma_wait3A_610] : memref<20480x128xf32, #tpu.memory_space<hbm>> -> memref<20480x128xf32, #tpu.memory_space<hbm>>
      tpu.wait_indirect_dma semaphore(%arg14 : memref<!tpu.dma_semaphore, #tpu.memory_space<semaphore_mem>>) src(%dma_wait3A_611 : memref<20480x128xf32, #tpu.memory_space<hbm>>) dst(%arg9 : memref<64x128xf32, #tpu.memory_space<vmem>>)
      %dma_start3A_612 = arith.constant 0 : i32
      %dma_start3A_613 = tpu.memref_slice %arg7[%add3A_605, %dma_start3A_612] : memref<40x64xi32, #tpu.memory_space<vmem>> -> memref<1x64xi32, #tpu.memory_space<vmem>>
      %dma_start3A_614 = tpu.memref_squeeze %dma_start3A_613 : memref<1x64xi32, #tpu.memory_space<vmem>> -> memref<64xi32, #tpu.memory_space<vmem>>
      %dma_start3A_615 = arith.constant 0 : i32
      %dma_start3A_616 = arith.constant 0 : i32
      %dma_start3A_617 = tpu.memref_slice %arg12[%dma_start3A_615, %dma_start3A_616] : memref<10240x128xf32, #tpu.memory_space<vmem_shared>> -> memref<10240x128xf32, #tpu.memory_space<vmem_shared>>
      tpu.enqueue_indirect_dma source(%arg9 : memref<64x128xf32, #tpu.memory_space<vmem>>) target(%dma_start3A_617 : memref<10240x128xf32, #tpu.memory_space<vmem_shared>>) offsets(%dma_start3A_614 : memref<64xi32, #tpu.memory_space<vmem>>) semaphore(%arg18 : memref<!tpu.dma_semaphore, #tpu.memory_space<semaphore_mem>>) {add = true}
      %sub3A_618 = arith.constant 2 : i32
      %sub3A_619 = arith.subi %add3A_605, %sub3A_618 : i32
      %dma_wait3A_620 = arith.constant 0 : i32
      %dma_wait3A_621 = tpu.memref_slice %arg7[%sub3A_619, %dma_wait3A_620] : memref<40x64xi32, #tpu.memory_space<vmem>> -> memref<1x64xi32, #tpu.memory_space<vmem>>
      %dma_wait3A_622 = tpu.memref_squeeze %dma_wait3A_621 : memref<1x64xi32, #tpu.memory_space<vmem>> -> memref<64xi32, #tpu.memory_space<vmem>>
      %dma_wait3A_623 = arith.constant 0 : i32
      %dma_wait3A_624 = arith.constant 0 : i32
      %dma_wait3A_625 = tpu.memref_slice %arg12[%dma_wait3A_623, %dma_wait3A_624] : memref<10240x128xf32, #tpu.memory_space<vmem_shared>> -> memref<10240x128xf32, #tpu.memory_space<vmem_shared>>
      tpu.wait_indirect_dma semaphore(%arg20 : memref<!tpu.dma_semaphore, #tpu.memory_space<semaphore_mem>>) src(%arg11 : memref<64x128xf32, #tpu.memory_space<vmem>>) dst(%dma_wait3A_625 : memref<10240x128xf32, #tpu.memory_space<vmem_shared>>)
      %add3A_626 = arith.constant 2 : i32
      %add3A_627 = arith.addi %add3A_605, %add3A_626 : i32
      %lt3A_628 = arith.constant 40 : i32
      %lt3A_629 = arith.cmpi slt, %add3A_627, %lt3A_628 : i32
      %convert_element_type3A_630 = arith.extui %lt3A_629 : i1 to i32
      %cond3A_631 = arith.constant 0 : i32
      %cond3A_632 = arith.cmpi ne, %convert_element_type3A_630, %cond3A_631 : i32
      scf.if %cond3A_632 {
        %add3A_695 = arith.constant 2 : i32
        %add3A_696 = arith.addi %add3A_605, %add3A_695 : i32
        %dma_start3A_697 = arith.constant 0 : i32
        %dma_start3A_698 = tpu.memref_slice %arg6[%add3A_696, %dma_start3A_697] : memref<40x64xi32, #tpu.memory_space<vmem>> -> memref<1x64xi32, #tpu.memory_space<vmem>>
        %dma_start3A_699 = tpu.memref_squeeze %dma_start3A_698 : memref<1x64xi32, #tpu.memory_space<vmem>> -> memref<64xi32, #tpu.memory_space<vmem>>
        %dma_start3A_700 = arith.constant 0 : i32
        %dma_start3A_701 = arith.constant 0 : i32
        %dma_start3A_702 = tpu.memref_slice %arg2[%dma_start3A_700, %dma_start3A_701] : memref<20480x128xf32, #tpu.memory_space<hbm>> -> memref<20480x128xf32, #tpu.memory_space<hbm>>
        tpu.enqueue_indirect_dma source(%dma_start3A_702 : memref<20480x128xf32, #tpu.memory_space<hbm>>) target(%arg11 : memref<64x128xf32, #tpu.memory_space<vmem>>) offsets(%dma_start3A_699 : memref<64xi32, #tpu.memory_space<vmem>>) semaphore(%arg16 : memref<!tpu.dma_semaphore, #tpu.memory_space<semaphore_mem>>)
      } else {
      }
      %mul3A_633 = arith.constant 4 : i32
      %mul3A_634 = arith.muli %add3A_574, %mul3A_633 : i32
      %add3A_635 = arith.constant 2 : i32
      %add3A_636 = arith.addi %mul3A_634, %add3A_635 : i32
      %dma_wait3A_637 = arith.constant 0 : i32
      %dma_wait3A_638 = tpu.memref_slice %arg6[%add3A_636, %dma_wait3A_637] : memref<40x64xi32, #tpu.memory_space<vmem>> -> memref<1x64xi32, #tpu.memory_space<vmem>>
      %dma_wait3A_639 = tpu.memref_squeeze %dma_wait3A_638 : memref<1x64xi32, #tpu.memory_space<vmem>> -> memref<64xi32, #tpu.memory_space<vmem>>
      %dma_wait3A_640 = arith.constant 0 : i32
      %dma_wait3A_641 = arith.constant 0 : i32
      %dma_wait3A_642 = tpu.memref_slice %arg2[%dma_wait3A_640, %dma_wait3A_641] : memref<20480x128xf32, #tpu.memory_space<hbm>> -> memref<20480x128xf32, #tpu.memory_space<hbm>>
      tpu.wait_indirect_dma semaphore(%arg15 : memref<!tpu.dma_semaphore, #tpu.memory_space<semaphore_mem>>) src(%dma_wait3A_642 : memref<20480x128xf32, #tpu.memory_space<hbm>>) dst(%arg10 : memref<64x128xf32, #tpu.memory_space<vmem>>)
      %dma_start3A_643 = arith.constant 0 : i32
      %dma_start3A_644 = tpu.memref_slice %arg7[%add3A_636, %dma_start3A_643] : memref<40x64xi32, #tpu.memory_space<vmem>> -> memref<1x64xi32, #tpu.memory_space<vmem>>
      %dma_start3A_645 = tpu.memref_squeeze %dma_start3A_644 : memref<1x64xi32, #tpu.memory_space<vmem>> -> memref<64xi32, #tpu.memory_space<vmem>>
      %dma_start3A_646 = arith.constant 0 : i32
      %dma_start3A_647 = arith.constant 0 : i32
      %dma_start3A_648 = tpu.memref_slice %arg12[%dma_start3A_646, %dma_start3A_647] : memref<10240x128xf32, #tpu.memory_space<vmem_shared>> -> memref<10240x128xf32, #tpu.memory_space<vmem_shared>>
      tpu.enqueue_indirect_dma source(%arg10 : memref<64x128xf32, #tpu.memory_space<vmem>>) target(%dma_start3A_648 : memref<10240x128xf32, #tpu.memory_space<vmem_shared>>) offsets(%dma_start3A_645 : memref<64xi32, #tpu.memory_space<vmem>>) semaphore(%arg19 : memref<!tpu.dma_semaphore, #tpu.memory_space<semaphore_mem>>) {add = true}
      %sub3A_649 = arith.constant 2 : i32
      %sub3A_650 = arith.subi %add3A_636, %sub3A_649 : i32
      %dma_wait3A_651 = arith.constant 0 : i32
      %dma_wait3A_652 = tpu.memref_slice %arg7[%sub3A_650, %dma_wait3A_651] : memref<40x64xi32, #tpu.memory_space<vmem>> -> memref<1x64xi32, #tpu.memory_space<vmem>>
      %dma_wait3A_653 = tpu.memref_squeeze %dma_wait3A_652 : memref<1x64xi32, #tpu.memory_space<vmem>> -> memref<64xi32, #tpu.memory_space<vmem>>
      %dma_wait3A_654 = arith.constant 0 : i32
      %dma_wait3A_655 = arith.constant 0 : i32
      %dma_wait3A_656 = tpu.memref_slice %arg12[%dma_wait3A_654, %dma_wait3A_655] : memref<10240x128xf32, #tpu.memory_space<vmem_shared>> -> memref<10240x128xf32, #tpu.memory_space<vmem_shared>>
      tpu.wait_indirect_dma semaphore(%arg17 : memref<!tpu.dma_semaphore, #tpu.memory_space<semaphore_mem>>) src(%arg8 : memref<64x128xf32, #tpu.memory_space<vmem>>) dst(%dma_wait3A_656 : memref<10240x128xf32, #tpu.memory_space<vmem_shared>>)
      %add3A_657 = arith.constant 2 : i32
      %add3A_658 = arith.addi %add3A_636, %add3A_657 : i32
      %lt3A_659 = arith.constant 40 : i32
      %lt3A_660 = arith.cmpi slt, %add3A_658, %lt3A_659 : i32
      %convert_element_type3A_661 = arith.extui %lt3A_660 : i1 to i32
      %cond3A_662 = arith.constant 0 : i32
      %cond3A_663 = arith.cmpi ne, %convert_element_type3A_661, %cond3A_662 : i32
      scf.if %cond3A_663 {
        %add3A_695 = arith.constant 2 : i32
        %add3A_696 = arith.addi %add3A_636, %add3A_695 : i32
        %dma_start3A_697 = arith.constant 0 : i32
        %dma_start3A_698 = tpu.memref_slice %arg6[%add3A_696, %dma_start3A_697] : memref<40x64xi32, #tpu.memory_space<vmem>> -> memref<1x64xi32, #tpu.memory_space<vmem>>
        %dma_start3A_699 = tpu.memref_squeeze %dma_start3A_698 : memref<1x64xi32, #tpu.memory_space<vmem>> -> memref<64xi32, #tpu.memory_space<vmem>>
        %dma_start3A_700 = arith.constant 0 : i32
        %dma_start3A_701 = arith.constant 0 : i32
        %dma_start3A_702 = tpu.memref_slice %arg2[%dma_start3A_700, %dma_start3A_701] : memref<20480x128xf32, #tpu.memory_space<hbm>> -> memref<20480x128xf32, #tpu.memory_space<hbm>>
        tpu.enqueue_indirect_dma source(%dma_start3A_702 : memref<20480x128xf32, #tpu.memory_space<hbm>>) target(%arg8 : memref<64x128xf32, #tpu.memory_space<vmem>>) offsets(%dma_start3A_699 : memref<64xi32, #tpu.memory_space<vmem>>) semaphore(%arg13 : memref<!tpu.dma_semaphore, #tpu.memory_space<semaphore_mem>>)
      } else {
      }
      %mul3A_664 = arith.constant 4 : i32
      %mul3A_665 = arith.muli %add3A_574, %mul3A_664 : i32
      %add3A_666 = arith.constant 3 : i32
      %add3A_667 = arith.addi %mul3A_665, %add3A_666 : i32
      %dma_wait3A_668 = arith.constant 0 : i32
      %dma_wait3A_669 = tpu.memref_slice %arg6[%add3A_667, %dma_wait3A_668] : memref<40x64xi32, #tpu.memory_space<vmem>> -> memref<1x64xi32, #tpu.memory_space<vmem>>
      %dma_wait3A_670 = tpu.memref_squeeze %dma_wait3A_669 : memref<1x64xi32, #tpu.memory_space<vmem>> -> memref<64xi32, #tpu.memory_space<vmem>>
      %dma_wait3A_671 = arith.constant 0 : i32
      %dma_wait3A_672 = arith.constant 0 : i32
      %dma_wait3A_673 = tpu.memref_slice %arg2[%dma_wait3A_671, %dma_wait3A_672] : memref<20480x128xf32, #tpu.memory_space<hbm>> -> memref<20480x128xf32, #tpu.memory_space<hbm>>
      tpu.wait_indirect_dma semaphore(%arg16 : memref<!tpu.dma_semaphore, #tpu.memory_space<semaphore_mem>>) src(%dma_wait3A_673 : memref<20480x128xf32, #tpu.memory_space<hbm>>) dst(%arg11 : memref<64x128xf32, #tpu.memory_space<vmem>>)
      %dma_start3A_674 = arith.constant 0 : i32
      %dma_start3A_675 = tpu.memref_slice %arg7[%add3A_667, %dma_start3A_674] : memref<40x64xi32, #tpu.memory_space<vmem>> -> memref<1x64xi32, #tpu.memory_space<vmem>>
      %dma_start3A_676 = tpu.memref_squeeze %dma_start3A_675 : memref<1x64xi32, #tpu.memory_space<vmem>> -> memref<64xi32, #tpu.memory_space<vmem>>
      %dma_start3A_677 = arith.constant 0 : i32
      %dma_start3A_678 = arith.constant 0 : i32
      %dma_start3A_679 = tpu.memref_slice %arg12[%dma_start3A_677, %dma_start3A_678] : memref<10240x128xf32, #tpu.memory_space<vmem_shared>> -> memref<10240x128xf32, #tpu.memory_space<vmem_shared>>
      tpu.enqueue_indirect_dma source(%arg11 : memref<64x128xf32, #tpu.memory_space<vmem>>) target(%dma_start3A_679 : memref<10240x128xf32, #tpu.memory_space<vmem_shared>>) offsets(%dma_start3A_676 : memref<64xi32, #tpu.memory_space<vmem>>) semaphore(%arg20 : memref<!tpu.dma_semaphore, #tpu.memory_space<semaphore_mem>>) {add = true}
      %sub3A_680 = arith.constant 2 : i32
      %sub3A_681 = arith.subi %add3A_667, %sub3A_680 : i32
      %dma_wait3A_682 = arith.constant 0 : i32
      %dma_wait3A_683 = tpu.memref_slice %arg7[%sub3A_681, %dma_wait3A_682] : memref<40x64xi32, #tpu.memory_space<vmem>> -> memref<1x64xi32, #tpu.memory_space<vmem>>
      %dma_wait3A_684 = tpu.memref_squeeze %dma_wait3A_683 : memref<1x64xi32, #tpu.memory_space<vmem>> -> memref<64xi32, #tpu.memory_space<vmem>>
      %dma_wait3A_685 = arith.constant 0 : i32
      %dma_wait3A_686 = arith.constant 0 : i32
      %dma_wait3A_687 = tpu.memref_slice %arg12[%dma_wait3A_685, %dma_wait3A_686] : memref<10240x128xf32, #tpu.memory_space<vmem_shared>> -> memref<10240x128xf32, #tpu.memory_space<vmem_shared>>
      tpu.wait_indirect_dma semaphore(%arg18 : memref<!tpu.dma_semaphore, #tpu.memory_space<semaphore_mem>>) src(%arg9 : memref<64x128xf32, #tpu.memory_space<vmem>>) dst(%dma_wait3A_687 : memref<10240x128xf32, #tpu.memory_space<vmem_shared>>)
      %add3A_688 = arith.constant 2 : i32
      %add3A_689 = arith.addi %add3A_667, %add3A_688 : i32
      %lt3A_690 = arith.constant 40 : i32
      %lt3A_691 = arith.cmpi slt, %add3A_689, %lt3A_690 : i32
      %convert_element_type3A_692 = arith.extui %lt3A_691 : i1 to i32
      %cond3A_693 = arith.constant 0 : i32
      %cond3A_694 = arith.cmpi ne, %convert_element_type3A_692, %cond3A_693 : i32
      scf.if %cond3A_694 {
        %add3A_695 = arith.constant 2 : i32
        %add3A_696 = arith.addi %add3A_667, %add3A_695 : i32
        %dma_start3A_697 = arith.constant 0 : i32
        %dma_start3A_698 = tpu.memref_slice %arg6[%add3A_696, %dma_start3A_697] : memref<40x64xi32, #tpu.memory_space<vmem>> -> memref<1x64xi32, #tpu.memory_space<vmem>>
        %dma_start3A_699 = tpu.memref_squeeze %dma_start3A_698 : memref<1x64xi32, #tpu.memory_space<vmem>> -> memref<64xi32, #tpu.memory_space<vmem>>
        %dma_start3A_700 = arith.constant 0 : i32
        %dma_start3A_701 = arith.constant 0 : i32
        %dma_start3A_702 = tpu.memref_slice %arg2[%dma_start3A_700, %dma_start3A_701] : memref<20480x128xf32, #tpu.memory_space<hbm>> -> memref<20480x128xf32, #tpu.memory_space<hbm>>
        tpu.enqueue_indirect_dma source(%dma_start3A_702 : memref<20480x128xf32, #tpu.memory_space<hbm>>) target(%arg9 : memref<64x128xf32, #tpu.memory_space<vmem>>) offsets(%dma_start3A_699 : memref<64xi32, #tpu.memory_space<vmem>>) semaphore(%arg14 : memref<!tpu.dma_semaphore, #tpu.memory_space<semaphore_mem>>)
      } else {
      }
    }
    %scan3A_419 = arith.constant 9 : i32
    %dma_wait3A_420 = arith.constant 38 : i32
    %dma_wait3A_421 = arith.constant 0 : i32
    %dma_wait3A_422 = tpu.memref_slice %arg7[%dma_wait3A_420, %dma_wait3A_421] : memref<40x64xi32, #tpu.memory_space<vmem>> -> memref<1x64xi32, #tpu.memory_space<vmem>>
    %dma_wait3A_423 = tpu.memref_squeeze %dma_wait3A_422 : memref<1x64xi32, #tpu.memory_space<vmem>> -> memref<64xi32, #tpu.memory_space<vmem>>
    %dma_wait3A_424 = arith.constant 0 : i32
    %dma_wait3A_425 = arith.constant 0 : i32
    %dma_wait3A_426 = tpu.memref_slice %arg12[%dma_wait3A_424, %dma_wait3A_425] : memref<10240x128xf32, #tpu.memory_space<vmem_shared>> -> memref<10240x128xf32, #tpu.memory_space<vmem_shared>>
    tpu.wait_indirect_dma semaphore(%arg19 : memref<!tpu.dma_semaphore, #tpu.memory_space<semaphore_mem>>) src(%arg10 : memref<64x128xf32, #tpu.memory_space<vmem>>) dst(%dma_wait3A_426 : memref<10240x128xf32, #tpu.memory_space<vmem_shared>>)
    %dma_wait3A_427 = arith.constant 39 : i32
    %dma_wait3A_428 = arith.constant 0 : i32
    %dma_wait3A_429 = tpu.memref_slice %arg7[%dma_wait3A_427, %dma_wait3A_428] : memref<40x64xi32, #tpu.memory_space<vmem>> -> memref<1x64xi32, #tpu.memory_space<vmem>>
    %dma_wait3A_430 = tpu.memref_squeeze %dma_wait3A_429 : memref<1x64xi32, #tpu.memory_space<vmem>> -> memref<64xi32, #tpu.memory_space<vmem>>
    %dma_wait3A_431 = arith.constant 0 : i32
    %dma_wait3A_432 = arith.constant 0 : i32
    %dma_wait3A_433 = tpu.memref_slice %arg12[%dma_wait3A_431, %dma_wait3A_432] : memref<10240x128xf32, #tpu.memory_space<vmem_shared>> -> memref<10240x128xf32, #tpu.memory_space<vmem_shared>>
    tpu.wait_indirect_dma semaphore(%arg20 : memref<!tpu.dma_semaphore, #tpu.memory_space<semaphore_mem>>) src(%arg11 : memref<64x128xf32, #tpu.memory_space<vmem>>) dst(%dma_wait3A_433 : memref<10240x128xf32, #tpu.memory_space<vmem_shared>>)
    "tpu.region"() ({
      %run_scoped3A = tpu.sem_alloc : memref<!tpu.dma_semaphore, #tpu.memory_space<semaphore_mem>>
      %dma_start3A_570 = arith.constant 120 : i32
      %dma_start3A_571 = arith.constant 0 : i32
      %dma_start3A_572 = tpu.memref_slice %arg3[%arg0, %arg1, %dma_start3A_570, %dma_start3A_571] : memref<2x16x160x64xi32, #tpu.memory_space<hbm>> -> memref<1x1x40x64xi32, #tpu.memory_space<hbm>>
      %dma_start3A_573 = tpu.memref_squeeze %dma_start3A_572 : memref<1x1x40x64xi32, #tpu.memory_space<hbm>> -> memref<40x64xi32, #tpu.memory_space<hbm>>
      %dma_start3A_574 = arith.constant 120 : i32
      %dma_start3A_575 = arith.constant 0 : i32
      %dma_start3A_576 = tpu.memref_slice %arg3[%arg0, %arg1, %dma_start3A_574, %dma_start3A_575] : memref<2x16x160x64xi32, #tpu.memory_space<hbm>> -> memref<1x1x40x64xi32, #tpu.memory_space<hbm>>
      %dma_start3A_577 = tpu.memref_squeeze %dma_start3A_576 : memref<1x1x40x64xi32, #tpu.memory_space<hbm>> -> memref<40x64xi32, #tpu.memory_space<hbm>>
      tpu.enqueue_dma source(%dma_start3A_577 : memref<40x64xi32, #tpu.memory_space<hbm>>) target(%arg6 : memref<40x64xi32, #tpu.memory_space<vmem>>) target_semaphore(%run_scoped3A : memref<!tpu.dma_semaphore, #tpu.memory_space<semaphore_mem>>)
      %dma_wait3A_578 = arith.constant 120 : i32
      %dma_wait3A_579 = arith.constant 0 : i32
      %dma_wait3A_580 = tpu.memref_slice %arg3[%arg0, %arg1, %dma_wait3A_578, %dma_wait3A_579] : memref<2x16x160x64xi32, #tpu.memory_space<hbm>> -> memref<1x1x40x64xi32, #tpu.memory_space<hbm>>
      %dma_wait3A_581 = tpu.memref_squeeze %dma_wait3A_580 : memref<1x1x40x64xi32, #tpu.memory_space<hbm>> -> memref<40x64xi32, #tpu.memory_space<hbm>>
      %dma_wait3A_582 = arith.constant 120 : i32
      %dma_wait3A_583 = arith.constant 0 : i32
      %dma_wait3A_584 = tpu.memref_slice %arg3[%arg0, %arg1, %dma_wait3A_582, %dma_wait3A_583] : memref<2x16x160x64xi32, #tpu.memory_space<hbm>> -> memref<1x1x40x64xi32, #tpu.memory_space<hbm>>
      %dma_wait3A_585 = tpu.memref_squeeze %dma_wait3A_584 : memref<1x1x40x64xi32, #tpu.memory_space<hbm>> -> memref<40x64xi32, #tpu.memory_space<hbm>>
      tpu.wait_dma2 semaphore(%run_scoped3A : memref<!tpu.dma_semaphore, #tpu.memory_space<semaphore_mem>>) src(%dma_wait3A_585 : memref<40x64xi32, #tpu.memory_space<hbm>>) dst(%arg6 : memref<40x64xi32, #tpu.memory_space<vmem>>)
      tpu.yield
    }) : () -> ()
    "tpu.region"() ({
      %run_scoped3A = tpu.sem_alloc : memref<!tpu.dma_semaphore, #tpu.memory_space<semaphore_mem>>
      %dma_start3A_570 = arith.constant 120 : i32
      %dma_start3A_571 = arith.constant 0 : i32
      %dma_start3A_572 = tpu.memref_slice %arg4[%arg1, %dma_start3A_570, %dma_start3A_571] : memref<16x160x64xi32, #tpu.memory_space<hbm>> -> memref<1x40x64xi32, #tpu.memory_space<hbm>>
      %dma_start3A_573 = tpu.memref_squeeze %dma_start3A_572 : memref<1x40x64xi32, #tpu.memory_space<hbm>> -> memref<40x64xi32, #tpu.memory_space<hbm>>
      %dma_start3A_574 = arith.constant 120 : i32
      %dma_start3A_575 = arith.constant 0 : i32
      %dma_start3A_576 = tpu.memref_slice %arg4[%arg1, %dma_start3A_574, %dma_start3A_575] : memref<16x160x64xi32, #tpu.memory_space<hbm>> -> memref<1x40x64xi32, #tpu.memory_space<hbm>>
      %dma_start3A_577 = tpu.memref_squeeze %dma_start3A_576 : memref<1x40x64xi32, #tpu.memory_space<hbm>> -> memref<40x64xi32, #tpu.memory_space<hbm>>
      tpu.enqueue_dma source(%dma_start3A_577 : memref<40x64xi32, #tpu.memory_space<hbm>>) target(%arg7 : memref<40x64xi32, #tpu.memory_space<vmem>>) target_semaphore(%run_scoped3A : memref<!tpu.dma_semaphore, #tpu.memory_space<semaphore_mem>>)
      %dma_wait3A_578 = arith.constant 120 : i32
      %dma_wait3A_579 = arith.constant 0 : i32
      %dma_wait3A_580 = tpu.memref_slice %arg4[%arg1, %dma_wait3A_578, %dma_wait3A_579] : memref<16x160x64xi32, #tpu.memory_space<hbm>> -> memref<1x40x64xi32, #tpu.memory_space<hbm>>
      %dma_wait3A_581 = tpu.memref_squeeze %dma_wait3A_580 : memref<1x40x64xi32, #tpu.memory_space<hbm>> -> memref<40x64xi32, #tpu.memory_space<hbm>>
      %dma_wait3A_582 = arith.constant 120 : i32
      %dma_wait3A_583 = arith.constant 0 : i32
      %dma_wait3A_584 = tpu.memref_slice %arg4[%arg1, %dma_wait3A_582, %dma_wait3A_583] : memref<16x160x64xi32, #tpu.memory_space<hbm>> -> memref<1x40x64xi32, #tpu.memory_space<hbm>>
      %dma_wait3A_585 = tpu.memref_squeeze %dma_wait3A_584 : memref<1x40x64xi32, #tpu.memory_space<hbm>> -> memref<40x64xi32, #tpu.memory_space<hbm>>
      tpu.wait_dma2 semaphore(%run_scoped3A : memref<!tpu.dma_semaphore, #tpu.memory_space<semaphore_mem>>) src(%dma_wait3A_585 : memref<40x64xi32, #tpu.memory_space<hbm>>) dst(%arg7 : memref<40x64xi32, #tpu.memory_space<vmem>>)
      tpu.yield
    }) : () -> ()
    %dma_start3A_434 = arith.constant 0 : i32
    %dma_start3A_435 = arith.constant 0 : i32
    %dma_start3A_436 = tpu.memref_slice %arg6[%dma_start3A_434, %dma_start3A_435] : memref<40x64xi32, #tpu.memory_space<vmem>> -> memref<1x64xi32, #tpu.memory_space<vmem>>
    %dma_start3A_437 = tpu.memref_squeeze %dma_start3A_436 : memref<1x64xi32, #tpu.memory_space<vmem>> -> memref<64xi32, #tpu.memory_space<vmem>>
    %dma_start3A_438 = arith.constant 0 : i32
    %dma_start3A_439 = arith.constant 0 : i32
    %dma_start3A_440 = tpu.memref_slice %arg2[%dma_start3A_438, %dma_start3A_439] : memref<20480x128xf32, #tpu.memory_space<hbm>> -> memref<20480x128xf32, #tpu.memory_space<hbm>>
    tpu.enqueue_indirect_dma source(%dma_start3A_440 : memref<20480x128xf32, #tpu.memory_space<hbm>>) target(%arg8 : memref<64x128xf32, #tpu.memory_space<vmem>>) offsets(%dma_start3A_437 : memref<64xi32, #tpu.memory_space<vmem>>) semaphore(%arg13 : memref<!tpu.dma_semaphore, #tpu.memory_space<semaphore_mem>>)
    %dma_start3A_441 = arith.constant 1 : i32
    %dma_start3A_442 = arith.constant 0 : i32
    %dma_start3A_443 = tpu.memref_slice %arg6[%dma_start3A_441, %dma_start3A_442] : memref<40x64xi32, #tpu.memory_space<vmem>> -> memref<1x64xi32, #tpu.memory_space<vmem>>
    %dma_start3A_444 = tpu.memref_squeeze %dma_start3A_443 : memref<1x64xi32, #tpu.memory_space<vmem>> -> memref<64xi32, #tpu.memory_space<vmem>>
    %dma_start3A_445 = arith.constant 0 : i32
    %dma_start3A_446 = arith.constant 0 : i32
    %dma_start3A_447 = tpu.memref_slice %arg2[%dma_start3A_445, %dma_start3A_446] : memref<20480x128xf32, #tpu.memory_space<hbm>> -> memref<20480x128xf32, #tpu.memory_space<hbm>>
    tpu.enqueue_indirect_dma source(%dma_start3A_447 : memref<20480x128xf32, #tpu.memory_space<hbm>>) target(%arg9 : memref<64x128xf32, #tpu.memory_space<vmem>>) offsets(%dma_start3A_444 : memref<64xi32, #tpu.memory_space<vmem>>) semaphore(%arg14 : memref<!tpu.dma_semaphore, #tpu.memory_space<semaphore_mem>>)
    %dma_wait3A_448 = arith.constant 0 : i32
    %dma_wait3A_449 = arith.constant 0 : i32
    %dma_wait3A_450 = tpu.memref_slice %arg6[%dma_wait3A_448, %dma_wait3A_449] : memref<40x64xi32, #tpu.memory_space<vmem>> -> memref<1x64xi32, #tpu.memory_space<vmem>>
    %dma_wait3A_451 = tpu.memref_squeeze %dma_wait3A_450 : memref<1x64xi32, #tpu.memory_space<vmem>> -> memref<64xi32, #tpu.memory_space<vmem>>
    %dma_wait3A_452 = arith.constant 0 : i32
    %dma_wait3A_453 = arith.constant 0 : i32
    %dma_wait3A_454 = tpu.memref_slice %arg2[%dma_wait3A_452, %dma_wait3A_453] : memref<20480x128xf32, #tpu.memory_space<hbm>> -> memref<20480x128xf32, #tpu.memory_space<hbm>>
    tpu.wait_indirect_dma semaphore(%arg13 : memref<!tpu.dma_semaphore, #tpu.memory_space<semaphore_mem>>) src(%dma_wait3A_454 : memref<20480x128xf32, #tpu.memory_space<hbm>>) dst(%arg8 : memref<64x128xf32, #tpu.memory_space<vmem>>)
    %dma_start3A_455 = arith.constant 0 : i32
    %dma_start3A_456 = arith.constant 0 : i32
    %dma_start3A_457 = tpu.memref_slice %arg7[%dma_start3A_455, %dma_start3A_456] : memref<40x64xi32, #tpu.memory_space<vmem>> -> memref<1x64xi32, #tpu.memory_space<vmem>>
    %dma_start3A_458 = tpu.memref_squeeze %dma_start3A_457 : memref<1x64xi32, #tpu.memory_space<vmem>> -> memref<64xi32, #tpu.memory_space<vmem>>
    %dma_start3A_459 = arith.constant 0 : i32
    %dma_start3A_460 = arith.constant 0 : i32
    %dma_start3A_461 = tpu.memref_slice %arg12[%dma_start3A_459, %dma_start3A_460] : memref<10240x128xf32, #tpu.memory_space<vmem_shared>> -> memref<10240x128xf32, #tpu.memory_space<vmem_shared>>
    tpu.enqueue_indirect_dma source(%arg8 : memref<64x128xf32, #tpu.memory_space<vmem>>) target(%dma_start3A_461 : memref<10240x128xf32, #tpu.memory_space<vmem_shared>>) offsets(%dma_start3A_458 : memref<64xi32, #tpu.memory_space<vmem>>) semaphore(%arg17 : memref<!tpu.dma_semaphore, #tpu.memory_space<semaphore_mem>>) {add = true}
    %dma_start3A_462 = arith.constant 2 : i32
    %dma_start3A_463 = arith.constant 0 : i32
    %dma_start3A_464 = tpu.memref_slice %arg6[%dma_start3A_462, %dma_start3A_463] : memref<40x64xi32, #tpu.memory_space<vmem>> -> memref<1x64xi32, #tpu.memory_space<vmem>>
    %dma_start3A_465 = tpu.memref_squeeze %dma_start3A_464 : memref<1x64xi32, #tpu.memory_space<vmem>> -> memref<64xi32, #tpu.memory_space<vmem>>
    %dma_start3A_466 = arith.constant 0 : i32
    %dma_start3A_467 = arith.constant 0 : i32
    %dma_start3A_468 = tpu.memref_slice %arg2[%dma_start3A_466, %dma_start3A_467] : memref<20480x128xf32, #tpu.memory_space<hbm>> -> memref<20480x128xf32, #tpu.memory_space<hbm>>
    tpu.enqueue_indirect_dma source(%dma_start3A_468 : memref<20480x128xf32, #tpu.memory_space<hbm>>) target(%arg10 : memref<64x128xf32, #tpu.memory_space<vmem>>) offsets(%dma_start3A_465 : memref<64xi32, #tpu.memory_space<vmem>>) semaphore(%arg15 : memref<!tpu.dma_semaphore, #tpu.memory_space<semaphore_mem>>)
    %dma_wait3A_469 = arith.constant 1 : i32
    %dma_wait3A_470 = arith.constant 0 : i32
    %dma_wait3A_471 = tpu.memref_slice %arg6[%dma_wait3A_469, %dma_wait3A_470] : memref<40x64xi32, #tpu.memory_space<vmem>> -> memref<1x64xi32, #tpu.memory_space<vmem>>
    %dma_wait3A_472 = tpu.memref_squeeze %dma_wait3A_471 : memref<1x64xi32, #tpu.memory_space<vmem>> -> memref<64xi32, #tpu.memory_space<vmem>>
    %dma_wait3A_473 = arith.constant 0 : i32
    %dma_wait3A_474 = arith.constant 0 : i32
    %dma_wait3A_475 = tpu.memref_slice %arg2[%dma_wait3A_473, %dma_wait3A_474] : memref<20480x128xf32, #tpu.memory_space<hbm>> -> memref<20480x128xf32, #tpu.memory_space<hbm>>
    tpu.wait_indirect_dma semaphore(%arg14 : memref<!tpu.dma_semaphore, #tpu.memory_space<semaphore_mem>>) src(%dma_wait3A_475 : memref<20480x128xf32, #tpu.memory_space<hbm>>) dst(%arg9 : memref<64x128xf32, #tpu.memory_space<vmem>>)
    %dma_start3A_476 = arith.constant 1 : i32
    %dma_start3A_477 = arith.constant 0 : i32
    %dma_start3A_478 = tpu.memref_slice %arg7[%dma_start3A_476, %dma_start3A_477] : memref<40x64xi32, #tpu.memory_space<vmem>> -> memref<1x64xi32, #tpu.memory_space<vmem>>
    %dma_start3A_479 = tpu.memref_squeeze %dma_start3A_478 : memref<1x64xi32, #tpu.memory_space<vmem>> -> memref<64xi32, #tpu.memory_space<vmem>>
    %dma_start3A_480 = arith.constant 0 : i32
    %dma_start3A_481 = arith.constant 0 : i32
    %dma_start3A_482 = tpu.memref_slice %arg12[%dma_start3A_480, %dma_start3A_481] : memref<10240x128xf32, #tpu.memory_space<vmem_shared>> -> memref<10240x128xf32, #tpu.memory_space<vmem_shared>>
    tpu.enqueue_indirect_dma source(%arg9 : memref<64x128xf32, #tpu.memory_space<vmem>>) target(%dma_start3A_482 : memref<10240x128xf32, #tpu.memory_space<vmem_shared>>) offsets(%dma_start3A_479 : memref<64xi32, #tpu.memory_space<vmem>>) semaphore(%arg18 : memref<!tpu.dma_semaphore, #tpu.memory_space<semaphore_mem>>) {add = true}
    %dma_start3A_483 = arith.constant 3 : i32
    %dma_start3A_484 = arith.constant 0 : i32
    %dma_start3A_485 = tpu.memref_slice %arg6[%dma_start3A_483, %dma_start3A_484] : memref<40x64xi32, #tpu.memory_space<vmem>> -> memref<1x64xi32, #tpu.memory_space<vmem>>
    %dma_start3A_486 = tpu.memref_squeeze %dma_start3A_485 : memref<1x64xi32, #tpu.memory_space<vmem>> -> memref<64xi32, #tpu.memory_space<vmem>>
    %dma_start3A_487 = arith.constant 0 : i32
    %dma_start3A_488 = arith.constant 0 : i32
    %dma_start3A_489 = tpu.memref_slice %arg2[%dma_start3A_487, %dma_start3A_488] : memref<20480x128xf32, #tpu.memory_space<hbm>> -> memref<20480x128xf32, #tpu.memory_space<hbm>>
    tpu.enqueue_indirect_dma source(%dma_start3A_489 : memref<20480x128xf32, #tpu.memory_space<hbm>>) target(%arg11 : memref<64x128xf32, #tpu.memory_space<vmem>>) offsets(%dma_start3A_486 : memref<64xi32, #tpu.memory_space<vmem>>) semaphore(%arg16 : memref<!tpu.dma_semaphore, #tpu.memory_space<semaphore_mem>>)
    %dma_wait3A_490 = arith.constant 2 : i32
    %dma_wait3A_491 = arith.constant 0 : i32
    %dma_wait3A_492 = tpu.memref_slice %arg6[%dma_wait3A_490, %dma_wait3A_491] : memref<40x64xi32, #tpu.memory_space<vmem>> -> memref<1x64xi32, #tpu.memory_space<vmem>>
    %dma_wait3A_493 = tpu.memref_squeeze %dma_wait3A_492 : memref<1x64xi32, #tpu.memory_space<vmem>> -> memref<64xi32, #tpu.memory_space<vmem>>
    %dma_wait3A_494 = arith.constant 0 : i32
    %dma_wait3A_495 = arith.constant 0 : i32
    %dma_wait3A_496 = tpu.memref_slice %arg2[%dma_wait3A_494, %dma_wait3A_495] : memref<20480x128xf32, #tpu.memory_space<hbm>> -> memref<20480x128xf32, #tpu.memory_space<hbm>>
    tpu.wait_indirect_dma semaphore(%arg15 : memref<!tpu.dma_semaphore, #tpu.memory_space<semaphore_mem>>) src(%dma_wait3A_496 : memref<20480x128xf32, #tpu.memory_space<hbm>>) dst(%arg10 : memref<64x128xf32, #tpu.memory_space<vmem>>)
    %dma_start3A_497 = arith.constant 2 : i32
    %dma_start3A_498 = arith.constant 0 : i32
    %dma_start3A_499 = tpu.memref_slice %arg7[%dma_start3A_497, %dma_start3A_498] : memref<40x64xi32, #tpu.memory_space<vmem>> -> memref<1x64xi32, #tpu.memory_space<vmem>>
    %dma_start3A_500 = tpu.memref_squeeze %dma_start3A_499 : memref<1x64xi32, #tpu.memory_space<vmem>> -> memref<64xi32, #tpu.memory_space<vmem>>
    %dma_start3A_501 = arith.constant 0 : i32
    %dma_start3A_502 = arith.constant 0 : i32
    %dma_start3A_503 = tpu.memref_slice %arg12[%dma_start3A_501, %dma_start3A_502] : memref<10240x128xf32, #tpu.memory_space<vmem_shared>> -> memref<10240x128xf32, #tpu.memory_space<vmem_shared>>
    tpu.enqueue_indirect_dma source(%arg10 : memref<64x128xf32, #tpu.memory_space<vmem>>) target(%dma_start3A_503 : memref<10240x128xf32, #tpu.memory_space<vmem_shared>>) offsets(%dma_start3A_500 : memref<64xi32, #tpu.memory_space<vmem>>) semaphore(%arg19 : memref<!tpu.dma_semaphore, #tpu.memory_space<semaphore_mem>>) {add = true}
    %dma_wait3A_504 = arith.constant 0 : i32
    %dma_wait3A_505 = arith.constant 0 : i32
    %dma_wait3A_506 = tpu.memref_slice %arg7[%dma_wait3A_504, %dma_wait3A_505] : memref<40x64xi32, #tpu.memory_space<vmem>> -> memref<1x64xi32, #tpu.memory_space<vmem>>
    %dma_wait3A_507 = tpu.memref_squeeze %dma_wait3A_506 : memref<1x64xi32, #tpu.memory_space<vmem>> -> memref<64xi32, #tpu.memory_space<vmem>>
    %dma_wait3A_508 = arith.constant 0 : i32
    %dma_wait3A_509 = arith.constant 0 : i32
    %dma_wait3A_510 = tpu.memref_slice %arg12[%dma_wait3A_508, %dma_wait3A_509] : memref<10240x128xf32, #tpu.memory_space<vmem_shared>> -> memref<10240x128xf32, #tpu.memory_space<vmem_shared>>
    tpu.wait_indirect_dma semaphore(%arg17 : memref<!tpu.dma_semaphore, #tpu.memory_space<semaphore_mem>>) src(%arg8 : memref<64x128xf32, #tpu.memory_space<vmem>>) dst(%dma_wait3A_510 : memref<10240x128xf32, #tpu.memory_space<vmem_shared>>)
    %dma_start3A_511 = arith.constant 4 : i32
    %dma_start3A_512 = arith.constant 0 : i32
    %dma_start3A_513 = tpu.memref_slice %arg6[%dma_start3A_511, %dma_start3A_512] : memref<40x64xi32, #tpu.memory_space<vmem>> -> memref<1x64xi32, #tpu.memory_space<vmem>>
    %dma_start3A_514 = tpu.memref_squeeze %dma_start3A_513 : memref<1x64xi32, #tpu.memory_space<vmem>> -> memref<64xi32, #tpu.memory_space<vmem>>
    %dma_start3A_515 = arith.constant 0 : i32
    %dma_start3A_516 = arith.constant 0 : i32
    %dma_start3A_517 = tpu.memref_slice %arg2[%dma_start3A_515, %dma_start3A_516] : memref<20480x128xf32, #tpu.memory_space<hbm>> -> memref<20480x128xf32, #tpu.memory_space<hbm>>
    tpu.enqueue_indirect_dma source(%dma_start3A_517 : memref<20480x128xf32, #tpu.memory_space<hbm>>) target(%arg8 : memref<64x128xf32, #tpu.memory_space<vmem>>) offsets(%dma_start3A_514 : memref<64xi32, #tpu.memory_space<vmem>>) semaphore(%arg13 : memref<!tpu.dma_semaphore, #tpu.memory_space<semaphore_mem>>)
    %dma_wait3A_518 = arith.constant 3 : i32
    %dma_wait3A_519 = arith.constant 0 : i32
    %dma_wait3A_520 = tpu.memref_slice %arg6[%dma_wait3A_518, %dma_wait3A_519] : memref<40x64xi32, #tpu.memory_space<vmem>> -> memref<1x64xi32, #tpu.memory_space<vmem>>
    %dma_wait3A_521 = tpu.memref_squeeze %dma_wait3A_520 : memref<1x64xi32, #tpu.memory_space<vmem>> -> memref<64xi32, #tpu.memory_space<vmem>>
    %dma_wait3A_522 = arith.constant 0 : i32
    %dma_wait3A_523 = arith.constant 0 : i32
    %dma_wait3A_524 = tpu.memref_slice %arg2[%dma_wait3A_522, %dma_wait3A_523] : memref<20480x128xf32, #tpu.memory_space<hbm>> -> memref<20480x128xf32, #tpu.memory_space<hbm>>
    tpu.wait_indirect_dma semaphore(%arg16 : memref<!tpu.dma_semaphore, #tpu.memory_space<semaphore_mem>>) src(%dma_wait3A_524 : memref<20480x128xf32, #tpu.memory_space<hbm>>) dst(%arg11 : memref<64x128xf32, #tpu.memory_space<vmem>>)
    %dma_start3A_525 = arith.constant 3 : i32
    %dma_start3A_526 = arith.constant 0 : i32
    %dma_start3A_527 = tpu.memref_slice %arg7[%dma_start3A_525, %dma_start3A_526] : memref<40x64xi32, #tpu.memory_space<vmem>> -> memref<1x64xi32, #tpu.memory_space<vmem>>
    %dma_start3A_528 = tpu.memref_squeeze %dma_start3A_527 : memref<1x64xi32, #tpu.memory_space<vmem>> -> memref<64xi32, #tpu.memory_space<vmem>>
    %dma_start3A_529 = arith.constant 0 : i32
    %dma_start3A_530 = arith.constant 0 : i32
    %dma_start3A_531 = tpu.memref_slice %arg12[%dma_start3A_529, %dma_start3A_530] : memref<10240x128xf32, #tpu.memory_space<vmem_shared>> -> memref<10240x128xf32, #tpu.memory_space<vmem_shared>>
    tpu.enqueue_indirect_dma source(%arg11 : memref<64x128xf32, #tpu.memory_space<vmem>>) target(%dma_start3A_531 : memref<10240x128xf32, #tpu.memory_space<vmem_shared>>) offsets(%dma_start3A_528 : memref<64xi32, #tpu.memory_space<vmem>>) semaphore(%arg20 : memref<!tpu.dma_semaphore, #tpu.memory_space<semaphore_mem>>) {add = true}
    %dma_wait3A_532 = arith.constant 1 : i32
    %dma_wait3A_533 = arith.constant 0 : i32
    %dma_wait3A_534 = tpu.memref_slice %arg7[%dma_wait3A_532, %dma_wait3A_533] : memref<40x64xi32, #tpu.memory_space<vmem>> -> memref<1x64xi32, #tpu.memory_space<vmem>>
    %dma_wait3A_535 = tpu.memref_squeeze %dma_wait3A_534 : memref<1x64xi32, #tpu.memory_space<vmem>> -> memref<64xi32, #tpu.memory_space<vmem>>
    %dma_wait3A_536 = arith.constant 0 : i32
    %dma_wait3A_537 = arith.constant 0 : i32
    %dma_wait3A_538 = tpu.memref_slice %arg12[%dma_wait3A_536, %dma_wait3A_537] : memref<10240x128xf32, #tpu.memory_space<vmem_shared>> -> memref<10240x128xf32, #tpu.memory_space<vmem_shared>>
    tpu.wait_indirect_dma semaphore(%arg18 : memref<!tpu.dma_semaphore, #tpu.memory_space<semaphore_mem>>) src(%arg9 : memref<64x128xf32, #tpu.memory_space<vmem>>) dst(%dma_wait3A_538 : memref<10240x128xf32, #tpu.memory_space<vmem_shared>>)
    %dma_start3A_539 = arith.constant 5 : i32
    %dma_start3A_540 = arith.constant 0 : i32
    %dma_start3A_541 = tpu.memref_slice %arg6[%dma_start3A_539, %dma_start3A_540] : memref<40x64xi32, #tpu.memory_space<vmem>> -> memref<1x64xi32, #tpu.memory_space<vmem>>
    %dma_start3A_542 = tpu.memref_squeeze %dma_start3A_541 : memref<1x64xi32, #tpu.memory_space<vmem>> -> memref<64xi32, #tpu.memory_space<vmem>>
    %dma_start3A_543 = arith.constant 0 : i32
    %dma_start3A_544 = arith.constant 0 : i32
    %dma_start3A_545 = tpu.memref_slice %arg2[%dma_start3A_543, %dma_start3A_544] : memref<20480x128xf32, #tpu.memory_space<hbm>> -> memref<20480x128xf32, #tpu.memory_space<hbm>>
    tpu.enqueue_indirect_dma source(%dma_start3A_545 : memref<20480x128xf32, #tpu.memory_space<hbm>>) target(%arg9 : memref<64x128xf32, #tpu.memory_space<vmem>>) offsets(%dma_start3A_542 : memref<64xi32, #tpu.memory_space<vmem>>) semaphore(%arg14 : memref<!tpu.dma_semaphore, #tpu.memory_space<semaphore_mem>>)
    %scan3A_546 = arith.constant 0 : i32
    %scan3A_547 = arith.constant 9 : i32
    %scan3A_548 = arith.addi %scan3A_546, %scan3A_547 : i32
    %scan3A_549 = arith.constant 1 : i32
    scf.for %scan3A_570 = %scan3A_546 to %scan3A_548 step %scan3A_549  : i32 {
      %mul3A_571 = arith.constant 1 : i32
      %mul3A_572 = arith.muli %scan3A_570, %mul3A_571 : i32
      %add3A_573 = arith.constant 1 : i32
      %add3A_574 = arith.addi %add3A_573, %mul3A_572 : i32
      %mul3A_575 = arith.constant 4 : i32
      %mul3A_576 = arith.muli %add3A_574, %mul3A_575 : i32
      %add3A_577 = arith.constant 0 : i32
      %add3A_578 = arith.addi %mul3A_576, %add3A_577 : i32
      %dma_wait3A_579 = arith.constant 0 : i32
      %dma_wait3A_580 = tpu.memref_slice %arg6[%add3A_578, %dma_wait3A_579] : memref<40x64xi32, #tpu.memory_space<vmem>> -> memref<1x64xi32, #tpu.memory_space<vmem>>
      %dma_wait3A_581 = tpu.memref_squeeze %dma_wait3A_580 : memref<1x64xi32, #tpu.memory_space<vmem>> -> memref<64xi32, #tpu.memory_space<vmem>>
      %dma_wait3A_582 = arith.constant 0 : i32
      %dma_wait3A_583 = arith.constant 0 : i32
      %dma_wait3A_584 = tpu.memref_slice %arg2[%dma_wait3A_582, %dma_wait3A_583] : memref<20480x128xf32, #tpu.memory_space<hbm>> -> memref<20480x128xf32, #tpu.memory_space<hbm>>
      tpu.wait_indirect_dma semaphore(%arg13 : memref<!tpu.dma_semaphore, #tpu.memory_space<semaphore_mem>>) src(%dma_wait3A_584 : memref<20480x128xf32, #tpu.memory_space<hbm>>) dst(%arg8 : memref<64x128xf32, #tpu.memory_space<vmem>>)
      %dma_start3A_585 = arith.constant 0 : i32
      %dma_start3A_586 = tpu.memref_slice %arg7[%add3A_578, %dma_start3A_585] : memref<40x64xi32, #tpu.memory_space<vmem>> -> memref<1x64xi32, #tpu.memory_space<vmem>>
      %dma_start3A_587 = tpu.memref_squeeze %dma_start3A_586 : memref<1x64xi32, #tpu.memory_space<vmem>> -> memref<64xi32, #tpu.memory_space<vmem>>
      %dma_start3A_588 = arith.constant 0 : i32
      %dma_start3A_589 = arith.constant 0 : i32
      %dma_start3A_590 = tpu.memref_slice %arg12[%dma_start3A_588, %dma_start3A_589] : memref<10240x128xf32, #tpu.memory_space<vmem_shared>> -> memref<10240x128xf32, #tpu.memory_space<vmem_shared>>
      tpu.enqueue_indirect_dma source(%arg8 : memref<64x128xf32, #tpu.memory_space<vmem>>) target(%dma_start3A_590 : memref<10240x128xf32, #tpu.memory_space<vmem_shared>>) offsets(%dma_start3A_587 : memref<64xi32, #tpu.memory_space<vmem>>) semaphore(%arg17 : memref<!tpu.dma_semaphore, #tpu.memory_space<semaphore_mem>>) {add = true}
      %sub3A = arith.constant 2 : i32
      %sub3A_591 = arith.subi %add3A_578, %sub3A : i32
      %dma_wait3A_592 = arith.constant 0 : i32
      %dma_wait3A_593 = tpu.memref_slice %arg7[%sub3A_591, %dma_wait3A_592] : memref<40x64xi32, #tpu.memory_space<vmem>> -> memref<1x64xi32, #tpu.memory_space<vmem>>
      %dma_wait3A_594 = tpu.memref_squeeze %dma_wait3A_593 : memref<1x64xi32, #tpu.memory_space<vmem>> -> memref<64xi32, #tpu.memory_space<vmem>>
      %dma_wait3A_595 = arith.constant 0 : i32
      %dma_wait3A_596 = arith.constant 0 : i32
      %dma_wait3A_597 = tpu.memref_slice %arg12[%dma_wait3A_595, %dma_wait3A_596] : memref<10240x128xf32, #tpu.memory_space<vmem_shared>> -> memref<10240x128xf32, #tpu.memory_space<vmem_shared>>
      tpu.wait_indirect_dma semaphore(%arg19 : memref<!tpu.dma_semaphore, #tpu.memory_space<semaphore_mem>>) src(%arg10 : memref<64x128xf32, #tpu.memory_space<vmem>>) dst(%dma_wait3A_597 : memref<10240x128xf32, #tpu.memory_space<vmem_shared>>)
      %add3A_598 = arith.constant 2 : i32
      %add3A_599 = arith.addi %add3A_578, %add3A_598 : i32
      %lt3A = arith.constant 40 : i32
      %lt3A_600 = arith.cmpi slt, %add3A_599, %lt3A : i32
      %convert_element_type3A = arith.extui %lt3A_600 : i1 to i32
      %cond3A = arith.constant 0 : i32
      %cond3A_601 = arith.cmpi ne, %convert_element_type3A, %cond3A : i32
      scf.if %cond3A_601 {
        %add3A_695 = arith.constant 2 : i32
        %add3A_696 = arith.addi %add3A_578, %add3A_695 : i32
        %dma_start3A_697 = arith.constant 0 : i32
        %dma_start3A_698 = tpu.memref_slice %arg6[%add3A_696, %dma_start3A_697] : memref<40x64xi32, #tpu.memory_space<vmem>> -> memref<1x64xi32, #tpu.memory_space<vmem>>
        %dma_start3A_699 = tpu.memref_squeeze %dma_start3A_698 : memref<1x64xi32, #tpu.memory_space<vmem>> -> memref<64xi32, #tpu.memory_space<vmem>>
        %dma_start3A_700 = arith.constant 0 : i32
        %dma_start3A_701 = arith.constant 0 : i32
        %dma_start3A_702 = tpu.memref_slice %arg2[%dma_start3A_700, %dma_start3A_701] : memref<20480x128xf32, #tpu.memory_space<hbm>> -> memref<20480x128xf32, #tpu.memory_space<hbm>>
        tpu.enqueue_indirect_dma source(%dma_start3A_702 : memref<20480x128xf32, #tpu.memory_space<hbm>>) target(%arg10 : memref<64x128xf32, #tpu.memory_space<vmem>>) offsets(%dma_start3A_699 : memref<64xi32, #tpu.memory_space<vmem>>) semaphore(%arg15 : memref<!tpu.dma_semaphore, #tpu.memory_space<semaphore_mem>>)
      } else {
      }
      %mul3A_602 = arith.constant 4 : i32
      %mul3A_603 = arith.muli %add3A_574, %mul3A_602 : i32
      %add3A_604 = arith.constant 1 : i32
      %add3A_605 = arith.addi %mul3A_603, %add3A_604 : i32
      %dma_wait3A_606 = arith.constant 0 : i32
      %dma_wait3A_607 = tpu.memref_slice %arg6[%add3A_605, %dma_wait3A_606] : memref<40x64xi32, #tpu.memory_space<vmem>> -> memref<1x64xi32, #tpu.memory_space<vmem>>
      %dma_wait3A_608 = tpu.memref_squeeze %dma_wait3A_607 : memref<1x64xi32, #tpu.memory_space<vmem>> -> memref<64xi32, #tpu.memory_space<vmem>>
      %dma_wait3A_609 = arith.constant 0 : i32
      %dma_wait3A_610 = arith.constant 0 : i32
      %dma_wait3A_611 = tpu.memref_slice %arg2[%dma_wait3A_609, %dma_wait3A_610] : memref<20480x128xf32, #tpu.memory_space<hbm>> -> memref<20480x128xf32, #tpu.memory_space<hbm>>
      tpu.wait_indirect_dma semaphore(%arg14 : memref<!tpu.dma_semaphore, #tpu.memory_space<semaphore_mem>>) src(%dma_wait3A_611 : memref<20480x128xf32, #tpu.memory_space<hbm>>) dst(%arg9 : memref<64x128xf32, #tpu.memory_space<vmem>>)
      %dma_start3A_612 = arith.constant 0 : i32
      %dma_start3A_613 = tpu.memref_slice %arg7[%add3A_605, %dma_start3A_612] : memref<40x64xi32, #tpu.memory_space<vmem>> -> memref<1x64xi32, #tpu.memory_space<vmem>>
      %dma_start3A_614 = tpu.memref_squeeze %dma_start3A_613 : memref<1x64xi32, #tpu.memory_space<vmem>> -> memref<64xi32, #tpu.memory_space<vmem>>
      %dma_start3A_615 = arith.constant 0 : i32
      %dma_start3A_616 = arith.constant 0 : i32
      %dma_start3A_617 = tpu.memref_slice %arg12[%dma_start3A_615, %dma_start3A_616] : memref<10240x128xf32, #tpu.memory_space<vmem_shared>> -> memref<10240x128xf32, #tpu.memory_space<vmem_shared>>
      tpu.enqueue_indirect_dma source(%arg9 : memref<64x128xf32, #tpu.memory_space<vmem>>) target(%dma_start3A_617 : memref<10240x128xf32, #tpu.memory_space<vmem_shared>>) offsets(%dma_start3A_614 : memref<64xi32, #tpu.memory_space<vmem>>) semaphore(%arg18 : memref<!tpu.dma_semaphore, #tpu.memory_space<semaphore_mem>>) {add = true}
      %sub3A_618 = arith.constant 2 : i32
      %sub3A_619 = arith.subi %add3A_605, %sub3A_618 : i32
      %dma_wait3A_620 = arith.constant 0 : i32
      %dma_wait3A_621 = tpu.memref_slice %arg7[%sub3A_619, %dma_wait3A_620] : memref<40x64xi32, #tpu.memory_space<vmem>> -> memref<1x64xi32, #tpu.memory_space<vmem>>
      %dma_wait3A_622 = tpu.memref_squeeze %dma_wait3A_621 : memref<1x64xi32, #tpu.memory_space<vmem>> -> memref<64xi32, #tpu.memory_space<vmem>>
      %dma_wait3A_623 = arith.constant 0 : i32
      %dma_wait3A_624 = arith.constant 0 : i32
      %dma_wait3A_625 = tpu.memref_slice %arg12[%dma_wait3A_623, %dma_wait3A_624] : memref<10240x128xf32, #tpu.memory_space<vmem_shared>> -> memref<10240x128xf32, #tpu.memory_space<vmem_shared>>
      tpu.wait_indirect_dma semaphore(%arg20 : memref<!tpu.dma_semaphore, #tpu.memory_space<semaphore_mem>>) src(%arg11 : memref<64x128xf32, #tpu.memory_space<vmem>>) dst(%dma_wait3A_625 : memref<10240x128xf32, #tpu.memory_space<vmem_shared>>)
      %add3A_626 = arith.constant 2 : i32
      %add3A_627 = arith.addi %add3A_605, %add3A_626 : i32
      %lt3A_628 = arith.constant 40 : i32
      %lt3A_629 = arith.cmpi slt, %add3A_627, %lt3A_628 : i32
      %convert_element_type3A_630 = arith.extui %lt3A_629 : i1 to i32
      %cond3A_631 = arith.constant 0 : i32
      %cond3A_632 = arith.cmpi ne, %convert_element_type3A_630, %cond3A_631 : i32
      scf.if %cond3A_632 {
        %add3A_695 = arith.constant 2 : i32
        %add3A_696 = arith.addi %add3A_605, %add3A_695 : i32
        %dma_start3A_697 = arith.constant 0 : i32
        %dma_start3A_698 = tpu.memref_slice %arg6[%add3A_696, %dma_start3A_697] : memref<40x64xi32, #tpu.memory_space<vmem>> -> memref<1x64xi32, #tpu.memory_space<vmem>>
        %dma_start3A_699 = tpu.memref_squeeze %dma_start3A_698 : memref<1x64xi32, #tpu.memory_space<vmem>> -> memref<64xi32, #tpu.memory_space<vmem>>
        %dma_start3A_700 = arith.constant 0 : i32
        %dma_start3A_701 = arith.constant 0 : i32
        %dma_start3A_702 = tpu.memref_slice %arg2[%dma_start3A_700, %dma_start3A_701] : memref<20480x128xf32, #tpu.memory_space<hbm>> -> memref<20480x128xf32, #tpu.memory_space<hbm>>
        tpu.enqueue_indirect_dma source(%dma_start3A_702 : memref<20480x128xf32, #tpu.memory_space<hbm>>) target(%arg11 : memref<64x128xf32, #tpu.memory_space<vmem>>) offsets(%dma_start3A_699 : memref<64xi32, #tpu.memory_space<vmem>>) semaphore(%arg16 : memref<!tpu.dma_semaphore, #tpu.memory_space<semaphore_mem>>)
      } else {
      }
      %mul3A_633 = arith.constant 4 : i32
      %mul3A_634 = arith.muli %add3A_574, %mul3A_633 : i32
      %add3A_635 = arith.constant 2 : i32
      %add3A_636 = arith.addi %mul3A_634, %add3A_635 : i32
      %dma_wait3A_637 = arith.constant 0 : i32
      %dma_wait3A_638 = tpu.memref_slice %arg6[%add3A_636, %dma_wait3A_637] : memref<40x64xi32, #tpu.memory_space<vmem>> -> memref<1x64xi32, #tpu.memory_space<vmem>>
      %dma_wait3A_639 = tpu.memref_squeeze %dma_wait3A_638 : memref<1x64xi32, #tpu.memory_space<vmem>> -> memref<64xi32, #tpu.memory_space<vmem>>
      %dma_wait3A_640 = arith.constant 0 : i32
      %dma_wait3A_641 = arith.constant 0 : i32
      %dma_wait3A_642 = tpu.memref_slice %arg2[%dma_wait3A_640, %dma_wait3A_641] : memref<20480x128xf32, #tpu.memory_space<hbm>> -> memref<20480x128xf32, #tpu.memory_space<hbm>>
      tpu.wait_indirect_dma semaphore(%arg15 : memref<!tpu.dma_semaphore, #tpu.memory_space<semaphore_mem>>) src(%dma_wait3A_642 : memref<20480x128xf32, #tpu.memory_space<hbm>>) dst(%arg10 : memref<64x128xf32, #tpu.memory_space<vmem>>)
      %dma_start3A_643 = arith.constant 0 : i32
      %dma_start3A_644 = tpu.memref_slice %arg7[%add3A_636, %dma_start3A_643] : memref<40x64xi32, #tpu.memory_space<vmem>> -> memref<1x64xi32, #tpu.memory_space<vmem>>
      %dma_start3A_645 = tpu.memref_squeeze %dma_start3A_644 : memref<1x64xi32, #tpu.memory_space<vmem>> -> memref<64xi32, #tpu.memory_space<vmem>>
      %dma_start3A_646 = arith.constant 0 : i32
      %dma_start3A_647 = arith.constant 0 : i32
      %dma_start3A_648 = tpu.memref_slice %arg12[%dma_start3A_646, %dma_start3A_647] : memref<10240x128xf32, #tpu.memory_space<vmem_shared>> -> memref<10240x128xf32, #tpu.memory_space<vmem_shared>>
      tpu.enqueue_indirect_dma source(%arg10 : memref<64x128xf32, #tpu.memory_space<vmem>>) target(%dma_start3A_648 : memref<10240x128xf32, #tpu.memory_space<vmem_shared>>) offsets(%dma_start3A_645 : memref<64xi32, #tpu.memory_space<vmem>>) semaphore(%arg19 : memref<!tpu.dma_semaphore, #tpu.memory_space<semaphore_mem>>) {add = true}
      %sub3A_649 = arith.constant 2 : i32
      %sub3A_650 = arith.subi %add3A_636, %sub3A_649 : i32
      %dma_wait3A_651 = arith.constant 0 : i32
      %dma_wait3A_652 = tpu.memref_slice %arg7[%sub3A_650, %dma_wait3A_651] : memref<40x64xi32, #tpu.memory_space<vmem>> -> memref<1x64xi32, #tpu.memory_space<vmem>>
      %dma_wait3A_653 = tpu.memref_squeeze %dma_wait3A_652 : memref<1x64xi32, #tpu.memory_space<vmem>> -> memref<64xi32, #tpu.memory_space<vmem>>
      %dma_wait3A_654 = arith.constant 0 : i32
      %dma_wait3A_655 = arith.constant 0 : i32
      %dma_wait3A_656 = tpu.memref_slice %arg12[%dma_wait3A_654, %dma_wait3A_655] : memref<10240x128xf32, #tpu.memory_space<vmem_shared>> -> memref<10240x128xf32, #tpu.memory_space<vmem_shared>>
      tpu.wait_indirect_dma semaphore(%arg17 : memref<!tpu.dma_semaphore, #tpu.memory_space<semaphore_mem>>) src(%arg8 : memref<64x128xf32, #tpu.memory_space<vmem>>) dst(%dma_wait3A_656 : memref<10240x128xf32, #tpu.memory_space<vmem_shared>>)
      %add3A_657 = arith.constant 2 : i32
      %add3A_658 = arith.addi %add3A_636, %add3A_657 : i32
      %lt3A_659 = arith.constant 40 : i32
      %lt3A_660 = arith.cmpi slt, %add3A_658, %lt3A_659 : i32
      %convert_element_type3A_661 = arith.extui %lt3A_660 : i1 to i32
      %cond3A_662 = arith.constant 0 : i32
      %cond3A_663 = arith.cmpi ne, %convert_element_type3A_661, %cond3A_662 : i32
      scf.if %cond3A_663 {
        %add3A_695 = arith.constant 2 : i32
        %add3A_696 = arith.addi %add3A_636, %add3A_695 : i32
        %dma_start3A_697 = arith.constant 0 : i32
        %dma_start3A_698 = tpu.memref_slice %arg6[%add3A_696, %dma_start3A_697] : memref<40x64xi32, #tpu.memory_space<vmem>> -> memref<1x64xi32, #tpu.memory_space<vmem>>
        %dma_start3A_699 = tpu.memref_squeeze %dma_start3A_698 : memref<1x64xi32, #tpu.memory_space<vmem>> -> memref<64xi32, #tpu.memory_space<vmem>>
        %dma_start3A_700 = arith.constant 0 : i32
        %dma_start3A_701 = arith.constant 0 : i32
        %dma_start3A_702 = tpu.memref_slice %arg2[%dma_start3A_700, %dma_start3A_701] : memref<20480x128xf32, #tpu.memory_space<hbm>> -> memref<20480x128xf32, #tpu.memory_space<hbm>>
        tpu.enqueue_indirect_dma source(%dma_start3A_702 : memref<20480x128xf32, #tpu.memory_space<hbm>>) target(%arg8 : memref<64x128xf32, #tpu.memory_space<vmem>>) offsets(%dma_start3A_699 : memref<64xi32, #tpu.memory_space<vmem>>) semaphore(%arg13 : memref<!tpu.dma_semaphore, #tpu.memory_space<semaphore_mem>>)
      } else {
      }
      %mul3A_664 = arith.constant 4 : i32
      %mul3A_665 = arith.muli %add3A_574, %mul3A_664 : i32
      %add3A_666 = arith.constant 3 : i32
      %add3A_667 = arith.addi %mul3A_665, %add3A_666 : i32
      %dma_wait3A_668 = arith.constant 0 : i32
      %dma_wait3A_669 = tpu.memref_slice %arg6[%add3A_667, %dma_wait3A_668] : memref<40x64xi32, #tpu.memory_space<vmem>> -> memref<1x64xi32, #tpu.memory_space<vmem>>
      %dma_wait3A_670 = tpu.memref_squeeze %dma_wait3A_669 : memref<1x64xi32, #tpu.memory_space<vmem>> -> memref<64xi32, #tpu.memory_space<vmem>>
      %dma_wait3A_671 = arith.constant 0 : i32
      %dma_wait3A_672 = arith.constant 0 : i32
      %dma_wait3A_673 = tpu.memref_slice %arg2[%dma_wait3A_671, %dma_wait3A_672] : memref<20480x128xf32, #tpu.memory_space<hbm>> -> memref<20480x128xf32, #tpu.memory_space<hbm>>
      tpu.wait_indirect_dma semaphore(%arg16 : memref<!tpu.dma_semaphore, #tpu.memory_space<semaphore_mem>>) src(%dma_wait3A_673 : memref<20480x128xf32, #tpu.memory_space<hbm>>) dst(%arg11 : memref<64x128xf32, #tpu.memory_space<vmem>>)
      %dma_start3A_674 = arith.constant 0 : i32
      %dma_start3A_675 = tpu.memref_slice %arg7[%add3A_667, %dma_start3A_674] : memref<40x64xi32, #tpu.memory_space<vmem>> -> memref<1x64xi32, #tpu.memory_space<vmem>>
      %dma_start3A_676 = tpu.memref_squeeze %dma_start3A_675 : memref<1x64xi32, #tpu.memory_space<vmem>> -> memref<64xi32, #tpu.memory_space<vmem>>
      %dma_start3A_677 = arith.constant 0 : i32
      %dma_start3A_678 = arith.constant 0 : i32
      %dma_start3A_679 = tpu.memref_slice %arg12[%dma_start3A_677, %dma_start3A_678] : memref<10240x128xf32, #tpu.memory_space<vmem_shared>> -> memref<10240x128xf32, #tpu.memory_space<vmem_shared>>
      tpu.enqueue_indirect_dma source(%arg11 : memref<64x128xf32, #tpu.memory_space<vmem>>) target(%dma_start3A_679 : memref<10240x128xf32, #tpu.memory_space<vmem_shared>>) offsets(%dma_start3A_676 : memref<64xi32, #tpu.memory_space<vmem>>) semaphore(%arg20 : memref<!tpu.dma_semaphore, #tpu.memory_space<semaphore_mem>>) {add = true}
      %sub3A_680 = arith.constant 2 : i32
      %sub3A_681 = arith.subi %add3A_667, %sub3A_680 : i32
      %dma_wait3A_682 = arith.constant 0 : i32
      %dma_wait3A_683 = tpu.memref_slice %arg7[%sub3A_681, %dma_wait3A_682] : memref<40x64xi32, #tpu.memory_space<vmem>> -> memref<1x64xi32, #tpu.memory_space<vmem>>
      %dma_wait3A_684 = tpu.memref_squeeze %dma_wait3A_683 : memref<1x64xi32, #tpu.memory_space<vmem>> -> memref<64xi32, #tpu.memory_space<vmem>>
      %dma_wait3A_685 = arith.constant 0 : i32
      %dma_wait3A_686 = arith.constant 0 : i32
      %dma_wait3A_687 = tpu.memref_slice %arg12[%dma_wait3A_685, %dma_wait3A_686] : memref<10240x128xf32, #tpu.memory_space<vmem_shared>> -> memref<10240x128xf32, #tpu.memory_space<vmem_shared>>
      tpu.wait_indirect_dma semaphore(%arg18 : memref<!tpu.dma_semaphore, #tpu.memory_space<semaphore_mem>>) src(%arg9 : memref<64x128xf32, #tpu.memory_space<vmem>>) dst(%dma_wait3A_687 : memref<10240x128xf32, #tpu.memory_space<vmem_shared>>)
      %add3A_688 = arith.constant 2 : i32
      %add3A_689 = arith.addi %add3A_667, %add3A_688 : i32
      %lt3A_690 = arith.constant 40 : i32
      %lt3A_691 = arith.cmpi slt, %add3A_689, %lt3A_690 : i32
      %convert_element_type3A_692 = arith.extui %lt3A_691 : i1 to i32
      %cond3A_693 = arith.constant 0 : i32
      %cond3A_694 = arith.cmpi ne, %convert_element_type3A_692, %cond3A_693 : i32
      scf.if %cond3A_694 {
        %add3A_695 = arith.constant 2 : i32
        %add3A_696 = arith.addi %add3A_667, %add3A_695 : i32
        %dma_start3A_697 = arith.constant 0 : i32
        %dma_start3A_698 = tpu.memref_slice %arg6[%add3A_696, %dma_start3A_697] : memref<40x64xi32, #tpu.memory_space<vmem>> -> memref<1x64xi32, #tpu.memory_space<vmem>>
        %dma_start3A_699 = tpu.memref_squeeze %dma_start3A_698 : memref<1x64xi32, #tpu.memory_space<vmem>> -> memref<64xi32, #tpu.memory_space<vmem>>
        %dma_start3A_700 = arith.constant 0 : i32
        %dma_start3A_701 = arith.constant 0 : i32
        %dma_start3A_702 = tpu.memref_slice %arg2[%dma_start3A_700, %dma_start3A_701] : memref<20480x128xf32, #tpu.memory_space<hbm>> -> memref<20480x128xf32, #tpu.memory_space<hbm>>
        tpu.enqueue_indirect_dma source(%dma_start3A_702 : memref<20480x128xf32, #tpu.memory_space<hbm>>) target(%arg9 : memref<64x128xf32, #tpu.memory_space<vmem>>) offsets(%dma_start3A_699 : memref<64xi32, #tpu.memory_space<vmem>>) semaphore(%arg14 : memref<!tpu.dma_semaphore, #tpu.memory_space<semaphore_mem>>)
      } else {
      }
    }
    %scan3A_550 = arith.constant 9 : i32
    %dma_wait3A_551 = arith.constant 38 : i32
    %dma_wait3A_552 = arith.constant 0 : i32
    %dma_wait3A_553 = tpu.memref_slice %arg7[%dma_wait3A_551, %dma_wait3A_552] : memref<40x64xi32, #tpu.memory_space<vmem>> -> memref<1x64xi32, #tpu.memory_space<vmem>>
    %dma_wait3A_554 = tpu.memref_squeeze %dma_wait3A_553 : memref<1x64xi32, #tpu.memory_space<vmem>> -> memref<64xi32, #tpu.memory_space<vmem>>
    %dma_wait3A_555 = arith.constant 0 : i32
    %dma_wait3A_556 = arith.constant 0 : i32
    %dma_wait3A_557 = tpu.memref_slice %arg12[%dma_wait3A_555, %dma_wait3A_556] : memref<10240x128xf32, #tpu.memory_space<vmem_shared>> -> memref<10240x128xf32, #tpu.memory_space<vmem_shared>>
    tpu.wait_indirect_dma semaphore(%arg19 : memref<!tpu.dma_semaphore, #tpu.memory_space<semaphore_mem>>) src(%arg10 : memref<64x128xf32, #tpu.memory_space<vmem>>) dst(%dma_wait3A_557 : memref<10240x128xf32, #tpu.memory_space<vmem_shared>>)
    %dma_wait3A_558 = arith.constant 39 : i32
    %dma_wait3A_559 = arith.constant 0 : i32
    %dma_wait3A_560 = tpu.memref_slice %arg7[%dma_wait3A_558, %dma_wait3A_559] : memref<40x64xi32, #tpu.memory_space<vmem>> -> memref<1x64xi32, #tpu.memory_space<vmem>>
    %dma_wait3A_561 = tpu.memref_squeeze %dma_wait3A_560 : memref<1x64xi32, #tpu.memory_space<vmem>> -> memref<64xi32, #tpu.memory_space<vmem>>
    %dma_wait3A_562 = arith.constant 0 : i32
    %dma_wait3A_563 = arith.constant 0 : i32
    %dma_wait3A_564 = tpu.memref_slice %arg12[%dma_wait3A_562, %dma_wait3A_563] : memref<10240x128xf32, #tpu.memory_space<vmem_shared>> -> memref<10240x128xf32, #tpu.memory_space<vmem_shared>>
    tpu.wait_indirect_dma semaphore(%arg20 : memref<!tpu.dma_semaphore, #tpu.memory_space<semaphore_mem>>) src(%arg11 : memref<64x128xf32, #tpu.memory_space<vmem>>) dst(%dma_wait3A_564 : memref<10240x128xf32, #tpu.memory_space<vmem_shared>>)
    %barrier3A_565 = arith.constant 0 : index
    tpu.barrier barrier_id(%barrier3A_565)
    %mul3A_566 = arith.constant 640 : i32
    %mul3A_567 = arith.muli %arg1, %mul3A_566 : i32
    %mul3A_568 = arith.constant 640 : i32
    %mul3A_569 = arith.muli %arg1, %mul3A_568 : i32
    "tpu.region"() ({
      %run_scoped3A = tpu.sem_alloc : memref<!tpu.dma_semaphore, #tpu.memory_space<semaphore_mem>>
      %dma_start3A_570 = arith.constant 0 : i32
      %dma_start3A_571 = tpu.memref_slice %arg5[%arg0, %mul3A_569, %dma_start3A_570] : memref<2x10240x128xf32, #tpu.memory_space<hbm>> -> memref<1x640x128xf32, #tpu.memory_space<hbm>>
      %dma_start3A_572 = tpu.memref_squeeze %dma_start3A_571 : memref<1x640x128xf32, #tpu.memory_space<hbm>> -> memref<640x128xf32, #tpu.memory_space<hbm>>
      %dma_start3A_573 = arith.constant 0 : i32
      %dma_start3A_574 = tpu.memref_slice %arg12[%mul3A_567, %dma_start3A_573] : memref<10240x128xf32, #tpu.memory_space<vmem_shared>> -> memref<640x128xf32, #tpu.memory_space<vmem_shared>>
      tpu.enqueue_dma source(%dma_start3A_574 : memref<640x128xf32, #tpu.memory_space<vmem_shared>>) target(%dma_start3A_572 : memref<640x128xf32, #tpu.memory_space<hbm>>) target_semaphore(%run_scoped3A : memref<!tpu.dma_semaphore, #tpu.memory_space<semaphore_mem>>)
      %dma_wait3A_575 = arith.constant 0 : i32
      %dma_wait3A_576 = tpu.memref_slice %arg5[%arg0, %mul3A_569, %dma_wait3A_575] : memref<2x10240x128xf32, #tpu.memory_space<hbm>> -> memref<1x640x128xf32, #tpu.memory_space<hbm>>
      %dma_wait3A_577 = tpu.memref_squeeze %dma_wait3A_576 : memref<1x640x128xf32, #tpu.memory_space<hbm>> -> memref<640x128xf32, #tpu.memory_space<hbm>>
      %dma_wait3A_578 = arith.constant 0 : i32
      %dma_wait3A_579 = tpu.memref_slice %arg12[%mul3A_567, %dma_wait3A_578] : memref<10240x128xf32, #tpu.memory_space<vmem_shared>> -> memref<640x128xf32, #tpu.memory_space<vmem_shared>>
      tpu.wait_dma2 semaphore(%run_scoped3A : memref<!tpu.dma_semaphore, #tpu.memory_space<semaphore_mem>>) src(%dma_wait3A_579 : memref<640x128xf32, #tpu.memory_space<vmem_shared>>) dst(%dma_wait3A_577 : memref<640x128xf32, #tpu.memory_space<hbm>>)
      tpu.yield
    }) : () -> ()
    return
  }
}

#map = affine_map<(d0, d1) -> (0, 0)>
#map1 = affine_map<(d0, d1) -> (0, 0, 0)>
module attributes {stable_mosaic.version = 14 : i64} {
  func.func @spmm(%arg0: i32, %arg1: i32, %arg2: memref<10240x128xf32, #tpu.memory_space<hbm>>, %arg3: memref<32x80x64xi32, #tpu.memory_space<hbm>>, %arg4: memref<32x80x64xi32, #tpu.memory_space<hbm>>, %arg5: memref<2x10240x128xf32, #tpu.memory_space<hbm>>, %arg6: memref<40x64xi32, #tpu.memory_space<vmem>>, %arg7: memref<40x64xi32, #tpu.memory_space<vmem>>, %arg8: memref<64x128xf32, #tpu.memory_space<vmem>>, %arg9: memref<64x128xf32, #tpu.memory_space<vmem>>, %arg10: memref<64x128xf32, #tpu.memory_space<vmem>>, %arg11: memref<64x128xf32, #tpu.memory_space<vmem>>, %arg12: memref<10240x128xf32, #tpu.memory_space<vmem_shared>>, %arg13: memref<!tpu.dma_semaphore, #tpu.memory_space<semaphore_mem>>, %arg14: memref<!tpu.dma_semaphore, #tpu.memory_space<semaphore_mem>>, %arg15: memref<!tpu.dma_semaphore, #tpu.memory_space<semaphore_mem>>, %arg16: memref<!tpu.dma_semaphore, #tpu.memory_space<semaphore_mem>>, %arg17: memref<!tpu.dma_semaphore, #tpu.memory_space<semaphore_mem>>, %arg18: memref<!tpu.dma_semaphore, #tpu.memory_space<semaphore_mem>>, %arg19: memref<!tpu.dma_semaphore, #tpu.memory_space<semaphore_mem>>, %arg20: memref<!tpu.dma_semaphore, #tpu.memory_space<semaphore_mem>>) attributes {dimension_semantics = [#tpu.dimension_semantics<core_parallel>, #tpu.dimension_semantics<subcore_parallel>], iteration_bounds = array<i64: 2, 16>, scalar_prefetch = 0 : i64, scratch_operands = 15 : i64, tpu.core_type = #tpu.core_type<sc_vector_subcore>, window_params = [{transform_indices = #map}, {transform_indices = #map1}, {transform_indices = #map1}, {transform_indices = #map1}]} {
    %broadcast_in_dim3A = arith.constant 0.000000e+00 : f32
    %broadcast_in_dim3A_0 = vector.broadcast %broadcast_in_dim3A : f32 to vector<16xf32>
    %scan3A = arith.constant 0 : i32
    %scan3A_1 = arith.constant 64 : i32
    %scan3A_2 = arith.addi %scan3A, %scan3A_1 : i32
    %scan3A_3 = arith.constant 1 : i32
    scf.for %scan3A_314 = %scan3A to %scan3A_2 step %scan3A_3  : i32 {
      %mul3A_315 = arith.constant 1 : i32
      %mul3A_316 = arith.muli %scan3A_314, %mul3A_315 : i32
      %add3A_317 = arith.constant 0 : i32
      %add3A_318 = arith.addi %add3A_317, %mul3A_316 : i32
      %swap3A = arith.index_cast %add3A_318 : i32 to index
      %swap3A_319 = arith.constant 0 : index
      %swap3A_320 = tpu.vector_load %arg8[%swap3A, %swap3A_319] {strides = array<i32>} : memref<64x128xf32, #tpu.memory_space<vmem>>, vector<16xf32>,
      tpu.vector_store %arg8[%swap3A, %swap3A_319], %broadcast_in_dim3A_0 {strides = array<i32>} : memref<64x128xf32, #tpu.memory_space<vmem>>, vector<16xf32>,
      %swap3A_321 = arith.index_cast %add3A_318 : i32 to index
      %swap3A_322 = arith.constant 16 : index
      %swap3A_323 = tpu.vector_load %arg8[%swap3A_321, %swap3A_322] {strides = array<i32>} : memref<64x128xf32, #tpu.memory_space<vmem>>, vector<16xf32>,
      tpu.vector_store %arg8[%swap3A_321, %swap3A_322], %broadcast_in_dim3A_0 {strides = array<i32>} : memref<64x128xf32, #tpu.memory_space<vmem>>, vector<16xf32>,
      %swap3A_324 = arith.index_cast %add3A_318 : i32 to index
      %swap3A_325 = arith.constant 32 : index
      %swap3A_326 = tpu.vector_load %arg8[%swap3A_324, %swap3A_325] {strides = array<i32>} : memref<64x128xf32, #tpu.memory_space<vmem>>, vector<16xf32>,
      tpu.vector_store %arg8[%swap3A_324, %swap3A_325], %broadcast_in_dim3A_0 {strides = array<i32>} : memref<64x128xf32, #tpu.memory_space<vmem>>, vector<16xf32>,
      %swap3A_327 = arith.index_cast %add3A_318 : i32 to index
      %swap3A_328 = arith.constant 48 : index
      %swap3A_329 = tpu.vector_load %arg8[%swap3A_327, %swap3A_328] {strides = array<i32>} : memref<64x128xf32, #tpu.memory_space<vmem>>, vector<16xf32>,
      tpu.vector_store %arg8[%swap3A_327, %swap3A_328], %broadcast_in_dim3A_0 {strides = array<i32>} : memref<64x128xf32, #tpu.memory_space<vmem>>, vector<16xf32>,
      %swap3A_330 = arith.index_cast %add3A_318 : i32 to index
      %swap3A_331 = arith.constant 64 : index
      %swap3A_332 = tpu.vector_load %arg8[%swap3A_330, %swap3A_331] {strides = array<i32>} : memref<64x128xf32, #tpu.memory_space<vmem>>, vector<16xf32>,
      tpu.vector_store %arg8[%swap3A_330, %swap3A_331], %broadcast_in_dim3A_0 {strides = array<i32>} : memref<64x128xf32, #tpu.memory_space<vmem>>, vector<16xf32>,
      %swap3A_333 = arith.index_cast %add3A_318 : i32 to index
      %swap3A_334 = arith.constant 80 : index
      %swap3A_335 = tpu.vector_load %arg8[%swap3A_333, %swap3A_334] {strides = array<i32>} : memref<64x128xf32, #tpu.memory_space<vmem>>, vector<16xf32>,
      tpu.vector_store %arg8[%swap3A_333, %swap3A_334], %broadcast_in_dim3A_0 {strides = array<i32>} : memref<64x128xf32, #tpu.memory_space<vmem>>, vector<16xf32>,
      %swap3A_336 = arith.index_cast %add3A_318 : i32 to index
      %swap3A_337 = arith.constant 96 : index
      %swap3A_338 = tpu.vector_load %arg8[%swap3A_336, %swap3A_337] {strides = array<i32>} : memref<64x128xf32, #tpu.memory_space<vmem>>, vector<16xf32>,
      tpu.vector_store %arg8[%swap3A_336, %swap3A_337], %broadcast_in_dim3A_0 {strides = array<i32>} : memref<64x128xf32, #tpu.memory_space<vmem>>, vector<16xf32>,
      %swap3A_339 = arith.index_cast %add3A_318 : i32 to index
      %swap3A_340 = arith.constant 112 : index
      %swap3A_341 = tpu.vector_load %arg8[%swap3A_339, %swap3A_340] {strides = array<i32>} : memref<64x128xf32, #tpu.memory_space<vmem>>, vector<16xf32>,
      tpu.vector_store %arg8[%swap3A_339, %swap3A_340], %broadcast_in_dim3A_0 {strides = array<i32>} : memref<64x128xf32, #tpu.memory_space<vmem>>, vector<16xf32>,
    }
    %scan3A_4 = arith.constant 64 : i32
    %mul3A = arith.constant 640 : i32
    %mul3A_5 = arith.muli %arg1, %mul3A : i32
    %add3A = arith.constant 0 : i32
    %add3A_6 = arith.addi %mul3A_5, %add3A : i32
    "tpu.region"() ({
      %run_scoped3A = tpu.sem_alloc : memref<!tpu.dma_semaphore, #tpu.memory_space<semaphore_mem>>
      %dma_start3A_314 = arith.constant 0 : i32
      %dma_start3A_315 = tpu.memref_slice %arg12[%add3A_6, %dma_start3A_314] : memref<10240x128xf32, #tpu.memory_space<vmem_shared>> -> memref<64x128xf32, #tpu.memory_space<vmem_shared>>
      %dma_start3A_316 = arith.constant 0 : i32
      %dma_start3A_317 = tpu.memref_slice %arg12[%add3A_6, %dma_start3A_316] : memref<10240x128xf32, #tpu.memory_space<vmem_shared>> -> memref<64x128xf32, #tpu.memory_space<vmem_shared>>
      tpu.enqueue_dma source(%arg8 : memref<64x128xf32, #tpu.memory_space<vmem>>) target(%dma_start3A_317 : memref<64x128xf32, #tpu.memory_space<vmem_shared>>) target_semaphore(%run_scoped3A : memref<!tpu.dma_semaphore, #tpu.memory_space<semaphore_mem>>)
      %dma_wait3A_318 = arith.constant 0 : i32
      %dma_wait3A_319 = tpu.memref_slice %arg12[%add3A_6, %dma_wait3A_318] : memref<10240x128xf32, #tpu.memory_space<vmem_shared>> -> memref<64x128xf32, #tpu.memory_space<vmem_shared>>
      %dma_wait3A_320 = arith.constant 0 : i32
      %dma_wait3A_321 = tpu.memref_slice %arg12[%add3A_6, %dma_wait3A_320] : memref<10240x128xf32, #tpu.memory_space<vmem_shared>> -> memref<64x128xf32, #tpu.memory_space<vmem_shared>>
      tpu.wait_dma2 semaphore(%run_scoped3A : memref<!tpu.dma_semaphore, #tpu.memory_space<semaphore_mem>>) src(%arg8 : memref<64x128xf32, #tpu.memory_space<vmem>>) dst(%dma_wait3A_321 : memref<64x128xf32, #tpu.memory_space<vmem_shared>>)
      tpu.yield
    }) : () -> ()
    %mul3A_7 = arith.constant 640 : i32
    %mul3A_8 = arith.muli %arg1, %mul3A_7 : i32
    %add3A_9 = arith.constant 64 : i32
    %add3A_10 = arith.addi %mul3A_8, %add3A_9 : i32
    "tpu.region"() ({
      %run_scoped3A = tpu.sem_alloc : memref<!tpu.dma_semaphore, #tpu.memory_space<semaphore_mem>>
      %dma_start3A_314 = arith.constant 0 : i32
      %dma_start3A_315 = tpu.memref_slice %arg12[%add3A_10, %dma_start3A_314] : memref<10240x128xf32, #tpu.memory_space<vmem_shared>> -> memref<64x128xf32, #tpu.memory_space<vmem_shared>>
      %dma_start3A_316 = arith.constant 0 : i32
      %dma_start3A_317 = tpu.memref_slice %arg12[%add3A_10, %dma_start3A_316] : memref<10240x128xf32, #tpu.memory_space<vmem_shared>> -> memref<64x128xf32, #tpu.memory_space<vmem_shared>>
      tpu.enqueue_dma source(%arg8 : memref<64x128xf32, #tpu.memory_space<vmem>>) target(%dma_start3A_317 : memref<64x128xf32, #tpu.memory_space<vmem_shared>>) target_semaphore(%run_scoped3A : memref<!tpu.dma_semaphore, #tpu.memory_space<semaphore_mem>>)
      %dma_wait3A_318 = arith.constant 0 : i32
      %dma_wait3A_319 = tpu.memref_slice %arg12[%add3A_10, %dma_wait3A_318] : memref<10240x128xf32, #tpu.memory_space<vmem_shared>> -> memref<64x128xf32, #tpu.memory_space<vmem_shared>>
      %dma_wait3A_320 = arith.constant 0 : i32
      %dma_wait3A_321 = tpu.memref_slice %arg12[%add3A_10, %dma_wait3A_320] : memref<10240x128xf32, #tpu.memory_space<vmem_shared>> -> memref<64x128xf32, #tpu.memory_space<vmem_shared>>
      tpu.wait_dma2 semaphore(%run_scoped3A : memref<!tpu.dma_semaphore, #tpu.memory_space<semaphore_mem>>) src(%arg8 : memref<64x128xf32, #tpu.memory_space<vmem>>) dst(%dma_wait3A_321 : memref<64x128xf32, #tpu.memory_space<vmem_shared>>)
      tpu.yield
    }) : () -> ()
    %mul3A_11 = arith.constant 640 : i32
    %mul3A_12 = arith.muli %arg1, %mul3A_11 : i32
    %add3A_13 = arith.constant 128 : i32
    %add3A_14 = arith.addi %mul3A_12, %add3A_13 : i32
    "tpu.region"() ({
      %run_scoped3A = tpu.sem_alloc : memref<!tpu.dma_semaphore, #tpu.memory_space<semaphore_mem>>
      %dma_start3A_314 = arith.constant 0 : i32
      %dma_start3A_315 = tpu.memref_slice %arg12[%add3A_14, %dma_start3A_314] : memref<10240x128xf32, #tpu.memory_space<vmem_shared>> -> memref<64x128xf32, #tpu.memory_space<vmem_shared>>
      %dma_start3A_316 = arith.constant 0 : i32
      %dma_start3A_317 = tpu.memref_slice %arg12[%add3A_14, %dma_start3A_316] : memref<10240x128xf32, #tpu.memory_space<vmem_shared>> -> memref<64x128xf32, #tpu.memory_space<vmem_shared>>
      tpu.enqueue_dma source(%arg8 : memref<64x128xf32, #tpu.memory_space<vmem>>) target(%dma_start3A_317 : memref<64x128xf32, #tpu.memory_space<vmem_shared>>) target_semaphore(%run_scoped3A : memref<!tpu.dma_semaphore, #tpu.memory_space<semaphore_mem>>)
      %dma_wait3A_318 = arith.constant 0 : i32
      %dma_wait3A_319 = tpu.memref_slice %arg12[%add3A_14, %dma_wait3A_318] : memref<10240x128xf32, #tpu.memory_space<vmem_shared>> -> memref<64x128xf32, #tpu.memory_space<vmem_shared>>
      %dma_wait3A_320 = arith.constant 0 : i32
      %dma_wait3A_321 = tpu.memref_slice %arg12[%add3A_14, %dma_wait3A_320] : memref<10240x128xf32, #tpu.memory_space<vmem_shared>> -> memref<64x128xf32, #tpu.memory_space<vmem_shared>>
      tpu.wait_dma2 semaphore(%run_scoped3A : memref<!tpu.dma_semaphore, #tpu.memory_space<semaphore_mem>>) src(%arg8 : memref<64x128xf32, #tpu.memory_space<vmem>>) dst(%dma_wait3A_321 : memref<64x128xf32, #tpu.memory_space<vmem_shared>>)
      tpu.yield
    }) : () -> ()
    %mul3A_15 = arith.constant 640 : i32
    %mul3A_16 = arith.muli %arg1, %mul3A_15 : i32
    %add3A_17 = arith.constant 192 : i32
    %add3A_18 = arith.addi %mul3A_16, %add3A_17 : i32
    "tpu.region"() ({
      %run_scoped3A = tpu.sem_alloc : memref<!tpu.dma_semaphore, #tpu.memory_space<semaphore_mem>>
      %dma_start3A_314 = arith.constant 0 : i32
      %dma_start3A_315 = tpu.memref_slice %arg12[%add3A_18, %dma_start3A_314] : memref<10240x128xf32, #tpu.memory_space<vmem_shared>> -> memref<64x128xf32, #tpu.memory_space<vmem_shared>>
      %dma_start3A_316 = arith.constant 0 : i32
      %dma_start3A_317 = tpu.memref_slice %arg12[%add3A_18, %dma_start3A_316] : memref<10240x128xf32, #tpu.memory_space<vmem_shared>> -> memref<64x128xf32, #tpu.memory_space<vmem_shared>>
      tpu.enqueue_dma source(%arg8 : memref<64x128xf32, #tpu.memory_space<vmem>>) target(%dma_start3A_317 : memref<64x128xf32, #tpu.memory_space<vmem_shared>>) target_semaphore(%run_scoped3A : memref<!tpu.dma_semaphore, #tpu.memory_space<semaphore_mem>>)
      %dma_wait3A_318 = arith.constant 0 : i32
      %dma_wait3A_319 = tpu.memref_slice %arg12[%add3A_18, %dma_wait3A_318] : memref<10240x128xf32, #tpu.memory_space<vmem_shared>> -> memref<64x128xf32, #tpu.memory_space<vmem_shared>>
      %dma_wait3A_320 = arith.constant 0 : i32
      %dma_wait3A_321 = tpu.memref_slice %arg12[%add3A_18, %dma_wait3A_320] : memref<10240x128xf32, #tpu.memory_space<vmem_shared>> -> memref<64x128xf32, #tpu.memory_space<vmem_shared>>
      tpu.wait_dma2 semaphore(%run_scoped3A : memref<!tpu.dma_semaphore, #tpu.memory_space<semaphore_mem>>) src(%arg8 : memref<64x128xf32, #tpu.memory_space<vmem>>) dst(%dma_wait3A_321 : memref<64x128xf32, #tpu.memory_space<vmem_shared>>)
      tpu.yield
    }) : () -> ()
    %mul3A_19 = arith.constant 640 : i32
    %mul3A_20 = arith.muli %arg1, %mul3A_19 : i32
    %add3A_21 = arith.constant 256 : i32
    %add3A_22 = arith.addi %mul3A_20, %add3A_21 : i32
    "tpu.region"() ({
      %run_scoped3A = tpu.sem_alloc : memref<!tpu.dma_semaphore, #tpu.memory_space<semaphore_mem>>
      %dma_start3A_314 = arith.constant 0 : i32
      %dma_start3A_315 = tpu.memref_slice %arg12[%add3A_22, %dma_start3A_314] : memref<10240x128xf32, #tpu.memory_space<vmem_shared>> -> memref<64x128xf32, #tpu.memory_space<vmem_shared>>
      %dma_start3A_316 = arith.constant 0 : i32
      %dma_start3A_317 = tpu.memref_slice %arg12[%add3A_22, %dma_start3A_316] : memref<10240x128xf32, #tpu.memory_space<vmem_shared>> -> memref<64x128xf32, #tpu.memory_space<vmem_shared>>
      tpu.enqueue_dma source(%arg8 : memref<64x128xf32, #tpu.memory_space<vmem>>) target(%dma_start3A_317 : memref<64x128xf32, #tpu.memory_space<vmem_shared>>) target_semaphore(%run_scoped3A : memref<!tpu.dma_semaphore, #tpu.memory_space<semaphore_mem>>)
      %dma_wait3A_318 = arith.constant 0 : i32
      %dma_wait3A_319 = tpu.memref_slice %arg12[%add3A_22, %dma_wait3A_318] : memref<10240x128xf32, #tpu.memory_space<vmem_shared>> -> memref<64x128xf32, #tpu.memory_space<vmem_shared>>
      %dma_wait3A_320 = arith.constant 0 : i32
      %dma_wait3A_321 = tpu.memref_slice %arg12[%add3A_22, %dma_wait3A_320] : memref<10240x128xf32, #tpu.memory_space<vmem_shared>> -> memref<64x128xf32, #tpu.memory_space<vmem_shared>>
      tpu.wait_dma2 semaphore(%run_scoped3A : memref<!tpu.dma_semaphore, #tpu.memory_space<semaphore_mem>>) src(%arg8 : memref<64x128xf32, #tpu.memory_space<vmem>>) dst(%dma_wait3A_321 : memref<64x128xf32, #tpu.memory_space<vmem_shared>>)
      tpu.yield
    }) : () -> ()
    %mul3A_23 = arith.constant 640 : i32
    %mul3A_24 = arith.muli %arg1, %mul3A_23 : i32
    %add3A_25 = arith.constant 320 : i32
    %add3A_26 = arith.addi %mul3A_24, %add3A_25 : i32
    "tpu.region"() ({
      %run_scoped3A = tpu.sem_alloc : memref<!tpu.dma_semaphore, #tpu.memory_space<semaphore_mem>>
      %dma_start3A_314 = arith.constant 0 : i32
      %dma_start3A_315 = tpu.memref_slice %arg12[%add3A_26, %dma_start3A_314] : memref<10240x128xf32, #tpu.memory_space<vmem_shared>> -> memref<64x128xf32, #tpu.memory_space<vmem_shared>>
      %dma_start3A_316 = arith.constant 0 : i32
      %dma_start3A_317 = tpu.memref_slice %arg12[%add3A_26, %dma_start3A_316] : memref<10240x128xf32, #tpu.memory_space<vmem_shared>> -> memref<64x128xf32, #tpu.memory_space<vmem_shared>>
      tpu.enqueue_dma source(%arg8 : memref<64x128xf32, #tpu.memory_space<vmem>>) target(%dma_start3A_317 : memref<64x128xf32, #tpu.memory_space<vmem_shared>>) target_semaphore(%run_scoped3A : memref<!tpu.dma_semaphore, #tpu.memory_space<semaphore_mem>>)
      %dma_wait3A_318 = arith.constant 0 : i32
      %dma_wait3A_319 = tpu.memref_slice %arg12[%add3A_26, %dma_wait3A_318] : memref<10240x128xf32, #tpu.memory_space<vmem_shared>> -> memref<64x128xf32, #tpu.memory_space<vmem_shared>>
      %dma_wait3A_320 = arith.constant 0 : i32
      %dma_wait3A_321 = tpu.memref_slice %arg12[%add3A_26, %dma_wait3A_320] : memref<10240x128xf32, #tpu.memory_space<vmem_shared>> -> memref<64x128xf32, #tpu.memory_space<vmem_shared>>
      tpu.wait_dma2 semaphore(%run_scoped3A : memref<!tpu.dma_semaphore, #tpu.memory_space<semaphore_mem>>) src(%arg8 : memref<64x128xf32, #tpu.memory_space<vmem>>) dst(%dma_wait3A_321 : memref<64x128xf32, #tpu.memory_space<vmem_shared>>)
      tpu.yield
    }) : () -> ()
    %mul3A_27 = arith.constant 640 : i32
    %mul3A_28 = arith.muli %arg1, %mul3A_27 : i32
    %add3A_29 = arith.constant 384 : i32
    %add3A_30 = arith.addi %mul3A_28, %add3A_29 : i32
    "tpu.region"() ({
      %run_scoped3A = tpu.sem_alloc : memref<!tpu.dma_semaphore, #tpu.memory_space<semaphore_mem>>
      %dma_start3A_314 = arith.constant 0 : i32
      %dma_start3A_315 = tpu.memref_slice %arg12[%add3A_30, %dma_start3A_314] : memref<10240x128xf32, #tpu.memory_space<vmem_shared>> -> memref<64x128xf32, #tpu.memory_space<vmem_shared>>
      %dma_start3A_316 = arith.constant 0 : i32
      %dma_start3A_317 = tpu.memref_slice %arg12[%add3A_30, %dma_start3A_316] : memref<10240x128xf32, #tpu.memory_space<vmem_shared>> -> memref<64x128xf32, #tpu.memory_space<vmem_shared>>
      tpu.enqueue_dma source(%arg8 : memref<64x128xf32, #tpu.memory_space<vmem>>) target(%dma_start3A_317 : memref<64x128xf32, #tpu.memory_space<vmem_shared>>) target_semaphore(%run_scoped3A : memref<!tpu.dma_semaphore, #tpu.memory_space<semaphore_mem>>)
      %dma_wait3A_318 = arith.constant 0 : i32
      %dma_wait3A_319 = tpu.memref_slice %arg12[%add3A_30, %dma_wait3A_318] : memref<10240x128xf32, #tpu.memory_space<vmem_shared>> -> memref<64x128xf32, #tpu.memory_space<vmem_shared>>
      %dma_wait3A_320 = arith.constant 0 : i32
      %dma_wait3A_321 = tpu.memref_slice %arg12[%add3A_30, %dma_wait3A_320] : memref<10240x128xf32, #tpu.memory_space<vmem_shared>> -> memref<64x128xf32, #tpu.memory_space<vmem_shared>>
      tpu.wait_dma2 semaphore(%run_scoped3A : memref<!tpu.dma_semaphore, #tpu.memory_space<semaphore_mem>>) src(%arg8 : memref<64x128xf32, #tpu.memory_space<vmem>>) dst(%dma_wait3A_321 : memref<64x128xf32, #tpu.memory_space<vmem_shared>>)
      tpu.yield
    }) : () -> ()
    %mul3A_31 = arith.constant 640 : i32
    %mul3A_32 = arith.muli %arg1, %mul3A_31 : i32
    %add3A_33 = arith.constant 448 : i32
    %add3A_34 = arith.addi %mul3A_32, %add3A_33 : i32
    "tpu.region"() ({
      %run_scoped3A = tpu.sem_alloc : memref<!tpu.dma_semaphore, #tpu.memory_space<semaphore_mem>>
      %dma_start3A_314 = arith.constant 0 : i32
      %dma_start3A_315 = tpu.memref_slice %arg12[%add3A_34, %dma_start3A_314] : memref<10240x128xf32, #tpu.memory_space<vmem_shared>> -> memref<64x128xf32, #tpu.memory_space<vmem_shared>>
      %dma_start3A_316 = arith.constant 0 : i32
      %dma_start3A_317 = tpu.memref_slice %arg12[%add3A_34, %dma_start3A_316] : memref<10240x128xf32, #tpu.memory_space<vmem_shared>> -> memref<64x128xf32, #tpu.memory_space<vmem_shared>>
      tpu.enqueue_dma source(%arg8 : memref<64x128xf32, #tpu.memory_space<vmem>>) target(%dma_start3A_317 : memref<64x128xf32, #tpu.memory_space<vmem_shared>>) target_semaphore(%run_scoped3A : memref<!tpu.dma_semaphore, #tpu.memory_space<semaphore_mem>>)
      %dma_wait3A_318 = arith.constant 0 : i32
      %dma_wait3A_319 = tpu.memref_slice %arg12[%add3A_34, %dma_wait3A_318] : memref<10240x128xf32, #tpu.memory_space<vmem_shared>> -> memref<64x128xf32, #tpu.memory_space<vmem_shared>>
      %dma_wait3A_320 = arith.constant 0 : i32
      %dma_wait3A_321 = tpu.memref_slice %arg12[%add3A_34, %dma_wait3A_320] : memref<10240x128xf32, #tpu.memory_space<vmem_shared>> -> memref<64x128xf32, #tpu.memory_space<vmem_shared>>
      tpu.wait_dma2 semaphore(%run_scoped3A : memref<!tpu.dma_semaphore, #tpu.memory_space<semaphore_mem>>) src(%arg8 : memref<64x128xf32, #tpu.memory_space<vmem>>) dst(%dma_wait3A_321 : memref<64x128xf32, #tpu.memory_space<vmem_shared>>)
      tpu.yield
    }) : () -> ()
    %mul3A_35 = arith.constant 640 : i32
    %mul3A_36 = arith.muli %arg1, %mul3A_35 : i32
    %add3A_37 = arith.constant 512 : i32
    %add3A_38 = arith.addi %mul3A_36, %add3A_37 : i32
    "tpu.region"() ({
      %run_scoped3A = tpu.sem_alloc : memref<!tpu.dma_semaphore, #tpu.memory_space<semaphore_mem>>
      %dma_start3A_314 = arith.constant 0 : i32
      %dma_start3A_315 = tpu.memref_slice %arg12[%add3A_38, %dma_start3A_314] : memref<10240x128xf32, #tpu.memory_space<vmem_shared>> -> memref<64x128xf32, #tpu.memory_space<vmem_shared>>
      %dma_start3A_316 = arith.constant 0 : i32
      %dma_start3A_317 = tpu.memref_slice %arg12[%add3A_38, %dma_start3A_316] : memref<10240x128xf32, #tpu.memory_space<vmem_shared>> -> memref<64x128xf32, #tpu.memory_space<vmem_shared>>
      tpu.enqueue_dma source(%arg8 : memref<64x128xf32, #tpu.memory_space<vmem>>) target(%dma_start3A_317 : memref<64x128xf32, #tpu.memory_space<vmem_shared>>) target_semaphore(%run_scoped3A : memref<!tpu.dma_semaphore, #tpu.memory_space<semaphore_mem>>)
      %dma_wait3A_318 = arith.constant 0 : i32
      %dma_wait3A_319 = tpu.memref_slice %arg12[%add3A_38, %dma_wait3A_318] : memref<10240x128xf32, #tpu.memory_space<vmem_shared>> -> memref<64x128xf32, #tpu.memory_space<vmem_shared>>
      %dma_wait3A_320 = arith.constant 0 : i32
      %dma_wait3A_321 = tpu.memref_slice %arg12[%add3A_38, %dma_wait3A_320] : memref<10240x128xf32, #tpu.memory_space<vmem_shared>> -> memref<64x128xf32, #tpu.memory_space<vmem_shared>>
      tpu.wait_dma2 semaphore(%run_scoped3A : memref<!tpu.dma_semaphore, #tpu.memory_space<semaphore_mem>>) src(%arg8 : memref<64x128xf32, #tpu.memory_space<vmem>>) dst(%dma_wait3A_321 : memref<64x128xf32, #tpu.memory_space<vmem_shared>>)
      tpu.yield
    }) : () -> ()
    %mul3A_39 = arith.constant 640 : i32
    %mul3A_40 = arith.muli %arg1, %mul3A_39 : i32
    %add3A_41 = arith.constant 576 : i32
    %add3A_42 = arith.addi %mul3A_40, %add3A_41 : i32
    "tpu.region"() ({
      %run_scoped3A = tpu.sem_alloc : memref<!tpu.dma_semaphore, #tpu.memory_space<semaphore_mem>>
      %dma_start3A_314 = arith.constant 0 : i32
      %dma_start3A_315 = tpu.memref_slice %arg12[%add3A_42, %dma_start3A_314] : memref<10240x128xf32, #tpu.memory_space<vmem_shared>> -> memref<64x128xf32, #tpu.memory_space<vmem_shared>>
      %dma_start3A_316 = arith.constant 0 : i32
      %dma_start3A_317 = tpu.memref_slice %arg12[%add3A_42, %dma_start3A_316] : memref<10240x128xf32, #tpu.memory_space<vmem_shared>> -> memref<64x128xf32, #tpu.memory_space<vmem_shared>>
      tpu.enqueue_dma source(%arg8 : memref<64x128xf32, #tpu.memory_space<vmem>>) target(%dma_start3A_317 : memref<64x128xf32, #tpu.memory_space<vmem_shared>>) target_semaphore(%run_scoped3A : memref<!tpu.dma_semaphore, #tpu.memory_space<semaphore_mem>>)
      %dma_wait3A_318 = arith.constant 0 : i32
      %dma_wait3A_319 = tpu.memref_slice %arg12[%add3A_42, %dma_wait3A_318] : memref<10240x128xf32, #tpu.memory_space<vmem_shared>> -> memref<64x128xf32, #tpu.memory_space<vmem_shared>>
      %dma_wait3A_320 = arith.constant 0 : i32
      %dma_wait3A_321 = tpu.memref_slice %arg12[%add3A_42, %dma_wait3A_320] : memref<10240x128xf32, #tpu.memory_space<vmem_shared>> -> memref<64x128xf32, #tpu.memory_space<vmem_shared>>
      tpu.wait_dma2 semaphore(%run_scoped3A : memref<!tpu.dma_semaphore, #tpu.memory_space<semaphore_mem>>) src(%arg8 : memref<64x128xf32, #tpu.memory_space<vmem>>) dst(%dma_wait3A_321 : memref<64x128xf32, #tpu.memory_space<vmem_shared>>)
      tpu.yield
    }) : () -> ()
    %barrier3A = arith.constant 0 : index
    tpu.barrier barrier_id(%barrier3A)
    %mul3A_43 = arith.constant 16 : i32
    %mul3A_44 = arith.muli %arg0, %mul3A_43 : i32
    %add3A_45 = arith.addi %mul3A_44, %arg1 : i32
    "tpu.region"() ({
      %run_scoped3A = tpu.sem_alloc : memref<!tpu.dma_semaphore, #tpu.memory_space<semaphore_mem>>
      %dma_start3A_314 = arith.constant 0 : i32
      %dma_start3A_315 = arith.constant 0 : i32
      %dma_start3A_316 = tpu.memref_slice %arg3[%add3A_45, %dma_start3A_314, %dma_start3A_315] : memref<32x80x64xi32, #tpu.memory_space<hbm>> -> memref<1x40x64xi32, #tpu.memory_space<hbm>>
      %dma_start3A_317 = tpu.memref_squeeze %dma_start3A_316 : memref<1x40x64xi32, #tpu.memory_space<hbm>> -> memref<40x64xi32, #tpu.memory_space<hbm>>
      %dma_start3A_318 = arith.constant 0 : i32
      %dma_start3A_319 = arith.constant 0 : i32
      %dma_start3A_320 = tpu.memref_slice %arg3[%add3A_45, %dma_start3A_318, %dma_start3A_319] : memref<32x80x64xi32, #tpu.memory_space<hbm>> -> memref<1x40x64xi32, #tpu.memory_space<hbm>>
      %dma_start3A_321 = tpu.memref_squeeze %dma_start3A_320 : memref<1x40x64xi32, #tpu.memory_space<hbm>> -> memref<40x64xi32, #tpu.memory_space<hbm>>
      tpu.enqueue_dma source(%dma_start3A_321 : memref<40x64xi32, #tpu.memory_space<hbm>>) target(%arg6 : memref<40x64xi32, #tpu.memory_space<vmem>>) target_semaphore(%run_scoped3A : memref<!tpu.dma_semaphore, #tpu.memory_space<semaphore_mem>>)
      %dma_wait3A_322 = arith.constant 0 : i32
      %dma_wait3A_323 = arith.constant 0 : i32
      %dma_wait3A_324 = tpu.memref_slice %arg3[%add3A_45, %dma_wait3A_322, %dma_wait3A_323] : memref<32x80x64xi32, #tpu.memory_space<hbm>> -> memref<1x40x64xi32, #tpu.memory_space<hbm>>
      %dma_wait3A_325 = tpu.memref_squeeze %dma_wait3A_324 : memref<1x40x64xi32, #tpu.memory_space<hbm>> -> memref<40x64xi32, #tpu.memory_space<hbm>>
      %dma_wait3A_326 = arith.constant 0 : i32
      %dma_wait3A_327 = arith.constant 0 : i32
      %dma_wait3A_328 = tpu.memref_slice %arg3[%add3A_45, %dma_wait3A_326, %dma_wait3A_327] : memref<32x80x64xi32, #tpu.memory_space<hbm>> -> memref<1x40x64xi32, #tpu.memory_space<hbm>>
      %dma_wait3A_329 = tpu.memref_squeeze %dma_wait3A_328 : memref<1x40x64xi32, #tpu.memory_space<hbm>> -> memref<40x64xi32, #tpu.memory_space<hbm>>
      tpu.wait_dma2 semaphore(%run_scoped3A : memref<!tpu.dma_semaphore, #tpu.memory_space<semaphore_mem>>) src(%dma_wait3A_329 : memref<40x64xi32, #tpu.memory_space<hbm>>) dst(%arg6 : memref<40x64xi32, #tpu.memory_space<vmem>>)
      tpu.yield
    }) : () -> ()
    "tpu.region"() ({
      %run_scoped3A = tpu.sem_alloc : memref<!tpu.dma_semaphore, #tpu.memory_space<semaphore_mem>>
      %dma_start3A_314 = arith.constant 0 : i32
      %dma_start3A_315 = arith.constant 0 : i32
      %dma_start3A_316 = tpu.memref_slice %arg4[%add3A_45, %dma_start3A_314, %dma_start3A_315] : memref<32x80x64xi32, #tpu.memory_space<hbm>> -> memref<1x40x64xi32, #tpu.memory_space<hbm>>
      %dma_start3A_317 = tpu.memref_squeeze %dma_start3A_316 : memref<1x40x64xi32, #tpu.memory_space<hbm>> -> memref<40x64xi32, #tpu.memory_space<hbm>>
      %dma_start3A_318 = arith.constant 0 : i32
      %dma_start3A_319 = arith.constant 0 : i32
      %dma_start3A_320 = tpu.memref_slice %arg4[%add3A_45, %dma_start3A_318, %dma_start3A_319] : memref<32x80x64xi32, #tpu.memory_space<hbm>> -> memref<1x40x64xi32, #tpu.memory_space<hbm>>
      %dma_start3A_321 = tpu.memref_squeeze %dma_start3A_320 : memref<1x40x64xi32, #tpu.memory_space<hbm>> -> memref<40x64xi32, #tpu.memory_space<hbm>>
      tpu.enqueue_dma source(%dma_start3A_321 : memref<40x64xi32, #tpu.memory_space<hbm>>) target(%arg7 : memref<40x64xi32, #tpu.memory_space<vmem>>) target_semaphore(%run_scoped3A : memref<!tpu.dma_semaphore, #tpu.memory_space<semaphore_mem>>)
      %dma_wait3A_322 = arith.constant 0 : i32
      %dma_wait3A_323 = arith.constant 0 : i32
      %dma_wait3A_324 = tpu.memref_slice %arg4[%add3A_45, %dma_wait3A_322, %dma_wait3A_323] : memref<32x80x64xi32, #tpu.memory_space<hbm>> -> memref<1x40x64xi32, #tpu.memory_space<hbm>>
      %dma_wait3A_325 = tpu.memref_squeeze %dma_wait3A_324 : memref<1x40x64xi32, #tpu.memory_space<hbm>> -> memref<40x64xi32, #tpu.memory_space<hbm>>
      %dma_wait3A_326 = arith.constant 0 : i32
      %dma_wait3A_327 = arith.constant 0 : i32
      %dma_wait3A_328 = tpu.memref_slice %arg4[%add3A_45, %dma_wait3A_326, %dma_wait3A_327] : memref<32x80x64xi32, #tpu.memory_space<hbm>> -> memref<1x40x64xi32, #tpu.memory_space<hbm>>
      %dma_wait3A_329 = tpu.memref_squeeze %dma_wait3A_328 : memref<1x40x64xi32, #tpu.memory_space<hbm>> -> memref<40x64xi32, #tpu.memory_space<hbm>>
      tpu.wait_dma2 semaphore(%run_scoped3A : memref<!tpu.dma_semaphore, #tpu.memory_space<semaphore_mem>>) src(%dma_wait3A_329 : memref<40x64xi32, #tpu.memory_space<hbm>>) dst(%arg7 : memref<40x64xi32, #tpu.memory_space<vmem>>)
      tpu.yield
    }) : () -> ()
    %dma_start3A = arith.constant 0 : i32
    %dma_start3A_46 = arith.constant 0 : i32
    %dma_start3A_47 = tpu.memref_slice %arg6[%dma_start3A, %dma_start3A_46] : memref<40x64xi32, #tpu.memory_space<vmem>> -> memref<1x64xi32, #tpu.memory_space<vmem>>
    %dma_start3A_48 = tpu.memref_squeeze %dma_start3A_47 : memref<1x64xi32, #tpu.memory_space<vmem>> -> memref<64xi32, #tpu.memory_space<vmem>>
    %dma_start3A_49 = arith.constant 0 : i32
    %dma_start3A_50 = arith.constant 0 : i32
    %dma_start3A_51 = tpu.memref_slice %arg2[%dma_start3A_49, %dma_start3A_50] : memref<10240x128xf32, #tpu.memory_space<hbm>> -> memref<10240x128xf32, #tpu.memory_space<hbm>>
    tpu.enqueue_indirect_dma source(%dma_start3A_51 : memref<10240x128xf32, #tpu.memory_space<hbm>>) target(%arg8 : memref<64x128xf32, #tpu.memory_space<vmem>>) offsets(%dma_start3A_48 : memref<64xi32, #tpu.memory_space<vmem>>) semaphore(%arg13 : memref<!tpu.dma_semaphore, #tpu.memory_space<semaphore_mem>>)
    %dma_start3A_52 = arith.constant 1 : i32
    %dma_start3A_53 = arith.constant 0 : i32
    %dma_start3A_54 = tpu.memref_slice %arg6[%dma_start3A_52, %dma_start3A_53] : memref<40x64xi32, #tpu.memory_space<vmem>> -> memref<1x64xi32, #tpu.memory_space<vmem>>
    %dma_start3A_55 = tpu.memref_squeeze %dma_start3A_54 : memref<1x64xi32, #tpu.memory_space<vmem>> -> memref<64xi32, #tpu.memory_space<vmem>>
    %dma_start3A_56 = arith.constant 0 : i32
    %dma_start3A_57 = arith.constant 0 : i32
    %dma_start3A_58 = tpu.memref_slice %arg2[%dma_start3A_56, %dma_start3A_57] : memref<10240x128xf32, #tpu.memory_space<hbm>> -> memref<10240x128xf32, #tpu.memory_space<hbm>>
    tpu.enqueue_indirect_dma source(%dma_start3A_58 : memref<10240x128xf32, #tpu.memory_space<hbm>>) target(%arg9 : memref<64x128xf32, #tpu.memory_space<vmem>>) offsets(%dma_start3A_55 : memref<64xi32, #tpu.memory_space<vmem>>) semaphore(%arg14 : memref<!tpu.dma_semaphore, #tpu.memory_space<semaphore_mem>>)
    %dma_wait3A = arith.constant 0 : i32
    %dma_wait3A_59 = arith.constant 0 : i32
    %dma_wait3A_60 = tpu.memref_slice %arg6[%dma_wait3A, %dma_wait3A_59] : memref<40x64xi32, #tpu.memory_space<vmem>> -> memref<1x64xi32, #tpu.memory_space<vmem>>
    %dma_wait3A_61 = tpu.memref_squeeze %dma_wait3A_60 : memref<1x64xi32, #tpu.memory_space<vmem>> -> memref<64xi32, #tpu.memory_space<vmem>>
    %dma_wait3A_62 = arith.constant 0 : i32
    %dma_wait3A_63 = arith.constant 0 : i32
    %dma_wait3A_64 = tpu.memref_slice %arg2[%dma_wait3A_62, %dma_wait3A_63] : memref<10240x128xf32, #tpu.memory_space<hbm>> -> memref<10240x128xf32, #tpu.memory_space<hbm>>
    tpu.wait_indirect_dma semaphore(%arg13 : memref<!tpu.dma_semaphore, #tpu.memory_space<semaphore_mem>>) src(%dma_wait3A_64 : memref<10240x128xf32, #tpu.memory_space<hbm>>) dst(%arg8 : memref<64x128xf32, #tpu.memory_space<vmem>>)
    %dma_start3A_65 = arith.constant 0 : i32
    %dma_start3A_66 = arith.constant 0 : i32
    %dma_start3A_67 = tpu.memref_slice %arg7[%dma_start3A_65, %dma_start3A_66] : memref<40x64xi32, #tpu.memory_space<vmem>> -> memref<1x64xi32, #tpu.memory_space<vmem>>
    %dma_start3A_68 = tpu.memref_squeeze %dma_start3A_67 : memref<1x64xi32, #tpu.memory_space<vmem>> -> memref<64xi32, #tpu.memory_space<vmem>>
    %dma_start3A_69 = arith.constant 0 : i32
    %dma_start3A_70 = arith.constant 0 : i32
    %dma_start3A_71 = tpu.memref_slice %arg12[%dma_start3A_69, %dma_start3A_70] : memref<10240x128xf32, #tpu.memory_space<vmem_shared>> -> memref<10240x128xf32, #tpu.memory_space<vmem_shared>>
    tpu.enqueue_indirect_dma source(%arg8 : memref<64x128xf32, #tpu.memory_space<vmem>>) target(%dma_start3A_71 : memref<10240x128xf32, #tpu.memory_space<vmem_shared>>) offsets(%dma_start3A_68 : memref<64xi32, #tpu.memory_space<vmem>>) semaphore(%arg17 : memref<!tpu.dma_semaphore, #tpu.memory_space<semaphore_mem>>) {add = true}
    %dma_start3A_72 = arith.constant 2 : i32
    %dma_start3A_73 = arith.constant 0 : i32
    %dma_start3A_74 = tpu.memref_slice %arg6[%dma_start3A_72, %dma_start3A_73] : memref<40x64xi32, #tpu.memory_space<vmem>> -> memref<1x64xi32, #tpu.memory_space<vmem>>
    %dma_start3A_75 = tpu.memref_squeeze %dma_start3A_74 : memref<1x64xi32, #tpu.memory_space<vmem>> -> memref<64xi32, #tpu.memory_space<vmem>>
    %dma_start3A_76 = arith.constant 0 : i32
    %dma_start3A_77 = arith.constant 0 : i32
    %dma_start3A_78 = tpu.memref_slice %arg2[%dma_start3A_76, %dma_start3A_77] : memref<10240x128xf32, #tpu.memory_space<hbm>> -> memref<10240x128xf32, #tpu.memory_space<hbm>>
    tpu.enqueue_indirect_dma source(%dma_start3A_78 : memref<10240x128xf32, #tpu.memory_space<hbm>>) target(%arg10 : memref<64x128xf32, #tpu.memory_space<vmem>>) offsets(%dma_start3A_75 : memref<64xi32, #tpu.memory_space<vmem>>) semaphore(%arg15 : memref<!tpu.dma_semaphore, #tpu.memory_space<semaphore_mem>>)
    %dma_wait3A_79 = arith.constant 1 : i32
    %dma_wait3A_80 = arith.constant 0 : i32
    %dma_wait3A_81 = tpu.memref_slice %arg6[%dma_wait3A_79, %dma_wait3A_80] : memref<40x64xi32, #tpu.memory_space<vmem>> -> memref<1x64xi32, #tpu.memory_space<vmem>>
    %dma_wait3A_82 = tpu.memref_squeeze %dma_wait3A_81 : memref<1x64xi32, #tpu.memory_space<vmem>> -> memref<64xi32, #tpu.memory_space<vmem>>
    %dma_wait3A_83 = arith.constant 0 : i32
    %dma_wait3A_84 = arith.constant 0 : i32
    %dma_wait3A_85 = tpu.memref_slice %arg2[%dma_wait3A_83, %dma_wait3A_84] : memref<10240x128xf32, #tpu.memory_space<hbm>> -> memref<10240x128xf32, #tpu.memory_space<hbm>>
    tpu.wait_indirect_dma semaphore(%arg14 : memref<!tpu.dma_semaphore, #tpu.memory_space<semaphore_mem>>) src(%dma_wait3A_85 : memref<10240x128xf32, #tpu.memory_space<hbm>>) dst(%arg9 : memref<64x128xf32, #tpu.memory_space<vmem>>)
    %dma_start3A_86 = arith.constant 1 : i32
    %dma_start3A_87 = arith.constant 0 : i32
    %dma_start3A_88 = tpu.memref_slice %arg7[%dma_start3A_86, %dma_start3A_87] : memref<40x64xi32, #tpu.memory_space<vmem>> -> memref<1x64xi32, #tpu.memory_space<vmem>>
    %dma_start3A_89 = tpu.memref_squeeze %dma_start3A_88 : memref<1x64xi32, #tpu.memory_space<vmem>> -> memref<64xi32, #tpu.memory_space<vmem>>
    %dma_start3A_90 = arith.constant 0 : i32
    %dma_start3A_91 = arith.constant 0 : i32
    %dma_start3A_92 = tpu.memref_slice %arg12[%dma_start3A_90, %dma_start3A_91] : memref<10240x128xf32, #tpu.memory_space<vmem_shared>> -> memref<10240x128xf32, #tpu.memory_space<vmem_shared>>
    tpu.enqueue_indirect_dma source(%arg9 : memref<64x128xf32, #tpu.memory_space<vmem>>) target(%dma_start3A_92 : memref<10240x128xf32, #tpu.memory_space<vmem_shared>>) offsets(%dma_start3A_89 : memref<64xi32, #tpu.memory_space<vmem>>) semaphore(%arg18 : memref<!tpu.dma_semaphore, #tpu.memory_space<semaphore_mem>>) {add = true}
    %dma_start3A_93 = arith.constant 3 : i32
    %dma_start3A_94 = arith.constant 0 : i32
    %dma_start3A_95 = tpu.memref_slice %arg6[%dma_start3A_93, %dma_start3A_94] : memref<40x64xi32, #tpu.memory_space<vmem>> -> memref<1x64xi32, #tpu.memory_space<vmem>>
    %dma_start3A_96 = tpu.memref_squeeze %dma_start3A_95 : memref<1x64xi32, #tpu.memory_space<vmem>> -> memref<64xi32, #tpu.memory_space<vmem>>
    %dma_start3A_97 = arith.constant 0 : i32
    %dma_start3A_98 = arith.constant 0 : i32
    %dma_start3A_99 = tpu.memref_slice %arg2[%dma_start3A_97, %dma_start3A_98] : memref<10240x128xf32, #tpu.memory_space<hbm>> -> memref<10240x128xf32, #tpu.memory_space<hbm>>
    tpu.enqueue_indirect_dma source(%dma_start3A_99 : memref<10240x128xf32, #tpu.memory_space<hbm>>) target(%arg11 : memref<64x128xf32, #tpu.memory_space<vmem>>) offsets(%dma_start3A_96 : memref<64xi32, #tpu.memory_space<vmem>>) semaphore(%arg16 : memref<!tpu.dma_semaphore, #tpu.memory_space<semaphore_mem>>)
    %dma_wait3A_100 = arith.constant 2 : i32
    %dma_wait3A_101 = arith.constant 0 : i32
    %dma_wait3A_102 = tpu.memref_slice %arg6[%dma_wait3A_100, %dma_wait3A_101] : memref<40x64xi32, #tpu.memory_space<vmem>> -> memref<1x64xi32, #tpu.memory_space<vmem>>
    %dma_wait3A_103 = tpu.memref_squeeze %dma_wait3A_102 : memref<1x64xi32, #tpu.memory_space<vmem>> -> memref<64xi32, #tpu.memory_space<vmem>>
    %dma_wait3A_104 = arith.constant 0 : i32
    %dma_wait3A_105 = arith.constant 0 : i32
    %dma_wait3A_106 = tpu.memref_slice %arg2[%dma_wait3A_104, %dma_wait3A_105] : memref<10240x128xf32, #tpu.memory_space<hbm>> -> memref<10240x128xf32, #tpu.memory_space<hbm>>
    tpu.wait_indirect_dma semaphore(%arg15 : memref<!tpu.dma_semaphore, #tpu.memory_space<semaphore_mem>>) src(%dma_wait3A_106 : memref<10240x128xf32, #tpu.memory_space<hbm>>) dst(%arg10 : memref<64x128xf32, #tpu.memory_space<vmem>>)
    %dma_start3A_107 = arith.constant 2 : i32
    %dma_start3A_108 = arith.constant 0 : i32
    %dma_start3A_109 = tpu.memref_slice %arg7[%dma_start3A_107, %dma_start3A_108] : memref<40x64xi32, #tpu.memory_space<vmem>> -> memref<1x64xi32, #tpu.memory_space<vmem>>
    %dma_start3A_110 = tpu.memref_squeeze %dma_start3A_109 : memref<1x64xi32, #tpu.memory_space<vmem>> -> memref<64xi32, #tpu.memory_space<vmem>>
    %dma_start3A_111 = arith.constant 0 : i32
    %dma_start3A_112 = arith.constant 0 : i32
    %dma_start3A_113 = tpu.memref_slice %arg12[%dma_start3A_111, %dma_start3A_112] : memref<10240x128xf32, #tpu.memory_space<vmem_shared>> -> memref<10240x128xf32, #tpu.memory_space<vmem_shared>>
    tpu.enqueue_indirect_dma source(%arg10 : memref<64x128xf32, #tpu.memory_space<vmem>>) target(%dma_start3A_113 : memref<10240x128xf32, #tpu.memory_space<vmem_shared>>) offsets(%dma_start3A_110 : memref<64xi32, #tpu.memory_space<vmem>>) semaphore(%arg19 : memref<!tpu.dma_semaphore, #tpu.memory_space<semaphore_mem>>) {add = true}
    %dma_wait3A_114 = arith.constant 0 : i32
    %dma_wait3A_115 = arith.constant 0 : i32
    %dma_wait3A_116 = tpu.memref_slice %arg7[%dma_wait3A_114, %dma_wait3A_115] : memref<40x64xi32, #tpu.memory_space<vmem>> -> memref<1x64xi32, #tpu.memory_space<vmem>>
    %dma_wait3A_117 = tpu.memref_squeeze %dma_wait3A_116 : memref<1x64xi32, #tpu.memory_space<vmem>> -> memref<64xi32, #tpu.memory_space<vmem>>
    %dma_wait3A_118 = arith.constant 0 : i32
    %dma_wait3A_119 = arith.constant 0 : i32
    %dma_wait3A_120 = tpu.memref_slice %arg12[%dma_wait3A_118, %dma_wait3A_119] : memref<10240x128xf32, #tpu.memory_space<vmem_shared>> -> memref<10240x128xf32, #tpu.memory_space<vmem_shared>>
    tpu.wait_indirect_dma semaphore(%arg17 : memref<!tpu.dma_semaphore, #tpu.memory_space<semaphore_mem>>) src(%arg8 : memref<64x128xf32, #tpu.memory_space<vmem>>) dst(%dma_wait3A_120 : memref<10240x128xf32, #tpu.memory_space<vmem_shared>>)
    %dma_start3A_121 = arith.constant 4 : i32
    %dma_start3A_122 = arith.constant 0 : i32
    %dma_start3A_123 = tpu.memref_slice %arg6[%dma_start3A_121, %dma_start3A_122] : memref<40x64xi32, #tpu.memory_space<vmem>> -> memref<1x64xi32, #tpu.memory_space<vmem>>
    %dma_start3A_124 = tpu.memref_squeeze %dma_start3A_123 : memref<1x64xi32, #tpu.memory_space<vmem>> -> memref<64xi32, #tpu.memory_space<vmem>>
    %dma_start3A_125 = arith.constant 0 : i32
    %dma_start3A_126 = arith.constant 0 : i32
    %dma_start3A_127 = tpu.memref_slice %arg2[%dma_start3A_125, %dma_start3A_126] : memref<10240x128xf32, #tpu.memory_space<hbm>> -> memref<10240x128xf32, #tpu.memory_space<hbm>>
    tpu.enqueue_indirect_dma source(%dma_start3A_127 : memref<10240x128xf32, #tpu.memory_space<hbm>>) target(%arg8 : memref<64x128xf32, #tpu.memory_space<vmem>>) offsets(%dma_start3A_124 : memref<64xi32, #tpu.memory_space<vmem>>) semaphore(%arg13 : memref<!tpu.dma_semaphore, #tpu.memory_space<semaphore_mem>>)
    %dma_wait3A_128 = arith.constant 3 : i32
    %dma_wait3A_129 = arith.constant 0 : i32
    %dma_wait3A_130 = tpu.memref_slice %arg6[%dma_wait3A_128, %dma_wait3A_129] : memref<40x64xi32, #tpu.memory_space<vmem>> -> memref<1x64xi32, #tpu.memory_space<vmem>>
    %dma_wait3A_131 = tpu.memref_squeeze %dma_wait3A_130 : memref<1x64xi32, #tpu.memory_space<vmem>> -> memref<64xi32, #tpu.memory_space<vmem>>
    %dma_wait3A_132 = arith.constant 0 : i32
    %dma_wait3A_133 = arith.constant 0 : i32
    %dma_wait3A_134 = tpu.memref_slice %arg2[%dma_wait3A_132, %dma_wait3A_133] : memref<10240x128xf32, #tpu.memory_space<hbm>> -> memref<10240x128xf32, #tpu.memory_space<hbm>>
    tpu.wait_indirect_dma semaphore(%arg16 : memref<!tpu.dma_semaphore, #tpu.memory_space<semaphore_mem>>) src(%dma_wait3A_134 : memref<10240x128xf32, #tpu.memory_space<hbm>>) dst(%arg11 : memref<64x128xf32, #tpu.memory_space<vmem>>)
    %dma_start3A_135 = arith.constant 3 : i32
    %dma_start3A_136 = arith.constant 0 : i32
    %dma_start3A_137 = tpu.memref_slice %arg7[%dma_start3A_135, %dma_start3A_136] : memref<40x64xi32, #tpu.memory_space<vmem>> -> memref<1x64xi32, #tpu.memory_space<vmem>>
    %dma_start3A_138 = tpu.memref_squeeze %dma_start3A_137 : memref<1x64xi32, #tpu.memory_space<vmem>> -> memref<64xi32, #tpu.memory_space<vmem>>
    %dma_start3A_139 = arith.constant 0 : i32
    %dma_start3A_140 = arith.constant 0 : i32
    %dma_start3A_141 = tpu.memref_slice %arg12[%dma_start3A_139, %dma_start3A_140] : memref<10240x128xf32, #tpu.memory_space<vmem_shared>> -> memref<10240x128xf32, #tpu.memory_space<vmem_shared>>
    tpu.enqueue_indirect_dma source(%arg11 : memref<64x128xf32, #tpu.memory_space<vmem>>) target(%dma_start3A_141 : memref<10240x128xf32, #tpu.memory_space<vmem_shared>>) offsets(%dma_start3A_138 : memref<64xi32, #tpu.memory_space<vmem>>) semaphore(%arg20 : memref<!tpu.dma_semaphore, #tpu.memory_space<semaphore_mem>>) {add = true}
    %dma_wait3A_142 = arith.constant 1 : i32
    %dma_wait3A_143 = arith.constant 0 : i32
    %dma_wait3A_144 = tpu.memref_slice %arg7[%dma_wait3A_142, %dma_wait3A_143] : memref<40x64xi32, #tpu.memory_space<vmem>> -> memref<1x64xi32, #tpu.memory_space<vmem>>
    %dma_wait3A_145 = tpu.memref_squeeze %dma_wait3A_144 : memref<1x64xi32, #tpu.memory_space<vmem>> -> memref<64xi32, #tpu.memory_space<vmem>>
    %dma_wait3A_146 = arith.constant 0 : i32
    %dma_wait3A_147 = arith.constant 0 : i32
    %dma_wait3A_148 = tpu.memref_slice %arg12[%dma_wait3A_146, %dma_wait3A_147] : memref<10240x128xf32, #tpu.memory_space<vmem_shared>> -> memref<10240x128xf32, #tpu.memory_space<vmem_shared>>
    tpu.wait_indirect_dma semaphore(%arg18 : memref<!tpu.dma_semaphore, #tpu.memory_space<semaphore_mem>>) src(%arg9 : memref<64x128xf32, #tpu.memory_space<vmem>>) dst(%dma_wait3A_148 : memref<10240x128xf32, #tpu.memory_space<vmem_shared>>)
    %dma_start3A_149 = arith.constant 5 : i32
    %dma_start3A_150 = arith.constant 0 : i32
    %dma_start3A_151 = tpu.memref_slice %arg6[%dma_start3A_149, %dma_start3A_150] : memref<40x64xi32, #tpu.memory_space<vmem>> -> memref<1x64xi32, #tpu.memory_space<vmem>>
    %dma_start3A_152 = tpu.memref_squeeze %dma_start3A_151 : memref<1x64xi32, #tpu.memory_space<vmem>> -> memref<64xi32, #tpu.memory_space<vmem>>
    %dma_start3A_153 = arith.constant 0 : i32
    %dma_start3A_154 = arith.constant 0 : i32
    %dma_start3A_155 = tpu.memref_slice %arg2[%dma_start3A_153, %dma_start3A_154] : memref<10240x128xf32, #tpu.memory_space<hbm>> -> memref<10240x128xf32, #tpu.memory_space<hbm>>
    tpu.enqueue_indirect_dma source(%dma_start3A_155 : memref<10240x128xf32, #tpu.memory_space<hbm>>) target(%arg9 : memref<64x128xf32, #tpu.memory_space<vmem>>) offsets(%dma_start3A_152 : memref<64xi32, #tpu.memory_space<vmem>>) semaphore(%arg14 : memref<!tpu.dma_semaphore, #tpu.memory_space<semaphore_mem>>)
    %scan3A_156 = arith.constant 0 : i32
    %scan3A_157 = arith.constant 9 : i32
    %scan3A_158 = arith.addi %scan3A_156, %scan3A_157 : i32
    %scan3A_159 = arith.constant 1 : i32
    scf.for %scan3A_314 = %scan3A_156 to %scan3A_158 step %scan3A_159  : i32 {
      %mul3A_315 = arith.constant 1 : i32
      %mul3A_316 = arith.muli %scan3A_314, %mul3A_315 : i32
      %add3A_317 = arith.constant 1 : i32
      %add3A_318 = arith.addi %add3A_317, %mul3A_316 : i32
      %mul3A_319 = arith.constant 4 : i32
      %mul3A_320 = arith.muli %add3A_318, %mul3A_319 : i32
      %add3A_321 = arith.constant 0 : i32
      %add3A_322 = arith.addi %mul3A_320, %add3A_321 : i32
      %dma_wait3A_323 = arith.constant 0 : i32
      %dma_wait3A_324 = tpu.memref_slice %arg6[%add3A_322, %dma_wait3A_323] : memref<40x64xi32, #tpu.memory_space<vmem>> -> memref<1x64xi32, #tpu.memory_space<vmem>>
      %dma_wait3A_325 = tpu.memref_squeeze %dma_wait3A_324 : memref<1x64xi32, #tpu.memory_space<vmem>> -> memref<64xi32, #tpu.memory_space<vmem>>
      %dma_wait3A_326 = arith.constant 0 : i32
      %dma_wait3A_327 = arith.constant 0 : i32
      %dma_wait3A_328 = tpu.memref_slice %arg2[%dma_wait3A_326, %dma_wait3A_327] : memref<10240x128xf32, #tpu.memory_space<hbm>> -> memref<10240x128xf32, #tpu.memory_space<hbm>>
      tpu.wait_indirect_dma semaphore(%arg13 : memref<!tpu.dma_semaphore, #tpu.memory_space<semaphore_mem>>) src(%dma_wait3A_328 : memref<10240x128xf32, #tpu.memory_space<hbm>>) dst(%arg8 : memref<64x128xf32, #tpu.memory_space<vmem>>)
      %dma_start3A_329 = arith.constant 0 : i32
      %dma_start3A_330 = tpu.memref_slice %arg7[%add3A_322, %dma_start3A_329] : memref<40x64xi32, #tpu.memory_space<vmem>> -> memref<1x64xi32, #tpu.memory_space<vmem>>
      %dma_start3A_331 = tpu.memref_squeeze %dma_start3A_330 : memref<1x64xi32, #tpu.memory_space<vmem>> -> memref<64xi32, #tpu.memory_space<vmem>>
      %dma_start3A_332 = arith.constant 0 : i32
      %dma_start3A_333 = arith.constant 0 : i32
      %dma_start3A_334 = tpu.memref_slice %arg12[%dma_start3A_332, %dma_start3A_333] : memref<10240x128xf32, #tpu.memory_space<vmem_shared>> -> memref<10240x128xf32, #tpu.memory_space<vmem_shared>>
      tpu.enqueue_indirect_dma source(%arg8 : memref<64x128xf32, #tpu.memory_space<vmem>>) target(%dma_start3A_334 : memref<10240x128xf32, #tpu.memory_space<vmem_shared>>) offsets(%dma_start3A_331 : memref<64xi32, #tpu.memory_space<vmem>>) semaphore(%arg17 : memref<!tpu.dma_semaphore, #tpu.memory_space<semaphore_mem>>) {add = true}
      %sub3A = arith.constant 2 : i32
      %sub3A_335 = arith.subi %add3A_322, %sub3A : i32
      %dma_wait3A_336 = arith.constant 0 : i32
      %dma_wait3A_337 = tpu.memref_slice %arg7[%sub3A_335, %dma_wait3A_336] : memref<40x64xi32, #tpu.memory_space<vmem>> -> memref<1x64xi32, #tpu.memory_space<vmem>>
      %dma_wait3A_338 = tpu.memref_squeeze %dma_wait3A_337 : memref<1x64xi32, #tpu.memory_space<vmem>> -> memref<64xi32, #tpu.memory_space<vmem>>
      %dma_wait3A_339 = arith.constant 0 : i32
      %dma_wait3A_340 = arith.constant 0 : i32
      %dma_wait3A_341 = tpu.memref_slice %arg12[%dma_wait3A_339, %dma_wait3A_340] : memref<10240x128xf32, #tpu.memory_space<vmem_shared>> -> memref<10240x128xf32, #tpu.memory_space<vmem_shared>>
      tpu.wait_indirect_dma semaphore(%arg19 : memref<!tpu.dma_semaphore, #tpu.memory_space<semaphore_mem>>) src(%arg10 : memref<64x128xf32, #tpu.memory_space<vmem>>) dst(%dma_wait3A_341 : memref<10240x128xf32, #tpu.memory_space<vmem_shared>>)
      %add3A_342 = arith.constant 2 : i32
      %add3A_343 = arith.addi %add3A_322, %add3A_342 : i32
      %lt3A = arith.constant 40 : i32
      %lt3A_344 = arith.cmpi slt, %add3A_343, %lt3A : i32
      %convert_element_type3A = arith.extui %lt3A_344 : i1 to i32
      %cond3A = arith.constant 0 : i32
      %cond3A_345 = arith.cmpi ne, %convert_element_type3A, %cond3A : i32
      scf.if %cond3A_345 {
        %add3A_439 = arith.constant 2 : i32
        %add3A_440 = arith.addi %add3A_322, %add3A_439 : i32
        %dma_start3A_441 = arith.constant 0 : i32
        %dma_start3A_442 = tpu.memref_slice %arg6[%add3A_440, %dma_start3A_441] : memref<40x64xi32, #tpu.memory_space<vmem>> -> memref<1x64xi32, #tpu.memory_space<vmem>>
        %dma_start3A_443 = tpu.memref_squeeze %dma_start3A_442 : memref<1x64xi32, #tpu.memory_space<vmem>> -> memref<64xi32, #tpu.memory_space<vmem>>
        %dma_start3A_444 = arith.constant 0 : i32
        %dma_start3A_445 = arith.constant 0 : i32
        %dma_start3A_446 = tpu.memref_slice %arg2[%dma_start3A_444, %dma_start3A_445] : memref<10240x128xf32, #tpu.memory_space<hbm>> -> memref<10240x128xf32, #tpu.memory_space<hbm>>
        tpu.enqueue_indirect_dma source(%dma_start3A_446 : memref<10240x128xf32, #tpu.memory_space<hbm>>) target(%arg10 : memref<64x128xf32, #tpu.memory_space<vmem>>) offsets(%dma_start3A_443 : memref<64xi32, #tpu.memory_space<vmem>>) semaphore(%arg15 : memref<!tpu.dma_semaphore, #tpu.memory_space<semaphore_mem>>)
      } else {
      }
      %mul3A_346 = arith.constant 4 : i32
      %mul3A_347 = arith.muli %add3A_318, %mul3A_346 : i32
      %add3A_348 = arith.constant 1 : i32
      %add3A_349 = arith.addi %mul3A_347, %add3A_348 : i32
      %dma_wait3A_350 = arith.constant 0 : i32
      %dma_wait3A_351 = tpu.memref_slice %arg6[%add3A_349, %dma_wait3A_350] : memref<40x64xi32, #tpu.memory_space<vmem>> -> memref<1x64xi32, #tpu.memory_space<vmem>>
      %dma_wait3A_352 = tpu.memref_squeeze %dma_wait3A_351 : memref<1x64xi32, #tpu.memory_space<vmem>> -> memref<64xi32, #tpu.memory_space<vmem>>
      %dma_wait3A_353 = arith.constant 0 : i32
      %dma_wait3A_354 = arith.constant 0 : i32
      %dma_wait3A_355 = tpu.memref_slice %arg2[%dma_wait3A_353, %dma_wait3A_354] : memref<10240x128xf32, #tpu.memory_space<hbm>> -> memref<10240x128xf32, #tpu.memory_space<hbm>>
      tpu.wait_indirect_dma semaphore(%arg14 : memref<!tpu.dma_semaphore, #tpu.memory_space<semaphore_mem>>) src(%dma_wait3A_355 : memref<10240x128xf32, #tpu.memory_space<hbm>>) dst(%arg9 : memref<64x128xf32, #tpu.memory_space<vmem>>)
      %dma_start3A_356 = arith.constant 0 : i32
      %dma_start3A_357 = tpu.memref_slice %arg7[%add3A_349, %dma_start3A_356] : memref<40x64xi32, #tpu.memory_space<vmem>> -> memref<1x64xi32, #tpu.memory_space<vmem>>
      %dma_start3A_358 = tpu.memref_squeeze %dma_start3A_357 : memref<1x64xi32, #tpu.memory_space<vmem>> -> memref<64xi32, #tpu.memory_space<vmem>>
      %dma_start3A_359 = arith.constant 0 : i32
      %dma_start3A_360 = arith.constant 0 : i32
      %dma_start3A_361 = tpu.memref_slice %arg12[%dma_start3A_359, %dma_start3A_360] : memref<10240x128xf32, #tpu.memory_space<vmem_shared>> -> memref<10240x128xf32, #tpu.memory_space<vmem_shared>>
      tpu.enqueue_indirect_dma source(%arg9 : memref<64x128xf32, #tpu.memory_space<vmem>>) target(%dma_start3A_361 : memref<10240x128xf32, #tpu.memory_space<vmem_shared>>) offsets(%dma_start3A_358 : memref<64xi32, #tpu.memory_space<vmem>>) semaphore(%arg18 : memref<!tpu.dma_semaphore, #tpu.memory_space<semaphore_mem>>) {add = true}
      %sub3A_362 = arith.constant 2 : i32
      %sub3A_363 = arith.subi %add3A_349, %sub3A_362 : i32
      %dma_wait3A_364 = arith.constant 0 : i32
      %dma_wait3A_365 = tpu.memref_slice %arg7[%sub3A_363, %dma_wait3A_364] : memref<40x64xi32, #tpu.memory_space<vmem>> -> memref<1x64xi32, #tpu.memory_space<vmem>>
      %dma_wait3A_366 = tpu.memref_squeeze %dma_wait3A_365 : memref<1x64xi32, #tpu.memory_space<vmem>> -> memref<64xi32, #tpu.memory_space<vmem>>
      %dma_wait3A_367 = arith.constant 0 : i32
      %dma_wait3A_368 = arith.constant 0 : i32
      %dma_wait3A_369 = tpu.memref_slice %arg12[%dma_wait3A_367, %dma_wait3A_368] : memref<10240x128xf32, #tpu.memory_space<vmem_shared>> -> memref<10240x128xf32, #tpu.memory_space<vmem_shared>>
      tpu.wait_indirect_dma semaphore(%arg20 : memref<!tpu.dma_semaphore, #tpu.memory_space<semaphore_mem>>) src(%arg11 : memref<64x128xf32, #tpu.memory_space<vmem>>) dst(%dma_wait3A_369 : memref<10240x128xf32, #tpu.memory_space<vmem_shared>>)
      %add3A_370 = arith.constant 2 : i32
      %add3A_371 = arith.addi %add3A_349, %add3A_370 : i32
      %lt3A_372 = arith.constant 40 : i32
      %lt3A_373 = arith.cmpi slt, %add3A_371, %lt3A_372 : i32
      %convert_element_type3A_374 = arith.extui %lt3A_373 : i1 to i32
      %cond3A_375 = arith.constant 0 : i32
      %cond3A_376 = arith.cmpi ne, %convert_element_type3A_374, %cond3A_375 : i32
      scf.if %cond3A_376 {
        %add3A_439 = arith.constant 2 : i32
        %add3A_440 = arith.addi %add3A_349, %add3A_439 : i32
        %dma_start3A_441 = arith.constant 0 : i32
        %dma_start3A_442 = tpu.memref_slice %arg6[%add3A_440, %dma_start3A_441] : memref<40x64xi32, #tpu.memory_space<vmem>> -> memref<1x64xi32, #tpu.memory_space<vmem>>
        %dma_start3A_443 = tpu.memref_squeeze %dma_start3A_442 : memref<1x64xi32, #tpu.memory_space<vmem>> -> memref<64xi32, #tpu.memory_space<vmem>>
        %dma_start3A_444 = arith.constant 0 : i32
        %dma_start3A_445 = arith.constant 0 : i32
        %dma_start3A_446 = tpu.memref_slice %arg2[%dma_start3A_444, %dma_start3A_445] : memref<10240x128xf32, #tpu.memory_space<hbm>> -> memref<10240x128xf32, #tpu.memory_space<hbm>>
        tpu.enqueue_indirect_dma source(%dma_start3A_446 : memref<10240x128xf32, #tpu.memory_space<hbm>>) target(%arg11 : memref<64x128xf32, #tpu.memory_space<vmem>>) offsets(%dma_start3A_443 : memref<64xi32, #tpu.memory_space<vmem>>) semaphore(%arg16 : memref<!tpu.dma_semaphore, #tpu.memory_space<semaphore_mem>>)
      } else {
      }
      %mul3A_377 = arith.constant 4 : i32
      %mul3A_378 = arith.muli %add3A_318, %mul3A_377 : i32
      %add3A_379 = arith.constant 2 : i32
      %add3A_380 = arith.addi %mul3A_378, %add3A_379 : i32
      %dma_wait3A_381 = arith.constant 0 : i32
      %dma_wait3A_382 = tpu.memref_slice %arg6[%add3A_380, %dma_wait3A_381] : memref<40x64xi32, #tpu.memory_space<vmem>> -> memref<1x64xi32, #tpu.memory_space<vmem>>
      %dma_wait3A_383 = tpu.memref_squeeze %dma_wait3A_382 : memref<1x64xi32, #tpu.memory_space<vmem>> -> memref<64xi32, #tpu.memory_space<vmem>>
      %dma_wait3A_384 = arith.constant 0 : i32
      %dma_wait3A_385 = arith.constant 0 : i32
      %dma_wait3A_386 = tpu.memref_slice %arg2[%dma_wait3A_384, %dma_wait3A_385] : memref<10240x128xf32, #tpu.memory_space<hbm>> -> memref<10240x128xf32, #tpu.memory_space<hbm>>
      tpu.wait_indirect_dma semaphore(%arg15 : memref<!tpu.dma_semaphore, #tpu.memory_space<semaphore_mem>>) src(%dma_wait3A_386 : memref<10240x128xf32, #tpu.memory_space<hbm>>) dst(%arg10 : memref<64x128xf32, #tpu.memory_space<vmem>>)
      %dma_start3A_387 = arith.constant 0 : i32
      %dma_start3A_388 = tpu.memref_slice %arg7[%add3A_380, %dma_start3A_387] : memref<40x64xi32, #tpu.memory_space<vmem>> -> memref<1x64xi32, #tpu.memory_space<vmem>>
      %dma_start3A_389 = tpu.memref_squeeze %dma_start3A_388 : memref<1x64xi32, #tpu.memory_space<vmem>> -> memref<64xi32, #tpu.memory_space<vmem>>
      %dma_start3A_390 = arith.constant 0 : i32
      %dma_start3A_391 = arith.constant 0 : i32
      %dma_start3A_392 = tpu.memref_slice %arg12[%dma_start3A_390, %dma_start3A_391] : memref<10240x128xf32, #tpu.memory_space<vmem_shared>> -> memref<10240x128xf32, #tpu.memory_space<vmem_shared>>
      tpu.enqueue_indirect_dma source(%arg10 : memref<64x128xf32, #tpu.memory_space<vmem>>) target(%dma_start3A_392 : memref<10240x128xf32, #tpu.memory_space<vmem_shared>>) offsets(%dma_start3A_389 : memref<64xi32, #tpu.memory_space<vmem>>) semaphore(%arg19 : memref<!tpu.dma_semaphore, #tpu.memory_space<semaphore_mem>>) {add = true}
      %sub3A_393 = arith.constant 2 : i32
      %sub3A_394 = arith.subi %add3A_380, %sub3A_393 : i32
      %dma_wait3A_395 = arith.constant 0 : i32
      %dma_wait3A_396 = tpu.memref_slice %arg7[%sub3A_394, %dma_wait3A_395] : memref<40x64xi32, #tpu.memory_space<vmem>> -> memref<1x64xi32, #tpu.memory_space<vmem>>
      %dma_wait3A_397 = tpu.memref_squeeze %dma_wait3A_396 : memref<1x64xi32, #tpu.memory_space<vmem>> -> memref<64xi32, #tpu.memory_space<vmem>>
      %dma_wait3A_398 = arith.constant 0 : i32
      %dma_wait3A_399 = arith.constant 0 : i32
      %dma_wait3A_400 = tpu.memref_slice %arg12[%dma_wait3A_398, %dma_wait3A_399] : memref<10240x128xf32, #tpu.memory_space<vmem_shared>> -> memref<10240x128xf32, #tpu.memory_space<vmem_shared>>
      tpu.wait_indirect_dma semaphore(%arg17 : memref<!tpu.dma_semaphore, #tpu.memory_space<semaphore_mem>>) src(%arg8 : memref<64x128xf32, #tpu.memory_space<vmem>>) dst(%dma_wait3A_400 : memref<10240x128xf32, #tpu.memory_space<vmem_shared>>)
      %add3A_401 = arith.constant 2 : i32
      %add3A_402 = arith.addi %add3A_380, %add3A_401 : i32
      %lt3A_403 = arith.constant 40 : i32
      %lt3A_404 = arith.cmpi slt, %add3A_402, %lt3A_403 : i32
      %convert_element_type3A_405 = arith.extui %lt3A_404 : i1 to i32
      %cond3A_406 = arith.constant 0 : i32
      %cond3A_407 = arith.cmpi ne, %convert_element_type3A_405, %cond3A_406 : i32
      scf.if %cond3A_407 {
        %add3A_439 = arith.constant 2 : i32
        %add3A_440 = arith.addi %add3A_380, %add3A_439 : i32
        %dma_start3A_441 = arith.constant 0 : i32
        %dma_start3A_442 = tpu.memref_slice %arg6[%add3A_440, %dma_start3A_441] : memref<40x64xi32, #tpu.memory_space<vmem>> -> memref<1x64xi32, #tpu.memory_space<vmem>>
        %dma_start3A_443 = tpu.memref_squeeze %dma_start3A_442 : memref<1x64xi32, #tpu.memory_space<vmem>> -> memref<64xi32, #tpu.memory_space<vmem>>
        %dma_start3A_444 = arith.constant 0 : i32
        %dma_start3A_445 = arith.constant 0 : i32
        %dma_start3A_446 = tpu.memref_slice %arg2[%dma_start3A_444, %dma_start3A_445] : memref<10240x128xf32, #tpu.memory_space<hbm>> -> memref<10240x128xf32, #tpu.memory_space<hbm>>
        tpu.enqueue_indirect_dma source(%dma_start3A_446 : memref<10240x128xf32, #tpu.memory_space<hbm>>) target(%arg8 : memref<64x128xf32, #tpu.memory_space<vmem>>) offsets(%dma_start3A_443 : memref<64xi32, #tpu.memory_space<vmem>>) semaphore(%arg13 : memref<!tpu.dma_semaphore, #tpu.memory_space<semaphore_mem>>)
      } else {
      }
      %mul3A_408 = arith.constant 4 : i32
      %mul3A_409 = arith.muli %add3A_318, %mul3A_408 : i32
      %add3A_410 = arith.constant 3 : i32
      %add3A_411 = arith.addi %mul3A_409, %add3A_410 : i32
      %dma_wait3A_412 = arith.constant 0 : i32
      %dma_wait3A_413 = tpu.memref_slice %arg6[%add3A_411, %dma_wait3A_412] : memref<40x64xi32, #tpu.memory_space<vmem>> -> memref<1x64xi32, #tpu.memory_space<vmem>>
      %dma_wait3A_414 = tpu.memref_squeeze %dma_wait3A_413 : memref<1x64xi32, #tpu.memory_space<vmem>> -> memref<64xi32, #tpu.memory_space<vmem>>
      %dma_wait3A_415 = arith.constant 0 : i32
      %dma_wait3A_416 = arith.constant 0 : i32
      %dma_wait3A_417 = tpu.memref_slice %arg2[%dma_wait3A_415, %dma_wait3A_416] : memref<10240x128xf32, #tpu.memory_space<hbm>> -> memref<10240x128xf32, #tpu.memory_space<hbm>>
      tpu.wait_indirect_dma semaphore(%arg16 : memref<!tpu.dma_semaphore, #tpu.memory_space<semaphore_mem>>) src(%dma_wait3A_417 : memref<10240x128xf32, #tpu.memory_space<hbm>>) dst(%arg11 : memref<64x128xf32, #tpu.memory_space<vmem>>)
      %dma_start3A_418 = arith.constant 0 : i32
      %dma_start3A_419 = tpu.memref_slice %arg7[%add3A_411, %dma_start3A_418] : memref<40x64xi32, #tpu.memory_space<vmem>> -> memref<1x64xi32, #tpu.memory_space<vmem>>
      %dma_start3A_420 = tpu.memref_squeeze %dma_start3A_419 : memref<1x64xi32, #tpu.memory_space<vmem>> -> memref<64xi32, #tpu.memory_space<vmem>>
      %dma_start3A_421 = arith.constant 0 : i32
      %dma_start3A_422 = arith.constant 0 : i32
      %dma_start3A_423 = tpu.memref_slice %arg12[%dma_start3A_421, %dma_start3A_422] : memref<10240x128xf32, #tpu.memory_space<vmem_shared>> -> memref<10240x128xf32, #tpu.memory_space<vmem_shared>>
      tpu.enqueue_indirect_dma source(%arg11 : memref<64x128xf32, #tpu.memory_space<vmem>>) target(%dma_start3A_423 : memref<10240x128xf32, #tpu.memory_space<vmem_shared>>) offsets(%dma_start3A_420 : memref<64xi32, #tpu.memory_space<vmem>>) semaphore(%arg20 : memref<!tpu.dma_semaphore, #tpu.memory_space<semaphore_mem>>) {add = true}
      %sub3A_424 = arith.constant 2 : i32
      %sub3A_425 = arith.subi %add3A_411, %sub3A_424 : i32
      %dma_wait3A_426 = arith.constant 0 : i32
      %dma_wait3A_427 = tpu.memref_slice %arg7[%sub3A_425, %dma_wait3A_426] : memref<40x64xi32, #tpu.memory_space<vmem>> -> memref<1x64xi32, #tpu.memory_space<vmem>>
      %dma_wait3A_428 = tpu.memref_squeeze %dma_wait3A_427 : memref<1x64xi32, #tpu.memory_space<vmem>> -> memref<64xi32, #tpu.memory_space<vmem>>
      %dma_wait3A_429 = arith.constant 0 : i32
      %dma_wait3A_430 = arith.constant 0 : i32
      %dma_wait3A_431 = tpu.memref_slice %arg12[%dma_wait3A_429, %dma_wait3A_430] : memref<10240x128xf32, #tpu.memory_space<vmem_shared>> -> memref<10240x128xf32, #tpu.memory_space<vmem_shared>>
      tpu.wait_indirect_dma semaphore(%arg18 : memref<!tpu.dma_semaphore, #tpu.memory_space<semaphore_mem>>) src(%arg9 : memref<64x128xf32, #tpu.memory_space<vmem>>) dst(%dma_wait3A_431 : memref<10240x128xf32, #tpu.memory_space<vmem_shared>>)
      %add3A_432 = arith.constant 2 : i32
      %add3A_433 = arith.addi %add3A_411, %add3A_432 : i32
      %lt3A_434 = arith.constant 40 : i32
      %lt3A_435 = arith.cmpi slt, %add3A_433, %lt3A_434 : i32
      %convert_element_type3A_436 = arith.extui %lt3A_435 : i1 to i32
      %cond3A_437 = arith.constant 0 : i32
      %cond3A_438 = arith.cmpi ne, %convert_element_type3A_436, %cond3A_437 : i32
      scf.if %cond3A_438 {
        %add3A_439 = arith.constant 2 : i32
        %add3A_440 = arith.addi %add3A_411, %add3A_439 : i32
        %dma_start3A_441 = arith.constant 0 : i32
        %dma_start3A_442 = tpu.memref_slice %arg6[%add3A_440, %dma_start3A_441] : memref<40x64xi32, #tpu.memory_space<vmem>> -> memref<1x64xi32, #tpu.memory_space<vmem>>
        %dma_start3A_443 = tpu.memref_squeeze %dma_start3A_442 : memref<1x64xi32, #tpu.memory_space<vmem>> -> memref<64xi32, #tpu.memory_space<vmem>>
        %dma_start3A_444 = arith.constant 0 : i32
        %dma_start3A_445 = arith.constant 0 : i32
        %dma_start3A_446 = tpu.memref_slice %arg2[%dma_start3A_444, %dma_start3A_445] : memref<10240x128xf32, #tpu.memory_space<hbm>> -> memref<10240x128xf32, #tpu.memory_space<hbm>>
        tpu.enqueue_indirect_dma source(%dma_start3A_446 : memref<10240x128xf32, #tpu.memory_space<hbm>>) target(%arg9 : memref<64x128xf32, #tpu.memory_space<vmem>>) offsets(%dma_start3A_443 : memref<64xi32, #tpu.memory_space<vmem>>) semaphore(%arg14 : memref<!tpu.dma_semaphore, #tpu.memory_space<semaphore_mem>>)
      } else {
      }
    }
    %scan3A_160 = arith.constant 9 : i32
    %dma_wait3A_161 = arith.constant 38 : i32
    %dma_wait3A_162 = arith.constant 0 : i32
    %dma_wait3A_163 = tpu.memref_slice %arg7[%dma_wait3A_161, %dma_wait3A_162] : memref<40x64xi32, #tpu.memory_space<vmem>> -> memref<1x64xi32, #tpu.memory_space<vmem>>
    %dma_wait3A_164 = tpu.memref_squeeze %dma_wait3A_163 : memref<1x64xi32, #tpu.memory_space<vmem>> -> memref<64xi32, #tpu.memory_space<vmem>>
    %dma_wait3A_165 = arith.constant 0 : i32
    %dma_wait3A_166 = arith.constant 0 : i32
    %dma_wait3A_167 = tpu.memref_slice %arg12[%dma_wait3A_165, %dma_wait3A_166] : memref<10240x128xf32, #tpu.memory_space<vmem_shared>> -> memref<10240x128xf32, #tpu.memory_space<vmem_shared>>
    tpu.wait_indirect_dma semaphore(%arg19 : memref<!tpu.dma_semaphore, #tpu.memory_space<semaphore_mem>>) src(%arg10 : memref<64x128xf32, #tpu.memory_space<vmem>>) dst(%dma_wait3A_167 : memref<10240x128xf32, #tpu.memory_space<vmem_shared>>)
    %dma_wait3A_168 = arith.constant 39 : i32
    %dma_wait3A_169 = arith.constant 0 : i32
    %dma_wait3A_170 = tpu.memref_slice %arg7[%dma_wait3A_168, %dma_wait3A_169] : memref<40x64xi32, #tpu.memory_space<vmem>> -> memref<1x64xi32, #tpu.memory_space<vmem>>
    %dma_wait3A_171 = tpu.memref_squeeze %dma_wait3A_170 : memref<1x64xi32, #tpu.memory_space<vmem>> -> memref<64xi32, #tpu.memory_space<vmem>>
    %dma_wait3A_172 = arith.constant 0 : i32
    %dma_wait3A_173 = arith.constant 0 : i32
    %dma_wait3A_174 = tpu.memref_slice %arg12[%dma_wait3A_172, %dma_wait3A_173] : memref<10240x128xf32, #tpu.memory_space<vmem_shared>> -> memref<10240x128xf32, #tpu.memory_space<vmem_shared>>
    tpu.wait_indirect_dma semaphore(%arg20 : memref<!tpu.dma_semaphore, #tpu.memory_space<semaphore_mem>>) src(%arg11 : memref<64x128xf32, #tpu.memory_space<vmem>>) dst(%dma_wait3A_174 : memref<10240x128xf32, #tpu.memory_space<vmem_shared>>)
    %mul3A_175 = arith.constant 16 : i32
    %mul3A_176 = arith.muli %arg0, %mul3A_175 : i32
    %add3A_177 = arith.addi %mul3A_176, %arg1 : i32
    "tpu.region"() ({
      %run_scoped3A = tpu.sem_alloc : memref<!tpu.dma_semaphore, #tpu.memory_space<semaphore_mem>>
      %dma_start3A_314 = arith.constant 40 : i32
      %dma_start3A_315 = arith.constant 0 : i32
      %dma_start3A_316 = tpu.memref_slice %arg3[%add3A_177, %dma_start3A_314, %dma_start3A_315] : memref<32x80x64xi32, #tpu.memory_space<hbm>> -> memref<1x40x64xi32, #tpu.memory_space<hbm>>
      %dma_start3A_317 = tpu.memref_squeeze %dma_start3A_316 : memref<1x40x64xi32, #tpu.memory_space<hbm>> -> memref<40x64xi32, #tpu.memory_space<hbm>>
      %dma_start3A_318 = arith.constant 40 : i32
      %dma_start3A_319 = arith.constant 0 : i32
      %dma_start3A_320 = tpu.memref_slice %arg3[%add3A_177, %dma_start3A_318, %dma_start3A_319] : memref<32x80x64xi32, #tpu.memory_space<hbm>> -> memref<1x40x64xi32, #tpu.memory_space<hbm>>
      %dma_start3A_321 = tpu.memref_squeeze %dma_start3A_320 : memref<1x40x64xi32, #tpu.memory_space<hbm>> -> memref<40x64xi32, #tpu.memory_space<hbm>>
      tpu.enqueue_dma source(%dma_start3A_321 : memref<40x64xi32, #tpu.memory_space<hbm>>) target(%arg6 : memref<40x64xi32, #tpu.memory_space<vmem>>) target_semaphore(%run_scoped3A : memref<!tpu.dma_semaphore, #tpu.memory_space<semaphore_mem>>)
      %dma_wait3A_322 = arith.constant 40 : i32
      %dma_wait3A_323 = arith.constant 0 : i32
      %dma_wait3A_324 = tpu.memref_slice %arg3[%add3A_177, %dma_wait3A_322, %dma_wait3A_323] : memref<32x80x64xi32, #tpu.memory_space<hbm>> -> memref<1x40x64xi32, #tpu.memory_space<hbm>>
      %dma_wait3A_325 = tpu.memref_squeeze %dma_wait3A_324 : memref<1x40x64xi32, #tpu.memory_space<hbm>> -> memref<40x64xi32, #tpu.memory_space<hbm>>
      %dma_wait3A_326 = arith.constant 40 : i32
      %dma_wait3A_327 = arith.constant 0 : i32
      %dma_wait3A_328 = tpu.memref_slice %arg3[%add3A_177, %dma_wait3A_326, %dma_wait3A_327] : memref<32x80x64xi32, #tpu.memory_space<hbm>> -> memref<1x40x64xi32, #tpu.memory_space<hbm>>
      %dma_wait3A_329 = tpu.memref_squeeze %dma_wait3A_328 : memref<1x40x64xi32, #tpu.memory_space<hbm>> -> memref<40x64xi32, #tpu.memory_space<hbm>>
      tpu.wait_dma2 semaphore(%run_scoped3A : memref<!tpu.dma_semaphore, #tpu.memory_space<semaphore_mem>>) src(%dma_wait3A_329 : memref<40x64xi32, #tpu.memory_space<hbm>>) dst(%arg6 : memref<40x64xi32, #tpu.memory_space<vmem>>)
      tpu.yield
    }) : () -> ()
    "tpu.region"() ({
      %run_scoped3A = tpu.sem_alloc : memref<!tpu.dma_semaphore, #tpu.memory_space<semaphore_mem>>
      %dma_start3A_314 = arith.constant 40 : i32
      %dma_start3A_315 = arith.constant 0 : i32
      %dma_start3A_316 = tpu.memref_slice %arg4[%add3A_177, %dma_start3A_314, %dma_start3A_315] : memref<32x80x64xi32, #tpu.memory_space<hbm>> -> memref<1x40x64xi32, #tpu.memory_space<hbm>>
      %dma_start3A_317 = tpu.memref_squeeze %dma_start3A_316 : memref<1x40x64xi32, #tpu.memory_space<hbm>> -> memref<40x64xi32, #tpu.memory_space<hbm>>
      %dma_start3A_318 = arith.constant 40 : i32
      %dma_start3A_319 = arith.constant 0 : i32
      %dma_start3A_320 = tpu.memref_slice %arg4[%add3A_177, %dma_start3A_318, %dma_start3A_319] : memref<32x80x64xi32, #tpu.memory_space<hbm>> -> memref<1x40x64xi32, #tpu.memory_space<hbm>>
      %dma_start3A_321 = tpu.memref_squeeze %dma_start3A_320 : memref<1x40x64xi32, #tpu.memory_space<hbm>> -> memref<40x64xi32, #tpu.memory_space<hbm>>
      tpu.enqueue_dma source(%dma_start3A_321 : memref<40x64xi32, #tpu.memory_space<hbm>>) target(%arg7 : memref<40x64xi32, #tpu.memory_space<vmem>>) target_semaphore(%run_scoped3A : memref<!tpu.dma_semaphore, #tpu.memory_space<semaphore_mem>>)
      %dma_wait3A_322 = arith.constant 40 : i32
      %dma_wait3A_323 = arith.constant 0 : i32
      %dma_wait3A_324 = tpu.memref_slice %arg4[%add3A_177, %dma_wait3A_322, %dma_wait3A_323] : memref<32x80x64xi32, #tpu.memory_space<hbm>> -> memref<1x40x64xi32, #tpu.memory_space<hbm>>
      %dma_wait3A_325 = tpu.memref_squeeze %dma_wait3A_324 : memref<1x40x64xi32, #tpu.memory_space<hbm>> -> memref<40x64xi32, #tpu.memory_space<hbm>>
      %dma_wait3A_326 = arith.constant 40 : i32
      %dma_wait3A_327 = arith.constant 0 : i32
      %dma_wait3A_328 = tpu.memref_slice %arg4[%add3A_177, %dma_wait3A_326, %dma_wait3A_327] : memref<32x80x64xi32, #tpu.memory_space<hbm>> -> memref<1x40x64xi32, #tpu.memory_space<hbm>>
      %dma_wait3A_329 = tpu.memref_squeeze %dma_wait3A_328 : memref<1x40x64xi32, #tpu.memory_space<hbm>> -> memref<40x64xi32, #tpu.memory_space<hbm>>
      tpu.wait_dma2 semaphore(%run_scoped3A : memref<!tpu.dma_semaphore, #tpu.memory_space<semaphore_mem>>) src(%dma_wait3A_329 : memref<40x64xi32, #tpu.memory_space<hbm>>) dst(%arg7 : memref<40x64xi32, #tpu.memory_space<vmem>>)
      tpu.yield
    }) : () -> ()
    %dma_start3A_178 = arith.constant 0 : i32
    %dma_start3A_179 = arith.constant 0 : i32
    %dma_start3A_180 = tpu.memref_slice %arg6[%dma_start3A_178, %dma_start3A_179] : memref<40x64xi32, #tpu.memory_space<vmem>> -> memref<1x64xi32, #tpu.memory_space<vmem>>
    %dma_start3A_181 = tpu.memref_squeeze %dma_start3A_180 : memref<1x64xi32, #tpu.memory_space<vmem>> -> memref<64xi32, #tpu.memory_space<vmem>>
    %dma_start3A_182 = arith.constant 0 : i32
    %dma_start3A_183 = arith.constant 0 : i32
    %dma_start3A_184 = tpu.memref_slice %arg2[%dma_start3A_182, %dma_start3A_183] : memref<10240x128xf32, #tpu.memory_space<hbm>> -> memref<10240x128xf32, #tpu.memory_space<hbm>>
    tpu.enqueue_indirect_dma source(%dma_start3A_184 : memref<10240x128xf32, #tpu.memory_space<hbm>>) target(%arg8 : memref<64x128xf32, #tpu.memory_space<vmem>>) offsets(%dma_start3A_181 : memref<64xi32, #tpu.memory_space<vmem>>) semaphore(%arg13 : memref<!tpu.dma_semaphore, #tpu.memory_space<semaphore_mem>>)
    %dma_start3A_185 = arith.constant 1 : i32
    %dma_start3A_186 = arith.constant 0 : i32
    %dma_start3A_187 = tpu.memref_slice %arg6[%dma_start3A_185, %dma_start3A_186] : memref<40x64xi32, #tpu.memory_space<vmem>> -> memref<1x64xi32, #tpu.memory_space<vmem>>
    %dma_start3A_188 = tpu.memref_squeeze %dma_start3A_187 : memref<1x64xi32, #tpu.memory_space<vmem>> -> memref<64xi32, #tpu.memory_space<vmem>>
    %dma_start3A_189 = arith.constant 0 : i32
    %dma_start3A_190 = arith.constant 0 : i32
    %dma_start3A_191 = tpu.memref_slice %arg2[%dma_start3A_189, %dma_start3A_190] : memref<10240x128xf32, #tpu.memory_space<hbm>> -> memref<10240x128xf32, #tpu.memory_space<hbm>>
    tpu.enqueue_indirect_dma source(%dma_start3A_191 : memref<10240x128xf32, #tpu.memory_space<hbm>>) target(%arg9 : memref<64x128xf32, #tpu.memory_space<vmem>>) offsets(%dma_start3A_188 : memref<64xi32, #tpu.memory_space<vmem>>) semaphore(%arg14 : memref<!tpu.dma_semaphore, #tpu.memory_space<semaphore_mem>>)
    %dma_wait3A_192 = arith.constant 0 : i32
    %dma_wait3A_193 = arith.constant 0 : i32
    %dma_wait3A_194 = tpu.memref_slice %arg6[%dma_wait3A_192, %dma_wait3A_193] : memref<40x64xi32, #tpu.memory_space<vmem>> -> memref<1x64xi32, #tpu.memory_space<vmem>>
    %dma_wait3A_195 = tpu.memref_squeeze %dma_wait3A_194 : memref<1x64xi32, #tpu.memory_space<vmem>> -> memref<64xi32, #tpu.memory_space<vmem>>
    %dma_wait3A_196 = arith.constant 0 : i32
    %dma_wait3A_197 = arith.constant 0 : i32
    %dma_wait3A_198 = tpu.memref_slice %arg2[%dma_wait3A_196, %dma_wait3A_197] : memref<10240x128xf32, #tpu.memory_space<hbm>> -> memref<10240x128xf32, #tpu.memory_space<hbm>>
    tpu.wait_indirect_dma semaphore(%arg13 : memref<!tpu.dma_semaphore, #tpu.memory_space<semaphore_mem>>) src(%dma_wait3A_198 : memref<10240x128xf32, #tpu.memory_space<hbm>>) dst(%arg8 : memref<64x128xf32, #tpu.memory_space<vmem>>)
    %dma_start3A_199 = arith.constant 0 : i32
    %dma_start3A_200 = arith.constant 0 : i32
    %dma_start3A_201 = tpu.memref_slice %arg7[%dma_start3A_199, %dma_start3A_200] : memref<40x64xi32, #tpu.memory_space<vmem>> -> memref<1x64xi32, #tpu.memory_space<vmem>>
    %dma_start3A_202 = tpu.memref_squeeze %dma_start3A_201 : memref<1x64xi32, #tpu.memory_space<vmem>> -> memref<64xi32, #tpu.memory_space<vmem>>
    %dma_start3A_203 = arith.constant 0 : i32
    %dma_start3A_204 = arith.constant 0 : i32
    %dma_start3A_205 = tpu.memref_slice %arg12[%dma_start3A_203, %dma_start3A_204] : memref<10240x128xf32, #tpu.memory_space<vmem_shared>> -> memref<10240x128xf32, #tpu.memory_space<vmem_shared>>
    tpu.enqueue_indirect_dma source(%arg8 : memref<64x128xf32, #tpu.memory_space<vmem>>) target(%dma_start3A_205 : memref<10240x128xf32, #tpu.memory_space<vmem_shared>>) offsets(%dma_start3A_202 : memref<64xi32, #tpu.memory_space<vmem>>) semaphore(%arg17 : memref<!tpu.dma_semaphore, #tpu.memory_space<semaphore_mem>>) {add = true}
    %dma_start3A_206 = arith.constant 2 : i32
    %dma_start3A_207 = arith.constant 0 : i32
    %dma_start3A_208 = tpu.memref_slice %arg6[%dma_start3A_206, %dma_start3A_207] : memref<40x64xi32, #tpu.memory_space<vmem>> -> memref<1x64xi32, #tpu.memory_space<vmem>>
    %dma_start3A_209 = tpu.memref_squeeze %dma_start3A_208 : memref<1x64xi32, #tpu.memory_space<vmem>> -> memref<64xi32, #tpu.memory_space<vmem>>
    %dma_start3A_210 = arith.constant 0 : i32
    %dma_start3A_211 = arith.constant 0 : i32
    %dma_start3A_212 = tpu.memref_slice %arg2[%dma_start3A_210, %dma_start3A_211] : memref<10240x128xf32, #tpu.memory_space<hbm>> -> memref<10240x128xf32, #tpu.memory_space<hbm>>
    tpu.enqueue_indirect_dma source(%dma_start3A_212 : memref<10240x128xf32, #tpu.memory_space<hbm>>) target(%arg10 : memref<64x128xf32, #tpu.memory_space<vmem>>) offsets(%dma_start3A_209 : memref<64xi32, #tpu.memory_space<vmem>>) semaphore(%arg15 : memref<!tpu.dma_semaphore, #tpu.memory_space<semaphore_mem>>)
    %dma_wait3A_213 = arith.constant 1 : i32
    %dma_wait3A_214 = arith.constant 0 : i32
    %dma_wait3A_215 = tpu.memref_slice %arg6[%dma_wait3A_213, %dma_wait3A_214] : memref<40x64xi32, #tpu.memory_space<vmem>> -> memref<1x64xi32, #tpu.memory_space<vmem>>
    %dma_wait3A_216 = tpu.memref_squeeze %dma_wait3A_215 : memref<1x64xi32, #tpu.memory_space<vmem>> -> memref<64xi32, #tpu.memory_space<vmem>>
    %dma_wait3A_217 = arith.constant 0 : i32
    %dma_wait3A_218 = arith.constant 0 : i32
    %dma_wait3A_219 = tpu.memref_slice %arg2[%dma_wait3A_217, %dma_wait3A_218] : memref<10240x128xf32, #tpu.memory_space<hbm>> -> memref<10240x128xf32, #tpu.memory_space<hbm>>
    tpu.wait_indirect_dma semaphore(%arg14 : memref<!tpu.dma_semaphore, #tpu.memory_space<semaphore_mem>>) src(%dma_wait3A_219 : memref<10240x128xf32, #tpu.memory_space<hbm>>) dst(%arg9 : memref<64x128xf32, #tpu.memory_space<vmem>>)
    %dma_start3A_220 = arith.constant 1 : i32
    %dma_start3A_221 = arith.constant 0 : i32
    %dma_start3A_222 = tpu.memref_slice %arg7[%dma_start3A_220, %dma_start3A_221] : memref<40x64xi32, #tpu.memory_space<vmem>> -> memref<1x64xi32, #tpu.memory_space<vmem>>
    %dma_start3A_223 = tpu.memref_squeeze %dma_start3A_222 : memref<1x64xi32, #tpu.memory_space<vmem>> -> memref<64xi32, #tpu.memory_space<vmem>>
    %dma_start3A_224 = arith.constant 0 : i32
    %dma_start3A_225 = arith.constant 0 : i32
    %dma_start3A_226 = tpu.memref_slice %arg12[%dma_start3A_224, %dma_start3A_225] : memref<10240x128xf32, #tpu.memory_space<vmem_shared>> -> memref<10240x128xf32, #tpu.memory_space<vmem_shared>>
    tpu.enqueue_indirect_dma source(%arg9 : memref<64x128xf32, #tpu.memory_space<vmem>>) target(%dma_start3A_226 : memref<10240x128xf32, #tpu.memory_space<vmem_shared>>) offsets(%dma_start3A_223 : memref<64xi32, #tpu.memory_space<vmem>>) semaphore(%arg18 : memref<!tpu.dma_semaphore, #tpu.memory_space<semaphore_mem>>) {add = true}
    %dma_start3A_227 = arith.constant 3 : i32
    %dma_start3A_228 = arith.constant 0 : i32
    %dma_start3A_229 = tpu.memref_slice %arg6[%dma_start3A_227, %dma_start3A_228] : memref<40x64xi32, #tpu.memory_space<vmem>> -> memref<1x64xi32, #tpu.memory_space<vmem>>
    %dma_start3A_230 = tpu.memref_squeeze %dma_start3A_229 : memref<1x64xi32, #tpu.memory_space<vmem>> -> memref<64xi32, #tpu.memory_space<vmem>>
    %dma_start3A_231 = arith.constant 0 : i32
    %dma_start3A_232 = arith.constant 0 : i32
    %dma_start3A_233 = tpu.memref_slice %arg2[%dma_start3A_231, %dma_start3A_232] : memref<10240x128xf32, #tpu.memory_space<hbm>> -> memref<10240x128xf32, #tpu.memory_space<hbm>>
    tpu.enqueue_indirect_dma source(%dma_start3A_233 : memref<10240x128xf32, #tpu.memory_space<hbm>>) target(%arg11 : memref<64x128xf32, #tpu.memory_space<vmem>>) offsets(%dma_start3A_230 : memref<64xi32, #tpu.memory_space<vmem>>) semaphore(%arg16 : memref<!tpu.dma_semaphore, #tpu.memory_space<semaphore_mem>>)
    %dma_wait3A_234 = arith.constant 2 : i32
    %dma_wait3A_235 = arith.constant 0 : i32
    %dma_wait3A_236 = tpu.memref_slice %arg6[%dma_wait3A_234, %dma_wait3A_235] : memref<40x64xi32, #tpu.memory_space<vmem>> -> memref<1x64xi32, #tpu.memory_space<vmem>>
    %dma_wait3A_237 = tpu.memref_squeeze %dma_wait3A_236 : memref<1x64xi32, #tpu.memory_space<vmem>> -> memref<64xi32, #tpu.memory_space<vmem>>
    %dma_wait3A_238 = arith.constant 0 : i32
    %dma_wait3A_239 = arith.constant 0 : i32
    %dma_wait3A_240 = tpu.memref_slice %arg2[%dma_wait3A_238, %dma_wait3A_239] : memref<10240x128xf32, #tpu.memory_space<hbm>> -> memref<10240x128xf32, #tpu.memory_space<hbm>>
    tpu.wait_indirect_dma semaphore(%arg15 : memref<!tpu.dma_semaphore, #tpu.memory_space<semaphore_mem>>) src(%dma_wait3A_240 : memref<10240x128xf32, #tpu.memory_space<hbm>>) dst(%arg10 : memref<64x128xf32, #tpu.memory_space<vmem>>)
    %dma_start3A_241 = arith.constant 2 : i32
    %dma_start3A_242 = arith.constant 0 : i32
    %dma_start3A_243 = tpu.memref_slice %arg7[%dma_start3A_241, %dma_start3A_242] : memref<40x64xi32, #tpu.memory_space<vmem>> -> memref<1x64xi32, #tpu.memory_space<vmem>>
    %dma_start3A_244 = tpu.memref_squeeze %dma_start3A_243 : memref<1x64xi32, #tpu.memory_space<vmem>> -> memref<64xi32, #tpu.memory_space<vmem>>
    %dma_start3A_245 = arith.constant 0 : i32
    %dma_start3A_246 = arith.constant 0 : i32
    %dma_start3A_247 = tpu.memref_slice %arg12[%dma_start3A_245, %dma_start3A_246] : memref<10240x128xf32, #tpu.memory_space<vmem_shared>> -> memref<10240x128xf32, #tpu.memory_space<vmem_shared>>
    tpu.enqueue_indirect_dma source(%arg10 : memref<64x128xf32, #tpu.memory_space<vmem>>) target(%dma_start3A_247 : memref<10240x128xf32, #tpu.memory_space<vmem_shared>>) offsets(%dma_start3A_244 : memref<64xi32, #tpu.memory_space<vmem>>) semaphore(%arg19 : memref<!tpu.dma_semaphore, #tpu.memory_space<semaphore_mem>>) {add = true}
    %dma_wait3A_248 = arith.constant 0 : i32
    %dma_wait3A_249 = arith.constant 0 : i32
    %dma_wait3A_250 = tpu.memref_slice %arg7[%dma_wait3A_248, %dma_wait3A_249] : memref<40x64xi32, #tpu.memory_space<vmem>> -> memref<1x64xi32, #tpu.memory_space<vmem>>
    %dma_wait3A_251 = tpu.memref_squeeze %dma_wait3A_250 : memref<1x64xi32, #tpu.memory_space<vmem>> -> memref<64xi32, #tpu.memory_space<vmem>>
    %dma_wait3A_252 = arith.constant 0 : i32
    %dma_wait3A_253 = arith.constant 0 : i32
    %dma_wait3A_254 = tpu.memref_slice %arg12[%dma_wait3A_252, %dma_wait3A_253] : memref<10240x128xf32, #tpu.memory_space<vmem_shared>> -> memref<10240x128xf32, #tpu.memory_space<vmem_shared>>
    tpu.wait_indirect_dma semaphore(%arg17 : memref<!tpu.dma_semaphore, #tpu.memory_space<semaphore_mem>>) src(%arg8 : memref<64x128xf32, #tpu.memory_space<vmem>>) dst(%dma_wait3A_254 : memref<10240x128xf32, #tpu.memory_space<vmem_shared>>)
    %dma_start3A_255 = arith.constant 4 : i32
    %dma_start3A_256 = arith.constant 0 : i32
    %dma_start3A_257 = tpu.memref_slice %arg6[%dma_start3A_255, %dma_start3A_256] : memref<40x64xi32, #tpu.memory_space<vmem>> -> memref<1x64xi32, #tpu.memory_space<vmem>>
    %dma_start3A_258 = tpu.memref_squeeze %dma_start3A_257 : memref<1x64xi32, #tpu.memory_space<vmem>> -> memref<64xi32, #tpu.memory_space<vmem>>
    %dma_start3A_259 = arith.constant 0 : i32
    %dma_start3A_260 = arith.constant 0 : i32
    %dma_start3A_261 = tpu.memref_slice %arg2[%dma_start3A_259, %dma_start3A_260] : memref<10240x128xf32, #tpu.memory_space<hbm>> -> memref<10240x128xf32, #tpu.memory_space<hbm>>
    tpu.enqueue_indirect_dma source(%dma_start3A_261 : memref<10240x128xf32, #tpu.memory_space<hbm>>) target(%arg8 : memref<64x128xf32, #tpu.memory_space<vmem>>) offsets(%dma_start3A_258 : memref<64xi32, #tpu.memory_space<vmem>>) semaphore(%arg13 : memref<!tpu.dma_semaphore, #tpu.memory_space<semaphore_mem>>)
    %dma_wait3A_262 = arith.constant 3 : i32
    %dma_wait3A_263 = arith.constant 0 : i32
    %dma_wait3A_264 = tpu.memref_slice %arg6[%dma_wait3A_262, %dma_wait3A_263] : memref<40x64xi32, #tpu.memory_space<vmem>> -> memref<1x64xi32, #tpu.memory_space<vmem>>
    %dma_wait3A_265 = tpu.memref_squeeze %dma_wait3A_264 : memref<1x64xi32, #tpu.memory_space<vmem>> -> memref<64xi32, #tpu.memory_space<vmem>>
    %dma_wait3A_266 = arith.constant 0 : i32
    %dma_wait3A_267 = arith.constant 0 : i32
    %dma_wait3A_268 = tpu.memref_slice %arg2[%dma_wait3A_266, %dma_wait3A_267] : memref<10240x128xf32, #tpu.memory_space<hbm>> -> memref<10240x128xf32, #tpu.memory_space<hbm>>
    tpu.wait_indirect_dma semaphore(%arg16 : memref<!tpu.dma_semaphore, #tpu.memory_space<semaphore_mem>>) src(%dma_wait3A_268 : memref<10240x128xf32, #tpu.memory_space<hbm>>) dst(%arg11 : memref<64x128xf32, #tpu.memory_space<vmem>>)
    %dma_start3A_269 = arith.constant 3 : i32
    %dma_start3A_270 = arith.constant 0 : i32
    %dma_start3A_271 = tpu.memref_slice %arg7[%dma_start3A_269, %dma_start3A_270] : memref<40x64xi32, #tpu.memory_space<vmem>> -> memref<1x64xi32, #tpu.memory_space<vmem>>
    %dma_start3A_272 = tpu.memref_squeeze %dma_start3A_271 : memref<1x64xi32, #tpu.memory_space<vmem>> -> memref<64xi32, #tpu.memory_space<vmem>>
    %dma_start3A_273 = arith.constant 0 : i32
    %dma_start3A_274 = arith.constant 0 : i32
    %dma_start3A_275 = tpu.memref_slice %arg12[%dma_start3A_273, %dma_start3A_274] : memref<10240x128xf32, #tpu.memory_space<vmem_shared>> -> memref<10240x128xf32, #tpu.memory_space<vmem_shared>>
    tpu.enqueue_indirect_dma source(%arg11 : memref<64x128xf32, #tpu.memory_space<vmem>>) target(%dma_start3A_275 : memref<10240x128xf32, #tpu.memory_space<vmem_shared>>) offsets(%dma_start3A_272 : memref<64xi32, #tpu.memory_space<vmem>>) semaphore(%arg20 : memref<!tpu.dma_semaphore, #tpu.memory_space<semaphore_mem>>) {add = true}
    %dma_wait3A_276 = arith.constant 1 : i32
    %dma_wait3A_277 = arith.constant 0 : i32
    %dma_wait3A_278 = tpu.memref_slice %arg7[%dma_wait3A_276, %dma_wait3A_277] : memref<40x64xi32, #tpu.memory_space<vmem>> -> memref<1x64xi32, #tpu.memory_space<vmem>>
    %dma_wait3A_279 = tpu.memref_squeeze %dma_wait3A_278 : memref<1x64xi32, #tpu.memory_space<vmem>> -> memref<64xi32, #tpu.memory_space<vmem>>
    %dma_wait3A_280 = arith.constant 0 : i32
    %dma_wait3A_281 = arith.constant 0 : i32
    %dma_wait3A_282 = tpu.memref_slice %arg12[%dma_wait3A_280, %dma_wait3A_281] : memref<10240x128xf32, #tpu.memory_space<vmem_shared>> -> memref<10240x128xf32, #tpu.memory_space<vmem_shared>>
    tpu.wait_indirect_dma semaphore(%arg18 : memref<!tpu.dma_semaphore, #tpu.memory_space<semaphore_mem>>) src(%arg9 : memref<64x128xf32, #tpu.memory_space<vmem>>) dst(%dma_wait3A_282 : memref<10240x128xf32, #tpu.memory_space<vmem_shared>>)
    %dma_start3A_283 = arith.constant 5 : i32
    %dma_start3A_284 = arith.constant 0 : i32
    %dma_start3A_285 = tpu.memref_slice %arg6[%dma_start3A_283, %dma_start3A_284] : memref<40x64xi32, #tpu.memory_space<vmem>> -> memref<1x64xi32, #tpu.memory_space<vmem>>
    %dma_start3A_286 = tpu.memref_squeeze %dma_start3A_285 : memref<1x64xi32, #tpu.memory_space<vmem>> -> memref<64xi32, #tpu.memory_space<vmem>>
    %dma_start3A_287 = arith.constant 0 : i32
    %dma_start3A_288 = arith.constant 0 : i32
    %dma_start3A_289 = tpu.memref_slice %arg2[%dma_start3A_287, %dma_start3A_288] : memref<10240x128xf32, #tpu.memory_space<hbm>> -> memref<10240x128xf32, #tpu.memory_space<hbm>>
    tpu.enqueue_indirect_dma source(%dma_start3A_289 : memref<10240x128xf32, #tpu.memory_space<hbm>>) target(%arg9 : memref<64x128xf32, #tpu.memory_space<vmem>>) offsets(%dma_start3A_286 : memref<64xi32, #tpu.memory_space<vmem>>) semaphore(%arg14 : memref<!tpu.dma_semaphore, #tpu.memory_space<semaphore_mem>>)
    %scan3A_290 = arith.constant 0 : i32
    %scan3A_291 = arith.constant 9 : i32
    %scan3A_292 = arith.addi %scan3A_290, %scan3A_291 : i32
    %scan3A_293 = arith.constant 1 : i32
    scf.for %scan3A_314 = %scan3A_290 to %scan3A_292 step %scan3A_293  : i32 {
      %mul3A_315 = arith.constant 1 : i32
      %mul3A_316 = arith.muli %scan3A_314, %mul3A_315 : i32
      %add3A_317 = arith.constant 1 : i32
      %add3A_318 = arith.addi %add3A_317, %mul3A_316 : i32
      %mul3A_319 = arith.constant 4 : i32
      %mul3A_320 = arith.muli %add3A_318, %mul3A_319 : i32
      %add3A_321 = arith.constant 0 : i32
      %add3A_322 = arith.addi %mul3A_320, %add3A_321 : i32
      %dma_wait3A_323 = arith.constant 0 : i32
      %dma_wait3A_324 = tpu.memref_slice %arg6[%add3A_322, %dma_wait3A_323] : memref<40x64xi32, #tpu.memory_space<vmem>> -> memref<1x64xi32, #tpu.memory_space<vmem>>
      %dma_wait3A_325 = tpu.memref_squeeze %dma_wait3A_324 : memref<1x64xi32, #tpu.memory_space<vmem>> -> memref<64xi32, #tpu.memory_space<vmem>>
      %dma_wait3A_326 = arith.constant 0 : i32
      %dma_wait3A_327 = arith.constant 0 : i32
      %dma_wait3A_328 = tpu.memref_slice %arg2[%dma_wait3A_326, %dma_wait3A_327] : memref<10240x128xf32, #tpu.memory_space<hbm>> -> memref<10240x128xf32, #tpu.memory_space<hbm>>
      tpu.wait_indirect_dma semaphore(%arg13 : memref<!tpu.dma_semaphore, #tpu.memory_space<semaphore_mem>>) src(%dma_wait3A_328 : memref<10240x128xf32, #tpu.memory_space<hbm>>) dst(%arg8 : memref<64x128xf32, #tpu.memory_space<vmem>>)
      %dma_start3A_329 = arith.constant 0 : i32
      %dma_start3A_330 = tpu.memref_slice %arg7[%add3A_322, %dma_start3A_329] : memref<40x64xi32, #tpu.memory_space<vmem>> -> memref<1x64xi32, #tpu.memory_space<vmem>>
      %dma_start3A_331 = tpu.memref_squeeze %dma_start3A_330 : memref<1x64xi32, #tpu.memory_space<vmem>> -> memref<64xi32, #tpu.memory_space<vmem>>
      %dma_start3A_332 = arith.constant 0 : i32
      %dma_start3A_333 = arith.constant 0 : i32
      %dma_start3A_334 = tpu.memref_slice %arg12[%dma_start3A_332, %dma_start3A_333] : memref<10240x128xf32, #tpu.memory_space<vmem_shared>> -> memref<10240x128xf32, #tpu.memory_space<vmem_shared>>
      tpu.enqueue_indirect_dma source(%arg8 : memref<64x128xf32, #tpu.memory_space<vmem>>) target(%dma_start3A_334 : memref<10240x128xf32, #tpu.memory_space<vmem_shared>>) offsets(%dma_start3A_331 : memref<64xi32, #tpu.memory_space<vmem>>) semaphore(%arg17 : memref<!tpu.dma_semaphore, #tpu.memory_space<semaphore_mem>>) {add = true}
      %sub3A = arith.constant 2 : i32
      %sub3A_335 = arith.subi %add3A_322, %sub3A : i32
      %dma_wait3A_336 = arith.constant 0 : i32
      %dma_wait3A_337 = tpu.memref_slice %arg7[%sub3A_335, %dma_wait3A_336] : memref<40x64xi32, #tpu.memory_space<vmem>> -> memref<1x64xi32, #tpu.memory_space<vmem>>
      %dma_wait3A_338 = tpu.memref_squeeze %dma_wait3A_337 : memref<1x64xi32, #tpu.memory_space<vmem>> -> memref<64xi32, #tpu.memory_space<vmem>>
      %dma_wait3A_339 = arith.constant 0 : i32
      %dma_wait3A_340 = arith.constant 0 : i32
      %dma_wait3A_341 = tpu.memref_slice %arg12[%dma_wait3A_339, %dma_wait3A_340] : memref<10240x128xf32, #tpu.memory_space<vmem_shared>> -> memref<10240x128xf32, #tpu.memory_space<vmem_shared>>
      tpu.wait_indirect_dma semaphore(%arg19 : memref<!tpu.dma_semaphore, #tpu.memory_space<semaphore_mem>>) src(%arg10 : memref<64x128xf32, #tpu.memory_space<vmem>>) dst(%dma_wait3A_341 : memref<10240x128xf32, #tpu.memory_space<vmem_shared>>)
      %add3A_342 = arith.constant 2 : i32
      %add3A_343 = arith.addi %add3A_322, %add3A_342 : i32
      %lt3A = arith.constant 40 : i32
      %lt3A_344 = arith.cmpi slt, %add3A_343, %lt3A : i32
      %convert_element_type3A = arith.extui %lt3A_344 : i1 to i32
      %cond3A = arith.constant 0 : i32
      %cond3A_345 = arith.cmpi ne, %convert_element_type3A, %cond3A : i32
      scf.if %cond3A_345 {
        %add3A_439 = arith.constant 2 : i32
        %add3A_440 = arith.addi %add3A_322, %add3A_439 : i32
        %dma_start3A_441 = arith.constant 0 : i32
        %dma_start3A_442 = tpu.memref_slice %arg6[%add3A_440, %dma_start3A_441] : memref<40x64xi32, #tpu.memory_space<vmem>> -> memref<1x64xi32, #tpu.memory_space<vmem>>
        %dma_start3A_443 = tpu.memref_squeeze %dma_start3A_442 : memref<1x64xi32, #tpu.memory_space<vmem>> -> memref<64xi32, #tpu.memory_space<vmem>>
        %dma_start3A_444 = arith.constant 0 : i32
        %dma_start3A_445 = arith.constant 0 : i32
        %dma_start3A_446 = tpu.memref_slice %arg2[%dma_start3A_444, %dma_start3A_445] : memref<10240x128xf32, #tpu.memory_space<hbm>> -> memref<10240x128xf32, #tpu.memory_space<hbm>>
        tpu.enqueue_indirect_dma source(%dma_start3A_446 : memref<10240x128xf32, #tpu.memory_space<hbm>>) target(%arg10 : memref<64x128xf32, #tpu.memory_space<vmem>>) offsets(%dma_start3A_443 : memref<64xi32, #tpu.memory_space<vmem>>) semaphore(%arg15 : memref<!tpu.dma_semaphore, #tpu.memory_space<semaphore_mem>>)
      } else {
      }
      %mul3A_346 = arith.constant 4 : i32
      %mul3A_347 = arith.muli %add3A_318, %mul3A_346 : i32
      %add3A_348 = arith.constant 1 : i32
      %add3A_349 = arith.addi %mul3A_347, %add3A_348 : i32
      %dma_wait3A_350 = arith.constant 0 : i32
      %dma_wait3A_351 = tpu.memref_slice %arg6[%add3A_349, %dma_wait3A_350] : memref<40x64xi32, #tpu.memory_space<vmem>> -> memref<1x64xi32, #tpu.memory_space<vmem>>
      %dma_wait3A_352 = tpu.memref_squeeze %dma_wait3A_351 : memref<1x64xi32, #tpu.memory_space<vmem>> -> memref<64xi32, #tpu.memory_space<vmem>>
      %dma_wait3A_353 = arith.constant 0 : i32
      %dma_wait3A_354 = arith.constant 0 : i32
      %dma_wait3A_355 = tpu.memref_slice %arg2[%dma_wait3A_353, %dma_wait3A_354] : memref<10240x128xf32, #tpu.memory_space<hbm>> -> memref<10240x128xf32, #tpu.memory_space<hbm>>
      tpu.wait_indirect_dma semaphore(%arg14 : memref<!tpu.dma_semaphore, #tpu.memory_space<semaphore_mem>>) src(%dma_wait3A_355 : memref<10240x128xf32, #tpu.memory_space<hbm>>) dst(%arg9 : memref<64x128xf32, #tpu.memory_space<vmem>>)
      %dma_start3A_356 = arith.constant 0 : i32
      %dma_start3A_357 = tpu.memref_slice %arg7[%add3A_349, %dma_start3A_356] : memref<40x64xi32, #tpu.memory_space<vmem>> -> memref<1x64xi32, #tpu.memory_space<vmem>>
      %dma_start3A_358 = tpu.memref_squeeze %dma_start3A_357 : memref<1x64xi32, #tpu.memory_space<vmem>> -> memref<64xi32, #tpu.memory_space<vmem>>
      %dma_start3A_359 = arith.constant 0 : i32
      %dma_start3A_360 = arith.constant 0 : i32
      %dma_start3A_361 = tpu.memref_slice %arg12[%dma_start3A_359, %dma_start3A_360] : memref<10240x128xf32, #tpu.memory_space<vmem_shared>> -> memref<10240x128xf32, #tpu.memory_space<vmem_shared>>
      tpu.enqueue_indirect_dma source(%arg9 : memref<64x128xf32, #tpu.memory_space<vmem>>) target(%dma_start3A_361 : memref<10240x128xf32, #tpu.memory_space<vmem_shared>>) offsets(%dma_start3A_358 : memref<64xi32, #tpu.memory_space<vmem>>) semaphore(%arg18 : memref<!tpu.dma_semaphore, #tpu.memory_space<semaphore_mem>>) {add = true}
      %sub3A_362 = arith.constant 2 : i32
      %sub3A_363 = arith.subi %add3A_349, %sub3A_362 : i32
      %dma_wait3A_364 = arith.constant 0 : i32
      %dma_wait3A_365 = tpu.memref_slice %arg7[%sub3A_363, %dma_wait3A_364] : memref<40x64xi32, #tpu.memory_space<vmem>> -> memref<1x64xi32, #tpu.memory_space<vmem>>
      %dma_wait3A_366 = tpu.memref_squeeze %dma_wait3A_365 : memref<1x64xi32, #tpu.memory_space<vmem>> -> memref<64xi32, #tpu.memory_space<vmem>>
      %dma_wait3A_367 = arith.constant 0 : i32
      %dma_wait3A_368 = arith.constant 0 : i32
      %dma_wait3A_369 = tpu.memref_slice %arg12[%dma_wait3A_367, %dma_wait3A_368] : memref<10240x128xf32, #tpu.memory_space<vmem_shared>> -> memref<10240x128xf32, #tpu.memory_space<vmem_shared>>
      tpu.wait_indirect_dma semaphore(%arg20 : memref<!tpu.dma_semaphore, #tpu.memory_space<semaphore_mem>>) src(%arg11 : memref<64x128xf32, #tpu.memory_space<vmem>>) dst(%dma_wait3A_369 : memref<10240x128xf32, #tpu.memory_space<vmem_shared>>)
      %add3A_370 = arith.constant 2 : i32
      %add3A_371 = arith.addi %add3A_349, %add3A_370 : i32
      %lt3A_372 = arith.constant 40 : i32
      %lt3A_373 = arith.cmpi slt, %add3A_371, %lt3A_372 : i32
      %convert_element_type3A_374 = arith.extui %lt3A_373 : i1 to i32
      %cond3A_375 = arith.constant 0 : i32
      %cond3A_376 = arith.cmpi ne, %convert_element_type3A_374, %cond3A_375 : i32
      scf.if %cond3A_376 {
        %add3A_439 = arith.constant 2 : i32
        %add3A_440 = arith.addi %add3A_349, %add3A_439 : i32
        %dma_start3A_441 = arith.constant 0 : i32
        %dma_start3A_442 = tpu.memref_slice %arg6[%add3A_440, %dma_start3A_441] : memref<40x64xi32, #tpu.memory_space<vmem>> -> memref<1x64xi32, #tpu.memory_space<vmem>>
        %dma_start3A_443 = tpu.memref_squeeze %dma_start3A_442 : memref<1x64xi32, #tpu.memory_space<vmem>> -> memref<64xi32, #tpu.memory_space<vmem>>
        %dma_start3A_444 = arith.constant 0 : i32
        %dma_start3A_445 = arith.constant 0 : i32
        %dma_start3A_446 = tpu.memref_slice %arg2[%dma_start3A_444, %dma_start3A_445] : memref<10240x128xf32, #tpu.memory_space<hbm>> -> memref<10240x128xf32, #tpu.memory_space<hbm>>
        tpu.enqueue_indirect_dma source(%dma_start3A_446 : memref<10240x128xf32, #tpu.memory_space<hbm>>) target(%arg11 : memref<64x128xf32, #tpu.memory_space<vmem>>) offsets(%dma_start3A_443 : memref<64xi32, #tpu.memory_space<vmem>>) semaphore(%arg16 : memref<!tpu.dma_semaphore, #tpu.memory_space<semaphore_mem>>)
      } else {
      }
      %mul3A_377 = arith.constant 4 : i32
      %mul3A_378 = arith.muli %add3A_318, %mul3A_377 : i32
      %add3A_379 = arith.constant 2 : i32
      %add3A_380 = arith.addi %mul3A_378, %add3A_379 : i32
      %dma_wait3A_381 = arith.constant 0 : i32
      %dma_wait3A_382 = tpu.memref_slice %arg6[%add3A_380, %dma_wait3A_381] : memref<40x64xi32, #tpu.memory_space<vmem>> -> memref<1x64xi32, #tpu.memory_space<vmem>>
      %dma_wait3A_383 = tpu.memref_squeeze %dma_wait3A_382 : memref<1x64xi32, #tpu.memory_space<vmem>> -> memref<64xi32, #tpu.memory_space<vmem>>
      %dma_wait3A_384 = arith.constant 0 : i32
      %dma_wait3A_385 = arith.constant 0 : i32
      %dma_wait3A_386 = tpu.memref_slice %arg2[%dma_wait3A_384, %dma_wait3A_385] : memref<10240x128xf32, #tpu.memory_space<hbm>> -> memref<10240x128xf32, #tpu.memory_space<hbm>>
      tpu.wait_indirect_dma semaphore(%arg15 : memref<!tpu.dma_semaphore, #tpu.memory_space<semaphore_mem>>) src(%dma_wait3A_386 : memref<10240x128xf32, #tpu.memory_space<hbm>>) dst(%arg10 : memref<64x128xf32, #tpu.memory_space<vmem>>)
      %dma_start3A_387 = arith.constant 0 : i32
      %dma_start3A_388 = tpu.memref_slice %arg7[%add3A_380, %dma_start3A_387] : memref<40x64xi32, #tpu.memory_space<vmem>> -> memref<1x64xi32, #tpu.memory_space<vmem>>
      %dma_start3A_389 = tpu.memref_squeeze %dma_start3A_388 : memref<1x64xi32, #tpu.memory_space<vmem>> -> memref<64xi32, #tpu.memory_space<vmem>>
      %dma_start3A_390 = arith.constant 0 : i32
      %dma_start3A_391 = arith.constant 0 : i32
      %dma_start3A_392 = tpu.memref_slice %arg12[%dma_start3A_390, %dma_start3A_391] : memref<10240x128xf32, #tpu.memory_space<vmem_shared>> -> memref<10240x128xf32, #tpu.memory_space<vmem_shared>>
      tpu.enqueue_indirect_dma source(%arg10 : memref<64x128xf32, #tpu.memory_space<vmem>>) target(%dma_start3A_392 : memref<10240x128xf32, #tpu.memory_space<vmem_shared>>) offsets(%dma_start3A_389 : memref<64xi32, #tpu.memory_space<vmem>>) semaphore(%arg19 : memref<!tpu.dma_semaphore, #tpu.memory_space<semaphore_mem>>) {add = true}
      %sub3A_393 = arith.constant 2 : i32
      %sub3A_394 = arith.subi %add3A_380, %sub3A_393 : i32
      %dma_wait3A_395 = arith.constant 0 : i32
      %dma_wait3A_396 = tpu.memref_slice %arg7[%sub3A_394, %dma_wait3A_395] : memref<40x64xi32, #tpu.memory_space<vmem>> -> memref<1x64xi32, #tpu.memory_space<vmem>>
      %dma_wait3A_397 = tpu.memref_squeeze %dma_wait3A_396 : memref<1x64xi32, #tpu.memory_space<vmem>> -> memref<64xi32, #tpu.memory_space<vmem>>
      %dma_wait3A_398 = arith.constant 0 : i32
      %dma_wait3A_399 = arith.constant 0 : i32
      %dma_wait3A_400 = tpu.memref_slice %arg12[%dma_wait3A_398, %dma_wait3A_399] : memref<10240x128xf32, #tpu.memory_space<vmem_shared>> -> memref<10240x128xf32, #tpu.memory_space<vmem_shared>>
      tpu.wait_indirect_dma semaphore(%arg17 : memref<!tpu.dma_semaphore, #tpu.memory_space<semaphore_mem>>) src(%arg8 : memref<64x128xf32, #tpu.memory_space<vmem>>) dst(%dma_wait3A_400 : memref<10240x128xf32, #tpu.memory_space<vmem_shared>>)
      %add3A_401 = arith.constant 2 : i32
      %add3A_402 = arith.addi %add3A_380, %add3A_401 : i32
      %lt3A_403 = arith.constant 40 : i32
      %lt3A_404 = arith.cmpi slt, %add3A_402, %lt3A_403 : i32
      %convert_element_type3A_405 = arith.extui %lt3A_404 : i1 to i32
      %cond3A_406 = arith.constant 0 : i32
      %cond3A_407 = arith.cmpi ne, %convert_element_type3A_405, %cond3A_406 : i32
      scf.if %cond3A_407 {
        %add3A_439 = arith.constant 2 : i32
        %add3A_440 = arith.addi %add3A_380, %add3A_439 : i32
        %dma_start3A_441 = arith.constant 0 : i32
        %dma_start3A_442 = tpu.memref_slice %arg6[%add3A_440, %dma_start3A_441] : memref<40x64xi32, #tpu.memory_space<vmem>> -> memref<1x64xi32, #tpu.memory_space<vmem>>
        %dma_start3A_443 = tpu.memref_squeeze %dma_start3A_442 : memref<1x64xi32, #tpu.memory_space<vmem>> -> memref<64xi32, #tpu.memory_space<vmem>>
        %dma_start3A_444 = arith.constant 0 : i32
        %dma_start3A_445 = arith.constant 0 : i32
        %dma_start3A_446 = tpu.memref_slice %arg2[%dma_start3A_444, %dma_start3A_445] : memref<10240x128xf32, #tpu.memory_space<hbm>> -> memref<10240x128xf32, #tpu.memory_space<hbm>>
        tpu.enqueue_indirect_dma source(%dma_start3A_446 : memref<10240x128xf32, #tpu.memory_space<hbm>>) target(%arg8 : memref<64x128xf32, #tpu.memory_space<vmem>>) offsets(%dma_start3A_443 : memref<64xi32, #tpu.memory_space<vmem>>) semaphore(%arg13 : memref<!tpu.dma_semaphore, #tpu.memory_space<semaphore_mem>>)
      } else {
      }
      %mul3A_408 = arith.constant 4 : i32
      %mul3A_409 = arith.muli %add3A_318, %mul3A_408 : i32
      %add3A_410 = arith.constant 3 : i32
      %add3A_411 = arith.addi %mul3A_409, %add3A_410 : i32
      %dma_wait3A_412 = arith.constant 0 : i32
      %dma_wait3A_413 = tpu.memref_slice %arg6[%add3A_411, %dma_wait3A_412] : memref<40x64xi32, #tpu.memory_space<vmem>> -> memref<1x64xi32, #tpu.memory_space<vmem>>
      %dma_wait3A_414 = tpu.memref_squeeze %dma_wait3A_413 : memref<1x64xi32, #tpu.memory_space<vmem>> -> memref<64xi32, #tpu.memory_space<vmem>>
      %dma_wait3A_415 = arith.constant 0 : i32
      %dma_wait3A_416 = arith.constant 0 : i32
      %dma_wait3A_417 = tpu.memref_slice %arg2[%dma_wait3A_415, %dma_wait3A_416] : memref<10240x128xf32, #tpu.memory_space<hbm>> -> memref<10240x128xf32, #tpu.memory_space<hbm>>
      tpu.wait_indirect_dma semaphore(%arg16 : memref<!tpu.dma_semaphore, #tpu.memory_space<semaphore_mem>>) src(%dma_wait3A_417 : memref<10240x128xf32, #tpu.memory_space<hbm>>) dst(%arg11 : memref<64x128xf32, #tpu.memory_space<vmem>>)
      %dma_start3A_418 = arith.constant 0 : i32
      %dma_start3A_419 = tpu.memref_slice %arg7[%add3A_411, %dma_start3A_418] : memref<40x64xi32, #tpu.memory_space<vmem>> -> memref<1x64xi32, #tpu.memory_space<vmem>>
      %dma_start3A_420 = tpu.memref_squeeze %dma_start3A_419 : memref<1x64xi32, #tpu.memory_space<vmem>> -> memref<64xi32, #tpu.memory_space<vmem>>
      %dma_start3A_421 = arith.constant 0 : i32
      %dma_start3A_422 = arith.constant 0 : i32
      %dma_start3A_423 = tpu.memref_slice %arg12[%dma_start3A_421, %dma_start3A_422] : memref<10240x128xf32, #tpu.memory_space<vmem_shared>> -> memref<10240x128xf32, #tpu.memory_space<vmem_shared>>
      tpu.enqueue_indirect_dma source(%arg11 : memref<64x128xf32, #tpu.memory_space<vmem>>) target(%dma_start3A_423 : memref<10240x128xf32, #tpu.memory_space<vmem_shared>>) offsets(%dma_start3A_420 : memref<64xi32, #tpu.memory_space<vmem>>) semaphore(%arg20 : memref<!tpu.dma_semaphore, #tpu.memory_space<semaphore_mem>>) {add = true}
      %sub3A_424 = arith.constant 2 : i32
      %sub3A_425 = arith.subi %add3A_411, %sub3A_424 : i32
      %dma_wait3A_426 = arith.constant 0 : i32
      %dma_wait3A_427 = tpu.memref_slice %arg7[%sub3A_425, %dma_wait3A_426] : memref<40x64xi32, #tpu.memory_space<vmem>> -> memref<1x64xi32, #tpu.memory_space<vmem>>
      %dma_wait3A_428 = tpu.memref_squeeze %dma_wait3A_427 : memref<1x64xi32, #tpu.memory_space<vmem>> -> memref<64xi32, #tpu.memory_space<vmem>>
      %dma_wait3A_429 = arith.constant 0 : i32
      %dma_wait3A_430 = arith.constant 0 : i32
      %dma_wait3A_431 = tpu.memref_slice %arg12[%dma_wait3A_429, %dma_wait3A_430] : memref<10240x128xf32, #tpu.memory_space<vmem_shared>> -> memref<10240x128xf32, #tpu.memory_space<vmem_shared>>
      tpu.wait_indirect_dma semaphore(%arg18 : memref<!tpu.dma_semaphore, #tpu.memory_space<semaphore_mem>>) src(%arg9 : memref<64x128xf32, #tpu.memory_space<vmem>>) dst(%dma_wait3A_431 : memref<10240x128xf32, #tpu.memory_space<vmem_shared>>)
      %add3A_432 = arith.constant 2 : i32
      %add3A_433 = arith.addi %add3A_411, %add3A_432 : i32
      %lt3A_434 = arith.constant 40 : i32
      %lt3A_435 = arith.cmpi slt, %add3A_433, %lt3A_434 : i32
      %convert_element_type3A_436 = arith.extui %lt3A_435 : i1 to i32
      %cond3A_437 = arith.constant 0 : i32
      %cond3A_438 = arith.cmpi ne, %convert_element_type3A_436, %cond3A_437 : i32
      scf.if %cond3A_438 {
        %add3A_439 = arith.constant 2 : i32
        %add3A_440 = arith.addi %add3A_411, %add3A_439 : i32
        %dma_start3A_441 = arith.constant 0 : i32
        %dma_start3A_442 = tpu.memref_slice %arg6[%add3A_440, %dma_start3A_441] : memref<40x64xi32, #tpu.memory_space<vmem>> -> memref<1x64xi32, #tpu.memory_space<vmem>>
        %dma_start3A_443 = tpu.memref_squeeze %dma_start3A_442 : memref<1x64xi32, #tpu.memory_space<vmem>> -> memref<64xi32, #tpu.memory_space<vmem>>
        %dma_start3A_444 = arith.constant 0 : i32
        %dma_start3A_445 = arith.constant 0 : i32
        %dma_start3A_446 = tpu.memref_slice %arg2[%dma_start3A_444, %dma_start3A_445] : memref<10240x128xf32, #tpu.memory_space<hbm>> -> memref<10240x128xf32, #tpu.memory_space<hbm>>
        tpu.enqueue_indirect_dma source(%dma_start3A_446 : memref<10240x128xf32, #tpu.memory_space<hbm>>) target(%arg9 : memref<64x128xf32, #tpu.memory_space<vmem>>) offsets(%dma_start3A_443 : memref<64xi32, #tpu.memory_space<vmem>>) semaphore(%arg14 : memref<!tpu.dma_semaphore, #tpu.memory_space<semaphore_mem>>)
      } else {
      }
    }
    %scan3A_294 = arith.constant 9 : i32
    %dma_wait3A_295 = arith.constant 38 : i32
    %dma_wait3A_296 = arith.constant 0 : i32
    %dma_wait3A_297 = tpu.memref_slice %arg7[%dma_wait3A_295, %dma_wait3A_296] : memref<40x64xi32, #tpu.memory_space<vmem>> -> memref<1x64xi32, #tpu.memory_space<vmem>>
    %dma_wait3A_298 = tpu.memref_squeeze %dma_wait3A_297 : memref<1x64xi32, #tpu.memory_space<vmem>> -> memref<64xi32, #tpu.memory_space<vmem>>
    %dma_wait3A_299 = arith.constant 0 : i32
    %dma_wait3A_300 = arith.constant 0 : i32
    %dma_wait3A_301 = tpu.memref_slice %arg12[%dma_wait3A_299, %dma_wait3A_300] : memref<10240x128xf32, #tpu.memory_space<vmem_shared>> -> memref<10240x128xf32, #tpu.memory_space<vmem_shared>>
    tpu.wait_indirect_dma semaphore(%arg19 : memref<!tpu.dma_semaphore, #tpu.memory_space<semaphore_mem>>) src(%arg10 : memref<64x128xf32, #tpu.memory_space<vmem>>) dst(%dma_wait3A_301 : memref<10240x128xf32, #tpu.memory_space<vmem_shared>>)
    %dma_wait3A_302 = arith.constant 39 : i32
    %dma_wait3A_303 = arith.constant 0 : i32
    %dma_wait3A_304 = tpu.memref_slice %arg7[%dma_wait3A_302, %dma_wait3A_303] : memref<40x64xi32, #tpu.memory_space<vmem>> -> memref<1x64xi32, #tpu.memory_space<vmem>>
    %dma_wait3A_305 = tpu.memref_squeeze %dma_wait3A_304 : memref<1x64xi32, #tpu.memory_space<vmem>> -> memref<64xi32, #tpu.memory_space<vmem>>
    %dma_wait3A_306 = arith.constant 0 : i32
    %dma_wait3A_307 = arith.constant 0 : i32
    %dma_wait3A_308 = tpu.memref_slice %arg12[%dma_wait3A_306, %dma_wait3A_307] : memref<10240x128xf32, #tpu.memory_space<vmem_shared>> -> memref<10240x128xf32, #tpu.memory_space<vmem_shared>>
    tpu.wait_indirect_dma semaphore(%arg20 : memref<!tpu.dma_semaphore, #tpu.memory_space<semaphore_mem>>) src(%arg11 : memref<64x128xf32, #tpu.memory_space<vmem>>) dst(%dma_wait3A_308 : memref<10240x128xf32, #tpu.memory_space<vmem_shared>>)
    %barrier3A_309 = arith.constant 0 : index
    tpu.barrier barrier_id(%barrier3A_309)
    %mul3A_310 = arith.constant 640 : i32
    %mul3A_311 = arith.muli %arg1, %mul3A_310 : i32
    %mul3A_312 = arith.constant 640 : i32
    %mul3A_313 = arith.muli %arg1, %mul3A_312 : i32
    "tpu.region"() ({
      %run_scoped3A = tpu.sem_alloc : memref<!tpu.dma_semaphore, #tpu.memory_space<semaphore_mem>>
      %dma_start3A_314 = arith.constant 0 : i32
      %dma_start3A_315 = tpu.memref_slice %arg5[%arg0, %mul3A_313, %dma_start3A_314] : memref<2x10240x128xf32, #tpu.memory_space<hbm>> -> memref<1x640x128xf32, #tpu.memory_space<hbm>>
      %dma_start3A_316 = tpu.memref_squeeze %dma_start3A_315 : memref<1x640x128xf32, #tpu.memory_space<hbm>> -> memref<640x128xf32, #tpu.memory_space<hbm>>
      %dma_start3A_317 = arith.constant 0 : i32
      %dma_start3A_318 = tpu.memref_slice %arg12[%mul3A_311, %dma_start3A_317] : memref<10240x128xf32, #tpu.memory_space<vmem_shared>> -> memref<640x128xf32, #tpu.memory_space<vmem_shared>>
      tpu.enqueue_dma source(%dma_start3A_318 : memref<640x128xf32, #tpu.memory_space<vmem_shared>>) target(%dma_start3A_316 : memref<640x128xf32, #tpu.memory_space<hbm>>) target_semaphore(%run_scoped3A : memref<!tpu.dma_semaphore, #tpu.memory_space<semaphore_mem>>)
      %dma_wait3A_319 = arith.constant 0 : i32
      %dma_wait3A_320 = tpu.memref_slice %arg5[%arg0, %mul3A_313, %dma_wait3A_319] : memref<2x10240x128xf32, #tpu.memory_space<hbm>> -> memref<1x640x128xf32, #tpu.memory_space<hbm>>
      %dma_wait3A_321 = tpu.memref_squeeze %dma_wait3A_320 : memref<1x640x128xf32, #tpu.memory_space<hbm>> -> memref<640x128xf32, #tpu.memory_space<hbm>>
      %dma_wait3A_322 = arith.constant 0 : i32
      %dma_wait3A_323 = tpu.memref_slice %arg12[%mul3A_311, %dma_wait3A_322] : memref<10240x128xf32, #tpu.memory_space<vmem_shared>> -> memref<640x128xf32, #tpu.memory_space<vmem_shared>>
      tpu.wait_dma2 semaphore(%run_scoped3A : memref<!tpu.dma_semaphore, #tpu.memory_space<semaphore_mem>>) src(%dma_wait3A_323 : memref<640x128xf32, #tpu.memory_space<vmem_shared>>) dst(%dma_wait3A_321 : memref<640x128xf32, #tpu.memory_space<hbm>>)
      tpu.yield
    }) : () -> ()
    return
  }
}

#map = affine_map<(d0, d1) -> (0, 0)>
#map1 = affine_map<(d0, d1) -> (0, 0, 0)>
#map2 = affine_map<(d0, d1) -> (0, 0, 0, 0, 0)>
module attributes {stable_mosaic.version = 14 : i64} {
  func.func @_gather_hist(%arg0: i32, %arg1: i32, %arg2: memref<100000x256xf32, #tpu.memory_space<hbm>>, %arg3: memref<32x4x80xi32, #tpu.memory_space<hbm>>, %arg4: memref<2x2x16x80x128xi32, #tpu.memory_space<hbm>>, %arg5: memref<10240x256xf32, #tpu.memory_space<hbm>>, %arg6: memref<16x4x10240xf32, #tpu.memory_space<hbm>>, %arg7: memref<4x80xi32, #tpu.memory_space<vmem>>, %arg8: memref<4x80x256xf32, #tpu.memory_space<vmem>>, %arg9: memref<80x128xi32, #tpu.memory_space<vmem>>, %arg10: memref<10240xf32, #tpu.memory_space<vmem>>, %arg11: memref<10240xf32, #tpu.memory_space<vmem>>, %arg12: memref<!tpu.dma_semaphore, #tpu.memory_space<semaphore_mem>>, %arg13: memref<!tpu.dma_semaphore, #tpu.memory_space<semaphore_mem>>, %arg14: memref<!tpu.dma_semaphore, #tpu.memory_space<semaphore_mem>>, %arg15: memref<!tpu.dma_semaphore, #tpu.memory_space<semaphore_mem>>, %arg16: memref<!tpu.dma_semaphore, #tpu.memory_space<semaphore_mem>>) attributes {dimension_semantics = [#tpu.dimension_semantics<core_parallel>, #tpu.dimension_semantics<subcore_parallel>], iteration_bounds = array<i64: 2, 16>, scalar_prefetch = 0 : i64, scratch_operands = 10 : i64, tpu.core_type = #tpu.core_type<sc_vector_subcore>, window_params = [{transform_indices = #map}, {transform_indices = #map1}, {transform_indices = #map2}, {transform_indices = #map}, {transform_indices = #map1}]} {
    %mul3A = arith.constant 16 : i32
    %mul3A_0 = arith.muli %arg0, %mul3A : i32
    %add3A = arith.addi %mul3A_0, %arg1 : i32
    "tpu.region"() ({
      %run_scoped3A_246 = tpu.sem_alloc : memref<!tpu.dma_semaphore, #tpu.memory_space<semaphore_mem>>
      %dma_start3A_247 = arith.constant 0 : i32
      %dma_start3A_248 = arith.constant 0 : i32
      %dma_start3A_249 = tpu.memref_slice %arg3[%add3A, %dma_start3A_247, %dma_start3A_248] : memref<32x4x80xi32, #tpu.memory_space<hbm>> -> memref<1x4x80xi32, #tpu.memory_space<hbm>>
      %dma_start3A_250 = tpu.memref_squeeze %dma_start3A_249 : memref<1x4x80xi32, #tpu.memory_space<hbm>> -> memref<4x80xi32, #tpu.memory_space<hbm>>
      %dma_start3A_251 = arith.constant 0 : i32
      %dma_start3A_252 = arith.constant 0 : i32
      %dma_start3A_253 = tpu.memref_slice %arg3[%add3A, %dma_start3A_251, %dma_start3A_252] : memref<32x4x80xi32, #tpu.memory_space<hbm>> -> memref<1x4x80xi32, #tpu.memory_space<hbm>>
      %dma_start3A_254 = tpu.memref_squeeze %dma_start3A_253 : memref<1x4x80xi32, #tpu.memory_space<hbm>> -> memref<4x80xi32, #tpu.memory_space<hbm>>
      tpu.enqueue_dma source(%dma_start3A_254 : memref<4x80xi32, #tpu.memory_space<hbm>>) target(%arg7 : memref<4x80xi32, #tpu.memory_space<vmem>>) target_semaphore(%run_scoped3A_246 : memref<!tpu.dma_semaphore, #tpu.memory_space<semaphore_mem>>)
      %dma_wait3A_255 = arith.constant 0 : i32
      %dma_wait3A_256 = arith.constant 0 : i32
      %dma_wait3A_257 = tpu.memref_slice %arg3[%add3A, %dma_wait3A_255, %dma_wait3A_256] : memref<32x4x80xi32, #tpu.memory_space<hbm>> -> memref<1x4x80xi32, #tpu.memory_space<hbm>>
      %dma_wait3A_258 = tpu.memref_squeeze %dma_wait3A_257 : memref<1x4x80xi32, #tpu.memory_space<hbm>> -> memref<4x80xi32, #tpu.memory_space<hbm>>
      %dma_wait3A_259 = arith.constant 0 : i32
      %dma_wait3A_260 = arith.constant 0 : i32
      %dma_wait3A_261 = tpu.memref_slice %arg3[%add3A, %dma_wait3A_259, %dma_wait3A_260] : memref<32x4x80xi32, #tpu.memory_space<hbm>> -> memref<1x4x80xi32, #tpu.memory_space<hbm>>
      %dma_wait3A_262 = tpu.memref_squeeze %dma_wait3A_261 : memref<1x4x80xi32, #tpu.memory_space<hbm>> -> memref<4x80xi32, #tpu.memory_space<hbm>>
      tpu.wait_dma2 semaphore(%run_scoped3A_246 : memref<!tpu.dma_semaphore, #tpu.memory_space<semaphore_mem>>) src(%dma_wait3A_262 : memref<4x80xi32, #tpu.memory_space<hbm>>) dst(%arg7 : memref<4x80xi32, #tpu.memory_space<vmem>>)
      tpu.yield
    }) : () -> ()
    %dma_start3A = arith.constant 0 : i32
    %dma_start3A_1 = arith.constant 0 : i32
    %dma_start3A_2 = arith.constant 0 : i32
    %dma_start3A_3 = arith.constant 0 : i32
    %dma_start3A_4 = tpu.memref_slice %arg8[%dma_start3A_1, %dma_start3A_2, %dma_start3A_3] : memref<4x80x256xf32, #tpu.memory_space<vmem>> -> memref<1x80x256xf32, #tpu.memory_space<vmem>>
    %dma_start3A_5 = tpu.memref_squeeze %dma_start3A_4 : memref<1x80x256xf32, #tpu.memory_space<vmem>> -> memref<80x256xf32, #tpu.memory_space<vmem>>
    %dma_start3A_6 = arith.constant 0 : i32
    %dma_start3A_7 = tpu.memref_slice %arg7[%dma_start3A, %dma_start3A_6] : memref<4x80xi32, #tpu.memory_space<vmem>> -> memref<1x80xi32, #tpu.memory_space<vmem>>
    %dma_start3A_8 = tpu.memref_squeeze %dma_start3A_7 : memref<1x80xi32, #tpu.memory_space<vmem>> -> memref<80xi32, #tpu.memory_space<vmem>>
    %dma_start3A_9 = arith.constant 0 : i32
    %dma_start3A_10 = arith.constant 0 : i32
    %dma_start3A_11 = tpu.memref_slice %arg2[%dma_start3A_9, %dma_start3A_10] : memref<100000x256xf32, #tpu.memory_space<hbm>> -> memref<100000x256xf32, #tpu.memory_space<hbm>>
    tpu.enqueue_indirect_dma source(%dma_start3A_11 : memref<100000x256xf32, #tpu.memory_space<hbm>>) target(%dma_start3A_5 : memref<80x256xf32, #tpu.memory_space<vmem>>) offsets(%dma_start3A_8 : memref<80xi32, #tpu.memory_space<vmem>>) semaphore(%arg12 : memref<!tpu.dma_semaphore, #tpu.memory_space<semaphore_mem>>)
    %dma_start3A_12 = arith.constant 1 : i32
    %dma_start3A_13 = arith.constant 1 : i32
    %dma_start3A_14 = arith.constant 0 : i32
    %dma_start3A_15 = arith.constant 0 : i32
    %dma_start3A_16 = tpu.memref_slice %arg8[%dma_start3A_13, %dma_start3A_14, %dma_start3A_15] : memref<4x80x256xf32, #tpu.memory_space<vmem>> -> memref<1x80x256xf32, #tpu.memory_space<vmem>>
    %dma_start3A_17 = tpu.memref_squeeze %dma_start3A_16 : memref<1x80x256xf32, #tpu.memory_space<vmem>> -> memref<80x256xf32, #tpu.memory_space<vmem>>
    %dma_start3A_18 = arith.constant 0 : i32
    %dma_start3A_19 = tpu.memref_slice %arg7[%dma_start3A_12, %dma_start3A_18] : memref<4x80xi32, #tpu.memory_space<vmem>> -> memref<1x80xi32, #tpu.memory_space<vmem>>
    %dma_start3A_20 = tpu.memref_squeeze %dma_start3A_19 : memref<1x80xi32, #tpu.memory_space<vmem>> -> memref<80xi32, #tpu.memory_space<vmem>>
    %dma_start3A_21 = arith.constant 0 : i32
    %dma_start3A_22 = arith.constant 0 : i32
    %dma_start3A_23 = tpu.memref_slice %arg2[%dma_start3A_21, %dma_start3A_22] : memref<100000x256xf32, #tpu.memory_space<hbm>> -> memref<100000x256xf32, #tpu.memory_space<hbm>>
    tpu.enqueue_indirect_dma source(%dma_start3A_23 : memref<100000x256xf32, #tpu.memory_space<hbm>>) target(%dma_start3A_17 : memref<80x256xf32, #tpu.memory_space<vmem>>) offsets(%dma_start3A_20 : memref<80xi32, #tpu.memory_space<vmem>>) semaphore(%arg13 : memref<!tpu.dma_semaphore, #tpu.memory_space<semaphore_mem>>)
    %dma_start3A_24 = arith.constant 2 : i32
    %dma_start3A_25 = arith.constant 2 : i32
    %dma_start3A_26 = arith.constant 0 : i32
    %dma_start3A_27 = arith.constant 0 : i32
    %dma_start3A_28 = tpu.memref_slice %arg8[%dma_start3A_25, %dma_start3A_26, %dma_start3A_27] : memref<4x80x256xf32, #tpu.memory_space<vmem>> -> memref<1x80x256xf32, #tpu.memory_space<vmem>>
    %dma_start3A_29 = tpu.memref_squeeze %dma_start3A_28 : memref<1x80x256xf32, #tpu.memory_space<vmem>> -> memref<80x256xf32, #tpu.memory_space<vmem>>
    %dma_start3A_30 = arith.constant 0 : i32
    %dma_start3A_31 = tpu.memref_slice %arg7[%dma_start3A_24, %dma_start3A_30] : memref<4x80xi32, #tpu.memory_space<vmem>> -> memref<1x80xi32, #tpu.memory_space<vmem>>
    %dma_start3A_32 = tpu.memref_squeeze %dma_start3A_31 : memref<1x80xi32, #tpu.memory_space<vmem>> -> memref<80xi32, #tpu.memory_space<vmem>>
    %dma_start3A_33 = arith.constant 0 : i32
    %dma_start3A_34 = arith.constant 0 : i32
    %dma_start3A_35 = tpu.memref_slice %arg2[%dma_start3A_33, %dma_start3A_34] : memref<100000x256xf32, #tpu.memory_space<hbm>> -> memref<100000x256xf32, #tpu.memory_space<hbm>>
    tpu.enqueue_indirect_dma source(%dma_start3A_35 : memref<100000x256xf32, #tpu.memory_space<hbm>>) target(%dma_start3A_29 : memref<80x256xf32, #tpu.memory_space<vmem>>) offsets(%dma_start3A_32 : memref<80xi32, #tpu.memory_space<vmem>>) semaphore(%arg14 : memref<!tpu.dma_semaphore, #tpu.memory_space<semaphore_mem>>)
    %dma_start3A_36 = arith.constant 3 : i32
    %dma_start3A_37 = arith.constant 3 : i32
    %dma_start3A_38 = arith.constant 0 : i32
    %dma_start3A_39 = arith.constant 0 : i32
    %dma_start3A_40 = tpu.memref_slice %arg8[%dma_start3A_37, %dma_start3A_38, %dma_start3A_39] : memref<4x80x256xf32, #tpu.memory_space<vmem>> -> memref<1x80x256xf32, #tpu.memory_space<vmem>>
    %dma_start3A_41 = tpu.memref_squeeze %dma_start3A_40 : memref<1x80x256xf32, #tpu.memory_space<vmem>> -> memref<80x256xf32, #tpu.memory_space<vmem>>
    %dma_start3A_42 = arith.constant 0 : i32
    %dma_start3A_43 = tpu.memref_slice %arg7[%dma_start3A_36, %dma_start3A_42] : memref<4x80xi32, #tpu.memory_space<vmem>> -> memref<1x80xi32, #tpu.memory_space<vmem>>
    %dma_start3A_44 = tpu.memref_squeeze %dma_start3A_43 : memref<1x80xi32, #tpu.memory_space<vmem>> -> memref<80xi32, #tpu.memory_space<vmem>>
    %dma_start3A_45 = arith.constant 0 : i32
    %dma_start3A_46 = arith.constant 0 : i32
    %dma_start3A_47 = tpu.memref_slice %arg2[%dma_start3A_45, %dma_start3A_46] : memref<100000x256xf32, #tpu.memory_space<hbm>> -> memref<100000x256xf32, #tpu.memory_space<hbm>>
    tpu.enqueue_indirect_dma source(%dma_start3A_47 : memref<100000x256xf32, #tpu.memory_space<hbm>>) target(%dma_start3A_41 : memref<80x256xf32, #tpu.memory_space<vmem>>) offsets(%dma_start3A_44 : memref<80xi32, #tpu.memory_space<vmem>>) semaphore(%arg15 : memref<!tpu.dma_semaphore, #tpu.memory_space<semaphore_mem>>)
    %broadcast_in_dim3A = arith.constant 1.000000e+00 : f32
    %broadcast_in_dim3A_48 = vector.broadcast %broadcast_in_dim3A : f32 to vector<16xf32>
    %broadcast_in_dim3A_49 = arith.constant 0.000000e+00 : f32
    %broadcast_in_dim3A_50 = vector.broadcast %broadcast_in_dim3A_49 : f32 to vector<16xf32>
    %scan3A = arith.constant 0 : i32
    %scan3A_51 = arith.constant 640 : i32
    %scan3A_52 = arith.addi %scan3A, %scan3A_51 : i32
    %scan3A_53 = arith.constant 1 : i32
    scf.for %scan3A_246 = %scan3A to %scan3A_52 step %scan3A_53  : i32 {
      %mul3A_247 = arith.constant 1 : i32
      %mul3A_248 = arith.muli %scan3A_246, %mul3A_247 : i32
      %add3A_249 = arith.constant 0 : i32
      %add3A_250 = arith.addi %add3A_249, %mul3A_248 : i32
      %mul3A_251 = arith.constant 16 : i32
      %mul3A_252 = arith.muli %add3A_250, %mul3A_251 : i32
      %swap3A = arith.index_cast %mul3A_252 : i32 to index
      %swap3A_253 = tpu.vector_load %arg10[%swap3A] {strides = array<i32>} : memref<10240xf32, #tpu.memory_space<vmem>>, vector<16xf32>,
      tpu.vector_store %arg10[%swap3A], %broadcast_in_dim3A_50 {strides = array<i32>} : memref<10240xf32, #tpu.memory_space<vmem>>, vector<16xf32>,
    }
    %scan3A_54 = arith.constant 640 : i32
    %run_scoped3A = arith.constant 0 : i32
    "tpu.region"() ({
      %run_scoped3A_246 = tpu.sem_alloc : memref<!tpu.dma_semaphore, #tpu.memory_space<semaphore_mem>>
      %dma_start3A_247 = arith.constant 0 : i32
      %dma_start3A_248 = arith.constant 0 : i32
      %dma_start3A_249 = tpu.memref_slice %arg4[%arg0, %run_scoped3A, %arg1, %dma_start3A_247, %dma_start3A_248] : memref<2x2x16x80x128xi32, #tpu.memory_space<hbm>> -> memref<1x1x1x80x128xi32, #tpu.memory_space<hbm>>
      %dma_start3A_250 = tpu.memref_squeeze %dma_start3A_249 : memref<1x1x1x80x128xi32, #tpu.memory_space<hbm>> -> memref<80x128xi32, #tpu.memory_space<hbm>>
      %dma_start3A_251 = arith.constant 0 : i32
      %dma_start3A_252 = arith.constant 0 : i32
      %dma_start3A_253 = tpu.memref_slice %arg4[%arg0, %run_scoped3A, %arg1, %dma_start3A_251, %dma_start3A_252] : memref<2x2x16x80x128xi32, #tpu.memory_space<hbm>> -> memref<1x1x1x80x128xi32, #tpu.memory_space<hbm>>
      %dma_start3A_254 = tpu.memref_squeeze %dma_start3A_253 : memref<1x1x1x80x128xi32, #tpu.memory_space<hbm>> -> memref<80x128xi32, #tpu.memory_space<hbm>>
      tpu.enqueue_dma source(%dma_start3A_254 : memref<80x128xi32, #tpu.memory_space<hbm>>) target(%arg9 : memref<80x128xi32, #tpu.memory_space<vmem>>) target_semaphore(%run_scoped3A_246 : memref<!tpu.dma_semaphore, #tpu.memory_space<semaphore_mem>>)
      %dma_wait3A_255 = arith.constant 0 : i32
      %dma_wait3A_256 = arith.constant 0 : i32
      %dma_wait3A_257 = tpu.memref_slice %arg4[%arg0, %run_scoped3A, %arg1, %dma_wait3A_255, %dma_wait3A_256] : memref<2x2x16x80x128xi32, #tpu.memory_space<hbm>> -> memref<1x1x1x80x128xi32, #tpu.memory_space<hbm>>
      %dma_wait3A_258 = tpu.memref_squeeze %dma_wait3A_257 : memref<1x1x1x80x128xi32, #tpu.memory_space<hbm>> -> memref<80x128xi32, #tpu.memory_space<hbm>>
      %dma_wait3A_259 = arith.constant 0 : i32
      %dma_wait3A_260 = arith.constant 0 : i32
      %dma_wait3A_261 = tpu.memref_slice %arg4[%arg0, %run_scoped3A, %arg1, %dma_wait3A_259, %dma_wait3A_260] : memref<2x2x16x80x128xi32, #tpu.memory_space<hbm>> -> memref<1x1x1x80x128xi32, #tpu.memory_space<hbm>>
      %dma_wait3A_262 = tpu.memref_squeeze %dma_wait3A_261 : memref<1x1x1x80x128xi32, #tpu.memory_space<hbm>> -> memref<80x128xi32, #tpu.memory_space<hbm>>
      tpu.wait_dma2 semaphore(%run_scoped3A_246 : memref<!tpu.dma_semaphore, #tpu.memory_space<semaphore_mem>>) src(%dma_wait3A_262 : memref<80x128xi32, #tpu.memory_space<hbm>>) dst(%arg9 : memref<80x128xi32, #tpu.memory_space<vmem>>)
      tpu.yield
    }) : () -> ()
    %scan3A_55 = arith.constant 0 : i32
    %scan3A_56 = arith.constant 80 : i32
    %scan3A_57 = arith.addi %scan3A_55, %scan3A_56 : i32
    %scan3A_58 = arith.constant 1 : i32
    scf.for %scan3A_246 = %scan3A_55 to %scan3A_57 step %scan3A_58  : i32 {
      %mul3A_247 = arith.constant 1 : i32
      %mul3A_248 = arith.muli %scan3A_246, %mul3A_247 : i32
      %add3A_249 = arith.constant 0 : i32
      %add3A_250 = arith.addi %add3A_249, %mul3A_248 : i32
      %get3A = arith.index_cast %add3A_250 : i32 to index
      %get3A_251 = arith.constant 0 : index
      %get3A_252 = tpu.vector_load %arg9[%get3A, %get3A_251] {strides = array<i32>} : memref<80x128xi32, #tpu.memory_space<vmem>>, vector<16xi32>,
      tpu.vector_store_idx %arg10[%get3A_252], %broadcast_in_dim3A_48 {add = true} : memref<10240xf32, #tpu.memory_space<vmem>>[vector<16xi32>], vector<16xf32>,
      %get3A_253 = arith.index_cast %add3A_250 : i32 to index
      %get3A_254 = arith.constant 16 : index
      %get3A_255 = tpu.vector_load %arg9[%get3A_253, %get3A_254] {strides = array<i32>} : memref<80x128xi32, #tpu.memory_space<vmem>>, vector<16xi32>,
      tpu.vector_store_idx %arg10[%get3A_255], %broadcast_in_dim3A_48 {add = true} : memref<10240xf32, #tpu.memory_space<vmem>>[vector<16xi32>], vector<16xf32>,
      %get3A_256 = arith.index_cast %add3A_250 : i32 to index
      %get3A_257 = arith.constant 32 : index
      %get3A_258 = tpu.vector_load %arg9[%get3A_256, %get3A_257] {strides = array<i32>} : memref<80x128xi32, #tpu.memory_space<vmem>>, vector<16xi32>,
      tpu.vector_store_idx %arg10[%get3A_258], %broadcast_in_dim3A_48 {add = true} : memref<10240xf32, #tpu.memory_space<vmem>>[vector<16xi32>], vector<16xf32>,
      %get3A_259 = arith.index_cast %add3A_250 : i32 to index
      %get3A_260 = arith.constant 48 : index
      %get3A_261 = tpu.vector_load %arg9[%get3A_259, %get3A_260] {strides = array<i32>} : memref<80x128xi32, #tpu.memory_space<vmem>>, vector<16xi32>,
      tpu.vector_store_idx %arg10[%get3A_261], %broadcast_in_dim3A_48 {add = true} : memref<10240xf32, #tpu.memory_space<vmem>>[vector<16xi32>], vector<16xf32>,
      %get3A_262 = arith.index_cast %add3A_250 : i32 to index
      %get3A_263 = arith.constant 64 : index
      %get3A_264 = tpu.vector_load %arg9[%get3A_262, %get3A_263] {strides = array<i32>} : memref<80x128xi32, #tpu.memory_space<vmem>>, vector<16xi32>,
      tpu.vector_store_idx %arg10[%get3A_264], %broadcast_in_dim3A_48 {add = true} : memref<10240xf32, #tpu.memory_space<vmem>>[vector<16xi32>], vector<16xf32>,
      %get3A_265 = arith.index_cast %add3A_250 : i32 to index
      %get3A_266 = arith.constant 80 : index
      %get3A_267 = tpu.vector_load %arg9[%get3A_265, %get3A_266] {strides = array<i32>} : memref<80x128xi32, #tpu.memory_space<vmem>>, vector<16xi32>,
      tpu.vector_store_idx %arg10[%get3A_267], %broadcast_in_dim3A_48 {add = true} : memref<10240xf32, #tpu.memory_space<vmem>>[vector<16xi32>], vector<16xf32>,
      %get3A_268 = arith.index_cast %add3A_250 : i32 to index
      %get3A_269 = arith.constant 96 : index
      %get3A_270 = tpu.vector_load %arg9[%get3A_268, %get3A_269] {strides = array<i32>} : memref<80x128xi32, #tpu.memory_space<vmem>>, vector<16xi32>,
      tpu.vector_store_idx %arg10[%get3A_270], %broadcast_in_dim3A_48 {add = true} : memref<10240xf32, #tpu.memory_space<vmem>>[vector<16xi32>], vector<16xf32>,
      %get3A_271 = arith.index_cast %add3A_250 : i32 to index
      %get3A_272 = arith.constant 112 : index
      %get3A_273 = tpu.vector_load %arg9[%get3A_271, %get3A_272] {strides = array<i32>} : memref<80x128xi32, #tpu.memory_space<vmem>>, vector<16xi32>,
      tpu.vector_store_idx %arg10[%get3A_273], %broadcast_in_dim3A_48 {add = true} : memref<10240xf32, #tpu.memory_space<vmem>>[vector<16xi32>], vector<16xf32>,
    }
    %scan3A_59 = arith.constant 80 : i32
    %mul3A_60 = arith.constant 2 : i32
    %mul3A_61 = arith.muli %arg0, %mul3A_60 : i32
    %add3A_62 = arith.constant 0 : i32
    %add3A_63 = arith.addi %mul3A_61, %add3A_62 : i32
    "tpu.region"() ({
      %run_scoped3A_246 = tpu.sem_alloc : memref<!tpu.dma_semaphore, #tpu.memory_space<semaphore_mem>>
      %dma_start3A_247 = arith.constant 0 : i32
      %dma_start3A_248 = tpu.memref_slice %arg6[%arg1, %add3A_63, %dma_start3A_247] : memref<16x4x10240xf32, #tpu.memory_space<hbm>> -> memref<1x1x10240xf32, #tpu.memory_space<hbm>>
      %dma_start3A_249 = tpu.memref_squeeze %dma_start3A_248 : memref<1x1x10240xf32, #tpu.memory_space<hbm>> -> memref<10240xf32, #tpu.memory_space<hbm>>
      %dma_start3A_250 = arith.constant 0 : i32
      %dma_start3A_251 = tpu.memref_slice %arg6[%arg1, %add3A_63, %dma_start3A_250] : memref<16x4x10240xf32, #tpu.memory_space<hbm>> -> memref<1x1x10240xf32, #tpu.memory_space<hbm>>
      %dma_start3A_252 = tpu.memref_squeeze %dma_start3A_251 : memref<1x1x10240xf32, #tpu.memory_space<hbm>> -> memref<10240xf32, #tpu.memory_space<hbm>>
      tpu.enqueue_dma source(%arg10 : memref<10240xf32, #tpu.memory_space<vmem>>) target(%dma_start3A_252 : memref<10240xf32, #tpu.memory_space<hbm>>) target_semaphore(%run_scoped3A_246 : memref<!tpu.dma_semaphore, #tpu.memory_space<semaphore_mem>>)
      %dma_wait3A_253 = arith.constant 0 : i32
      %dma_wait3A_254 = tpu.memref_slice %arg6[%arg1, %add3A_63, %dma_wait3A_253] : memref<16x4x10240xf32, #tpu.memory_space<hbm>> -> memref<1x1x10240xf32, #tpu.memory_space<hbm>>
      %dma_wait3A_255 = tpu.memref_squeeze %dma_wait3A_254 : memref<1x1x10240xf32, #tpu.memory_space<hbm>> -> memref<10240xf32, #tpu.memory_space<hbm>>
      %dma_wait3A_256 = arith.constant 0 : i32
      %dma_wait3A_257 = tpu.memref_slice %arg6[%arg1, %add3A_63, %dma_wait3A_256] : memref<16x4x10240xf32, #tpu.memory_space<hbm>> -> memref<1x1x10240xf32, #tpu.memory_space<hbm>>
      %dma_wait3A_258 = tpu.memref_squeeze %dma_wait3A_257 : memref<1x1x10240xf32, #tpu.memory_space<hbm>> -> memref<10240xf32, #tpu.memory_space<hbm>>
      tpu.wait_dma2 semaphore(%run_scoped3A_246 : memref<!tpu.dma_semaphore, #tpu.memory_space<semaphore_mem>>) src(%arg10 : memref<10240xf32, #tpu.memory_space<vmem>>) dst(%dma_wait3A_258 : memref<10240xf32, #tpu.memory_space<hbm>>)
      tpu.yield
    }) : () -> ()
    %scan3A_64 = arith.constant 0 : i32
    %scan3A_65 = arith.constant 640 : i32
    %scan3A_66 = arith.addi %scan3A_64, %scan3A_65 : i32
    %scan3A_67 = arith.constant 1 : i32
    scf.for %scan3A_246 = %scan3A_64 to %scan3A_66 step %scan3A_67  : i32 {
      %mul3A_247 = arith.constant 1 : i32
      %mul3A_248 = arith.muli %scan3A_246, %mul3A_247 : i32
      %add3A_249 = arith.constant 0 : i32
      %add3A_250 = arith.addi %add3A_249, %mul3A_248 : i32
      %mul3A_251 = arith.constant 16 : i32
      %mul3A_252 = arith.muli %add3A_250, %mul3A_251 : i32
      %swap3A = arith.index_cast %mul3A_252 : i32 to index
      %swap3A_253 = tpu.vector_load %arg11[%swap3A] {strides = array<i32>} : memref<10240xf32, #tpu.memory_space<vmem>>, vector<16xf32>,
      tpu.vector_store %arg11[%swap3A], %broadcast_in_dim3A_50 {strides = array<i32>} : memref<10240xf32, #tpu.memory_space<vmem>>, vector<16xf32>,
    }
    %scan3A_68 = arith.constant 640 : i32
    %run_scoped3A_69 = arith.constant 1 : i32
    "tpu.region"() ({
      %run_scoped3A_246 = tpu.sem_alloc : memref<!tpu.dma_semaphore, #tpu.memory_space<semaphore_mem>>
      %dma_start3A_247 = arith.constant 0 : i32
      %dma_start3A_248 = arith.constant 0 : i32
      %dma_start3A_249 = tpu.memref_slice %arg4[%arg0, %run_scoped3A_69, %arg1, %dma_start3A_247, %dma_start3A_248] : memref<2x2x16x80x128xi32, #tpu.memory_space<hbm>> -> memref<1x1x1x80x128xi32, #tpu.memory_space<hbm>>
      %dma_start3A_250 = tpu.memref_squeeze %dma_start3A_249 : memref<1x1x1x80x128xi32, #tpu.memory_space<hbm>> -> memref<80x128xi32, #tpu.memory_space<hbm>>
      %dma_start3A_251 = arith.constant 0 : i32
      %dma_start3A_252 = arith.constant 0 : i32
      %dma_start3A_253 = tpu.memref_slice %arg4[%arg0, %run_scoped3A_69, %arg1, %dma_start3A_251, %dma_start3A_252] : memref<2x2x16x80x128xi32, #tpu.memory_space<hbm>> -> memref<1x1x1x80x128xi32, #tpu.memory_space<hbm>>
      %dma_start3A_254 = tpu.memref_squeeze %dma_start3A_253 : memref<1x1x1x80x128xi32, #tpu.memory_space<hbm>> -> memref<80x128xi32, #tpu.memory_space<hbm>>
      tpu.enqueue_dma source(%dma_start3A_254 : memref<80x128xi32, #tpu.memory_space<hbm>>) target(%arg9 : memref<80x128xi32, #tpu.memory_space<vmem>>) target_semaphore(%run_scoped3A_246 : memref<!tpu.dma_semaphore, #tpu.memory_space<semaphore_mem>>)
      %dma_wait3A_255 = arith.constant 0 : i32
      %dma_wait3A_256 = arith.constant 0 : i32
      %dma_wait3A_257 = tpu.memref_slice %arg4[%arg0, %run_scoped3A_69, %arg1, %dma_wait3A_255, %dma_wait3A_256] : memref<2x2x16x80x128xi32, #tpu.memory_space<hbm>> -> memref<1x1x1x80x128xi32, #tpu.memory_space<hbm>>
      %dma_wait3A_258 = tpu.memref_squeeze %dma_wait3A_257 : memref<1x1x1x80x128xi32, #tpu.memory_space<hbm>> -> memref<80x128xi32, #tpu.memory_space<hbm>>
      %dma_wait3A_259 = arith.constant 0 : i32
      %dma_wait3A_260 = arith.constant 0 : i32
      %dma_wait3A_261 = tpu.memref_slice %arg4[%arg0, %run_scoped3A_69, %arg1, %dma_wait3A_259, %dma_wait3A_260] : memref<2x2x16x80x128xi32, #tpu.memory_space<hbm>> -> memref<1x1x1x80x128xi32, #tpu.memory_space<hbm>>
      %dma_wait3A_262 = tpu.memref_squeeze %dma_wait3A_261 : memref<1x1x1x80x128xi32, #tpu.memory_space<hbm>> -> memref<80x128xi32, #tpu.memory_space<hbm>>
      tpu.wait_dma2 semaphore(%run_scoped3A_246 : memref<!tpu.dma_semaphore, #tpu.memory_space<semaphore_mem>>) src(%dma_wait3A_262 : memref<80x128xi32, #tpu.memory_space<hbm>>) dst(%arg9 : memref<80x128xi32, #tpu.memory_space<vmem>>)
      tpu.yield
    }) : () -> ()
    %scan3A_70 = arith.constant 0 : i32
    %scan3A_71 = arith.constant 80 : i32
    %scan3A_72 = arith.addi %scan3A_70, %scan3A_71 : i32
    %scan3A_73 = arith.constant 1 : i32
    scf.for %scan3A_246 = %scan3A_70 to %scan3A_72 step %scan3A_73  : i32 {
      %mul3A_247 = arith.constant 1 : i32
      %mul3A_248 = arith.muli %scan3A_246, %mul3A_247 : i32
      %add3A_249 = arith.constant 0 : i32
      %add3A_250 = arith.addi %add3A_249, %mul3A_248 : i32
      %get3A = arith.index_cast %add3A_250 : i32 to index
      %get3A_251 = arith.constant 0 : index
      %get3A_252 = tpu.vector_load %arg9[%get3A, %get3A_251] {strides = array<i32>} : memref<80x128xi32, #tpu.memory_space<vmem>>, vector<16xi32>,
      tpu.vector_store_idx %arg11[%get3A_252], %broadcast_in_dim3A_48 {add = true} : memref<10240xf32, #tpu.memory_space<vmem>>[vector<16xi32>], vector<16xf32>,
      %get3A_253 = arith.index_cast %add3A_250 : i32 to index
      %get3A_254 = arith.constant 16 : index
      %get3A_255 = tpu.vector_load %arg9[%get3A_253, %get3A_254] {strides = array<i32>} : memref<80x128xi32, #tpu.memory_space<vmem>>, vector<16xi32>,
      tpu.vector_store_idx %arg11[%get3A_255], %broadcast_in_dim3A_48 {add = true} : memref<10240xf32, #tpu.memory_space<vmem>>[vector<16xi32>], vector<16xf32>,
      %get3A_256 = arith.index_cast %add3A_250 : i32 to index
      %get3A_257 = arith.constant 32 : index
      %get3A_258 = tpu.vector_load %arg9[%get3A_256, %get3A_257] {strides = array<i32>} : memref<80x128xi32, #tpu.memory_space<vmem>>, vector<16xi32>,
      tpu.vector_store_idx %arg11[%get3A_258], %broadcast_in_dim3A_48 {add = true} : memref<10240xf32, #tpu.memory_space<vmem>>[vector<16xi32>], vector<16xf32>,
      %get3A_259 = arith.index_cast %add3A_250 : i32 to index
      %get3A_260 = arith.constant 48 : index
      %get3A_261 = tpu.vector_load %arg9[%get3A_259, %get3A_260] {strides = array<i32>} : memref<80x128xi32, #tpu.memory_space<vmem>>, vector<16xi32>,
      tpu.vector_store_idx %arg11[%get3A_261], %broadcast_in_dim3A_48 {add = true} : memref<10240xf32, #tpu.memory_space<vmem>>[vector<16xi32>], vector<16xf32>,
      %get3A_262 = arith.index_cast %add3A_250 : i32 to index
      %get3A_263 = arith.constant 64 : index
      %get3A_264 = tpu.vector_load %arg9[%get3A_262, %get3A_263] {strides = array<i32>} : memref<80x128xi32, #tpu.memory_space<vmem>>, vector<16xi32>,
      tpu.vector_store_idx %arg11[%get3A_264], %broadcast_in_dim3A_48 {add = true} : memref<10240xf32, #tpu.memory_space<vmem>>[vector<16xi32>], vector<16xf32>,
      %get3A_265 = arith.index_cast %add3A_250 : i32 to index
      %get3A_266 = arith.constant 80 : index
      %get3A_267 = tpu.vector_load %arg9[%get3A_265, %get3A_266] {strides = array<i32>} : memref<80x128xi32, #tpu.memory_space<vmem>>, vector<16xi32>,
      tpu.vector_store_idx %arg11[%get3A_267], %broadcast_in_dim3A_48 {add = true} : memref<10240xf32, #tpu.memory_space<vmem>>[vector<16xi32>], vector<16xf32>,
      %get3A_268 = arith.index_cast %add3A_250 : i32 to index
      %get3A_269 = arith.constant 96 : index
      %get3A_270 = tpu.vector_load %arg9[%get3A_268, %get3A_269] {strides = array<i32>} : memref<80x128xi32, #tpu.memory_space<vmem>>, vector<16xi32>,
      tpu.vector_store_idx %arg11[%get3A_270], %broadcast_in_dim3A_48 {add = true} : memref<10240xf32, #tpu.memory_space<vmem>>[vector<16xi32>], vector<16xf32>,
      %get3A_271 = arith.index_cast %add3A_250 : i32 to index
      %get3A_272 = arith.constant 112 : index
      %get3A_273 = tpu.vector_load %arg9[%get3A_271, %get3A_272] {strides = array<i32>} : memref<80x128xi32, #tpu.memory_space<vmem>>, vector<16xi32>,
      tpu.vector_store_idx %arg11[%get3A_273], %broadcast_in_dim3A_48 {add = true} : memref<10240xf32, #tpu.memory_space<vmem>>[vector<16xi32>], vector<16xf32>,
    }
    %scan3A_74 = arith.constant 80 : i32
    %mul3A_75 = arith.constant 2 : i32
    %mul3A_76 = arith.muli %arg0, %mul3A_75 : i32
    %add3A_77 = arith.constant 1 : i32
    %add3A_78 = arith.addi %mul3A_76, %add3A_77 : i32
    "tpu.region"() ({
      %run_scoped3A_246 = tpu.sem_alloc : memref<!tpu.dma_semaphore, #tpu.memory_space<semaphore_mem>>
      %dma_start3A_247 = arith.constant 0 : i32
      %dma_start3A_248 = tpu.memref_slice %arg6[%arg1, %add3A_78, %dma_start3A_247] : memref<16x4x10240xf32, #tpu.memory_space<hbm>> -> memref<1x1x10240xf32, #tpu.memory_space<hbm>>
      %dma_start3A_249 = tpu.memref_squeeze %dma_start3A_248 : memref<1x1x10240xf32, #tpu.memory_space<hbm>> -> memref<10240xf32, #tpu.memory_space<hbm>>
      %dma_start3A_250 = arith.constant 0 : i32
      %dma_start3A_251 = tpu.memref_slice %arg6[%arg1, %add3A_78, %dma_start3A_250] : memref<16x4x10240xf32, #tpu.memory_space<hbm>> -> memref<1x1x10240xf32, #tpu.memory_space<hbm>>
      %dma_start3A_252 = tpu.memref_squeeze %dma_start3A_251 : memref<1x1x10240xf32, #tpu.memory_space<hbm>> -> memref<10240xf32, #tpu.memory_space<hbm>>
      tpu.enqueue_dma source(%arg11 : memref<10240xf32, #tpu.memory_space<vmem>>) target(%dma_start3A_252 : memref<10240xf32, #tpu.memory_space<hbm>>) target_semaphore(%run_scoped3A_246 : memref<!tpu.dma_semaphore, #tpu.memory_space<semaphore_mem>>)
      %dma_wait3A_253 = arith.constant 0 : i32
      %dma_wait3A_254 = tpu.memref_slice %arg6[%arg1, %add3A_78, %dma_wait3A_253] : memref<16x4x10240xf32, #tpu.memory_space<hbm>> -> memref<1x1x10240xf32, #tpu.memory_space<hbm>>
      %dma_wait3A_255 = tpu.memref_squeeze %dma_wait3A_254 : memref<1x1x10240xf32, #tpu.memory_space<hbm>> -> memref<10240xf32, #tpu.memory_space<hbm>>
      %dma_wait3A_256 = arith.constant 0 : i32
      %dma_wait3A_257 = tpu.memref_slice %arg6[%arg1, %add3A_78, %dma_wait3A_256] : memref<16x4x10240xf32, #tpu.memory_space<hbm>> -> memref<1x1x10240xf32, #tpu.memory_space<hbm>>
      %dma_wait3A_258 = tpu.memref_squeeze %dma_wait3A_257 : memref<1x1x10240xf32, #tpu.memory_space<hbm>> -> memref<10240xf32, #tpu.memory_space<hbm>>
      tpu.wait_dma2 semaphore(%run_scoped3A_246 : memref<!tpu.dma_semaphore, #tpu.memory_space<semaphore_mem>>) src(%arg11 : memref<10240xf32, #tpu.memory_space<vmem>>) dst(%dma_wait3A_258 : memref<10240xf32, #tpu.memory_space<hbm>>)
      tpu.yield
    }) : () -> ()
    %dma_wait3A = arith.constant 0 : i32
    %dma_wait3A_79 = arith.constant 0 : i32
    %dma_wait3A_80 = arith.constant 0 : i32
    %dma_wait3A_81 = arith.constant 0 : i32
    %dma_wait3A_82 = tpu.memref_slice %arg8[%dma_wait3A_79, %dma_wait3A_80, %dma_wait3A_81] : memref<4x80x256xf32, #tpu.memory_space<vmem>> -> memref<1x80x256xf32, #tpu.memory_space<vmem>>
    %dma_wait3A_83 = tpu.memref_squeeze %dma_wait3A_82 : memref<1x80x256xf32, #tpu.memory_space<vmem>> -> memref<80x256xf32, #tpu.memory_space<vmem>>
    %dma_wait3A_84 = arith.constant 0 : i32
    %dma_wait3A_85 = tpu.memref_slice %arg7[%dma_wait3A, %dma_wait3A_84] : memref<4x80xi32, #tpu.memory_space<vmem>> -> memref<1x80xi32, #tpu.memory_space<vmem>>
    %dma_wait3A_86 = tpu.memref_squeeze %dma_wait3A_85 : memref<1x80xi32, #tpu.memory_space<vmem>> -> memref<80xi32, #tpu.memory_space<vmem>>
    %dma_wait3A_87 = arith.constant 0 : i32
    %dma_wait3A_88 = arith.constant 0 : i32
    %dma_wait3A_89 = tpu.memref_slice %arg2[%dma_wait3A_87, %dma_wait3A_88] : memref<100000x256xf32, #tpu.memory_space<hbm>> -> memref<100000x256xf32, #tpu.memory_space<hbm>>
    tpu.wait_indirect_dma semaphore(%arg12 : memref<!tpu.dma_semaphore, #tpu.memory_space<semaphore_mem>>) src(%dma_wait3A_89 : memref<100000x256xf32, #tpu.memory_space<hbm>>) dst(%dma_wait3A_83 : memref<80x256xf32, #tpu.memory_space<vmem>>)
    %mul3A_90 = arith.constant 320 : i32
    %mul3A_91 = arith.muli %add3A, %mul3A_90 : i32
    %add3A_92 = arith.constant 0 : i32
    %add3A_93 = arith.addi %mul3A_91, %add3A_92 : i32
    %dma_start3A_94 = arith.constant 0 : i32
    %dma_start3A_95 = arith.constant 0 : i32
    %dma_start3A_96 = arith.constant 0 : i32
    %dma_start3A_97 = tpu.memref_slice %arg8[%dma_start3A_94, %dma_start3A_95, %dma_start3A_96] : memref<4x80x256xf32, #tpu.memory_space<vmem>> -> memref<1x80x256xf32, #tpu.memory_space<vmem>>
    %dma_start3A_98 = tpu.memref_squeeze %dma_start3A_97 : memref<1x80x256xf32, #tpu.memory_space<vmem>> -> memref<80x256xf32, #tpu.memory_space<vmem>>
    %dma_start3A_99 = arith.constant 0 : i32
    %dma_start3A_100 = tpu.memref_slice %arg5[%add3A_93, %dma_start3A_99] : memref<10240x256xf32, #tpu.memory_space<hbm>> -> memref<80x256xf32, #tpu.memory_space<hbm>>
    %dma_start3A_101 = arith.constant 0 : i32
    %dma_start3A_102 = tpu.memref_slice %arg5[%add3A_93, %dma_start3A_101] : memref<10240x256xf32, #tpu.memory_space<hbm>> -> memref<80x256xf32, #tpu.memory_space<hbm>>
    %dma_start3A_103 = arith.constant 0 : i32
    %dma_start3A_104 = arith.constant 0 : i32
    %dma_start3A_105 = tpu.memref_slice %arg8[%dma_start3A_94, %dma_start3A_103, %dma_start3A_104] : memref<4x80x256xf32, #tpu.memory_space<vmem>> -> memref<1x80x256xf32, #tpu.memory_space<vmem>>
    %dma_start3A_106 = tpu.memref_squeeze %dma_start3A_105 : memref<1x80x256xf32, #tpu.memory_space<vmem>> -> memref<80x256xf32, #tpu.memory_space<vmem>>
    tpu.enqueue_dma source(%dma_start3A_106 : memref<80x256xf32, #tpu.memory_space<vmem>>) target(%dma_start3A_102 : memref<80x256xf32, #tpu.memory_space<hbm>>) target_semaphore(%arg16 : memref<!tpu.dma_semaphore, #tpu.memory_space<semaphore_mem>>)
    %dma_wait3A_107 = arith.constant 1 : i32
    %dma_wait3A_108 = arith.constant 1 : i32
    %dma_wait3A_109 = arith.constant 0 : i32
    %dma_wait3A_110 = arith.constant 0 : i32
    %dma_wait3A_111 = tpu.memref_slice %arg8[%dma_wait3A_108, %dma_wait3A_109, %dma_wait3A_110] : memref<4x80x256xf32, #tpu.memory_space<vmem>> -> memref<1x80x256xf32, #tpu.memory_space<vmem>>
    %dma_wait3A_112 = tpu.memref_squeeze %dma_wait3A_111 : memref<1x80x256xf32, #tpu.memory_space<vmem>> -> memref<80x256xf32, #tpu.memory_space<vmem>>
    %dma_wait3A_113 = arith.constant 0 : i32
    %dma_wait3A_114 = tpu.memref_slice %arg7[%dma_wait3A_107, %dma_wait3A_113] : memref<4x80xi32, #tpu.memory_space<vmem>> -> memref<1x80xi32, #tpu.memory_space<vmem>>
    %dma_wait3A_115 = tpu.memref_squeeze %dma_wait3A_114 : memref<1x80xi32, #tpu.memory_space<vmem>> -> memref<80xi32, #tpu.memory_space<vmem>>
    %dma_wait3A_116 = arith.constant 0 : i32
    %dma_wait3A_117 = arith.constant 0 : i32
    %dma_wait3A_118 = tpu.memref_slice %arg2[%dma_wait3A_116, %dma_wait3A_117] : memref<100000x256xf32, #tpu.memory_space<hbm>> -> memref<100000x256xf32, #tpu.memory_space<hbm>>
    tpu.wait_indirect_dma semaphore(%arg13 : memref<!tpu.dma_semaphore, #tpu.memory_space<semaphore_mem>>) src(%dma_wait3A_118 : memref<100000x256xf32, #tpu.memory_space<hbm>>) dst(%dma_wait3A_112 : memref<80x256xf32, #tpu.memory_space<vmem>>)
    %mul3A_119 = arith.constant 320 : i32
    %mul3A_120 = arith.muli %add3A, %mul3A_119 : i32
    %add3A_121 = arith.constant 80 : i32
    %add3A_122 = arith.addi %mul3A_120, %add3A_121 : i32
    %dma_start3A_123 = arith.constant 1 : i32
    %dma_start3A_124 = arith.constant 0 : i32
    %dma_start3A_125 = arith.constant 0 : i32
    %dma_start3A_126 = tpu.memref_slice %arg8[%dma_start3A_123, %dma_start3A_124, %dma_start3A_125] : memref<4x80x256xf32, #tpu.memory_space<vmem>> -> memref<1x80x256xf32, #tpu.memory_space<vmem>>
    %dma_start3A_127 = tpu.memref_squeeze %dma_start3A_126 : memref<1x80x256xf32, #tpu.memory_space<vmem>> -> memref<80x256xf32, #tpu.memory_space<vmem>>
    %dma_start3A_128 = arith.constant 0 : i32
    %dma_start3A_129 = tpu.memref_slice %arg5[%add3A_122, %dma_start3A_128] : memref<10240x256xf32, #tpu.memory_space<hbm>> -> memref<80x256xf32, #tpu.memory_space<hbm>>
    %dma_start3A_130 = arith.constant 0 : i32
    %dma_start3A_131 = tpu.memref_slice %arg5[%add3A_122, %dma_start3A_130] : memref<10240x256xf32, #tpu.memory_space<hbm>> -> memref<80x256xf32, #tpu.memory_space<hbm>>
    %dma_start3A_132 = arith.constant 0 : i32
    %dma_start3A_133 = arith.constant 0 : i32
    %dma_start3A_134 = tpu.memref_slice %arg8[%dma_start3A_123, %dma_start3A_132, %dma_start3A_133] : memref<4x80x256xf32, #tpu.memory_space<vmem>> -> memref<1x80x256xf32, #tpu.memory_space<vmem>>
    %dma_start3A_135 = tpu.memref_squeeze %dma_start3A_134 : memref<1x80x256xf32, #tpu.memory_space<vmem>> -> memref<80x256xf32, #tpu.memory_space<vmem>>
    tpu.enqueue_dma source(%dma_start3A_135 : memref<80x256xf32, #tpu.memory_space<vmem>>) target(%dma_start3A_131 : memref<80x256xf32, #tpu.memory_space<hbm>>) target_semaphore(%arg16 : memref<!tpu.dma_semaphore, #tpu.memory_space<semaphore_mem>>)
    %dma_wait3A_136 = arith.constant 2 : i32
    %dma_wait3A_137 = arith.constant 2 : i32
    %dma_wait3A_138 = arith.constant 0 : i32
    %dma_wait3A_139 = arith.constant 0 : i32
    %dma_wait3A_140 = tpu.memref_slice %arg8[%dma_wait3A_137, %dma_wait3A_138, %dma_wait3A_139] : memref<4x80x256xf32, #tpu.memory_space<vmem>> -> memref<1x80x256xf32, #tpu.memory_space<vmem>>
    %dma_wait3A_141 = tpu.memref_squeeze %dma_wait3A_140 : memref<1x80x256xf32, #tpu.memory_space<vmem>> -> memref<80x256xf32, #tpu.memory_space<vmem>>
    %dma_wait3A_142 = arith.constant 0 : i32
    %dma_wait3A_143 = tpu.memref_slice %arg7[%dma_wait3A_136, %dma_wait3A_142] : memref<4x80xi32, #tpu.memory_space<vmem>> -> memref<1x80xi32, #tpu.memory_space<vmem>>
    %dma_wait3A_144 = tpu.memref_squeeze %dma_wait3A_143 : memref<1x80xi32, #tpu.memory_space<vmem>> -> memref<80xi32, #tpu.memory_space<vmem>>
    %dma_wait3A_145 = arith.constant 0 : i32
    %dma_wait3A_146 = arith.constant 0 : i32
    %dma_wait3A_147 = tpu.memref_slice %arg2[%dma_wait3A_145, %dma_wait3A_146] : memref<100000x256xf32, #tpu.memory_space<hbm>> -> memref<100000x256xf32, #tpu.memory_space<hbm>>
    tpu.wait_indirect_dma semaphore(%arg14 : memref<!tpu.dma_semaphore, #tpu.memory_space<semaphore_mem>>) src(%dma_wait3A_147 : memref<100000x256xf32, #tpu.memory_space<hbm>>) dst(%dma_wait3A_141 : memref<80x256xf32, #tpu.memory_space<vmem>>)
    %mul3A_148 = arith.constant 320 : i32
    %mul3A_149 = arith.muli %add3A, %mul3A_148 : i32
    %add3A_150 = arith.constant 160 : i32
    %add3A_151 = arith.addi %mul3A_149, %add3A_150 : i32
    %dma_start3A_152 = arith.constant 2 : i32
    %dma_start3A_153 = arith.constant 0 : i32
    %dma_start3A_154 = arith.constant 0 : i32
    %dma_start3A_155 = tpu.memref_slice %arg8[%dma_start3A_152, %dma_start3A_153, %dma_start3A_154] : memref<4x80x256xf32, #tpu.memory_space<vmem>> -> memref<1x80x256xf32, #tpu.memory_space<vmem>>
    %dma_start3A_156 = tpu.memref_squeeze %dma_start3A_155 : memref<1x80x256xf32, #tpu.memory_space<vmem>> -> memref<80x256xf32, #tpu.memory_space<vmem>>
    %dma_start3A_157 = arith.constant 0 : i32
    %dma_start3A_158 = tpu.memref_slice %arg5[%add3A_151, %dma_start3A_157] : memref<10240x256xf32, #tpu.memory_space<hbm>> -> memref<80x256xf32, #tpu.memory_space<hbm>>
    %dma_start3A_159 = arith.constant 0 : i32
    %dma_start3A_160 = tpu.memref_slice %arg5[%add3A_151, %dma_start3A_159] : memref<10240x256xf32, #tpu.memory_space<hbm>> -> memref<80x256xf32, #tpu.memory_space<hbm>>
    %dma_start3A_161 = arith.constant 0 : i32
    %dma_start3A_162 = arith.constant 0 : i32
    %dma_start3A_163 = tpu.memref_slice %arg8[%dma_start3A_152, %dma_start3A_161, %dma_start3A_162] : memref<4x80x256xf32, #tpu.memory_space<vmem>> -> memref<1x80x256xf32, #tpu.memory_space<vmem>>
    %dma_start3A_164 = tpu.memref_squeeze %dma_start3A_163 : memref<1x80x256xf32, #tpu.memory_space<vmem>> -> memref<80x256xf32, #tpu.memory_space<vmem>>
    tpu.enqueue_dma source(%dma_start3A_164 : memref<80x256xf32, #tpu.memory_space<vmem>>) target(%dma_start3A_160 : memref<80x256xf32, #tpu.memory_space<hbm>>) target_semaphore(%arg16 : memref<!tpu.dma_semaphore, #tpu.memory_space<semaphore_mem>>)
    %dma_wait3A_165 = arith.constant 3 : i32
    %dma_wait3A_166 = arith.constant 3 : i32
    %dma_wait3A_167 = arith.constant 0 : i32
    %dma_wait3A_168 = arith.constant 0 : i32
    %dma_wait3A_169 = tpu.memref_slice %arg8[%dma_wait3A_166, %dma_wait3A_167, %dma_wait3A_168] : memref<4x80x256xf32, #tpu.memory_space<vmem>> -> memref<1x80x256xf32, #tpu.memory_space<vmem>>
    %dma_wait3A_170 = tpu.memref_squeeze %dma_wait3A_169 : memref<1x80x256xf32, #tpu.memory_space<vmem>> -> memref<80x256xf32, #tpu.memory_space<vmem>>
    %dma_wait3A_171 = arith.constant 0 : i32
    %dma_wait3A_172 = tpu.memref_slice %arg7[%dma_wait3A_165, %dma_wait3A_171] : memref<4x80xi32, #tpu.memory_space<vmem>> -> memref<1x80xi32, #tpu.memory_space<vmem>>
    %dma_wait3A_173 = tpu.memref_squeeze %dma_wait3A_172 : memref<1x80xi32, #tpu.memory_space<vmem>> -> memref<80xi32, #tpu.memory_space<vmem>>
    %dma_wait3A_174 = arith.constant 0 : i32
    %dma_wait3A_175 = arith.constant 0 : i32
    %dma_wait3A_176 = tpu.memref_slice %arg2[%dma_wait3A_174, %dma_wait3A_175] : memref<100000x256xf32, #tpu.memory_space<hbm>> -> memref<100000x256xf32, #tpu.memory_space<hbm>>
    tpu.wait_indirect_dma semaphore(%arg15 : memref<!tpu.dma_semaphore, #tpu.memory_space<semaphore_mem>>) src(%dma_wait3A_176 : memref<100000x256xf32, #tpu.memory_space<hbm>>) dst(%dma_wait3A_170 : memref<80x256xf32, #tpu.memory_space<vmem>>)
    %mul3A_177 = arith.constant 320 : i32
    %mul3A_178 = arith.muli %add3A, %mul3A_177 : i32
    %add3A_179 = arith.constant 240 : i32
    %add3A_180 = arith.addi %mul3A_178, %add3A_179 : i32
    %dma_start3A_181 = arith.constant 3 : i32
    %dma_start3A_182 = arith.constant 0 : i32
    %dma_start3A_183 = arith.constant 0 : i32
    %dma_start3A_184 = tpu.memref_slice %arg8[%dma_start3A_181, %dma_start3A_182, %dma_start3A_183] : memref<4x80x256xf32, #tpu.memory_space<vmem>> -> memref<1x80x256xf32, #tpu.memory_space<vmem>>
    %dma_start3A_185 = tpu.memref_squeeze %dma_start3A_184 : memref<1x80x256xf32, #tpu.memory_space<vmem>> -> memref<80x256xf32, #tpu.memory_space<vmem>>
    %dma_start3A_186 = arith.constant 0 : i32
    %dma_start3A_187 = tpu.memref_slice %arg5[%add3A_180, %dma_start3A_186] : memref<10240x256xf32, #tpu.memory_space<hbm>> -> memref<80x256xf32, #tpu.memory_space<hbm>>
    %dma_start3A_188 = arith.constant 0 : i32
    %dma_start3A_189 = tpu.memref_slice %arg5[%add3A_180, %dma_start3A_188] : memref<10240x256xf32, #tpu.memory_space<hbm>> -> memref<80x256xf32, #tpu.memory_space<hbm>>
    %dma_start3A_190 = arith.constant 0 : i32
    %dma_start3A_191 = arith.constant 0 : i32
    %dma_start3A_192 = tpu.memref_slice %arg8[%dma_start3A_181, %dma_start3A_190, %dma_start3A_191] : memref<4x80x256xf32, #tpu.memory_space<vmem>> -> memref<1x80x256xf32, #tpu.memory_space<vmem>>
    %dma_start3A_193 = tpu.memref_squeeze %dma_start3A_192 : memref<1x80x256xf32, #tpu.memory_space<vmem>> -> memref<80x256xf32, #tpu.memory_space<vmem>>
    tpu.enqueue_dma source(%dma_start3A_193 : memref<80x256xf32, #tpu.memory_space<vmem>>) target(%dma_start3A_189 : memref<80x256xf32, #tpu.memory_space<hbm>>) target_semaphore(%arg16 : memref<!tpu.dma_semaphore, #tpu.memory_space<semaphore_mem>>)
    %dma_wait3A_194 = arith.constant 0 : i32
    %dma_wait3A_195 = arith.constant 0 : i32
    %dma_wait3A_196 = arith.constant 0 : i32
    %dma_wait3A_197 = tpu.memref_slice %arg8[%dma_wait3A_194, %dma_wait3A_195, %dma_wait3A_196] : memref<4x80x256xf32, #tpu.memory_space<vmem>> -> memref<1x80x256xf32, #tpu.memory_space<vmem>>
    %dma_wait3A_198 = tpu.memref_squeeze %dma_wait3A_197 : memref<1x80x256xf32, #tpu.memory_space<vmem>> -> memref<80x256xf32, #tpu.memory_space<vmem>>
    %dma_wait3A_199 = arith.constant 0 : i32
    %dma_wait3A_200 = tpu.memref_slice %arg5[%add3A_93, %dma_wait3A_199] : memref<10240x256xf32, #tpu.memory_space<hbm>> -> memref<80x256xf32, #tpu.memory_space<hbm>>
    %dma_wait3A_201 = arith.constant 0 : i32
    %dma_wait3A_202 = tpu.memref_slice %arg5[%add3A_93, %dma_wait3A_201] : memref<10240x256xf32, #tpu.memory_space<hbm>> -> memref<80x256xf32, #tpu.memory_space<hbm>>
    %dma_wait3A_203 = arith.constant 0 : i32
    %dma_wait3A_204 = arith.constant 0 : i32
    %dma_wait3A_205 = tpu.memref_slice %arg8[%dma_wait3A_194, %dma_wait3A_203, %dma_wait3A_204] : memref<4x80x256xf32, #tpu.memory_space<vmem>> -> memref<1x80x256xf32, #tpu.memory_space<vmem>>
    %dma_wait3A_206 = tpu.memref_squeeze %dma_wait3A_205 : memref<1x80x256xf32, #tpu.memory_space<vmem>> -> memref<80x256xf32, #tpu.memory_space<vmem>>
    tpu.wait_dma2 semaphore(%arg16 : memref<!tpu.dma_semaphore, #tpu.memory_space<semaphore_mem>>) src(%dma_wait3A_206 : memref<80x256xf32, #tpu.memory_space<vmem>>) dst(%dma_wait3A_202 : memref<80x256xf32, #tpu.memory_space<hbm>>)
    %dma_wait3A_207 = arith.constant 1 : i32
    %dma_wait3A_208 = arith.constant 0 : i32
    %dma_wait3A_209 = arith.constant 0 : i32
    %dma_wait3A_210 = tpu.memref_slice %arg8[%dma_wait3A_207, %dma_wait3A_208, %dma_wait3A_209] : memref<4x80x256xf32, #tpu.memory_space<vmem>> -> memref<1x80x256xf32, #tpu.memory_space<vmem>>
    %dma_wait3A_211 = tpu.memref_squeeze %dma_wait3A_210 : memref<1x80x256xf32, #tpu.memory_space<vmem>> -> memref<80x256xf32, #tpu.memory_space<vmem>>
    %dma_wait3A_212 = arith.constant 0 : i32
    %dma_wait3A_213 = tpu.memref_slice %arg5[%add3A_122, %dma_wait3A_212] : memref<10240x256xf32, #tpu.memory_space<hbm>> -> memref<80x256xf32, #tpu.memory_space<hbm>>
    %dma_wait3A_214 = arith.constant 0 : i32
    %dma_wait3A_215 = tpu.memref_slice %arg5[%add3A_122, %dma_wait3A_214] : memref<10240x256xf32, #tpu.memory_space<hbm>> -> memref<80x256xf32, #tpu.memory_space<hbm>>
    %dma_wait3A_216 = arith.constant 0 : i32
    %dma_wait3A_217 = arith.constant 0 : i32
    %dma_wait3A_218 = tpu.memref_slice %arg8[%dma_wait3A_207, %dma_wait3A_216, %dma_wait3A_217] : memref<4x80x256xf32, #tpu.memory_space<vmem>> -> memref<1x80x256xf32, #tpu.memory_space<vmem>>
    %dma_wait3A_219 = tpu.memref_squeeze %dma_wait3A_218 : memref<1x80x256xf32, #tpu.memory_space<vmem>> -> memref<80x256xf32, #tpu.memory_space<vmem>>
    tpu.wait_dma2 semaphore(%arg16 : memref<!tpu.dma_semaphore, #tpu.memory_space<semaphore_mem>>) src(%dma_wait3A_219 : memref<80x256xf32, #tpu.memory_space<vmem>>) dst(%dma_wait3A_215 : memref<80x256xf32, #tpu.memory_space<hbm>>)
    %dma_wait3A_220 = arith.constant 2 : i32
    %dma_wait3A_221 = arith.constant 0 : i32
    %dma_wait3A_222 = arith.constant 0 : i32
    %dma_wait3A_223 = tpu.memref_slice %arg8[%dma_wait3A_220, %dma_wait3A_221, %dma_wait3A_222] : memref<4x80x256xf32, #tpu.memory_space<vmem>> -> memref<1x80x256xf32, #tpu.memory_space<vmem>>
    %dma_wait3A_224 = tpu.memref_squeeze %dma_wait3A_223 : memref<1x80x256xf32, #tpu.memory_space<vmem>> -> memref<80x256xf32, #tpu.memory_space<vmem>>
    %dma_wait3A_225 = arith.constant 0 : i32
    %dma_wait3A_226 = tpu.memref_slice %arg5[%add3A_151, %dma_wait3A_225] : memref<10240x256xf32, #tpu.memory_space<hbm>> -> memref<80x256xf32, #tpu.memory_space<hbm>>
    %dma_wait3A_227 = arith.constant 0 : i32
    %dma_wait3A_228 = tpu.memref_slice %arg5[%add3A_151, %dma_wait3A_227] : memref<10240x256xf32, #tpu.memory_space<hbm>> -> memref<80x256xf32, #tpu.memory_space<hbm>>
    %dma_wait3A_229 = arith.constant 0 : i32
    %dma_wait3A_230 = arith.constant 0 : i32
    %dma_wait3A_231 = tpu.memref_slice %arg8[%dma_wait3A_220, %dma_wait3A_229, %dma_wait3A_230] : memref<4x80x256xf32, #tpu.memory_space<vmem>> -> memref<1x80x256xf32, #tpu.memory_space<vmem>>
    %dma_wait3A_232 = tpu.memref_squeeze %dma_wait3A_231 : memref<1x80x256xf32, #tpu.memory_space<vmem>> -> memref<80x256xf32, #tpu.memory_space<vmem>>
    tpu.wait_dma2 semaphore(%arg16 : memref<!tpu.dma_semaphore, #tpu.memory_space<semaphore_mem>>) src(%dma_wait3A_232 : memref<80x256xf32, #tpu.memory_space<vmem>>) dst(%dma_wait3A_228 : memref<80x256xf32, #tpu.memory_space<hbm>>)
    %dma_wait3A_233 = arith.constant 3 : i32
    %dma_wait3A_234 = arith.constant 0 : i32
    %dma_wait3A_235 = arith.constant 0 : i32
    %dma_wait3A_236 = tpu.memref_slice %arg8[%dma_wait3A_233, %dma_wait3A_234, %dma_wait3A_235] : memref<4x80x256xf32, #tpu.memory_space<vmem>> -> memref<1x80x256xf32, #tpu.memory_space<vmem>>
    %dma_wait3A_237 = tpu.memref_squeeze %dma_wait3A_236 : memref<1x80x256xf32, #tpu.memory_space<vmem>> -> memref<80x256xf32, #tpu.memory_space<vmem>>
    %dma_wait3A_238 = arith.constant 0 : i32
    %dma_wait3A_239 = tpu.memref_slice %arg5[%add3A_180, %dma_wait3A_238] : memref<10240x256xf32, #tpu.memory_space<hbm>> -> memref<80x256xf32, #tpu.memory_space<hbm>>
    %dma_wait3A_240 = arith.constant 0 : i32
    %dma_wait3A_241 = tpu.memref_slice %arg5[%add3A_180, %dma_wait3A_240] : memref<10240x256xf32, #tpu.memory_space<hbm>> -> memref<80x256xf32, #tpu.memory_space<hbm>>
    %dma_wait3A_242 = arith.constant 0 : i32
    %dma_wait3A_243 = arith.constant 0 : i32
    %dma_wait3A_244 = tpu.memref_slice %arg8[%dma_wait3A_233, %dma_wait3A_242, %dma_wait3A_243] : memref<4x80x256xf32, #tpu.memory_space<vmem>> -> memref<1x80x256xf32, #tpu.memory_space<vmem>>
    %dma_wait3A_245 = tpu.memref_squeeze %dma_wait3A_244 : memref<1x80x256xf32, #tpu.memory_space<vmem>> -> memref<80x256xf32, #tpu.memory_space<vmem>>
    tpu.wait_dma2 semaphore(%arg16 : memref<!tpu.dma_semaphore, #tpu.memory_space<semaphore_mem>>) src(%dma_wait3A_245 : memref<80x256xf32, #tpu.memory_space<vmem>>) dst(%dma_wait3A_241 : memref<80x256xf32, #tpu.memory_space<hbm>>)
    return
  }
}

module attributes {stable_mosaic.version = 14 : i64} {
  func.func @_scale_body(%arg0: i32, %arg1: memref<1024x256xf32, #tpu.memory_space<vmem>>, %arg2: memref<16x4x1024xf32, #tpu.memory_space<vmem>>, %arg3: memref<2x1024x128xf32, #tpu.memory_space<vmem>>, %arg4: memref<1024x4xf32, #tpu.memory_space<vmem>>) attributes {dimension_semantics = [#tpu.dimension_semantics<arbitrary>], iteration_bounds = array<i64: 10>, scalar_prefetch = 0 : i64, scratch_operands = 0 : i64, tpu.core_type = #tpu.core_type<tc>, window_params = [{transform_indices = @transform_0, window_bounds = array<i64: 1024, 256>}, {transform_indices = @transform_1, window_bounds = array<i64: 16, 4, 1024>}, {transform_indices = @transform_2, window_bounds = array<i64: 2, 1024, 128>}, {transform_indices = @transform_3, window_bounds = array<i64: 1024, 4>}]} {
    %get3A = arith.constant 0 : index
    %get3A_0 = arith.constant 0 : index
    %get3A_1 = arith.constant 0 : index
    %get3A_2 = vector.load %arg2[%get3A, %get3A_0, %get3A_1] : memref<16x4x1024xf32, #tpu.memory_space<vmem>>, vector<1x4x1024xf32>
    %get3A_3 = vector.shape_cast %get3A_2 : vector<1x4x1024xf32> to vector<4x1024xf32>
    %get3A_4 = arith.constant 1 : index
    %get3A_5 = arith.constant 0 : index
    %get3A_6 = arith.constant 0 : index
    %get3A_7 = vector.load %arg2[%get3A_4, %get3A_5, %get3A_6] : memref<16x4x1024xf32, #tpu.memory_space<vmem>>, vector<1x4x1024xf32>
    %get3A_8 = vector.shape_cast %get3A_7 : vector<1x4x1024xf32> to vector<4x1024xf32>
    %add3A = arith.addf %get3A_3, %get3A_8 : vector<4x1024xf32>
    %get3A_9 = arith.constant 2 : index
    %get3A_10 = arith.constant 0 : index
    %get3A_11 = arith.constant 0 : index
    %get3A_12 = vector.load %arg2[%get3A_9, %get3A_10, %get3A_11] : memref<16x4x1024xf32, #tpu.memory_space<vmem>>, vector<1x4x1024xf32>
    %get3A_13 = vector.shape_cast %get3A_12 : vector<1x4x1024xf32> to vector<4x1024xf32>
    %add3A_14 = arith.addf %add3A, %get3A_13 : vector<4x1024xf32>
    %get3A_15 = arith.constant 3 : index
    %get3A_16 = arith.constant 0 : index
    %get3A_17 = arith.constant 0 : index
    %get3A_18 = vector.load %arg2[%get3A_15, %get3A_16, %get3A_17] : memref<16x4x1024xf32, #tpu.memory_space<vmem>>, vector<1x4x1024xf32>
    %get3A_19 = vector.shape_cast %get3A_18 : vector<1x4x1024xf32> to vector<4x1024xf32>
    %add3A_20 = arith.addf %add3A_14, %get3A_19 : vector<4x1024xf32>
    %get3A_21 = arith.constant 4 : index
    %get3A_22 = arith.constant 0 : index
    %get3A_23 = arith.constant 0 : index
    %get3A_24 = vector.load %arg2[%get3A_21, %get3A_22, %get3A_23] : memref<16x4x1024xf32, #tpu.memory_space<vmem>>, vector<1x4x1024xf32>
    %get3A_25 = vector.shape_cast %get3A_24 : vector<1x4x1024xf32> to vector<4x1024xf32>
    %add3A_26 = arith.addf %add3A_20, %get3A_25 : vector<4x1024xf32>
    %get3A_27 = arith.constant 5 : index
    %get3A_28 = arith.constant 0 : index
    %get3A_29 = arith.constant 0 : index
    %get3A_30 = vector.load %arg2[%get3A_27, %get3A_28, %get3A_29] : memref<16x4x1024xf32, #tpu.memory_space<vmem>>, vector<1x4x1024xf32>
    %get3A_31 = vector.shape_cast %get3A_30 : vector<1x4x1024xf32> to vector<4x1024xf32>
    %add3A_32 = arith.addf %add3A_26, %get3A_31 : vector<4x1024xf32>
    %get3A_33 = arith.constant 6 : index
    %get3A_34 = arith.constant 0 : index
    %get3A_35 = arith.constant 0 : index
    %get3A_36 = vector.load %arg2[%get3A_33, %get3A_34, %get3A_35] : memref<16x4x1024xf32, #tpu.memory_space<vmem>>, vector<1x4x1024xf32>
    %get3A_37 = vector.shape_cast %get3A_36 : vector<1x4x1024xf32> to vector<4x1024xf32>
    %add3A_38 = arith.addf %add3A_32, %get3A_37 : vector<4x1024xf32>
    %get3A_39 = arith.constant 7 : index
    %get3A_40 = arith.constant 0 : index
    %get3A_41 = arith.constant 0 : index
    %get3A_42 = vector.load %arg2[%get3A_39, %get3A_40, %get3A_41] : memref<16x4x1024xf32, #tpu.memory_space<vmem>>, vector<1x4x1024xf32>
    %get3A_43 = vector.shape_cast %get3A_42 : vector<1x4x1024xf32> to vector<4x1024xf32>
    %add3A_44 = arith.addf %add3A_38, %get3A_43 : vector<4x1024xf32>
    %get3A_45 = arith.constant 8 : index
    %get3A_46 = arith.constant 0 : index
    %get3A_47 = arith.constant 0 : index
    %get3A_48 = vector.load %arg2[%get3A_45, %get3A_46, %get3A_47] : memref<16x4x1024xf32, #tpu.memory_space<vmem>>, vector<1x4x1024xf32>
    %get3A_49 = vector.shape_cast %get3A_48 : vector<1x4x1024xf32> to vector<4x1024xf32>
    %add3A_50 = arith.addf %add3A_44, %get3A_49 : vector<4x1024xf32>
    %get3A_51 = arith.constant 9 : index
    %get3A_52 = arith.constant 0 : index
    %get3A_53 = arith.constant 0 : index
    %get3A_54 = vector.load %arg2[%get3A_51, %get3A_52, %get3A_53] : memref<16x4x1024xf32, #tpu.memory_space<vmem>>, vector<1x4x1024xf32>
    %get3A_55 = vector.shape_cast %get3A_54 : vector<1x4x1024xf32> to vector<4x1024xf32>
    %add3A_56 = arith.addf %add3A_50, %get3A_55 : vector<4x1024xf32>
    %get3A_57 = arith.constant 10 : index
    %get3A_58 = arith.constant 0 : index
    %get3A_59 = arith.constant 0 : index
    %get3A_60 = vector.load %arg2[%get3A_57, %get3A_58, %get3A_59] : memref<16x4x1024xf32, #tpu.memory_space<vmem>>, vector<1x4x1024xf32>
    %get3A_61 = vector.shape_cast %get3A_60 : vector<1x4x1024xf32> to vector<4x1024xf32>
    %add3A_62 = arith.addf %add3A_56, %get3A_61 : vector<4x1024xf32>
    %get3A_63 = arith.constant 11 : index
    %get3A_64 = arith.constant 0 : index
    %get3A_65 = arith.constant 0 : index
    %get3A_66 = vector.load %arg2[%get3A_63, %get3A_64, %get3A_65] : memref<16x4x1024xf32, #tpu.memory_space<vmem>>, vector<1x4x1024xf32>
    %get3A_67 = vector.shape_cast %get3A_66 : vector<1x4x1024xf32> to vector<4x1024xf32>
    %add3A_68 = arith.addf %add3A_62, %get3A_67 : vector<4x1024xf32>
    %get3A_69 = arith.constant 12 : index
    %get3A_70 = arith.constant 0 : index
    %get3A_71 = arith.constant 0 : index
    %get3A_72 = vector.load %arg2[%get3A_69, %get3A_70, %get3A_71] : memref<16x4x1024xf32, #tpu.memory_space<vmem>>, vector<1x4x1024xf32>
    %get3A_73 = vector.shape_cast %get3A_72 : vector<1x4x1024xf32> to vector<4x1024xf32>
    %add3A_74 = arith.addf %add3A_68, %get3A_73 : vector<4x1024xf32>
    %get3A_75 = arith.constant 13 : index
    %get3A_76 = arith.constant 0 : index
    %get3A_77 = arith.constant 0 : index
    %get3A_78 = vector.load %arg2[%get3A_75, %get3A_76, %get3A_77] : memref<16x4x1024xf32, #tpu.memory_space<vmem>>, vector<1x4x1024xf32>
    %get3A_79 = vector.shape_cast %get3A_78 : vector<1x4x1024xf32> to vector<4x1024xf32>
    %add3A_80 = arith.addf %add3A_74, %get3A_79 : vector<4x1024xf32>
    %get3A_81 = arith.constant 14 : index
    %get3A_82 = arith.constant 0 : index
    %get3A_83 = arith.constant 0 : index
    %get3A_84 = vector.load %arg2[%get3A_81, %get3A_82, %get3A_83] : memref<16x4x1024xf32, #tpu.memory_space<vmem>>, vector<1x4x1024xf32>
    %get3A_85 = vector.shape_cast %get3A_84 : vector<1x4x1024xf32> to vector<4x1024xf32>
    %add3A_86 = arith.addf %add3A_80, %get3A_85 : vector<4x1024xf32>
    %get3A_87 = arith.constant 15 : index
    %get3A_88 = arith.constant 0 : index
    %get3A_89 = arith.constant 0 : index
    %get3A_90 = vector.load %arg2[%get3A_87, %get3A_88, %get3A_89] : memref<16x4x1024xf32, #tpu.memory_space<vmem>>, vector<1x4x1024xf32>
    %get3A_91 = vector.shape_cast %get3A_90 : vector<1x4x1024xf32> to vector<4x1024xf32>
    %add3A_92 = arith.addf %add3A_86, %get3A_91 : vector<4x1024xf32>
    %jit3A = arith.constant 1.000000e+00 : f32
    %max3A = vector.broadcast %jit3A : f32 to vector<4x1024xf32>
    %max3A_93 = arith.maximumf %max3A, %add3A_92 : vector<4x1024xf32>
    %rsqrt3A = math.rsqrt %max3A_93 : vector<4x1024xf32>
    %transpose3A = tpu.transpose %rsqrt3A, [1, 0] : vector<4x1024xf32> -> vector<1024x4xf32>
    %swap3A = arith.constant 0 : index
    %swap3A_94 = arith.constant 0 : index
    %swap3A_95 = vector.load %arg4[%swap3A, %swap3A_94] : memref<1024x4xf32, #tpu.memory_space<vmem>>, vector<1024x4xf32>
    tpu.vector_store %arg4[%swap3A, %swap3A_94], %transpose3A {strides = array<i32>} : memref<1024x4xf32, #tpu.memory_space<vmem>>, vector<1024x4xf32>,
    %get3A_96 = arith.constant 0 : index
    %get3A_97 = arith.constant 0 : index
    %get3A_98 = vector.load %arg1[%get3A_96, %get3A_97] : memref<1024x256xf32, #tpu.memory_space<vmem>>, vector<1024x256xf32>
    %slice3A = vector.extract_strided_slice %transpose3A {offsets = [0, 0], sizes = [1024, 1], strides = [1, 1]} : vector<1024x4xf32> to vector<1024x1xf32>
    %mul3A = vector.broadcast %slice3A : vector<1024x1xf32> to vector<1024x256xf32>
    %mul3A_99 = arith.mulf %get3A_98, %mul3A : vector<1024x256xf32>
    %slice3A_100 = vector.extract_strided_slice %mul3A_99 {offsets = [0, 0], sizes = [1024, 128], strides = [1, 1]} : vector<1024x256xf32> to vector<1024x128xf32>
    %swap3A_101 = arith.constant 0 : index
    %swap3A_102 = arith.constant 0 : index
    %swap3A_103 = arith.constant 0 : index
    %swap3A_104 = vector.load %arg3[%swap3A_101, %swap3A_102, %swap3A_103] : memref<2x1024x128xf32, #tpu.memory_space<vmem>>, vector<1x1024x128xf32>
    %swap3A_105 = vector.shape_cast %swap3A_104 : vector<1x1024x128xf32> to vector<1024x128xf32>
    %swap3A_106 = vector.shape_cast %slice3A_100 : vector<1024x128xf32> to vector<1x1024x128xf32>
    tpu.vector_store %arg3[%swap3A_101, %swap3A_102, %swap3A_103], %swap3A_106 {strides = array<i32>} : memref<2x1024x128xf32, #tpu.memory_space<vmem>>, vector<1x1024x128xf32>,
    %slice3A_107 = vector.extract_strided_slice %mul3A_99 {offsets = [0, 128], sizes = [1024, 128], strides = [1, 1]} : vector<1024x256xf32> to vector<1024x128xf32>
    %swap3A_108 = arith.constant 1 : index
    %swap3A_109 = arith.constant 0 : index
    %swap3A_110 = arith.constant 0 : index
    %swap3A_111 = vector.load %arg3[%swap3A_108, %swap3A_109, %swap3A_110] : memref<2x1024x128xf32, #tpu.memory_space<vmem>>, vector<1x1024x128xf32>
    %swap3A_112 = vector.shape_cast %swap3A_111 : vector<1x1024x128xf32> to vector<1024x128xf32>
    %swap3A_113 = vector.shape_cast %slice3A_107 : vector<1024x128xf32> to vector<1x1024x128xf32>
    tpu.vector_store %arg3[%swap3A_108, %swap3A_109, %swap3A_110], %swap3A_113 {strides = array<i32>} : memref<2x1024x128xf32, #tpu.memory_space<vmem>>, vector<1x1024x128xf32>,
    return
  }
  func.func @transform_0(%arg0: i32) -> (i32, i32) {
    %c0_i32 = arith.constant 0 : i32
    %c0_i32_0 = arith.constant 0 : i32
    return %arg0, %c0_i32 : i32, i32
  }
  func.func @transform_1(%arg0: i32) -> (i32, i32, i32) {
    %c0_i32 = arith.constant 0 : i32
    %c0_i32_0 = arith.constant 0 : i32
    %c0_i32_1 = arith.constant 0 : i32
    return %c0_i32, %c0_i32_0, %arg0 : i32, i32, i32
  }
  func.func @transform_2(%arg0: i32) -> (i32, i32, i32) {
    %c0_i32 = arith.constant 0 : i32
    %c0_i32_0 = arith.constant 0 : i32
    %c0_i32_1 = arith.constant 0 : i32
    return %c0_i32, %arg0, %c0_i32_0 : i32, i32, i32
  }
  func.func @transform_3(%arg0: i32) -> (i32, i32) {
    %c0_i32 = arith.constant 0 : i32
    %c0_i32_0 = arith.constant 0 : i32
    return %arg0, %c0_i32 : i32, i32
  }
}

module attributes {stable_mosaic.version = 14 : i64} {
  func.func @_mlp_body(%arg0: i32, %arg1: memref<2x1024x128xf32, #tpu.memory_space<vmem>>, %arg2: memref<1024x4xf32, #tpu.memory_space<vmem>>, %arg3: memref<256x256xf32, #tpu.memory_space<vmem>>, %arg4: memref<1x256xf32, #tpu.memory_space<vmem>>, %arg5: memref<256x128xf32, #tpu.memory_space<vmem>>, %arg6: memref<1024x128xf32, #tpu.memory_space<vmem>>) attributes {dimension_semantics = [#tpu.dimension_semantics<arbitrary>], iteration_bounds = array<i64: 10>, scalar_prefetch = 0 : i64, scratch_operands = 0 : i64, tpu.core_type = #tpu.core_type<tc>, window_params = [{transform_indices = @transform_0, window_bounds = array<i64: 2, 1024, 128>}, {transform_indices = @transform_1, window_bounds = array<i64: 1024, 4>}, {pipeline_mode = #tpu.pipeline_mode<synchronous>, transform_indices = @transform_2, window_bounds = array<i64: 256, 256>}, {pipeline_mode = #tpu.pipeline_mode<synchronous>, transform_indices = @transform_3, window_bounds = array<i64: 1, 256>}, {pipeline_mode = #tpu.pipeline_mode<synchronous>, transform_indices = @transform_4, window_bounds = array<i64: 256, 128>}, {transform_indices = @transform_5, window_bounds = array<i64: 1024, 128>}]} {
    %get3A = arith.constant 0 : index
    %get3A_0 = arith.constant 0 : index
    %get3A_1 = arith.constant 0 : index
    %get3A_2 = vector.load %arg1[%get3A, %get3A_0, %get3A_1] : memref<2x1024x128xf32, #tpu.memory_space<vmem>>, vector<1x1024x128xf32>
    %get3A_3 = vector.shape_cast %get3A_2 : vector<1x1024x128xf32> to vector<1024x128xf32>
    %get3A_4 = arith.constant 1 : index
    %get3A_5 = arith.constant 0 : index
    %get3A_6 = arith.constant 0 : index
    %get3A_7 = vector.load %arg1[%get3A_4, %get3A_5, %get3A_6] : memref<2x1024x128xf32, #tpu.memory_space<vmem>>, vector<1x1024x128xf32>
    %get3A_8 = vector.shape_cast %get3A_7 : vector<1x1024x128xf32> to vector<1024x128xf32>
    %concatenate3A = tpu.concatenate %get3A_3, %get3A_8 in 1 : vector<1024x128xf32>, vector<1024x128xf32> -> vector<1024x256xf32>
    %get3A_9 = arith.constant 0 : index
    %get3A_10 = arith.constant 1 : index
    %get3A_11 = vector.load %arg2[%get3A_9, %get3A_10] : memref<1024x4xf32, #tpu.memory_space<vmem>>, vector<1024x1xf32>
    %mul3A = vector.broadcast %get3A_11 : vector<1024x1xf32> to vector<1024x256xf32>
    %mul3A_12 = arith.mulf %concatenate3A, %mul3A : vector<1024x256xf32>
    %get3A_13 = arith.constant 0 : index
    %get3A_14 = arith.constant 0 : index
    %get3A_15 = vector.load %arg3[%get3A_13, %get3A_14] : memref<256x256xf32, #tpu.memory_space<vmem>>, vector<256x256xf32>
    %dot_general3A = arith.constant dense<0.000000e+00> : vector<1024x256xf32>
    %dot_general3A_16 = tpu.matmul %mul3A_12, %get3A_15, %dot_general3A {dimension_numbers = #tpu.dot_dimension_numbers<[1], [0], [0], [1], [0, 0, 1, 1], [], []>, transpose_lhs_hint = false} : vector<1024x256xf32>, vector<256x256xf32>, vector<1024x256xf32> -> vector<1024x256xf32>
    %get3A_17 = arith.constant 0 : index
    %get3A_18 = arith.constant 0 : index
    %get3A_19 = vector.load %arg4[%get3A_17, %get3A_18] : memref<1x256xf32, #tpu.memory_space<vmem>>, vector<1x256xf32>
    %add3A = vector.broadcast %get3A_19 : vector<1x256xf32> to vector<1024x256xf32>
    %add3A_20 = arith.addf %dot_general3A_16, %add3A : vector<1024x256xf32>
    %max3A = arith.constant 0.000000e+00 : f32
    %max3A_21 = vector.broadcast %max3A : f32 to vector<1024x256xf32>
    %max3A_22 = arith.maximumf %add3A_20, %max3A_21 : vector<1024x256xf32>
    %get3A_23 = arith.constant 0 : index
    %get3A_24 = arith.constant 2 : index
    %get3A_25 = vector.load %arg2[%get3A_23, %get3A_24] : memref<1024x4xf32, #tpu.memory_space<vmem>>, vector<1024x1xf32>
    %mul3A_26 = vector.broadcast %get3A_25 : vector<1024x1xf32> to vector<1024x256xf32>
    %mul3A_27 = arith.mulf %max3A_22, %mul3A_26 : vector<1024x256xf32>
    %get3A_28 = arith.constant 0 : index
    %get3A_29 = arith.constant 0 : index
    %get3A_30 = vector.load %arg5[%get3A_28, %get3A_29] : memref<256x128xf32, #tpu.memory_space<vmem>>, vector<256x128xf32>
    %dot_general3A_31 = arith.constant dense<0.000000e+00> : vector<1024x128xf32>
    %dot_general3A_32 = tpu.matmul %mul3A_27, %get3A_30, %dot_general3A_31 {dimension_numbers = #tpu.dot_dimension_numbers<[1], [0], [0], [1], [0, 0, 1, 1], [], []>, transpose_lhs_hint = false} : vector<1024x256xf32>, vector<256x128xf32>, vector<1024x128xf32> -> vector<1024x128xf32>
    %swap3A = arith.constant 0 : index
    %swap3A_33 = arith.constant 0 : index
    %swap3A_34 = vector.load %arg6[%swap3A, %swap3A_33] : memref<1024x128xf32, #tpu.memory_space<vmem>>, vector<1024x128xf32>
    tpu.vector_store %arg6[%swap3A, %swap3A_33], %dot_general3A_32 {strides = array<i32>} : memref<1024x128xf32, #tpu.memory_space<vmem>>, vector<1024x128xf32>,
    return
  }
  func.func @transform_0(%arg0: i32) -> (i32, i32, i32) {
    %c0_i32 = arith.constant 0 : i32
    %c0_i32_0 = arith.constant 0 : i32
    %c0_i32_1 = arith.constant 0 : i32
    return %c0_i32, %arg0, %c0_i32_0 : i32, i32, i32
  }
  func.func @transform_1(%arg0: i32) -> (i32, i32) {
    %c0_i32 = arith.constant 0 : i32
    %c0_i32_0 = arith.constant 0 : i32
    return %arg0, %c0_i32 : i32, i32
  }
  func.func @transform_2(%arg0: i32) -> (i32, i32) {
    %c0_i32 = arith.constant 0 : i32
    %c0_i32_0 = arith.constant 0 : i32
    %c0_i32_1 = arith.constant 0 : i32
    return %c0_i32, %c0_i32_0 : i32, i32
  }
  func.func @transform_3(%arg0: i32) -> (i32, i32) {
    %c0_i32 = arith.constant 0 : i32
    %c0_i32_0 = arith.constant 0 : i32
    %c0_i32_1 = arith.constant 0 : i32
    return %c0_i32, %c0_i32_0 : i32, i32
  }
  func.func @transform_4(%arg0: i32) -> (i32, i32) {
    %c0_i32 = arith.constant 0 : i32
    %c0_i32_0 = arith.constant 0 : i32
    %c0_i32_1 = arith.constant 0 : i32
    return %c0_i32, %c0_i32_0 : i32, i32
  }
  func.func @transform_5(%arg0: i32) -> (i32, i32) {
    %c0_i32 = arith.constant 0 : i32
    %c0_i32_0 = arith.constant 0 : i32
    return %arg0, %c0_i32 : i32, i32
  }
}

module attributes {stable_mosaic.version = 14 : i64} {
  func.func @_fin_body(%arg0: i32, %arg1: memref<2x1024x128xf32, #tpu.memory_space<vmem>>, %arg2: memref<1024x4xf32, #tpu.memory_space<vmem>>, %arg3: memref<1x128xf32, #tpu.memory_space<vmem>>, %arg4: memref<1024x128xf32, #tpu.memory_space<vmem>>) attributes {dimension_semantics = [#tpu.dimension_semantics<arbitrary>], iteration_bounds = array<i64: 10>, scalar_prefetch = 0 : i64, scratch_operands = 0 : i64, tpu.core_type = #tpu.core_type<tc>, window_params = [{transform_indices = @transform_0, window_bounds = array<i64: 2, 1024, 128>}, {transform_indices = @transform_1, window_bounds = array<i64: 1024, 4>}, {pipeline_mode = #tpu.pipeline_mode<synchronous>, transform_indices = @transform_2, window_bounds = array<i64: 1, 128>}, {transform_indices = @transform_3, window_bounds = array<i64: 1024, 128>}]} {
    %get3A = arith.constant 0 : index
    %get3A_0 = arith.constant 0 : index
    %get3A_1 = arith.constant 0 : index
    %get3A_2 = vector.load %arg1[%get3A, %get3A_0, %get3A_1] : memref<2x1024x128xf32, #tpu.memory_space<vmem>>, vector<1x1024x128xf32>
    %get3A_3 = vector.shape_cast %get3A_2 : vector<1x1024x128xf32> to vector<1024x128xf32>
    %get3A_4 = arith.constant 1 : index
    %get3A_5 = arith.constant 0 : index
    %get3A_6 = arith.constant 0 : index
    %get3A_7 = vector.load %arg1[%get3A_4, %get3A_5, %get3A_6] : memref<2x1024x128xf32, #tpu.memory_space<vmem>>, vector<1x1024x128xf32>
    %get3A_8 = vector.shape_cast %get3A_7 : vector<1x1024x128xf32> to vector<1024x128xf32>
    %add3A = arith.addf %get3A_3, %get3A_8 : vector<1024x128xf32>
    %get3A_9 = arith.constant 0 : index
    %get3A_10 = arith.constant 3 : index
    %get3A_11 = vector.load %arg2[%get3A_9, %get3A_10] : memref<1024x4xf32, #tpu.memory_space<vmem>>, vector<1024x1xf32>
    %mul3A = vector.broadcast %get3A_11 : vector<1024x1xf32> to vector<1024x128xf32>
    %mul3A_12 = arith.mulf %add3A, %mul3A : vector<1024x128xf32>
    %get3A_13 = arith.constant 0 : index
    %get3A_14 = arith.constant 0 : index
    %get3A_15 = vector.load %arg3[%get3A_13, %get3A_14] : memref<1x128xf32, #tpu.memory_space<vmem>>, vector<1x128xf32>
    %add3A_16 = vector.broadcast %get3A_15 : vector<1x128xf32> to vector<1024x128xf32>
    %add3A_17 = arith.addf %mul3A_12, %add3A_16 : vector<1024x128xf32>
    %swap3A = arith.constant 0 : index
    %swap3A_18 = arith.constant 0 : index
    %swap3A_19 = vector.load %arg4[%swap3A, %swap3A_18] : memref<1024x128xf32, #tpu.memory_space<vmem>>, vector<1024x128xf32>
    tpu.vector_store %arg4[%swap3A, %swap3A_18], %add3A_17 {strides = array<i32>} : memref<1024x128xf32, #tpu.memory_space<vmem>>, vector<1024x128xf32>,
    return
  }
  func.func @transform_0(%arg0: i32) -> (i32, i32, i32) {
    %c0_i32 = arith.constant 0 : i32
    %c0_i32_0 = arith.constant 0 : i32
    %c0_i32_1 = arith.constant 0 : i32
    return %c0_i32, %arg0, %c0_i32_0 : i32, i32, i32
  }
  func.func @transform_1(%arg0: i32) -> (i32, i32) {
    %c0_i32 = arith.constant 0 : i32
    %c0_i32_0 = arith.constant 0 : i32
    return %arg0, %c0_i32 : i32, i32
  }
  func.func @transform_2(%arg0: i32) -> (i32, i32) {
    %c0_i32 = arith.constant 0 : i32
    %c0_i32_0 = arith.constant 0 : i32
    %c0_i32_1 = arith.constant 0 : i32
    return %c0_i32, %c0_i32_0 : i32, i32
  }
  func.func @transform_3(%arg0: i32) -> (i32, i32) {
    %c0_i32 = arith.constant 0 : i32
    %c0_i32_0 = arith.constant 0 : i32
    return %arg0, %c0_i32 : i32, i32
  }
}

</mosaic_0001>

<sc_bundles>
// kernel: kernel.11.cloned.1.call-start
scs
__scs_entry_jumppad:
0x0: {  	(pc) =	sbr.rel $0x88, $3  }
0x1: {  	(tag) =	ssettag $0x0;
	lr =	simm.s32 $0x1  }
0x2: {  	[smem:$0x3F99] =	sst lr;
	_ =	strace $0xD0000000  }
0x3: {  	_ = 	snop  }
0x4: {  	_ = 	snop  }
0x5: {  	_ = 	snop  }
0x6: {  	_ = 	snop  }
0x7: {  	_ = 	snop  }
__scs_overlays_trampoline_lowered:
0x8: {  	[smem:$0x3FA8] =	sst s0  }
0x9: {  	[smem:$0x3FA9] =	sst s1  }
0xa: {  	[smem:$0x3FAA] =	sst s2  }
0xb: {  	[smem:$0x3FAB] =	sst s3  }
0xc: {  	[smem:$0x3FAC] =	sst s4  }
0xd: {  	[smem:$0x3FAD] =	sst s5  }
0xe: {  	[smem:$0x3FAE] =	sst s6  }
0xf: {  	[smem:$0x3FAF] =	sst s7  }
0x10: {  	[smem:$0x3FB0] =	sst s8  }
0x11: {  	[smem:$0x3FB1] =	sst s9;
	s0 =	simm.s32 @!p0 $0x0  }
0x12: {  	s1 =	sld [smem:$0x3F97];
	s0 =	simm.s32 @p0 $0x1  }
0x13: {  	[smem:$0x3FB2] =	sst s0;
	s0 =	simm.s32 @!p1 $0x0  }
0x14: {  	s2 =	sld [smem:$0x3F96];
	s0 =	simm.s32 @p1 $0x1  }
0x15: {  	[smem:$0x3FB3] =	sst s0;
	s0 =	simm.s32 @!p2 $0x0  }
0x16: {  	s3 =	sld [smem:$0x3FDB];
	s0 =	simm.s32 @p2 $0x1  }
0x17: {  	s4 =	simm.s32 $0x1BF5;
	[smem:$0x3FB5] =	sst s0  }
0x18: {  	s0 =	sld [smem:$0x3F98];
	_ =	swait.ge [sflag:s4], $0x0  }
0x19: {  	s7 =	sld [smem:$0x3F99]  }
0x1a: {  	s8 =	sadd.s32 $0xFFFFE003, lr  }
0x1b: {  	s9 =	sadd.s32 $0xFFFFFEF7, lr;
	s5 =	simm.s32 $0xFFFFFFFF;
	p2 =	slt.u32 s8, $0xFFFFF086  }
0x1c: {  	p1 =	slt.u32 s9, $0xF7A;
	s5 =	simm.s32 @!p2 $0x0  }
0x1d: {  	s5 =	simm.s32 @p1 $0x1;
	p0 =	seq.s32 s7, s2  }
0x1e: {  	s7 =	smul.u32 @!p0 $0xF7A, s2;
	p2 =	seq.s32 @!p0 s5, $0x0  }
0x1f: {  	s9 =	smul.u32 $0xF7A, s1;
	s8 =	simm.s32 @!p0 $0x1BF5;
	p2 =	por !p2, p0  }
0x20: {  	[sflag:s8] =	ssyncset.s32 @!p0 $0xFFFFF086;
	s6 =	sadd.s32 @!p0 s3, s7;
	s7 =	simm.s32 @!p0 $0x108  }
0x21: {  	s3 =	sadd.s32 s3, s9;
	s6 =	sadd.s32 @!p0 $0x88, s6;
	s7 =	simm.s32 @p2 $0x1082  }
0x22: {  	[simem:s7], [sflag:s8] =	dma.local @!p0 [hbm:s6], $0xF7A  }
0x23: {  	s9 =	sor.u32 $0xD0000000, s2;
	s6 =	simm.s32 $0x108;
	_ =	swait.ge @!p0 [sflag:s8], $0x0  }
0x24: {  	s3 =	sadd.s32 $0x88, s3;
	s6 =	simm.s32 @!p1 $0x1082;
	[sflag:s4] =	ssyncset.s32 $0xFFFFF086  }
0x25: {  	[simem:s6], [sflag:s4] =	dma.local [hbm:s3], $0xF7A  }
0x26: {  	[smem:$0x3F99] =	sst s1;
	(tag) =	ssettag s2;
	_ =	strace s9  }
0x27: {  	s1 =	sld [smem:$0x3FA9]  }
0x28: {  	s2 =	sld [smem:$0x3FAA]  }
0x29: {  	s4 =	sld [smem:$0x3FAC]  }
0x2a: {  	p0 =	seq.s32 s5, $0x0;
	s5 =	sld [smem:$0x3FAD]  }
0x2b: {  	s6 =	sld [smem:$0x3FAE]  }
0x2c: {  	s7 =	sld [smem:$0x3FAF]  }
0x2d: {  	s3 =	simm.s32 $0x108;
	s8 =	sld [smem:$0x3FB0]  }
0x2e: {  	s3 =	simm.s32 @!p0 $0x1082;
	s9 =	sld [smem:$0x3FB1]  }
0x2f: {  	lr =	sadd.s32 s0, s3;
	s0 =	sld [smem:$0x3FA8]  }
0x30: {  	s3 =	sld [smem:$0x3FAB]  }
0x31: {  	[smem:$0x3FB4] =	sst s10  }
0x32: {  	s10 =	sld [smem:$0x3FB2];
	_ =	sdelay $0x3  }
0x33: {  	p0 =	seq.s32 s10, $0x1;
	s10 =	sld [smem:$0x3FB4];
	_ =	sdelay $0x3  }
0x34: {  	[smem:$0x3FB4] =	sst s10  }
0x35: {  	s10 =	sld [smem:$0x3FB3];
	_ =	sdelay $0x3  }
0x36: {  	p1 =	seq.s32 s10, $0x1;
	s10 =	sld [smem:$0x3FB4];
	_ =	sdelay $0x3  }
0x37: {  	[smem:$0x3FB4] =	sst s10  }
0x38: {  	s10 =	sld [smem:$0x3FB5]  }
0x39: {  	_ = 	snop;
	(pc) =	sbr.ind lr, $3  }
0x3a: {  	_ = 	snop  }
0x3b: {  	_ = 	snop  }
0x3c: {  	p2 =	seq.s32 s10, $0x1;
	s10 =	sld [smem:$0x3FB4]  }
0x3d: {  	_ =	shalt  }
0x3e: {  	_ =	shalt  }
0x3f: {  	_ =	shalt  }
0x40: {  	_ =	shalt  }
0x41: {  	_ =	shalt  }
0x42: {  	_ =	shalt  }
0x43: {  	_ =	shalt  }
0x44: {  	_ =	shalt  }
0x45: {  	_ =	shalt  }
0x46: {  	_ =	shalt  }
0x47: {  	_ =	shalt  }
0x48: {  	_ =	shalt  }
0x49: {  	_ =	shalt  }
0x4a: {  	_ =	shalt  }
0x4b: {  	_ =	shalt  }
0x4c: {  	_ =	shalt  }
0x4d: {  	_ =	shalt  }
0x4e: {  	_ =	shalt  }
0x4f: {  	_ =	shalt  }
0x50: {  	_ =	shalt  }
0x51: {  	_ =	shalt  }
0x52: {  	_ =	shalt  }
0x53: {  	_ =	shalt  }
0x54: {  	_ =	shalt  }
0x55: {  	_ =	shalt  }
0x56: {  	_ =	shalt  }
0x57: {  	_ =	shalt  }
0x58: {  	_ =	shalt  }
0x59: {  	_ =	shalt  }
0x5a: {  	_ =	shalt  }
0x5b: {  	_ =	shalt  }
0x5c: {  	_ =	shalt  }
0x5d: {  	_ =	shalt  }
0x5e: {  	_ =	shalt  }
0x5f: {  	_ =	shalt  }
0x60: {  	_ =	shalt  }
0x61: {  	_ =	shalt  }
0x62: {  	_ =	shalt  }
0x63: {  	_ =	shalt  }
0x64: {  	_ =	shalt  }
0x65: {  	_ =	shalt  }
0x66: {  	_ =	shalt  }
0x67: {  	_ =	shalt  }
0x68: {  	_ =	shalt  }
0x69: {  	_ =	shalt  }
0x6a: {  	_ =	shalt  }
0x6b: {  	_ =	shalt  }
0x6c: {  	_ =	shalt  }
0x6d: {  	_ =	shalt  }
0x6e: {  	_ =	shalt  }
0x6f: {  	_ =	shalt  }
0x70: {  	_ =	shalt  }
0x71: {  	_ =	shalt  }
0x72: {  	_ =	shalt  }
0x73: {  	_ =	shalt  }
0x74: {  	_ =	shalt  }
0x75: {  	_ =	shalt  }
0x76: {  	_ =	shalt  }
0x77: {  	_ =	shalt  }
0x78: {  	_ =	shalt  }
0x79: {  	_ =	shalt  }
0x7a: {  	_ =	shalt  }
0x7b: {  	_ =	shalt  }
0x7c: {  	_ =	shalt  }
0x7d: {  	_ =	shalt  }
0x7e: {  	_ =	shalt  }
0x7f: {  	_ =	shalt  }
0x80: {  	_ =	shalt  }
0x81: {  	_ =	shalt  }
0x82: {  	_ =	shalt  }
0x83: {  	_ =	shalt  }
0x84: {  	_ =	shalt  }
0x85: {  	_ =	shalt  }
0x86: {  	_ =	shalt  }
0x87: {  	_ =	shalt  }
.Lfunc_end0:
.L_simem_size_0:
called_computation.1_lowered:
.L_overlay_start_0:
0x88: {  	s2 =	sld [smem:$0x3FD9]  }
0x89: {  	s3 =	sld [smem:$0x3FFE];
	_ =	sdelay $0x1  }
0x8a: {  	s1 =	srdreg.scid  }
0x8b: {  	s0 =	sand.u32 $0x1, s1  }
0x8c: {  	s16 =	sshll.u32 s0, $0xA;
	s2 =	sadd.s32 s3, s2  }
0x8d: {  	s2 =	sadd.s32 s2, s16  }
0x8e: {  	[smem:$0x3FC0] =	sst s2  }
0x8f: {  	_ = 	snop  }
0x90: {  	(tm) =	ssettm $0x1  }
0x91: {  	s17 =	sld [smem:$0x3FFB];
	_ =	sdelay $0x3  }
0x92: {  	_ =	strace s17  }
0x93: {  	s2 =	sld [smem:$0x3FFC];
	_ =	sdelay $0x3  }
0x94: {  	_ =	strace s2  }
0x95: {  	s2 =	sld [smem:$0x3FFD];
	_ =	sdelay $0x3  }
0x96: {  	_ =	strace s2  }
0x97: {  	_ =	strace $0x8FFFFFFF  }
0x98: {  	s18 =	sld [smem:$0x3FDB];
	_ =	sdelay $0x1  }
0x99: {  	s19 =	simm.s32 $_scs_section_size  }
0x9a: {  	s4 =	simm.s32 $_size__tile_overlayer_lowered;
	s5 =	simm.s32 $_tile_overlayer_lowered  }
0x9b: {  	s22 =	simm.s32 $0x1BFF;
	s21 =	sshll.u32 s5, $0x1;
	s2 =	sadd.s32 s19, s18  }
0x9c: {  	s6 =	simm.s32 $0x0;
	s20 =	sshll.u32 s4, $0x1;
	s4 =	sadd.s32 s21, s2  }
0x9d: {  	[timem:s6], [sflag:s22] =	dma.local [hbm:s4], s20  }
0x9e: {  	_ =	swait.ge [sflag:s22], s20  }
0x9f: {  	s3 =	ssub.s32 $0x0, s20;
	[sflag:s22] =	ssyncset.done $0x0  }
0xa0: {  	[sflag:s22] =	ssyncadd.s32 s3;
	_ =	sdelay $0x1  }
0xa1: {  	s23 =	simm.s32 $0x1B8B  }
0xa2: {  	_ =	swait.ge [sflag:s23], $0x1  }
0xa3: {  	[sflag:s23] =	ssyncset.done $0x0  }
0xa4: {  	s25 =	simm.s32 $0x1B8E;
	s24 =	sld [smem:$0x3FFE];
	[sflag:s23] =	ssyncadd.s32 $0xFFFFFFFF  }
0xa5: {  	s26 =	simm.s32 $execute0_lowered;
	[smem:$0x3FD2] =	sst s25  }
0xa6: {  	s4 =	sshll.u32 s26, $0x1;
	_ =	strace $0x80000049;
	[dreg:$0x1] =	wrdreg $0xFFFFFFFF  }
0xa7: {  	s28 =	simm.s32 $_size_execute0_lowered;
	s2 =	sadd.s32 s2, s4;
	[dreg:$0x0] =	wrdreg $0x0  }
0xa8: {  	s4 =	sshll.u32 s28, $0x1;
	[dreg:$0x2] =	wrdreg s2  }
0xa9: {  	[dreg:$0x3] =	wrdreg s4  }
0xaa: {  	[dreg:$0x4] =	wrdreg $0xC0  }
0xab: {  	_ =	task [dreg:s6], $0x5FFFF  }
0xac: {  	[dreg:$0x1] =	wrdreg $0xFFFFFFFF  }
0xad: {  	[dreg:$0x0] =	wrdreg $0x60  }
0xae: {  	[dreg:$0x2] =	wrdreg s24  }
0xaf: {  	[dreg:$0x3] =	wrdreg $0xA8000  }
0xb0: {  	[dreg:$0x4] =	wrdreg $0x9  }
0xb1: {  	_ =	task.clear_ibuf [dreg:s6], $0x5FFFF;
	_ =	strace $0x90000049  }
0xb2: {  	s29 =	simm.s32 $0x9;
	_ =	strace $0x8000004B  }
0xb3: {  	_ =	swait.ge [sflag:s29], $0x1  }
0xb4: {  	[sflag:s29] =	ssyncadd.s32 $0xFFFFFFFF  }
0xb5: {  	_ =	strace $0x9000004B  }
0xb6: {  	_ =	sfence  }
0xb7: {  	s30 =	sld [smem:$0x0];
	_ =	sdelay $0x2  }
0xb8: {  	s31 =	sshll.u32 s1, $0xD;
	s1 =	sshrl.u32 s1, $0x2  }
0xb9: {  	s3 =	sand.u32 $0x4000, s31;
	s1 =	sadd.s32 s1, s30  }
0xba: {  	s0 =	sor.u32 s3, s0;
	s1 =	sshll.u32 s1, $0x11  }
0xbb: {  	s0 =	sor.u32 s1, s0  }
0xbc: {  	s0 =	sadd.s32 $0x8F2B, s0  }
0xbd: {  	[sflag:s0] =	ssyncadd.remote.s32 $0x1  }
0xbe: {  	_ =	sfence.sel $0xFFFF  }
0xbf: {  	[dreg:$0x0] =	wrdreg $0xFFFFFFFF;
	(pc) =	sbr.abs _section_cstart, $3  }
0xc0: {  	[dreg:$0x1] =	wrdreg $0xFFFFFFFF  }
0xc1: {  	_ =	task.clear_ibuf [dreg:s6], $0x2FFFF;
	_ =	strace $0x9FFFFFFF  }
0xc2: {  	(tm) =	ssettm $0x7FFFFFFF  }
0xc3: {  	_ =	shalt  }
tec
execute0_lowered:
.L_overlay_start_1:
0x0: {  	(tag) =	ssettag $0x1  }
0x1: {  	s9 =	stileid.u32  }
0x2: {  	s5 =	smul.u32 $0x5000, s9  }
0x3: {  	s1 =	srdreg.scid;
	s8 =	smul.u32 $0x14000, s9  }
0x4: {  	s1 =	sand.u32 $0x1, s1;
	s9 =	smul.u32 $0x50000, s9  }
0x5: {  	s0 =	rddreg [dreg:$0x0];
	s3 =	simm.s32 $0x0;
	s4 =	smul.u32 $0x50000, s1  }
0x6: {  	[smem:$0x7FF] =	sst s3;
	s7 =	smul.u32 $0x140000, s1;
	s1 =	ssub.s32 $0x2, s1  }
0x7: {  	s2 =	rddreg [dreg:$0x1];
	_ =	strace $0x8000004A;
	s25 =	sshrl.u32 s1, $0x1  }
0x8: {  	s26 =	sshrl.u32 s9, $0x2;
	s6 =	sadd.s32 s5, s4;
	s5 =	sshrl.u32 s5, $0x3  }
0x9: {  	s4 =	sadd.s32 $0xE00, s0;
	s24 =	sadd.s32 s8, s7;
	s10 =	sadd.s32 s5, s0  }
0xa: {  	s1 =	ssub.s32 s1, s25;
	s6 =	sshrl.u32 s6, $0x3;
	s20 =	sadd.s32 $0x65600, s10  }
0xb: {  	s5 =	sshrl.u32 s24, $0x3;
	s22 =	sadd.s32 $0x65880, s10;
	[dreg:$0xd] =	wrdreg s20  }
0xc: {  	s6 =	sadd.s32 s6, s0;
	s24 =	sadd.s32 $0x65B00, s10;
	[dreg:$0xf] =	wrdreg s22  }
0xd: {  	s0 =	sadd.s32 s5, s0;
	s25 =	sadd.s32 $0x65D80, s10;
	[dreg:$0x11] =	wrdreg s24  }
0xe: {  	s5 =	sadd.s32 s26, s2;
	s26 =	smax.u32 s1, $0x1;
	[dreg:$0x13] =	wrdreg s25  }
0xf: {  	s9 =	sadd.s32 $0x2000, s5;
	[dreg:$0x15] =	wrdreg s26  }
0x10: {  	s11 =	sadd.s32 $0x4000, s5;
	[dreg:$0x3] =	wrdreg s9  }
0x11: {  	s12 =	sadd.s32 $0x6000, s5;
	[dreg:$0x4] =	wrdreg s11  }
0x12: {  	s13 =	sadd.s32 $0x8000, s5;
	[dreg:$0x5] =	wrdreg s12  }
0x13: {  	s28 =	simm.s32 $0x1400;
	s14 =	sadd.s32 $0xA000, s5;
	[dreg:$0x6] =	wrdreg s13  }
0x14: {  	s29 =	simm.s32 $0x40;
	s15 =	sadd.s32 $0xC000, s5;
	[dreg:$0x7] =	wrdreg s14  }
0x15: {  	s31 =	simm.s32 $0x4800;
	s16 =	sadd.s32 $0xE000, s5;
	[dreg:$0x8] =	wrdreg s15  }
0x16: {  	s30 =	simm.s32 $0x2700;
	s17 =	sadd.s32 $0x10000, s5;
	[dreg:$0x9] =	wrdreg s16  }
0x17: {  	s7 =	simm.s32 $0x2;
	s18 =	sadd.s32 $0x12000, s5;
	[dreg:$0xa] =	wrdreg s17  }
0x18: {  	s10 =	simm.s32 $0x8800;
	s19 =	sadd.s32 $0x6F600, s6;
	[dreg:$0xb] =	wrdreg s18  }
0x19: {  	s1 =	simm.s32 $0x2780;
	s21 =	sadd.s32 $0x6F880, s6;
	[dreg:$0xc] =	wrdreg s19  }
0x1a: {  	s23 =	sadd.s32 $0x6FB00, s6;
	s6 =	sadd.s32 $0x6FD80, s6;
	[dreg:$0xe] =	wrdreg s21  }
0x1b: {  	s0 =	sadd.s32 $0x83600, s0;
	s25 =	simm.s32 $0x2800;
	[dreg:$0x10] =	wrdreg s23  }
0x1c: {  	s26 =	simm.s32 $0x9;
	s20 =	simm.s32 $0x8;
	[dreg:$0x12] =	wrdreg s6  }
0x1d: {  	s22 =	simm.s32 $0x1300;
	s24 =	simm.s32 $0x1380;
	[dreg:$0x14] =	wrdreg s0  }
0x1e: {  	s0 =	simm.s32 $0x1;
	s6 =	simm.s32 $0x6800;
	s11 =	simm.s32 $0x3  }
0x1f: {  	s13 =	simm.s32 $0x5;
	s14 =	simm.s32 $0x200;
	s15 =	simm.s32 $0x4  }
0x20: {  	s16 =	simm.s32 $0x1580;
	s17 =	simm.s32 $0x6;
	s18 =	simm.s32 $0x280  }
0x21: {  	v0 =	vimm.f32 $0.0e+00;
	s19 =	simm.s32 $0x7;
	s21 =	simm.s32 $0x2600;
	s23 =	simm.s32 $0x2680  }
.LBB2_1:
0x22: {  	s8 =	simm.s32 $0x0;
	s9 =	simm.s32 $0x200  }
.LBB2_2:
0x23: {  	p0 =	sne.s32 s9, $0x7E00;
	[tilespmem:s8+$0x2870] =	vst v0  }
0x24: {  	[tilespmem:s8+$0x2800] =	vst v0  }
0x25: {  	[tilespmem:s8+$0x2810] =	vst v0  }
.Ltmp0:
0x26: {  	[tilespmem:s8+$0x2820] =	vst v0;
	(pc) =	sbr.rel @p0 .LBB2_2-.Ltmp0, $4  }
0x27: {  	[tilespmem:s8+$0x2830] =	vst v0  }
0x28: {  	[tilespmem:s8+$0x2840] =	vst v0  }
0x29: {  	[tilespmem:s8+$0x2850] =	vst v0  }
0x2a: {  	[tilespmem:s8+$0x2860] =	vst v0;
	s8 =	sshra.s32 s9, $0x2;
	s9 =	sadd.s32 $0x200, s9  }
0x2b: {  	[tilespmem:s8+$0x2870] =	vst v0  }
0x2c: {  	[tilespmem:s8+$0x2800] =	vst v0  }
0x2d: {  	[tilespmem:s8+$0x2810] =	vst v0  }
0x2e: {  	[tilespmem:s8+$0x2820] =	vst v0  }
0x2f: {  	[tilespmem:s8+$0x2830] =	vst v0  }
0x30: {  	[tilespmem:s8+$0x2840] =	vst v0  }
0x31: {  	[tilespmem:s8+$0x2850] =	vst v0  }
0x32: {  	[tilespmem:s8+$0x2860] =	vst v0  }
0x33: {  	[spmem:s5] =	stream.linear.scatter [tilespmem:s25], [sflag:$0x9], $0x2000, $0x38;
	[tilespmem:$0x1E800] =	vst v63  }
0x34: {  	_ =	swait.ge [sflag:s26], $0x2000  }
0x35: {  	[sflag:s26] =	ssyncset.done $0x0  }
0x36: {  	s9 =	rddreg [dreg:$0x3];
	[sflag:s26] =	ssyncadd.s32 $0xFFFFE000  }
0x37: {  	[spmem:s9] =	stream.linear.scatter [tilespmem:s25], [sflag:$0x9], $0x2000, $0x38;
	[tilespmem:$0x1E800] =	vst v63  }
0x38: {  	_ =	swait.ge [sflag:s26], $0x2000  }
0x39: {  	[sflag:s26] =	ssyncset.done $0x0  }
0x3a: {  	s12 =	rddreg [dreg:$0x4];
	[sflag:s26] =	ssyncadd.s32 $0xFFFFE000  }
0x3b: {  	[spmem:s12] =	stream.linear.scatter [tilespmem:s25], [sflag:$0x9], $0x2000, $0x38;
	[tilespmem:$0x1E800] =	vst v63  }
0x3c: {  	_ =	swait.ge [sflag:s26], $0x2000  }
0x3d: {  	[sflag:s26] =	ssyncset.done $0x0  }
0x3e: {  	s9 =	rddreg [dreg:$0x5];
	[sflag:s26] =	ssyncadd.s32 $0xFFFFE000  }
0x3f: {  	[spmem:s9] =	stream.linear.scatter [tilespmem:s25], [sflag:$0x9], $0x2000, $0x38;
	[tilespmem:$0x1E800] =	vst v63  }
0x40: {  	_ =	swait.ge [sflag:s26], $0x2000  }
0x41: {  	[sflag:s26] =	ssyncset.done $0x0  }
0x42: {  	s12 =	rddreg [dreg:$0x6];
	[sflag:s26] =	ssyncadd.s32 $0xFFFFE000  }
0x43: {  	[spmem:s12] =	stream.linear.scatter [tilespmem:s25], [sflag:$0x9], $0x2000, $0x38;
	[tilespmem:$0x1E800] =	vst v63  }
0x44: {  	_ =	swait.ge [sflag:s26], $0x2000  }
0x45: {  	[sflag:s26] =	ssyncset.done $0x0  }
0x46: {  	s9 =	rddreg [dreg:$0x7];
	[sflag:s26] =	ssyncadd.s32 $0xFFFFE000  }
0x47: {  	[spmem:s9] =	stream.linear.scatter [tilespmem:s25], [sflag:$0x9], $0x2000, $0x38;
	[tilespmem:$0x1E800] =	vst v63  }
0x48: {  	_ =	swait.ge [sflag:s26], $0x2000  }
0x49: {  	[sflag:s26] =	ssyncset.done $0x0  }
0x4a: {  	s12 =	rddreg [dreg:$0x8];
	[sflag:s26] =	ssyncadd.s32 $0xFFFFE000  }
0x4b: {  	[spmem:s12] =	stream.linear.scatter [tilespmem:s25], [sflag:$0x9], $0x2000, $0x38;
	[tilespmem:$0x1E800] =	vst v63  }
0x4c: {  	_ =	swait.ge [sflag:s26], $0x2000  }
0x4d: {  	[sflag:s26] =	ssyncset.done $0x0  }
0x4e: {  	s9 =	rddreg [dreg:$0x9];
	[sflag:s26] =	ssyncadd.s32 $0xFFFFE000  }
0x4f: {  	[spmem:s9] =	stream.linear.scatter [tilespmem:s25], [sflag:$0x9], $0x2000, $0x38;
	[tilespmem:$0x1E800] =	vst v63  }
0x50: {  	_ =	swait.ge [sflag:s26], $0x2000  }
0x51: {  	[sflag:s26] =	ssyncset.done $0x0  }
0x52: {  	s12 =	rddreg [dreg:$0xa];
	[sflag:s26] =	ssyncadd.s32 $0xFFFFE000  }
0x53: {  	[spmem:s12] =	stream.linear.scatter [tilespmem:s25], [sflag:$0x9], $0x2000, $0x38;
	[tilespmem:$0x1E800] =	vst v63  }
0x54: {  	_ =	swait.ge [sflag:s26], $0x2000  }
0x55: {  	[sflag:s26] =	ssyncset.done $0x0  }
0x56: {  	s9 =	rddreg [dreg:$0xb];
	[sflag:s26] =	ssyncadd.s32 $0xFFFFE000  }
0x57: {  	[spmem:s9] =	stream.linear.scatter [tilespmem:s25], [sflag:$0x9], $0x2000, $0x38;
	[tilespmem:$0x1E800] =	vst v63  }
0x58: {  	_ =	swait.ge [sflag:s26], $0x2000  }
0x59: {  	[sflag:s26] =	ssyncset.done $0x0  }
0x5a: {  	[sflag:s26] =	ssyncadd.s32 $0xFFFFE000  }
0x5b: {  	[bflag:$0x0] =	sbarrier.arrive $0xFFFF  }
0x5c: {  	s8 =	simm.s32 $0x0;
	s9 =	rddreg [dreg:$0xc]  }
0x5d: {  	[tilespmem:s8], [sflag:$0x9] =	stream.linear.gather [hbm4b:s9+s8], $0x1400, $0x38;
	[tilespmem:$0x1E800] =	vst v63  }
0x5e: {  	_ =	swait.ge [sflag:s26], $0x1400  }
0x5f: {  	[sflag:s26] =	ssyncset.done $0x0  }
0x60: {  	s12 =	rddreg [dreg:$0xd];
	[sflag:s26] =	ssyncadd.s32 $0xFFFFEC00  }
0x61: {  	[tilespmem:s28], [sflag:$0x9] =	stream.linear.gather [hbm4b:s12+s8], $0x1400, $0x38;
	[tilespmem:$0x1E800] =	vst v63  }
0x62: {  	_ =	swait.ge [sflag:s26], $0x1400  }
0x63: {  	[sflag:s26] =	ssyncset.done $0x0  }
0x64: {  	[sflag:s26] =	ssyncadd.s32 $0xFFFFEC00  }
0x65: {  	[tilespmem:s25], [sflag:$0x1] =	stream.indirect.gather [hbm4b:s4+s29], $0x80, s8, s29, $0xb8;
	[tilespmem:$0x1E800] =	vst v63  }
0x66: {  	s9 =	simm.s32 $0x80  }
0x67: {  	[tilespmem:s31], [sflag:$0x2] =	stream.indirect.gather [hbm4b:s4+s29], $0x80, s9, s29, $0xb8;
	[tilespmem:$0x1E800] =	vst v63  }
0x68: {  	_ =	swait.ge [sflag:s0], $0x2000  }
0x69: {  	[sflag:s0] =	ssyncset.done $0x0  }
0x6a: {  	[sflag:s0] =	ssyncadd.s32 $0xFFFFE000  }
0x6b: {  	[spmem:s2] =	stream.indirect.scatter.add.f32 [tilespmem:s25], [sflag:$0x5], $0x80, s28, s29, $0xb8;
	[tilespmem:$0x1E800] =	vst v63  }
0x6c: {  	s12 =	simm.s32 $0x100  }
0x6d: {  	[tilespmem:s6], [sflag:$0x3] =	stream.indirect.gather [hbm4b:s4+s29], $0x80, s12, s29, $0xb8;
	[tilespmem:$0x1E800] =	vst v63  }
0x6e: {  	_ =	swait.ge [sflag:s7], $0x2000  }
0x6f: {  	[sflag:s7] =	ssyncset.done $0x0  }
0x70: {  	s9 =	simm.s32 $0x1480;
	[sflag:s7] =	ssyncadd.s32 $0xFFFFE000  }
0x71: {  	[spmem:s2] =	stream.indirect.scatter.add.f32 [tilespmem:s31], [sflag:$0x6], $0x80, s9, s29, $0xb8;
	[tilespmem:$0x1E800] =	vst v63  }
0x72: {  	s12 =	simm.s32 $0x180  }
0x73: {  	[tilespmem:s10], [sflag:$0x4] =	stream.indirect.gather [hbm4b:s4+s29], $0x80, s12, s29, $0xb8;
	[tilespmem:$0x1E800] =	vst v63  }
0x74: {  	_ =	swait.ge [sflag:s11], $0x2000  }
0x75: {  	[sflag:s11] =	ssyncset.done $0x0  }
0x76: {  	s9 =	simm.s32 $0x1500;
	[sflag:s11] =	ssyncadd.s32 $0xFFFFE000  }
0x77: {  	[spmem:s2] =	stream.indirect.scatter.add.f32 [tilespmem:s6], [sflag:$0x7], $0x80, s9, s29, $0xb8;
	[tilespmem:$0x1E800] =	vst v63  }
0x78: {  	_ =	swait.ge [sflag:s13], $0x2000  }
0x79: {  	[sflag:s13] =	ssyncset.done $0x0  }
0x7a: {  	[sflag:s13] =	ssyncadd.s32 $0xFFFFE000  }
0x7b: {  	[tilespmem:s25], [sflag:$0x1] =	stream.indirect.gather [hbm4b:s4+s29], $0x80, s14, s29, $0xb8;
	[tilespmem:$0x1E800] =	vst v63  }
0x7c: {  	_ =	swait.ge [sflag:s15], $0x2000  }
0x7d: {  	[sflag:s15] =	ssyncset.done $0x0  }
0x7e: {  	[sflag:s15] =	ssyncadd.s32 $0xFFFFE000  }
0x7f: {  	[spmem:s2] =	stream.indirect.scatter.add.f32 [tilespmem:s10], [sflag:$0x8], $0x80, s16, s29, $0xb8;
	[tilespmem:$0x1E800] =	vst v63  }
0x80: {  	_ =	swait.ge [sflag:s17], $0x2000  }
0x81: {  	[sflag:s17] =	ssyncset.done $0x0  }
0x82: {  	[sflag:s17] =	ssyncadd.s32 $0xFFFFE000  }
0x83: {  	[tilespmem:s31], [sflag:$0x2] =	stream.indirect.gather [hbm4b:s4+s29], $0x80, s18, s29, $0xb8;
	[tilespmem:$0x1E800] =	vst v63  }
0x84: {  	_ =	swait.ge [sflag:s0], $0x2000  }
0x85: {  	[sflag:s0] =	ssyncset.done $0x0  }
0x86: {  	s12 =	simm.s32 $0x1600;
	[sflag:s0] =	ssyncadd.s32 $0xFFFFE000  }
0x87: {  	[spmem:s2] =	stream.indirect.scatter.add.f32 [tilespmem:s25], [sflag:$0x5], $0x80, s12, s29, $0xb8;
	[tilespmem:$0x1E800] =	vst v63  }
0x88: {  	_ =	swait.ge [sflag:s19], $0x2000  }
0x89: {  	[sflag:s19] =	ssyncset.done $0x0  }
0x8a: {  	s9 =	simm.s32 $0x300;
	[sflag:s19] =	ssyncadd.s32 $0xFFFFE000  }
0x8b: {  	[tilespmem:s6], [sflag:$0x3] =	stream.indirect.gather [hbm4b:s4+s29], $0x80, s9, s29, $0xb8;
	[tilespmem:$0x1E800] =	vst v63  }
0x8c: {  	_ =	swait.ge [sflag:s7], $0x2000  }
0x8d: {  	[sflag:s7] =	ssyncset.done $0x0  }
0x8e: {  	s12 =	simm.s32 $0x1680;
	[sflag:s7] =	ssyncadd.s32 $0xFFFFE000  }
0x8f: {  	[spmem:s2] =	stream.indirect.scatter.add.f32 [tilespmem:s31], [sflag:$0x6], $0x80, s12, s29, $0xb8;
	[tilespmem:$0x1E800] =	vst v63  }
0x90: {  	_ =	swait.ge [sflag:s20], $0x2000  }
0x91: {  	[sflag:s20] =	ssyncset.done $0x0  }
0x92: {  	s9 =	simm.s32 $0x380;
	[sflag:s20] =	ssyncadd.s32 $0xFFFFE000  }
0x93: {  	[tilespmem:s10], [sflag:$0x4] =	stream.indirect.gather [hbm4b:s4+s29], $0x80, s9, s29, $0xb8;
	[tilespmem:$0x1E800] =	vst v63  }
0x94: {  	_ =	swait.ge [sflag:s11], $0x2000  }
0x95: {  	[sflag:s11] =	ssyncset.done $0x0  }
0x96: {  	s12 =	simm.s32 $0x1700;
	[sflag:s11] =	ssyncadd.s32 $0xFFFFE000  }
0x97: {  	[spmem:s2] =	stream.indirect.scatter.add.f32 [tilespmem:s6], [sflag:$0x7], $0x80, s12, s29, $0xb8;
	[tilespmem:$0x1E800] =	vst v63  }
0x98: {  	_ =	swait.ge [sflag:s13], $0x2000  }
0x99: {  	[sflag:s13] =	ssyncset.done $0x0  }
0x9a: {  	s9 =	simm.s32 $0x400;
	[sflag:s13] =	ssyncadd.s32 $0xFFFFE000  }
0x9b: {  	[tilespmem:s25], [sflag:$0x1] =	stream.indirect.gather [hbm4b:s4+s29], $0x80, s9, s29, $0xb8;
	[tilespmem:$0x1E800] =	vst v63  }
0x9c: {  	_ =	swait.ge [sflag:s15], $0x2000  }
0x9d: {  	[sflag:s15] =	ssyncset.done $0x0  }
0x9e: {  	s12 =	simm.s32 $0x1780;
	[sflag:s15] =	ssyncadd.s32 $0xFFFFE000  }
0x9f: {  	[spmem:s2] =	stream.indirect.scatter.add.f32 [tilespmem:s10], [sflag:$0x8], $0x80, s12, s29, $0xb8;
	[tilespmem:$0x1E800] =	vst v63  }
0xa0: {  	_ =	swait.ge [sflag:s17], $0x2000  }
0xa1: {  	[sflag:s17] =	ssyncset.done $0x0  }
0xa2: {  	s8 =	simm.s32 $0x800;
	s9 =	simm.s32 $0x480;
	[sflag:s17] =	ssyncadd.s32 $0xFFFFE000  }
.LBB2_4:
0xa3: {  	[tilespmem:s31], [sflag:$0x2] =	stream.indirect.gather [hbm4b:s4+s29], $0x80, s9, s29, $0xb8;
	[tilespmem:$0x1E800] =	vst v63  }
0xa4: {  	s9 =	smov.u32 s8  }
0xa5: {  	p0 =	sne.s32 s8, $0x3800;
	s8 =	sadd.s32 $0x800, s8;
	_ =	swait.ge [sflag:s0], $0x2000  }
0xa6: {  	s9 =	sshra.s32 s9, $0x2;
	[sflag:s0] =	ssyncset.done $0x0  }
0xa7: {  	s12 =	sadd.s32 $0x1600, s9;
	[sflag:s0] =	ssyncadd.s32 $0xFFFFE000  }
0xa8: {  	[spmem:s2] =	stream.indirect.scatter.add.f32 [tilespmem:s25], [sflag:$0x5], $0x80, s12, s29, $0xb8;
	[tilespmem:$0x1E800] =	vst v63  }
0xa9: {  	_ =	swait.ge [sflag:s19], $0x2000  }
0xaa: {  	[sflag:s19] =	ssyncset.done $0x0  }
0xab: {  	s12 =	sadd.s32 $0x300, s9;
	[sflag:s19] =	ssyncadd.s32 $0xFFFFE000  }
0xac: {  	[tilespmem:s6], [sflag:$0x3] =	stream.indirect.gather [hbm4b:s4+s29], $0x80, s12, s29, $0xb8;
	[tilespmem:$0x1E800] =	vst v63  }
0xad: {  	_ =	swait.ge [sflag:s7], $0x2000  }
0xae: {  	[sflag:s7] =	ssyncset.done $0x0  }
0xaf: {  	s12 =	sadd.s32 $0x1680, s9;
	[sflag:s7] =	ssyncadd.s32 $0xFFFFE000  }
0xb0: {  	[spmem:s2] =	stream.indirect.scatter.add.f32 [tilespmem:s31], [sflag:$0x6], $0x80, s12, s29, $0xb8;
	[tilespmem:$0x1E800] =	vst v63  }
0xb1: {  	_ =	swait.ge [sflag:s20], $0x2000  }
0xb2: {  	[sflag:s20] =	ssyncset.done $0x0  }
0xb3: {  	s12 =	sadd.s32 $0x380, s9;
	[sflag:s20] =	ssyncadd.s32 $0xFFFFE000  }
0xb4: {  	[tilespmem:s10], [sflag:$0x4] =	stream.indirect.gather [hbm4b:s4+s29], $0x80, s12, s29, $0xb8;
	[tilespmem:$0x1E800] =	vst v63  }
0xb5: {  	_ =	swait.ge [sflag:s11], $0x2000  }
0xb6: {  	[sflag:s11] =	ssyncset.done $0x0  }
0xb7: {  	s12 =	sadd.s32 $0x1700, s9;
	[sflag:s11] =	ssyncadd.s32 $0xFFFFE000  }
0xb8: {  	[spmem:s2] =	stream.indirect.scatter.add.f32 [tilespmem:s6], [sflag:$0x7], $0x80, s12, s29, $0xb8;
	[tilespmem:$0x1E800] =	vst v63  }
0xb9: {  	_ =	swait.ge [sflag:s13], $0x2000  }
0xba: {  	[sflag:s13] =	ssyncset.done $0x0  }
0xbb: {  	s12 =	sadd.s32 $0x400, s9;
	[sflag:s13] =	ssyncadd.s32 $0xFFFFE000  }
0xbc: {  	[tilespmem:s25], [sflag:$0x1] =	stream.indirect.gather [hbm4b:s4+s29], $0x80, s12, s29, $0xb8;
	[tilespmem:$0x1E800] =	vst v63  }
0xbd: {  	_ =	swait.ge [sflag:s15], $0x2000  }
0xbe: {  	[sflag:s15] =	ssyncset.done $0x0  }
.Ltmp1:
0xbf: {  	s12 =	sadd.s32 $0x1780, s9;
	[sflag:s15] =	ssyncadd.s32 $0xFFFFE000;
	(pc) =	sbr.rel @p0 .LBB2_4-.Ltmp1, $4  }
0xc0: {  	[spmem:s2] =	stream.indirect.scatter.add.f32 [tilespmem:s10], [sflag:$0x8], $0x80, s12, s29, $0xb8;
	[tilespmem:$0x1E800] =	vst v63  }
0xc1: {  	_ =	swait.ge [sflag:s17], $0x2000  }
0xc2: {  	[sflag:s17] =	ssyncset.done $0x0  }
0xc3: {  	s9 =	sadd.s32 $0x480, s9;
	[sflag:s17] =	ssyncadd.s32 $0xFFFFE000  }
0xc4: {  	[tilespmem:s31], [sflag:$0x2] =	stream.indirect.gather [hbm4b:s4+s29], $0x80, s9, s29, $0xb8;
	[tilespmem:$0x1E800] =	vst v63  }
0xc5: {  	_ =	swait.ge [sflag:s0], $0x2000  }
0xc6: {  	[sflag:s0] =	ssyncset.done $0x0  }
0xc7: {  	[sflag:s0] =	ssyncadd.s32 $0xFFFFE000  }
0xc8: {  	[spmem:s2] =	stream.indirect.scatter.add.f32 [tilespmem:s25], [sflag:$0x5], $0x80, s21, s29, $0xb8;
	[tilespmem:$0x1E800] =	vst v63  }
0xc9: {  	_ =	swait.ge [sflag:s19], $0x2000  }
0xca: {  	[sflag:s19] =	ssyncset.done $0x0  }
0xcb: {  	[sflag:s19] =	ssyncadd.s32 $0xFFFFE000  }
0xcc: {  	[tilespmem:s6], [sflag:$0x3] =	stream.indirect.gather [hbm4b:s4+s29], $0x80, s22, s29, $0xb8;
	[tilespmem:$0x1E800] =	vst v63  }
0xcd: {  	_ =	swait.ge [sflag:s7], $0x2000  }
0xce: {  	[sflag:s7] =	ssyncset.done $0x0  }
0xcf: {  	[sflag:s7] =	ssyncadd.s32 $0xFFFFE000  }
0xd0: {  	[spmem:s2] =	stream.indirect.scatter.add.f32 [tilespmem:s31], [sflag:$0x6], $0x80, s23, s29, $0xb8;
	[tilespmem:$0x1E800] =	vst v63  }
0xd1: {  	_ =	swait.ge [sflag:s20], $0x2000  }
0xd2: {  	[sflag:s20] =	ssyncset.done $0x0  }
0xd3: {  	[sflag:s20] =	ssyncadd.s32 $0xFFFFE000  }
0xd4: {  	[tilespmem:s10], [sflag:$0x4] =	stream.indirect.gather [hbm4b:s4+s29], $0x80, s24, s29, $0xb8;
	[tilespmem:$0x1E800] =	vst v63  }
0xd5: {  	_ =	swait.ge [sflag:s11], $0x2000  }
0xd6: {  	[sflag:s11] =	ssyncset.done $0x0  }
0xd7: {  	[sflag:s11] =	ssyncadd.s32 $0xFFFFE000  }
0xd8: {  	[spmem:s2] =	stream.indirect.scatter.add.f32 [tilespmem:s6], [sflag:$0x7], $0x80, s30, s29, $0xb8;
	[tilespmem:$0x1E800] =	vst v63  }
0xd9: {  	_ =	swait.ge [sflag:s13], $0x2000  }
0xda: {  	[sflag:s13] =	ssyncset.done $0x0  }
0xdb: {  	[sflag:s13] =	ssyncadd.s32 $0xFFFFE000  }
0xdc: {  	_ =	swait.ge [sflag:s15], $0x2000  }
0xdd: {  	[sflag:s15] =	ssyncset.done $0x0  }
0xde: {  	[sflag:s15] =	ssyncadd.s32 $0xFFFFE000  }
0xdf: {  	[spmem:s2] =	stream.indirect.scatter.add.f32 [tilespmem:s10], [sflag:$0x8], $0x80, s1, s29, $0xb8;
	[tilespmem:$0x1E800] =	vst v63  }
0xe0: {  	_ =	swait.ge [sflag:s17], $0x2000  }
0xe1: {  	[sflag:s17] =	ssyncset.done $0x0  }
0xe2: {  	[sflag:s17] =	ssyncadd.s32 $0xFFFFE000  }
0xe3: {  	_ =	swait.ge [sflag:s19], $0x2000  }
0xe4: {  	[sflag:s19] =	ssyncset.done $0x0  }
0xe5: {  	[sflag:s19] =	ssyncadd.s32 $0xFFFFE000  }
0xe6: {  	_ =	swait.ge [sflag:s20], $0x2000  }
0xe7: {  	[sflag:s20] =	ssyncset.done $0x0  }
0xe8: {  	s8 =	simm.s32 $0x0;
	s12 =	rddreg [dreg:$0xe];
	[sflag:s20] =	ssyncadd.s32 $0xFFFFE000  }
0xe9: {  	[tilespmem:s8], [sflag:$0x9] =	stream.linear.gather [hbm4b:s12+s8], $0x1400, $0x38;
	[tilespmem:$0x1E800] =	vst v63  }
0xea: {  	_ =	swait.ge [sflag:s26], $0x1400  }
0xeb: {  	[sflag:s26] =	ssyncset.done $0x0  }
0xec: {  	s12 =	rddreg [dreg:$0xf];
	[sflag:s26] =	ssyncadd.s32 $0xFFFFEC00  }
0xed: {  	[tilespmem:s28], [sflag:$0x9] =	stream.linear.gather [hbm4b:s12+s8], $0x1400, $0x38;
	[tilespmem:$0x1E800] =	vst v63  }
0xee: {  	_ =	swait.ge [sflag:s26], $0x1400  }
0xef: {  	[sflag:s26] =	ssyncset.done $0x0  }
0xf0: {  	[sflag:s26] =	ssyncadd.s32 $0xFFFFEC00  }
0xf1: {  	[tilespmem:s25], [sflag:$0x1] =	stream.indirect.gather [hbm4b:s4+s29], $0x80, s8, s29, $0xb8;
	[tilespmem:$0x1E800] =	vst v63  }
0xf2: {  	s9 =	simm.s32 $0x80  }
0xf3: {  	[tilespmem:s31], [sflag:$0x2] =	stream.indirect.gather [hbm4b:s4+s29], $0x80, s9, s29, $0xb8;
	[tilespmem:$0x1E800] =	vst v63  }
0xf4: {  	_ =	swait.ge [sflag:s0], $0x2000  }
0xf5: {  	[sflag:s0] =	ssyncset.done $0x0  }
0xf6: {  	[sflag:s0] =	ssyncadd.s32 $0xFFFFE000  }
0xf7: {  	[spmem:s2] =	stream.indirect.scatter.add.f32 [tilespmem:s25], [sflag:$0x5], $0x80, s28, s29, $0xb8;
	[tilespmem:$0x1E800] =	vst v63  }
0xf8: {  	s12 =	simm.s32 $0x100  }
0xf9: {  	[tilespmem:s6], [sflag:$0x3] =	stream.indirect.gather [hbm4b:s4+s29], $0x80, s12, s29, $0xb8;
	[tilespmem:$0x1E800] =	vst v63  }
0xfa: {  	_ =	swait.ge [sflag:s7], $0x2000  }
0xfb: {  	[sflag:s7] =	ssyncset.done $0x0  }
0xfc: {  	s9 =	simm.s32 $0x1480;
	[sflag:s7] =	ssyncadd.s32 $0xFFFFE000  }
0xfd: {  	[spmem:s2] =	stream.indirect.scatter.add.f32 [tilespmem:s31], [sflag:$0x6], $0x80, s9, s29, $0xb8;
	[tilespmem:$0x1E800] =	vst v63  }
0xfe: {  	s12 =	simm.s32 $0x180  }
0xff: {  	[tilespmem:s10], [sflag:$0x4] =	stream.indirect.gather [hbm4b:s4+s29], $0x80, s12, s29, $0xb8;
	[tilespmem:$0x1E800] =	vst v63  }
0x100: {  	_ =	swait.ge [sflag:s11], $0x2000  }
0x101: {  	[sflag:s11] =	ssyncset.done $0x0  }
0x102: {  	s9 =	simm.s32 $0x1500;
	[sflag:s11] =	ssyncadd.s32 $0xFFFFE000  }
0x103: {  	[spmem:s2] =	stream.indirect.scatter.add.f32 [tilespmem:s6], [sflag:$0x7], $0x80, s9, s29, $0xb8;
	[tilespmem:$0x1E800] =	vst v63  }
0x104: {  	_ =	swait.ge [sflag:s13], $0x2000  }
0x105: {  	[sflag:s13] =	ssyncset.done $0x0  }
0x106: {  	[sflag:s13] =	ssyncadd.s32 $0xFFFFE000  }
0x107: {  	[tilespmem:s25], [sflag:$0x1] =	stream.indirect.gather [hbm4b:s4+s29], $0x80, s14, s29, $0xb8;
	[tilespmem:$0x1E800] =	vst v63  }
0x108: {  	_ =	swait.ge [sflag:s15], $0x2000  }
0x109: {  	[sflag:s15] =	ssyncset.done $0x0  }
0x10a: {  	[sflag:s15] =	ssyncadd.s32 $0xFFFFE000  }
0x10b: {  	[spmem:s2] =	stream.indirect.scatter.add.f32 [tilespmem:s10], [sflag:$0x8], $0x80, s16, s29, $0xb8;
	[tilespmem:$0x1E800] =	vst v63  }
0x10c: {  	_ =	swait.ge [sflag:s17], $0x2000  }
0x10d: {  	[sflag:s17] =	ssyncset.done $0x0  }
0x10e: {  	[sflag:s17] =	ssyncadd.s32 $0xFFFFE000  }
0x10f: {  	[tilespmem:s31], [sflag:$0x2] =	stream.indirect.gather [hbm4b:s4+s29], $0x80, s18, s29, $0xb8;
	[tilespmem:$0x1E800] =	vst v63  }
0x110: {  	_ =	swait.ge [sflag:s0], $0x2000  }
0x111: {  	[sflag:s0] =	ssyncset.done $0x0  }
0x112: {  	s12 =	simm.s32 $0x1600;
	[sflag:s0] =	ssyncadd.s32 $0xFFFFE000  }
0x113: {  	[spmem:s2] =	stream.indirect.scatter.add.f32 [tilespmem:s25], [sflag:$0x5], $0x80, s12, s29, $0xb8;
	[tilespmem:$0x1E800] =	vst v63  }
0x114: {  	_ =	swait.ge [sflag:s19], $0x2000  }
0x115: {  	[sflag:s19] =	ssyncset.done $0x0  }
0x116: {  	s9 =	simm.s32 $0x300;
	[sflag:s19] =	ssyncadd.s32 $0xFFFFE000  }
0x117: {  	[tilespmem:s6], [sflag:$0x3] =	stream.indirect.gather [hbm4b:s4+s29], $0x80, s9, s29, $0xb8;
	[tilespmem:$0x1E800] =	vst v63  }
0x118: {  	_ =	swait.ge [sflag:s7], $0x2000  }
0x119: {  	[sflag:s7] =	ssyncset.done $0x0  }
0x11a: {  	s12 =	simm.s32 $0x1680;
	[sflag:s7] =	ssyncadd.s32 $0xFFFFE000  }
0x11b: {  	[spmem:s2] =	stream.indirect.scatter.add.f32 [tilespmem:s31], [sflag:$0x6], $0x80, s12, s29, $0xb8;
	[tilespmem:$0x1E800] =	vst v63  }
0x11c: {  	_ =	swait.ge [sflag:s20], $0x2000  }
0x11d: {  	[sflag:s20] =	ssyncset.done $0x0  }
0x11e: {  	s9 =	simm.s32 $0x380;
	[sflag:s20] =	ssyncadd.s32 $0xFFFFE000  }
0x11f: {  	[tilespmem:s10], [sflag:$0x4] =	stream.indirect.gather [hbm4b:s4+s29], $0x80, s9, s29, $0xb8;
	[tilespmem:$0x1E800] =	vst v63  }
0x120: {  	_ =	swait.ge [sflag:s11], $0x2000  }
0x121: {  	[sflag:s11] =	ssyncset.done $0x0  }
0x122: {  	s12 =	simm.s32 $0x1700;
	[sflag:s11] =	ssyncadd.s32 $0xFFFFE000  }
0x123: {  	[spmem:s2] =	stream.indirect.scatter.add.f32 [tilespmem:s6], [sflag:$0x7], $0x80, s12, s29, $0xb8;
	[tilespmem:$0x1E800] =	vst v63  }
0x124: {  	_ =	swait.ge [sflag:s13], $0x2000  }
0x125: {  	[sflag:s13] =	ssyncset.done $0x0  }
0x126: {  	s9 =	simm.s32 $0x400;
	[sflag:s13] =	ssyncadd.s32 $0xFFFFE000  }
0x127: {  	[tilespmem:s25], [sflag:$0x1] =	stream.indirect.gather [hbm4b:s4+s29], $0x80, s9, s29, $0xb8;
	[tilespmem:$0x1E800] =	vst v63  }
0x128: {  	_ =	swait.ge [sflag:s15], $0x2000  }
0x129: {  	[sflag:s15] =	ssyncset.done $0x0  }
0x12a: {  	s12 =	simm.s32 $0x1780;
	[sflag:s15] =	ssyncadd.s32 $0xFFFFE000  }
0x12b: {  	[spmem:s2] =	stream.indirect.scatter.add.f32 [tilespmem:s10], [sflag:$0x8], $0x80, s12, s29, $0xb8;
	[tilespmem:$0x1E800] =	vst v63  }
0x12c: {  	_ =	swait.ge [sflag:s17], $0x2000  }
0x12d: {  	[sflag:s17] =	ssyncset.done $0x0  }
0x12e: {  	s8 =	simm.s32 $0x800;
	s9 =	simm.s32 $0x480;
	[sflag:s17] =	ssyncadd.s32 $0xFFFFE000  }
.LBB2_6:
0x12f: {  	[tilespmem:s31], [sflag:$0x2] =	stream.indirect.gather [hbm4b:s4+s29], $0x80, s9, s29, $0xb8;
	[tilespmem:$0x1E800] =	vst v63  }
0x130: {  	s9 =	smov.u32 s8  }
0x131: {  	p0 =	sne.s32 s8, $0x3800;
	s8 =	sadd.s32 $0x800, s8;
	_ =	swait.ge [sflag:s0], $0x2000  }
0x132: {  	s9 =	sshra.s32 s9, $0x2;
	[sflag:s0] =	ssyncset.done $0x0  }
0x133: {  	s12 =	sadd.s32 $0x1600, s9;
	[sflag:s0] =	ssyncadd.s32 $0xFFFFE000  }
0x134: {  	[spmem:s2] =	stream.indirect.scatter.add.f32 [tilespmem:s25], [sflag:$0x5], $0x80, s12, s29, $0xb8;
	[tilespmem:$0x1E800] =	vst v63  }
0x135: {  	_ =	swait.ge [sflag:s19], $0x2000  }
0x136: {  	[sflag:s19] =	ssyncset.done $0x0  }
0x137: {  	s12 =	sadd.s32 $0x300, s9;
	[sflag:s19] =	ssyncadd.s32 $0xFFFFE000  }
0x138: {  	[tilespmem:s6], [sflag:$0x3] =	stream.indirect.gather [hbm4b:s4+s29], $0x80, s12, s29, $0xb8;
	[tilespmem:$0x1E800] =	vst v63  }
0x139: {  	_ =	swait.ge [sflag:s7], $0x2000  }
0x13a: {  	[sflag:s7] =	ssyncset.done $0x0  }
0x13b: {  	s12 =	sadd.s32 $0x1680, s9;
	[sflag:s7] =	ssyncadd.s32 $0xFFFFE000  }
0x13c: {  	[spmem:s2] =	stream.indirect.scatter.add.f32 [tilespmem:s31], [sflag:$0x6], $0x80, s12, s29, $0xb8;
	[tilespmem:$0x1E800] =	vst v63  }
0x13d: {  	_ =	swait.ge [sflag:s20], $0x2000  }
0x13e: {  	[sflag:s20] =	ssyncset.done $0x0  }
0x13f: {  	s12 =	sadd.s32 $0x380, s9;
	[sflag:s20] =	ssyncadd.s32 $0xFFFFE000  }
0x140: {  	[tilespmem:s10], [sflag:$0x4] =	stream.indirect.gather [hbm4b:s4+s29], $0x80, s12, s29, $0xb8;
	[tilespmem:$0x1E800] =	vst v63  }
0x141: {  	_ =	swait.ge [sflag:s11], $0x2000  }
0x142: {  	[sflag:s11] =	ssyncset.done $0x0  }
0x143: {  	s12 =	sadd.s32 $0x1700, s9;
	[sflag:s11] =	ssyncadd.s32 $0xFFFFE000  }
0x144: {  	[spmem:s2] =	stream.indirect.scatter.add.f32 [tilespmem:s6], [sflag:$0x7], $0x80, s12, s29, $0xb8;
	[tilespmem:$0x1E800] =	vst v63  }
0x145: {  	_ =	swait.ge [sflag:s13], $0x2000  }
0x146: {  	[sflag:s13] =	ssyncset.done $0x0  }
0x147: {  	s12 =	sadd.s32 $0x400, s9;
	[sflag:s13] =	ssyncadd.s32 $0xFFFFE000  }
0x148: {  	[tilespmem:s25], [sflag:$0x1] =	stream.indirect.gather [hbm4b:s4+s29], $0x80, s12, s29, $0xb8;
	[tilespmem:$0x1E800] =	vst v63  }
0x149: {  	_ =	swait.ge [sflag:s15], $0x2000  }
0x14a: {  	[sflag:s15] =	ssyncset.done $0x0  }
.Ltmp2:
0x14b: {  	s12 =	sadd.s32 $0x1780, s9;
	[sflag:s15] =	ssyncadd.s32 $0xFFFFE000;
	(pc) =	sbr.rel @p0 .LBB2_6-.Ltmp2, $4  }
0x14c: {  	[spmem:s2] =	stream.indirect.scatter.add.f32 [tilespmem:s10], [sflag:$0x8], $0x80, s12, s29, $0xb8;
	[tilespmem:$0x1E800] =	vst v63  }
0x14d: {  	_ =	swait.ge [sflag:s17], $0x2000  }
0x14e: {  	[sflag:s17] =	ssyncset.done $0x0  }
0x14f: {  	s9 =	sadd.s32 $0x480, s9;
	[sflag:s17] =	ssyncadd.s32 $0xFFFFE000  }
0x150: {  	[tilespmem:s31], [sflag:$0x2] =	stream.indirect.gather [hbm4b:s4+s29], $0x80, s9, s29, $0xb8;
	[tilespmem:$0x1E800] =	vst v63  }
0x151: {  	_ =	swait.ge [sflag:s0], $0x2000  }
0x152: {  	[sflag:s0] =	ssyncset.done $0x0  }
0x153: {  	[sflag:s0] =	ssyncadd.s32 $0xFFFFE000  }
0x154: {  	[spmem:s2] =	stream.indirect.scatter.add.f32 [tilespmem:s25], [sflag:$0x5], $0x80, s21, s29, $0xb8;
	[tilespmem:$0x1E800] =	vst v63  }
0x155: {  	_ =	swait.ge [sflag:s19], $0x2000  }
0x156: {  	[sflag:s19] =	ssyncset.done $0x0  }
0x157: {  	[sflag:s19] =	ssyncadd.s32 $0xFFFFE000  }
0x158: {  	[tilespmem:s6], [sflag:$0x3] =	stream.indirect.gather [hbm4b:s4+s29], $0x80, s22, s29, $0xb8;
	[tilespmem:$0x1E800] =	vst v63  }
0x159: {  	_ =	swait.ge [sflag:s7], $0x2000  }
0x15a: {  	[sflag:s7] =	ssyncset.done $0x0  }
0x15b: {  	[sflag:s7] =	ssyncadd.s32 $0xFFFFE000  }
0x15c: {  	[spmem:s2] =	stream.indirect.scatter.add.f32 [tilespmem:s31], [sflag:$0x6], $0x80, s23, s29, $0xb8;
	[tilespmem:$0x1E800] =	vst v63  }
0x15d: {  	_ =	swait.ge [sflag:s20], $0x2000  }
0x15e: {  	[sflag:s20] =	ssyncset.done $0x0  }
0x15f: {  	[sflag:s20] =	ssyncadd.s32 $0xFFFFE000  }
0x160: {  	[tilespmem:s10], [sflag:$0x4] =	stream.indirect.gather [hbm4b:s4+s29], $0x80, s24, s29, $0xb8;
	[tilespmem:$0x1E800] =	vst v63  }
0x161: {  	_ =	swait.ge [sflag:s11], $0x2000  }
0x162: {  	[sflag:s11] =	ssyncset.done $0x0  }
0x163: {  	[sflag:s11] =	ssyncadd.s32 $0xFFFFE000  }
0x164: {  	[spmem:s2] =	stream.indirect.scatter.add.f32 [tilespmem:s6], [sflag:$0x7], $0x80, s30, s29, $0xb8;
	[tilespmem:$0x1E800] =	vst v63  }
0x165: {  	_ =	swait.ge [sflag:s13], $0x2000  }
0x166: {  	[sflag:s13] =	ssyncset.done $0x0  }
0x167: {  	[sflag:s13] =	ssyncadd.s32 $0xFFFFE000  }
0x168: {  	_ =	swait.ge [sflag:s15], $0x2000  }
0x169: {  	[sflag:s15] =	ssyncset.done $0x0  }
0x16a: {  	[sflag:s15] =	ssyncadd.s32 $0xFFFFE000  }
0x16b: {  	[spmem:s2] =	stream.indirect.scatter.add.f32 [tilespmem:s10], [sflag:$0x8], $0x80, s1, s29, $0xb8;
	[tilespmem:$0x1E800] =	vst v63  }
0x16c: {  	_ =	swait.ge [sflag:s17], $0x2000  }
0x16d: {  	[sflag:s17] =	ssyncset.done $0x0  }
0x16e: {  	[sflag:s17] =	ssyncadd.s32 $0xFFFFE000  }
0x16f: {  	_ =	swait.ge [sflag:s19], $0x2000  }
0x170: {  	[sflag:s19] =	ssyncset.done $0x0  }
0x171: {  	[sflag:s19] =	ssyncadd.s32 $0xFFFFE000  }
0x172: {  	_ =	swait.ge [sflag:s20], $0x2000  }
0x173: {  	[sflag:s20] =	ssyncset.done $0x0  }
0x174: {  	s8 =	simm.s32 $0x0;
	s12 =	rddreg [dreg:$0x10];
	[sflag:s20] =	ssyncadd.s32 $0xFFFFE000  }
0x175: {  	[tilespmem:s8], [sflag:$0x9] =	stream.linear.gather [hbm4b:s12+s8], $0x1400, $0x38;
	[tilespmem:$0x1E800] =	vst v63  }
0x176: {  	_ =	swait.ge [sflag:s26], $0x1400  }
0x177: {  	[sflag:s26] =	ssyncset.done $0x0  }
0x178: {  	s12 =	rddreg [dreg:$0x11];
	[sflag:s26] =	ssyncadd.s32 $0xFFFFEC00  }
0x179: {  	[tilespmem:s28], [sflag:$0x9] =	stream.linear.gather [hbm4b:s12+s8], $0x1400, $0x38;
	[tilespmem:$0x1E800] =	vst v63  }
0x17a: {  	_ =	swait.ge [sflag:s26], $0x1400  }
0x17b: {  	[sflag:s26] =	ssyncset.done $0x0  }
0x17c: {  	[sflag:s26] =	ssyncadd.s32 $0xFFFFEC00  }
0x17d: {  	[tilespmem:s25], [sflag:$0x1] =	stream.indirect.gather [hbm4b:s4+s29], $0x80, s8, s29, $0xb8;
	[tilespmem:$0x1E800] =	vst v63  }
0x17e: {  	s9 =	simm.s32 $0x80  }
0x17f: {  	[tilespmem:s31], [sflag:$0x2] =	stream.indirect.gather [hbm4b:s4+s29], $0x80, s9, s29, $0xb8;
	[tilespmem:$0x1E800] =	vst v63  }
0x180: {  	_ =	swait.ge [sflag:s0], $0x2000  }
0x181: {  	[sflag:s0] =	ssyncset.done $0x0  }
0x182: {  	[sflag:s0] =	ssyncadd.s32 $0xFFFFE000  }
0x183: {  	[spmem:s2] =	stream.indirect.scatter.add.f32 [tilespmem:s25], [sflag:$0x5], $0x80, s28, s29, $0xb8;
	[tilespmem:$0x1E800] =	vst v63  }
0x184: {  	s12 =	simm.s32 $0x100  }
0x185: {  	[tilespmem:s6], [sflag:$0x3] =	stream.indirect.gather [hbm4b:s4+s29], $0x80, s12, s29, $0xb8;
	[tilespmem:$0x1E800] =	vst v63  }
0x186: {  	_ =	swait.ge [sflag:s7], $0x2000  }
0x187: {  	[sflag:s7] =	ssyncset.done $0x0  }
0x188: {  	s9 =	simm.s32 $0x1480;
	[sflag:s7] =	ssyncadd.s32 $0xFFFFE000  }
0x189: {  	[spmem:s2] =	stream.indirect.scatter.add.f32 [tilespmem:s31], [sflag:$0x6], $0x80, s9, s29, $0xb8;
	[tilespmem:$0x1E800] =	vst v63  }
0x18a: {  	s12 =	simm.s32 $0x180  }
0x18b: {  	[tilespmem:s10], [sflag:$0x4] =	stream.indirect.gather [hbm4b:s4+s29], $0x80, s12, s29, $0xb8;
	[tilespmem:$0x1E800] =	vst v63  }
0x18c: {  	_ =	swait.ge [sflag:s11], $0x2000  }
0x18d: {  	[sflag:s11] =	ssyncset.done $0x0  }
0x18e: {  	s9 =	simm.s32 $0x1500;
	[sflag:s11] =	ssyncadd.s32 $0xFFFFE000  }
0x18f: {  	[spmem:s2] =	stream.indirect.scatter.add.f32 [tilespmem:s6], [sflag:$0x7], $0x80, s9, s29, $0xb8;
	[tilespmem:$0x1E800] =	vst v63  }
0x190: {  	_ =	swait.ge [sflag:s13], $0x2000  }
0x191: {  	[sflag:s13] =	ssyncset.done $0x0  }
0x192: {  	[sflag:s13] =	ssyncadd.s32 $0xFFFFE000  }
0x193: {  	[tilespmem:s25], [sflag:$0x1] =	stream.indirect.gather [hbm4b:s4+s29], $0x80, s14, s29, $0xb8;
	[tilespmem:$0x1E800] =	vst v63  }
0x194: {  	_ =	swait.ge [sflag:s15], $0x2000  }
0x195: {  	[sflag:s15] =	ssyncset.done $0x0  }
0x196: {  	[sflag:s15] =	ssyncadd.s32 $0xFFFFE000  }
0x197: {  	[spmem:s2] =	stream.indirect.scatter.add.f32 [tilespmem:s10], [sflag:$0x8], $0x80, s16, s29, $0xb8;
	[tilespmem:$0x1E800] =	vst v63  }
0x198: {  	_ =	swait.ge [sflag:s17], $0x2000  }
0x199: {  	[sflag:s17] =	ssyncset.done $0x0  }
0x19a: {  	[sflag:s17] =	ssyncadd.s32 $0xFFFFE000  }
0x19b: {  	[tilespmem:s31], [sflag:$0x2] =	stream.indirect.gather [hbm4b:s4+s29], $0x80, s18, s29, $0xb8;
	[tilespmem:$0x1E800] =	vst v63  }
0x19c: {  	_ =	swait.ge [sflag:s0], $0x2000  }
0x19d: {  	[sflag:s0] =	ssyncset.done $0x0  }
0x19e: {  	s12 =	simm.s32 $0x1600;
	[sflag:s0] =	ssyncadd.s32 $0xFFFFE000  }
0x19f: {  	[spmem:s2] =	stream.indirect.scatter.add.f32 [tilespmem:s25], [sflag:$0x5], $0x80, s12, s29, $0xb8;
	[tilespmem:$0x1E800] =	vst v63  }
0x1a0: {  	_ =	swait.ge [sflag:s19], $0x2000  }
0x1a1: {  	[sflag:s19] =	ssyncset.done $0x0  }
0x1a2: {  	s9 =	simm.s32 $0x300;
	[sflag:s19] =	ssyncadd.s32 $0xFFFFE000  }
0x1a3: {  	[tilespmem:s6], [sflag:$0x3] =	stream.indirect.gather [hbm4b:s4+s29], $0x80, s9, s29, $0xb8;
	[tilespmem:$0x1E800] =	vst v63  }
0x1a4: {  	_ =	swait.ge [sflag:s7], $0x2000  }
0x1a5: {  	[sflag:s7] =	ssyncset.done $0x0  }
0x1a6: {  	s12 =	simm.s32 $0x1680;
	[sflag:s7] =	ssyncadd.s32 $0xFFFFE000  }
0x1a7: {  	[spmem:s2] =	stream.indirect.scatter.add.f32 [tilespmem:s31], [sflag:$0x6], $0x80, s12, s29, $0xb8;
	[tilespmem:$0x1E800] =	vst v63  }
0x1a8: {  	_ =	swait.ge [sflag:s20], $0x2000  }
0x1a9: {  	[sflag:s20] =	ssyncset.done $0x0  }
0x1aa: {  	s9 =	simm.s32 $0x380;
	[sflag:s20] =	ssyncadd.s32 $0xFFFFE000  }
0x1ab: {  	[tilespmem:s10], [sflag:$0x4] =	stream.indirect.gather [hbm4b:s4+s29], $0x80, s9, s29, $0xb8;
	[tilespmem:$0x1E800] =	vst v63  }
0x1ac: {  	_ =	swait.ge [sflag:s11], $0x2000  }
0x1ad: {  	[sflag:s11] =	ssyncset.done $0x0  }
0x1ae: {  	s12 =	simm.s32 $0x1700;
	[sflag:s11] =	ssyncadd.s32 $0xFFFFE000  }
0x1af: {  	[spmem:s2] =	stream.indirect.scatter.add.f32 [tilespmem:s6], [sflag:$0x7], $0x80, s12, s29, $0xb8;
	[tilespmem:$0x1E800] =	vst v63  }
0x1b0: {  	_ =	swait.ge [sflag:s13], $0x2000  }
0x1b1: {  	[sflag:s13] =	ssyncset.done $0x0  }
0x1b2: {  	s9 =	simm.s32 $0x400;
	[sflag:s13] =	ssyncadd.s32 $0xFFFFE000  }
0x1b3: {  	[tilespmem:s25], [sflag:$0x1] =	stream.indirect.gather [hbm4b:s4+s29], $0x80, s9, s29, $0xb8;
	[tilespmem:$0x1E800] =	vst v63  }
0x1b4: {  	_ =	swait.ge [sflag:s15], $0x2000  }
0x1b5: {  	[sflag:s15] =	ssyncset.done $0x0  }
0x1b6: {  	s12 =	simm.s32 $0x1780;
	[sflag:s15] =	ssyncadd.s32 $0xFFFFE000  }
0x1b7: {  	[spmem:s2] =	stream.indirect.scatter.add.f32 [tilespmem:s10], [sflag:$0x8], $0x80, s12, s29, $0xb8;
	[tilespmem:$0x1E800] =	vst v63  }
0x1b8: {  	_ =	swait.ge [sflag:s17], $0x2000  }
0x1b9: {  	[sflag:s17] =	ssyncset.done $0x0  }
0x1ba: {  	s8 =	simm.s32 $0x800;
	s9 =	simm.s32 $0x480;
	[sflag:s17] =	ssyncadd.s32 $0xFFFFE000  }
.LBB2_8:
0x1bb: {  	[tilespmem:s31], [sflag:$0x2] =	stream.indirect.gather [hbm4b:s4+s29], $0x80, s9, s29, $0xb8;
	[tilespmem:$0x1E800] =	vst v63  }
0x1bc: {  	s9 =	smov.u32 s8  }
0x1bd: {  	p0 =	sne.s32 s8, $0x3800;
	s8 =	sadd.s32 $0x800, s8;
	_ =	swait.ge [sflag:s0], $0x2000  }
0x1be: {  	s9 =	sshra.s32 s9, $0x2;
	[sflag:s0] =	ssyncset.done $0x0  }
0x1bf: {  	s12 =	sadd.s32 $0x1600, s9;
	[sflag:s0] =	ssyncadd.s32 $0xFFFFE000  }
0x1c0: {  	[spmem:s2] =	stream.indirect.scatter.add.f32 [tilespmem:s25], [sflag:$0x5], $0x80, s12, s29, $0xb8;
	[tilespmem:$0x1E800] =	vst v63  }
0x1c1: {  	_ =	swait.ge [sflag:s19], $0x2000  }
0x1c2: {  	[sflag:s19] =	ssyncset.done $0x0  }
0x1c3: {  	s12 =	sadd.s32 $0x300, s9;
	[sflag:s19] =	ssyncadd.s32 $0xFFFFE000  }
0x1c4: {  	[tilespmem:s6], [sflag:$0x3] =	stream.indirect.gather [hbm4b:s4+s29], $0x80, s12, s29, $0xb8;
	[tilespmem:$0x1E800] =	vst v63  }
0x1c5: {  	_ =	swait.ge [sflag:s7], $0x2000  }
0x1c6: {  	[sflag:s7] =	ssyncset.done $0x0  }
0x1c7: {  	s12 =	sadd.s32 $0x1680, s9;
	[sflag:s7] =	ssyncadd.s32 $0xFFFFE000  }
0x1c8: {  	[spmem:s2] =	stream.indirect.scatter.add.f32 [tilespmem:s31], [sflag:$0x6], $0x80, s12, s29, $0xb8;
	[tilespmem:$0x1E800] =	vst v63  }
0x1c9: {  	_ =	swait.ge [sflag:s20], $0x2000  }
0x1ca: {  	[sflag:s20] =	ssyncset.done $0x0  }
0x1cb: {  	s12 =	sadd.s32 $0x380, s9;
	[sflag:s20] =	ssyncadd.s32 $0xFFFFE000  }
0x1cc: {  	[tilespmem:s10], [sflag:$0x4] =	stream.indirect.gather [hbm4b:s4+s29], $0x80, s12, s29, $0xb8;
	[tilespmem:$0x1E800] =	vst v63  }
0x1cd: {  	_ =	swait.ge [sflag:s11], $0x2000  }
0x1ce: {  	[sflag:s11] =	ssyncset.done $0x0  }
0x1cf: {  	s12 =	sadd.s32 $0x1700, s9;
	[sflag:s11] =	ssyncadd.s32 $0xFFFFE000  }
0x1d0: {  	[spmem:s2] =	stream.indirect.scatter.add.f32 [tilespmem:s6], [sflag:$0x7], $0x80, s12, s29, $0xb8;
	[tilespmem:$0x1E800] =	vst v63  }
0x1d1: {  	_ =	swait.ge [sflag:s13], $0x2000  }
0x1d2: {  	[sflag:s13] =	ssyncset.done $0x0  }
0x1d3: {  	s12 =	sadd.s32 $0x400, s9;
	[sflag:s13] =	ssyncadd.s32 $0xFFFFE000  }
0x1d4: {  	[tilespmem:s25], [sflag:$0x1] =	stream.indirect.gather [hbm4b:s4+s29], $0x80, s12, s29, $0xb8;
	[tilespmem:$0x1E800] =	vst v63  }
0x1d5: {  	_ =	swait.ge [sflag:s15], $0x2000  }
0x1d6: {  	[sflag:s15] =	ssyncset.done $0x0  }
.Ltmp3:
0x1d7: {  	s12 =	sadd.s32 $0x1780, s9;
	[sflag:s15] =	ssyncadd.s32 $0xFFFFE000;
	(pc) =	sbr.rel @p0 .LBB2_8-.Ltmp3, $4  }
0x1d8: {  	[spmem:s2] =	stream.indirect.scatter.add.f32 [tilespmem:s10], [sflag:$0x8], $0x80, s12, s29, $0xb8;
	[tilespmem:$0x1E800] =	vst v63  }
0x1d9: {  	_ =	swait.ge [sflag:s17], $0x2000  }
0x1da: {  	[sflag:s17] =	ssyncset.done $0x0  }
0x1db: {  	s9 =	sadd.s32 $0x480, s9;
	[sflag:s17] =	ssyncadd.s32 $0xFFFFE000  }
0x1dc: {  	[tilespmem:s31], [sflag:$0x2] =	stream.indirect.gather [hbm4b:s4+s29], $0x80, s9, s29, $0xb8;
	[tilespmem:$0x1E800] =	vst v63  }
0x1dd: {  	_ =	swait.ge [sflag:s0], $0x2000  }
0x1de: {  	[sflag:s0] =	ssyncset.done $0x0  }
0x1df: {  	[sflag:s0] =	ssyncadd.s32 $0xFFFFE000  }
0x1e0: {  	[spmem:s2] =	stream.indirect.scatter.add.f32 [tilespmem:s25], [sflag:$0x5], $0x80, s21, s29, $0xb8;
	[tilespmem:$0x1E800] =	vst v63  }
0x1e1: {  	_ =	swait.ge [sflag:s19], $0x2000  }
0x1e2: {  	[sflag:s19] =	ssyncset.done $0x0  }
0x1e3: {  	[sflag:s19] =	ssyncadd.s32 $0xFFFFE000  }
0x1e4: {  	[tilespmem:s6], [sflag:$0x3] =	stream.indirect.gather [hbm4b:s4+s29], $0x80, s22, s29, $0xb8;
	[tilespmem:$0x1E800] =	vst v63  }
0x1e5: {  	_ =	swait.ge [sflag:s7], $0x2000  }
0x1e6: {  	[sflag:s7] =	ssyncset.done $0x0  }
0x1e7: {  	[sflag:s7] =	ssyncadd.s32 $0xFFFFE000  }
0x1e8: {  	[spmem:s2] =	stream.indirect.scatter.add.f32 [tilespmem:s31], [sflag:$0x6], $0x80, s23, s29, $0xb8;
	[tilespmem:$0x1E800] =	vst v63  }
0x1e9: {  	_ =	swait.ge [sflag:s20], $0x2000  }
0x1ea: {  	[sflag:s20] =	ssyncset.done $0x0  }
0x1eb: {  	[sflag:s20] =	ssyncadd.s32 $0xFFFFE000  }
0x1ec: {  	[tilespmem:s10], [sflag:$0x4] =	stream.indirect.gather [hbm4b:s4+s29], $0x80, s24, s29, $0xb8;
	[tilespmem:$0x1E800] =	vst v63  }
0x1ed: {  	_ =	swait.ge [sflag:s11], $0x2000  }
0x1ee: {  	[sflag:s11] =	ssyncset.done $0x0  }
0x1ef: {  	[sflag:s11] =	ssyncadd.s32 $0xFFFFE000  }
0x1f0: {  	[spmem:s2] =	stream.indirect.scatter.add.f32 [tilespmem:s6], [sflag:$0x7], $0x80, s30, s29, $0xb8;
	[tilespmem:$0x1E800] =	vst v63  }
0x1f1: {  	_ =	swait.ge [sflag:s13], $0x2000  }
0x1f2: {  	[sflag:s13] =	ssyncset.done $0x0  }
0x1f3: {  	[sflag:s13] =	ssyncadd.s32 $0xFFFFE000  }
0x1f4: {  	_ =	swait.ge [sflag:s15], $0x2000  }
0x1f5: {  	[sflag:s15] =	ssyncset.done $0x0  }
0x1f6: {  	[sflag:s15] =	ssyncadd.s32 $0xFFFFE000  }
0x1f7: {  	[spmem:s2] =	stream.indirect.scatter.add.f32 [tilespmem:s10], [sflag:$0x8], $0x80, s1, s29, $0xb8;
	[tilespmem:$0x1E800] =	vst v63  }
0x1f8: {  	_ =	swait.ge [sflag:s17], $0x2000  }
0x1f9: {  	[sflag:s17] =	ssyncset.done $0x0  }
0x1fa: {  	[sflag:s17] =	ssyncadd.s32 $0xFFFFE000  }
0x1fb: {  	_ =	swait.ge [sflag:s19], $0x2000  }
0x1fc: {  	[sflag:s19] =	ssyncset.done $0x0  }
0x1fd: {  	[sflag:s19] =	ssyncadd.s32 $0xFFFFE000  }
0x1fe: {  	_ =	swait.ge [sflag:s20], $0x2000  }
0x1ff: {  	[sflag:s20] =	ssyncset.done $0x0  }
0x200: {  	s8 =	simm.s32 $0x0;
	s12 =	rddreg [dreg:$0x12];
	[sflag:s20] =	ssyncadd.s32 $0xFFFFE000  }
0x201: {  	[tilespmem:s8], [sflag:$0x9] =	stream.linear.gather [hbm4b:s12+s8], $0x1400, $0x38;
	[tilespmem:$0x1E800] =	vst v63  }
0x202: {  	_ =	swait.ge [sflag:s26], $0x1400  }
0x203: {  	[sflag:s26] =	ssyncset.done $0x0  }
0x204: {  	s12 =	rddreg [dreg:$0x13];
	[sflag:s26] =	ssyncadd.s32 $0xFFFFEC00  }
0x205: {  	[tilespmem:s28], [sflag:$0x9] =	stream.linear.gather [hbm4b:s12+s8], $0x1400, $0x38;
	[tilespmem:$0x1E800] =	vst v63  }
0x206: {  	_ =	swait.ge [sflag:s26], $0x1400  }
0x207: {  	[sflag:s26] =	ssyncset.done $0x0  }
0x208: {  	[sflag:s26] =	ssyncadd.s32 $0xFFFFEC00  }
0x209: {  	[tilespmem:s25], [sflag:$0x1] =	stream.indirect.gather [hbm4b:s4+s29], $0x80, s8, s29, $0xb8;
	[tilespmem:$0x1E800] =	vst v63  }
0x20a: {  	s9 =	simm.s32 $0x80  }
0x20b: {  	[tilespmem:s31], [sflag:$0x2] =	stream.indirect.gather [hbm4b:s4+s29], $0x80, s9, s29, $0xb8;
	[tilespmem:$0x1E800] =	vst v63  }
0x20c: {  	_ =	swait.ge [sflag:s0], $0x2000  }
0x20d: {  	[sflag:s0] =	ssyncset.done $0x0  }
0x20e: {  	[sflag:s0] =	ssyncadd.s32 $0xFFFFE000  }
0x20f: {  	[spmem:s2] =	stream.indirect.scatter.add.f32 [tilespmem:s25], [sflag:$0x5], $0x80, s28, s29, $0xb8;
	[tilespmem:$0x1E800] =	vst v63  }
0x210: {  	s12 =	simm.s32 $0x100  }
0x211: {  	[tilespmem:s6], [sflag:$0x3] =	stream.indirect.gather [hbm4b:s4+s29], $0x80, s12, s29, $0xb8;
	[tilespmem:$0x1E800] =	vst v63  }
0x212: {  	_ =	swait.ge [sflag:s7], $0x2000  }
0x213: {  	[sflag:s7] =	ssyncset.done $0x0  }
0x214: {  	s9 =	simm.s32 $0x1480;
	[sflag:s7] =	ssyncadd.s32 $0xFFFFE000  }
0x215: {  	[spmem:s2] =	stream.indirect.scatter.add.f32 [tilespmem:s31], [sflag:$0x6], $0x80, s9, s29, $0xb8;
	[tilespmem:$0x1E800] =	vst v63  }
0x216: {  	s12 =	simm.s32 $0x180  }
0x217: {  	[tilespmem:s10], [sflag:$0x4] =	stream.indirect.gather [hbm4b:s4+s29], $0x80, s12, s29, $0xb8;
	[tilespmem:$0x1E800] =	vst v63  }
0x218: {  	_ =	swait.ge [sflag:s11], $0x2000  }
0x219: {  	[sflag:s11] =	ssyncset.done $0x0  }
0x21a: {  	s9 =	simm.s32 $0x1500;
	[sflag:s11] =	ssyncadd.s32 $0xFFFFE000  }
0x21b: {  	[spmem:s2] =	stream.indirect.scatter.add.f32 [tilespmem:s6], [sflag:$0x7], $0x80, s9, s29, $0xb8;
	[tilespmem:$0x1E800] =	vst v63  }
0x21c: {  	_ =	swait.ge [sflag:s13], $0x2000  }
0x21d: {  	[sflag:s13] =	ssyncset.done $0x0  }
0x21e: {  	[sflag:s13] =	ssyncadd.s32 $0xFFFFE000  }
0x21f: {  	[tilespmem:s25], [sflag:$0x1] =	stream.indirect.gather [hbm4b:s4+s29], $0x80, s14, s29, $0xb8;
	[tilespmem:$0x1E800] =	vst v63  }
0x220: {  	_ =	swait.ge [sflag:s15], $0x2000  }
0x221: {  	[sflag:s15] =	ssyncset.done $0x0  }
0x222: {  	[sflag:s15] =	ssyncadd.s32 $0xFFFFE000  }
0x223: {  	[spmem:s2] =	stream.indirect.scatter.add.f32 [tilespmem:s10], [sflag:$0x8], $0x80, s16, s29, $0xb8;
	[tilespmem:$0x1E800] =	vst v63  }
0x224: {  	_ =	swait.ge [sflag:s17], $0x2000  }
0x225: {  	[sflag:s17] =	ssyncset.done $0x0  }
0x226: {  	[sflag:s17] =	ssyncadd.s32 $0xFFFFE000  }
0x227: {  	[tilespmem:s31], [sflag:$0x2] =	stream.indirect.gather [hbm4b:s4+s29], $0x80, s18, s29, $0xb8;
	[tilespmem:$0x1E800] =	vst v63  }
0x228: {  	_ =	swait.ge [sflag:s0], $0x2000  }
0x229: {  	[sflag:s0] =	ssyncset.done $0x0  }
0x22a: {  	s12 =	simm.s32 $0x1600;
	[sflag:s0] =	ssyncadd.s32 $0xFFFFE000  }
0x22b: {  	[spmem:s2] =	stream.indirect.scatter.add.f32 [tilespmem:s25], [sflag:$0x5], $0x80, s12, s29, $0xb8;
	[tilespmem:$0x1E800] =	vst v63  }
0x22c: {  	_ =	swait.ge [sflag:s19], $0x2000  }
0x22d: {  	[sflag:s19] =	ssyncset.done $0x0  }
0x22e: {  	s9 =	simm.s32 $0x300;
	[sflag:s19] =	ssyncadd.s32 $0xFFFFE000  }
0x22f: {  	[tilespmem:s6], [sflag:$0x3] =	stream.indirect.gather [hbm4b:s4+s29], $0x80, s9, s29, $0xb8;
	[tilespmem:$0x1E800] =	vst v63  }
0x230: {  	_ =	swait.ge [sflag:s7], $0x2000  }
0x231: {  	[sflag:s7] =	ssyncset.done $0x0  }
0x232: {  	s12 =	simm.s32 $0x1680;
	[sflag:s7] =	ssyncadd.s32 $0xFFFFE000  }
0x233: {  	[spmem:s2] =	stream.indirect.scatter.add.f32 [tilespmem:s31], [sflag:$0x6], $0x80, s12, s29, $0xb8;
	[tilespmem:$0x1E800] =	vst v63  }
0x234: {  	_ =	swait.ge [sflag:s20], $0x2000  }
0x235: {  	[sflag:s20] =	ssyncset.done $0x0  }
0x236: {  	s9 =	simm.s32 $0x380;
	[sflag:s20] =	ssyncadd.s32 $0xFFFFE000  }
0x237: {  	[tilespmem:s10], [sflag:$0x4] =	stream.indirect.gather [hbm4b:s4+s29], $0x80, s9, s29, $0xb8;
	[tilespmem:$0x1E800] =	vst v63  }
0x238: {  	_ =	swait.ge [sflag:s11], $0x2000  }
0x239: {  	[sflag:s11] =	ssyncset.done $0x0  }
0x23a: {  	s12 =	simm.s32 $0x1700;
	[sflag:s11] =	ssyncadd.s32 $0xFFFFE000  }
0x23b: {  	[spmem:s2] =	stream.indirect.scatter.add.f32 [tilespmem:s6], [sflag:$0x7], $0x80, s12, s29, $0xb8;
	[tilespmem:$0x1E800] =	vst v63  }
0x23c: {  	_ =	swait.ge [sflag:s13], $0x2000  }
0x23d: {  	[sflag:s13] =	ssyncset.done $0x0  }
0x23e: {  	s9 =	simm.s32 $0x400;
	[sflag:s13] =	ssyncadd.s32 $0xFFFFE000  }
0x23f: {  	[tilespmem:s25], [sflag:$0x1] =	stream.indirect.gather [hbm4b:s4+s29], $0x80, s9, s29, $0xb8;
	[tilespmem:$0x1E800] =	vst v63  }
0x240: {  	_ =	swait.ge [sflag:s15], $0x2000  }
0x241: {  	[sflag:s15] =	ssyncset.done $0x0  }
0x242: {  	s12 =	simm.s32 $0x1780;
	[sflag:s15] =	ssyncadd.s32 $0xFFFFE000  }
0x243: {  	[spmem:s2] =	stream.indirect.scatter.add.f32 [tilespmem:s10], [sflag:$0x8], $0x80, s12, s29, $0xb8;
	[tilespmem:$0x1E800] =	vst v63  }
0x244: {  	_ =	swait.ge [sflag:s17], $0x2000  }
0x245: {  	[sflag:s17] =	ssyncset.done $0x0  }
0x246: {  	s8 =	simm.s32 $0x800;
	s9 =	simm.s32 $0x480;
	[sflag:s17] =	ssyncadd.s32 $0xFFFFE000  }
.LBB2_10:
0x247: {  	[tilespmem:s31], [sflag:$0x2] =	stream.indirect.gather [hbm4b:s4+s29], $0x80, s9, s29, $0xb8;
	[tilespmem:$0x1E800] =	vst v63  }
0x248: {  	s9 =	smov.u32 s8  }
0x249: {  	p0 =	sne.s32 s8, $0x3800;
	s8 =	sadd.s32 $0x800, s8;
	_ =	swait.ge [sflag:s0], $0x2000  }
0x24a: {  	s9 =	sshra.s32 s9, $0x2;
	[sflag:s0] =	ssyncset.done $0x0  }
0x24b: {  	s12 =	sadd.s32 $0x1600, s9;
	[sflag:s0] =	ssyncadd.s32 $0xFFFFE000  }
0x24c: {  	[spmem:s2] =	stream.indirect.scatter.add.f32 [tilespmem:s25], [sflag:$0x5], $0x80, s12, s29, $0xb8;
	[tilespmem:$0x1E800] =	vst v63  }
0x24d: {  	_ =	swait.ge [sflag:s19], $0x2000  }
0x24e: {  	[sflag:s19] =	ssyncset.done $0x0  }
0x24f: {  	s12 =	sadd.s32 $0x300, s9;
	[sflag:s19] =	ssyncadd.s32 $0xFFFFE000  }
0x250: {  	[tilespmem:s6], [sflag:$0x3] =	stream.indirect.gather [hbm4b:s4+s29], $0x80, s12, s29, $0xb8;
	[tilespmem:$0x1E800] =	vst v63  }
0x251: {  	_ =	swait.ge [sflag:s7], $0x2000  }
0x252: {  	[sflag:s7] =	ssyncset.done $0x0  }
0x253: {  	s12 =	sadd.s32 $0x1680, s9;
	[sflag:s7] =	ssyncadd.s32 $0xFFFFE000  }
0x254: {  	[spmem:s2] =	stream.indirect.scatter.add.f32 [tilespmem:s31], [sflag:$0x6], $0x80, s12, s29, $0xb8;
	[tilespmem:$0x1E800] =	vst v63  }
0x255: {  	_ =	swait.ge [sflag:s20], $0x2000  }
0x256: {  	[sflag:s20] =	ssyncset.done $0x0  }
0x257: {  	s12 =	sadd.s32 $0x380, s9;
	[sflag:s20] =	ssyncadd.s32 $0xFFFFE000  }
0x258: {  	[tilespmem:s10], [sflag:$0x4] =	stream.indirect.gather [hbm4b:s4+s29], $0x80, s12, s29, $0xb8;
	[tilespmem:$0x1E800] =	vst v63  }
0x259: {  	_ =	swait.ge [sflag:s11], $0x2000  }
0x25a: {  	[sflag:s11] =	ssyncset.done $0x0  }
0x25b: {  	s12 =	sadd.s32 $0x1700, s9;
	[sflag:s11] =	ssyncadd.s32 $0xFFFFE000  }
0x25c: {  	[spmem:s2] =	stream.indirect.scatter.add.f32 [tilespmem:s6], [sflag:$0x7], $0x80, s12, s29, $0xb8;
	[tilespmem:$0x1E800] =	vst v63  }
0x25d: {  	_ =	swait.ge [sflag:s13], $0x2000  }
0x25e: {  	[sflag:s13] =	ssyncset.done $0x0  }
0x25f: {  	s12 =	sadd.s32 $0x400, s9;
	[sflag:s13] =	ssyncadd.s32 $0xFFFFE000  }
0x260: {  	[tilespmem:s25], [sflag:$0x1] =	stream.indirect.gather [hbm4b:s4+s29], $0x80, s12, s29, $0xb8;
	[tilespmem:$0x1E800] =	vst v63  }
0x261: {  	_ =	swait.ge [sflag:s15], $0x2000  }
0x262: {  	[sflag:s15] =	ssyncset.done $0x0  }
.Ltmp4:
0x263: {  	s12 =	sadd.s32 $0x1780, s9;
	[sflag:s15] =	ssyncadd.s32 $0xFFFFE000;
	(pc) =	sbr.rel @p0 .LBB2_10-.Ltmp4, $4  }
0x264: {  	[spmem:s2] =	stream.indirect.scatter.add.f32 [tilespmem:s10], [sflag:$0x8], $0x80, s12, s29, $0xb8;
	[tilespmem:$0x1E800] =	vst v63  }
0x265: {  	_ =	swait.ge [sflag:s17], $0x2000  }
0x266: {  	[sflag:s17] =	ssyncset.done $0x0  }
0x267: {  	s9 =	sadd.s32 $0x480, s9;
	[sflag:s17] =	ssyncadd.s32 $0xFFFFE000  }
0x268: {  	[tilespmem:s31], [sflag:$0x2] =	stream.indirect.gather [hbm4b:s4+s29], $0x80, s9, s29, $0xb8;
	[tilespmem:$0x1E800] =	vst v63  }
0x269: {  	_ =	swait.ge [sflag:s0], $0x2000  }
0x26a: {  	[sflag:s0] =	ssyncset.done $0x0  }
0x26b: {  	[sflag:s0] =	ssyncadd.s32 $0xFFFFE000  }
0x26c: {  	[spmem:s2] =	stream.indirect.scatter.add.f32 [tilespmem:s25], [sflag:$0x5], $0x80, s21, s29, $0xb8;
	[tilespmem:$0x1E800] =	vst v63  }
0x26d: {  	_ =	swait.ge [sflag:s19], $0x2000  }
0x26e: {  	[sflag:s19] =	ssyncset.done $0x0  }
0x26f: {  	[sflag:s19] =	ssyncadd.s32 $0xFFFFE000  }
0x270: {  	[tilespmem:s6], [sflag:$0x3] =	stream.indirect.gather [hbm4b:s4+s29], $0x80, s22, s29, $0xb8;
	[tilespmem:$0x1E800] =	vst v63  }
0x271: {  	_ =	swait.ge [sflag:s7], $0x2000  }
0x272: {  	[sflag:s7] =	ssyncset.done $0x0  }
0x273: {  	[sflag:s7] =	ssyncadd.s32 $0xFFFFE000  }
0x274: {  	[spmem:s2] =	stream.indirect.scatter.add.f32 [tilespmem:s31], [sflag:$0x6], $0x80, s23, s29, $0xb8;
	[tilespmem:$0x1E800] =	vst v63  }
0x275: {  	_ =	swait.ge [sflag:s20], $0x2000  }
0x276: {  	[sflag:s20] =	ssyncset.done $0x0  }
0x277: {  	[sflag:s20] =	ssyncadd.s32 $0xFFFFE000  }
0x278: {  	[tilespmem:s10], [sflag:$0x4] =	stream.indirect.gather [hbm4b:s4+s29], $0x80, s24, s29, $0xb8;
	[tilespmem:$0x1E800] =	vst v63  }
0x279: {  	_ =	swait.ge [sflag:s11], $0x2000  }
0x27a: {  	[sflag:s11] =	ssyncset.done $0x0  }
0x27b: {  	[sflag:s11] =	ssyncadd.s32 $0xFFFFE000  }
0x27c: {  	[spmem:s2] =	stream.indirect.scatter.add.f32 [tilespmem:s6], [sflag:$0x7], $0x80, s30, s29, $0xb8;
	[tilespmem:$0x1E800] =	vst v63  }
0x27d: {  	_ =	swait.ge [sflag:s13], $0x2000  }
0x27e: {  	[sflag:s13] =	ssyncset.done $0x0  }
0x27f: {  	[sflag:s13] =	ssyncadd.s32 $0xFFFFE000  }
0x280: {  	_ =	swait.ge [sflag:s15], $0x2000  }
0x281: {  	[sflag:s15] =	ssyncset.done $0x0  }
0x282: {  	[sflag:s15] =	ssyncadd.s32 $0xFFFFE000  }
0x283: {  	[spmem:s2] =	stream.indirect.scatter.add.f32 [tilespmem:s10], [sflag:$0x8], $0x80, s1, s29, $0xb8;
	[tilespmem:$0x1E800] =	vst v63  }
0x284: {  	_ =	swait.ge [sflag:s17], $0x2000  }
0x285: {  	[sflag:s17] =	ssyncset.done $0x0  }
0x286: {  	[sflag:s17] =	ssyncadd.s32 $0xFFFFE000  }
0x287: {  	_ =	swait.ge [sflag:s19], $0x2000  }
0x288: {  	[sflag:s19] =	ssyncset.done $0x0  }
0x289: {  	[sflag:s19] =	ssyncadd.s32 $0xFFFFE000  }
0x28a: {  	_ =	swait.ge [sflag:s20], $0x2000  }
0x28b: {  	[sflag:s20] =	ssyncset.done $0x0  }
0x28c: {  	s8 =	stileid.u32;
	[sflag:s20] =	ssyncadd.s32 $0xFFFFE000  }
0x28d: {  	s8 =	sshll.u32 s8, $0x6;
	[bflag:$0x0] =	sbarrier.arrive $0xFFFF  }
0x28e: {  	s9 =	sshrl.u32 s5, $0x3;
	s8 =	sor.u32 $0x1C09, s8;
	s12 =	rddreg [dreg:$0x14]  }
0x28f: {  	[hbm:s12], [sflag:s8] =	dma.local [spmem:s9], $0x2800  }
0x290: {  	_ =	swait.ge [sflag:s26], $0x2800  }
0x291: {  	s3 =	sadd.s32 $0x1, s3;
	s12 =	rddreg [dreg:$0x15]  }
0x292: {  	p0 =	sne.s32 s3, s12  }
.Ltmp5:
0x293: {  	_ = 	snop;
	(pc) =	sbr.rel @p0 .LBB2_1-.Ltmp5, $3  }
0x294: {  	_ =	sdelay $0x1  }
0x295: {  	[sflag:s26] =	ssyncset.done $0x0  }
0x296: {  	[sflag:s26] =	ssyncadd.s32 $0xFFFFD800  }
0x297: {  	_ =	sfence.sel $0x180000  }
0x298: {  	[bflag:$0x0] =	sbarrier.arrive $0xFFFF  }
0x299: {  	_ =	strace $0x9000004A  }
0x29a: {  	s0 =	stileid.u32;
	[bflag:$0x2] =	sbarrier.arrive $0xFFFF  }
0x29b: {  	p0 =	sne.s32 s0, $0x0;
	s0 =	rddreg [dreg:$0x2]  }
0x29c: {  	s0 =	sadd.s32 @!p0 $0x100000, s0  }
0x29d: {  	[sflag:s0] =	ssyncadd.tile.s32 @!p0 $0x1;
	_ =	shalt  }
.Lfunc_end2:
_tile_overlayer_lowered:
.L_overlay_start_2:
0x29e: {  	(tag) =	ssettag $0x2  }
0x29f: {  	s0 =	rddreg [dreg:$0x0];
	s2 =	stileid.u32  }
0x2a0: {  	s1 =	rddreg [dreg:$0x1];
	p0 =	sne.s32 s2, $0x0  }
0x2a1: {  	s3 =	rddreg [dreg:$0x2];
	[bflag:$0x3] =	sbarrier.arrive $0xFFFF;
	s2 =	simm.s32 @!p0 $0x1C09  }
0x2a2: {  	[timem:s3], [sflag:s2] =	dma.local @!p0 [hbm:s0], s1  }
0x2a3: {  	s0 =	simm.s32 @!p0 $0x9  }
0x2a4: {  	_ =	swait.ge @!p0 [sflag:s0], s1  }
0x2a5: {  	s1 =	ssub.s32 @!p0 $0x0, s1;
	[sflag:s0] =	ssyncset.done @!p0 $0x0  }
0x2a6: {  	[sflag:s0] =	ssyncadd.s32 @!p0 s1  }
0x2a7: {  	[bflag:$0x3] =	sbarrier.arrive $0xFFFF  }
0x2a8: {  	_ =	shalt  }

// kernel: kernel.14.cloned.1.call-start
scs
__scs_entry_jumppad:
0x0: {  	(pc) =	sbr.rel $0x88, $3  }
0x1: {  	(tag) =	ssettag $0x0;
	lr =	simm.s32 $0x1  }
0x2: {  	[smem:$0x3F99] =	sst lr;
	_ =	strace $0xD0000000  }
0x3: {  	_ = 	snop  }
0x4: {  	_ = 	snop  }
0x5: {  	_ = 	snop  }
0x6: {  	_ = 	snop  }
0x7: {  	_ = 	snop  }
__scs_overlays_trampoline_lowered:
0x8: {  	[smem:$0x3FA8] =	sst s0  }
0x9: {  	[smem:$0x3FA9] =	sst s1  }
0xa: {  	[smem:$0x3FAA] =	sst s2  }
0xb: {  	[smem:$0x3FAB] =	sst s3  }
0xc: {  	[smem:$0x3FAC] =	sst s4  }
0xd: {  	[smem:$0x3FAD] =	sst s5  }
0xe: {  	[smem:$0x3FAE] =	sst s6  }
0xf: {  	[smem:$0x3FAF] =	sst s7  }
0x10: {  	[smem:$0x3FB0] =	sst s8  }
0x11: {  	[smem:$0x3FB1] =	sst s9;
	s0 =	simm.s32 @!p0 $0x0  }
0x12: {  	s1 =	sld [smem:$0x3F97];
	s0 =	simm.s32 @p0 $0x1  }
0x13: {  	[smem:$0x3FB2] =	sst s0;
	s0 =	simm.s32 @!p1 $0x0  }
0x14: {  	s2 =	sld [smem:$0x3F96];
	s0 =	simm.s32 @p1 $0x1  }
0x15: {  	[smem:$0x3FB3] =	sst s0;
	s0 =	simm.s32 @!p2 $0x0  }
0x16: {  	s3 =	sld [smem:$0x3FDB];
	s0 =	simm.s32 @p2 $0x1  }
0x17: {  	s4 =	simm.s32 $0x1BF5;
	[smem:$0x3FB5] =	sst s0  }
0x18: {  	s0 =	sld [smem:$0x3F98];
	_ =	swait.ge [sflag:s4], $0x0  }
0x19: {  	s7 =	sld [smem:$0x3F99]  }
0x1a: {  	s8 =	sadd.s32 $0xFFFFE003, lr  }
0x1b: {  	s9 =	sadd.s32 $0xFFFFFEF7, lr;
	s5 =	simm.s32 $0xFFFFFFFF;
	p2 =	slt.u32 s8, $0xFFFFF086  }
0x1c: {  	p1 =	slt.u32 s9, $0xF7A;
	s5 =	simm.s32 @!p2 $0x0  }
0x1d: {  	s5 =	simm.s32 @p1 $0x1;
	p0 =	seq.s32 s7, s2  }
0x1e: {  	s7 =	smul.u32 @!p0 $0xF7A, s2;
	p2 =	seq.s32 @!p0 s5, $0x0  }
0x1f: {  	s9 =	smul.u32 $0xF7A, s1;
	s8 =	simm.s32 @!p0 $0x1BF5;
	p2 =	por !p2, p0  }
0x20: {  	[sflag:s8] =	ssyncset.s32 @!p0 $0xFFFFF086;
	s6 =	sadd.s32 @!p0 s3, s7;
	s7 =	simm.s32 @!p0 $0x108  }
0x21: {  	s3 =	sadd.s32 s3, s9;
	s6 =	sadd.s32 @!p0 $0x88, s6;
	s7 =	simm.s32 @p2 $0x1082  }
0x22: {  	[simem:s7], [sflag:s8] =	dma.local @!p0 [hbm:s6], $0xF7A  }
0x23: {  	s9 =	sor.u32 $0xD0000000, s2;
	s6 =	simm.s32 $0x108;
	_ =	swait.ge @!p0 [sflag:s8], $0x0  }
0x24: {  	s3 =	sadd.s32 $0x88, s3;
	s6 =	simm.s32 @!p1 $0x1082;
	[sflag:s4] =	ssyncset.s32 $0xFFFFF086  }
0x25: {  	[simem:s6], [sflag:s4] =	dma.local [hbm:s3], $0xF7A  }
0x26: {  	[smem:$0x3F99] =	sst s1;
	(tag) =	ssettag s2;
	_ =	strace s9  }
0x27: {  	s1 =	sld [smem:$0x3FA9]  }
0x28: {  	s2 =	sld [smem:$0x3FAA]  }
0x29: {  	s4 =	sld [smem:$0x3FAC]  }
0x2a: {  	p0 =	seq.s32 s5, $0x0;
	s5 =	sld [smem:$0x3FAD]  }
0x2b: {  	s6 =	sld [smem:$0x3FAE]  }
0x2c: {  	s7 =	sld [smem:$0x3FAF]  }
0x2d: {  	s3 =	simm.s32 $0x108;
	s8 =	sld [smem:$0x3FB0]  }
0x2e: {  	s3 =	simm.s32 @!p0 $0x1082;
	s9 =	sld [smem:$0x3FB1]  }
0x2f: {  	lr =	sadd.s32 s0, s3;
	s0 =	sld [smem:$0x3FA8]  }
0x30: {  	s3 =	sld [smem:$0x3FAB]  }
0x31: {  	[smem:$0x3FB4] =	sst s10  }
0x32: {  	s10 =	sld [smem:$0x3FB2];
	_ =	sdelay $0x3  }
0x33: {  	p0 =	seq.s32 s10, $0x1;
	s10 =	sld [smem:$0x3FB4];
	_ =	sdelay $0x3  }
0x34: {  	[smem:$0x3FB4] =	sst s10  }
0x35: {  	s10 =	sld [smem:$0x3FB3];
	_ =	sdelay $0x3  }
0x36: {  	p1 =	seq.s32 s10, $0x1;
	s10 =	sld [smem:$0x3FB4];
	_ =	sdelay $0x3  }
0x37: {  	[smem:$0x3FB4] =	sst s10  }
0x38: {  	s10 =	sld [smem:$0x3FB5]  }
0x39: {  	_ = 	snop;
	(pc) =	sbr.ind lr, $3  }
0x3a: {  	_ = 	snop  }
0x3b: {  	_ = 	snop  }
0x3c: {  	p2 =	seq.s32 s10, $0x1;
	s10 =	sld [smem:$0x3FB4]  }
0x3d: {  	_ =	shalt  }
0x3e: {  	_ =	shalt  }
0x3f: {  	_ =	shalt  }
0x40: {  	_ =	shalt  }
0x41: {  	_ =	shalt  }
0x42: {  	_ =	shalt  }
0x43: {  	_ =	shalt  }
0x44: {  	_ =	shalt  }
0x45: {  	_ =	shalt  }
0x46: {  	_ =	shalt  }
0x47: {  	_ =	shalt  }
0x48: {  	_ =	shalt  }
0x49: {  	_ =	shalt  }
0x4a: {  	_ =	shalt  }
0x4b: {  	_ =	shalt  }
0x4c: {  	_ =	shalt  }
0x4d: {  	_ =	shalt  }
0x4e: {  	_ =	shalt  }
0x4f: {  	_ =	shalt  }
0x50: {  	_ =	shalt  }
0x51: {  	_ =	shalt  }
0x52: {  	_ =	shalt  }
0x53: {  	_ =	shalt  }
0x54: {  	_ =	shalt  }
0x55: {  	_ =	shalt  }
0x56: {  	_ =	shalt  }
0x57: {  	_ =	shalt  }
0x58: {  	_ =	shalt  }
0x59: {  	_ =	shalt  }
0x5a: {  	_ =	shalt  }
0x5b: {  	_ =	shalt  }
0x5c: {  	_ =	shalt  }
0x5d: {  	_ =	shalt  }
0x5e: {  	_ =	shalt  }
0x5f: {  	_ =	shalt  }
0x60: {  	_ =	shalt  }
0x61: {  	_ =	shalt  }
0x62: {  	_ =	shalt  }
0x63: {  	_ =	shalt  }
0x64: {  	_ =	shalt  }
0x65: {  	_ =	shalt  }
0x66: {  	_ =	shalt  }
0x67: {  	_ =	shalt  }
0x68: {  	_ =	shalt  }
0x69: {  	_ =	shalt  }
0x6a: {  	_ =	shalt  }
0x6b: {  	_ =	shalt  }
0x6c: {  	_ =	shalt  }
0x6d: {  	_ =	shalt  }
0x6e: {  	_ =	shalt  }
0x6f: {  	_ =	shalt  }
0x70: {  	_ =	shalt  }
0x71: {  	_ =	shalt  }
0x72: {  	_ =	shalt  }
0x73: {  	_ =	shalt  }
0x74: {  	_ =	shalt  }
0x75: {  	_ =	shalt  }
0x76: {  	_ =	shalt  }
0x77: {  	_ =	shalt  }
0x78: {  	_ =	shalt  }
0x79: {  	_ =	shalt  }
0x7a: {  	_ =	shalt  }
0x7b: {  	_ =	shalt  }
0x7c: {  	_ =	shalt  }
0x7d: {  	_ =	shalt  }
0x7e: {  	_ =	shalt  }
0x7f: {  	_ =	shalt  }
0x80: {  	_ =	shalt  }
0x81: {  	_ =	shalt  }
0x82: {  	_ =	shalt  }
0x83: {  	_ =	shalt  }
0x84: {  	_ =	shalt  }
0x85: {  	_ =	shalt  }
0x86: {  	_ =	shalt  }
0x87: {  	_ =	shalt  }
.Lfunc_end0:
.L_simem_size_0:
called_computation.2_lowered:
.L_overlay_start_0:
0x88: {  	s2 =	sld [smem:$0x3FD9]  }
0x89: {  	s3 =	sld [smem:$0x3FFE];
	_ =	sdelay $0x1  }
0x8a: {  	s1 =	srdreg.scid  }
0x8b: {  	s0 =	sand.u32 $0x1, s1  }
0x8c: {  	s17 =	sshll.u32 s0, $0xA;
	s2 =	sadd.s32 s3, s2  }
0x8d: {  	s2 =	sadd.s32 s2, s17  }
0x8e: {  	[smem:$0x3FC0] =	sst s2  }
0x8f: {  	_ = 	snop  }
0x90: {  	s2 =	sld [smem:$0x3FD0];
	(tm) =	ssettm $0x1  }
0x91: {  	s18 =	sld [smem:$0x3FFB];
	_ =	sdelay $0x3  }
0x92: {  	_ =	strace s18  }
0x93: {  	s3 =	sld [smem:$0x3FFC];
	_ =	sdelay $0x3  }
0x94: {  	_ =	strace s3  }
0x95: {  	s3 =	sld [smem:$0x3FFD];
	_ =	sdelay $0x3  }
0x96: {  	_ =	strace s3  }
0x97: {  	_ =	strace $0x8FFFFFFF  }
0x98: {  	s19 =	sld [smem:$0x3FDB];
	_ =	sdelay $0x1  }
0x99: {  	s4 =	simm.s32 $_scs_section_size  }
0x9a: {  	s5 =	simm.s32 $_size__tile_overlayer_lowered;
	s6 =	simm.s32 $_tile_overlayer_lowered  }
0x9b: {  	s22 =	simm.s32 $0x1BFF;
	s21 =	sshll.u32 s6, $0x1;
	s3 =	sadd.s32 s4, s19  }
0x9c: {  	s7 =	simm.s32 $0x0;
	s20 =	sshll.u32 s5, $0x1;
	s5 =	sadd.s32 s21, s3  }
0x9d: {  	[timem:s7], [sflag:s22] =	dma.local [hbm:s5], s20  }
0x9e: {  	_ =	swait.ge [sflag:s22], s20  }
0x9f: {  	s4 =	ssub.s32 $0x0, s20;
	[sflag:s22] =	ssyncset.done $0x0  }
0xa0: {  	[sflag:s22] =	ssyncadd.s32 s4;
	_ =	sdelay $0x1  }
0xa1: {  	s23 =	simm.s32 $0x1B8B  }
0xa2: {  	_ =	swait.ge [sflag:s23], $0x1  }
0xa3: {  	[sflag:s23] =	ssyncset.done $0x0  }
0xa4: {  	s25 =	simm.s32 $0x1B8E;
	s24 =	sld [smem:$0x3FFE];
	[sflag:s23] =	ssyncadd.s32 $0xFFFFFFFF  }
0xa5: {  	s26 =	simm.s32 $execute0_lowered;
	[smem:$0x3FD2] =	sst s25  }
0xa6: {  	s5 =	sshll.u32 s26, $0x1;
	_ =	strace $0x8000004C;
	[dreg:$0x1] =	wrdreg $0xFFFFFFFF  }
0xa7: {  	s28 =	simm.s32 $_size_execute0_lowered;
	s3 =	sadd.s32 s3, s5;
	[dreg:$0x0] =	wrdreg $0x0  }
0xa8: {  	s5 =	sshll.u32 s28, $0x1;
	[dreg:$0x2] =	wrdreg s3  }
0xa9: {  	[dreg:$0x3] =	wrdreg s5  }
0xaa: {  	[dreg:$0x4] =	wrdreg $0xC0  }
0xab: {  	_ =	task [dreg:s7], $0x5FFFF  }
0xac: {  	[dreg:$0x1] =	wrdreg $0xFFFFFFFF  }
0xad: {  	[dreg:$0x0] =	wrdreg $0x60  }
0xae: {  	[dreg:$0x2] =	wrdreg s24  }
0xaf: {  	[dreg:$0x3] =	wrdreg s2  }
0xb0: {  	[dreg:$0x4] =	wrdreg $0xA8000  }
0xb1: {  	[dreg:$0x5] =	wrdreg $0x9  }
0xb2: {  	_ =	task.clear_ibuf [dreg:s7], $0x6FFFF;
	_ =	strace $0x9000004C  }
0xb3: {  	s29 =	simm.s32 $0x9;
	_ =	strace $0x8000004E  }
0xb4: {  	_ =	swait.ge [sflag:s29], $0x1  }
0xb5: {  	[sflag:s29] =	ssyncadd.s32 $0xFFFFFFFF  }
0xb6: {  	_ =	strace $0x9000004E  }
0xb7: {  	_ =	sfence  }
0xb8: {  	s30 =	sld [smem:$0x0];
	_ =	sdelay $0x2  }
0xb9: {  	s31 =	sshll.u32 s1, $0xD;
	s1 =	sshrl.u32 s1, $0x2  }
0xba: {  	s3 =	sand.u32 $0x4000, s31;
	s1 =	sadd.s32 s1, s30  }
0xbb: {  	s0 =	sor.u32 s3, s0;
	s1 =	sshll.u32 s1, $0x11  }
0xbc: {  	s0 =	sor.u32 s1, s0  }
0xbd: {  	s0 =	sadd.s32 $0x8F2B, s0  }
0xbe: {  	[sflag:s0] =	ssyncadd.remote.s32 $0x1  }
0xbf: {  	_ =	sfence.sel $0xFFFF  }
0xc0: {  	[dreg:$0x0] =	wrdreg $0xFFFFFFFF;
	(pc) =	sbr.abs _section_cstart, $3  }
0xc1: {  	[dreg:$0x1] =	wrdreg $0xFFFFFFFF  }
0xc2: {  	_ =	task.clear_ibuf [dreg:s7], $0x2FFFF;
	_ =	strace $0x9FFFFFFF  }
0xc3: {  	(tm) =	ssettm $0x7FFFFFFF  }
tec
execute0_lowered:
.L_overlay_start_1:
0x0: {  	(tag) =	ssettag $0x1  }
0x1: {  	s0 =	rddreg [dreg:$0x0]  }
0x2: {  	s2 =	rddreg [dreg:$0x1]  }
0x3: {  	s1 =	rddreg [dreg:$0x2]  }
0x4: {  	s3 =	srdreg.scid;
	s10 =	stileid.u32;
	s28 =	simm.s32 $0x1  }
0x5: {  	s30 =	simm.s32 $0x6800;
	s31 =	simm.s32 $0x2;
	s11 =	simm.s32 $0x4  }
0x6: {  	s12 =	simm.s32 $0x1580;
	s6 =	sand.u32 $0x1, s3;
	s7 =	smul.u32 $0x14000, s10  }
0x7: {  	s3 =	simm.s32 $0x0;
	s4 =	sadd.s32 $0xE00, s0;
	s5 =	smul.u32 $0x140000, s6  }
0x8: {  	s13 =	smul.u32 $0x50000, s10;
	s8 =	sadd.s32 $0x50E00, s0;
	s9 =	ssub.s32 $0x2, s6  }
0x9: {  	[smem:$0x7FF] =	sst s3;
	s14 =	sshrl.u32 s9, $0x1;
	s5 =	sadd.s32 s7, s5  }
0xa: {  	s7 =	sshrl.u32 s13, $0x2;
	s9 =	ssub.s32 s9, s14;
	s5 =	sshrl.u32 s5, $0x3  }
0xb: {  	s26 =	smax.u32 s9, $0x1;
	s0 =	sadd.s32 s5, s0;
	s5 =	sadd.s32 s7, s1  }
0xc: {  	_ =	strace $0x8000004D;
	[dreg:$0x12] =	wrdreg s26;
	s7 =	sadd.s32 $0x2000, s5  }
0xd: {  	s29 =	simm.s32 $0x2700;
	s15 =	sadd.s32 $0x4000, s5;
	[dreg:$0x4] =	wrdreg s7  }
0xe: {  	s6 =	sshll.u32 s6, $0x4;
	s16 =	sadd.s32 $0x6000, s5;
	[dreg:$0x5] =	wrdreg s15  }
0xf: {  	s6 =	sor.u32 s10, s6;
	s17 =	sadd.s32 $0x8000, s5;
	[dreg:$0x6] =	wrdreg s16  }
0x10: {  	s10 =	simm.s32 $0x200;
	s18 =	sadd.s32 $0xA000, s5;
	[dreg:$0x7] =	wrdreg s17  }
0x11: {  	s6 =	smul.u32 $0x2800, s6;
	s19 =	sadd.s32 $0xC000, s5;
	[dreg:$0x8] =	wrdreg s18  }
0x12: {  	s13 =	simm.s32 $0x6;
	s20 =	sadd.s32 $0xE000, s5;
	[dreg:$0x9] =	wrdreg s19  }
0x13: {  	s14 =	simm.s32 $0x280;
	s21 =	sadd.s32 $0x10000, s5;
	[dreg:$0xa] =	wrdreg s20  }
0x14: {  	s6 =	sshrl.u32 s6, $0x3;
	s22 =	sadd.s32 $0x12000, s5;
	[dreg:$0xb] =	wrdreg s21  }
0x15: {  	s9 =	simm.s32 $0x5;
	s23 =	sadd.s32 s2, s6;
	[dreg:$0xc] =	wrdreg s22  }
0x16: {  	s26 =	simm.s32 $0x4800;
	s24 =	sadd.s32 s8, s6;
	[dreg:$0xd] =	wrdreg s23  }
0x17: {  	s6 =	sadd.s32 $0x280, s6;
	s0 =	sadd.s32 $0x5AE00, s0;
	[dreg:$0xe] =	wrdreg s24  }
0x18: {  	s2 =	sadd.s32 s2, s6;
	s25 =	sadd.s32 s8, s6;
	[dreg:$0x11] =	wrdreg s0  }
0x19: {  	s21 =	simm.s32 $0x2800;
	s22 =	simm.s32 $0x9;
	s23 =	simm.s32 $0x1400  }
0x1a: {  	s24 =	simm.s32 $0x40;
	s6 =	simm.s32 $0x8800;
	s7 =	simm.s32 $0x3  }
0x1b: {  	s15 =	simm.s32 $0x7;
	s16 =	simm.s32 $0x8;
	s17 =	simm.s32 $0x1300  }
0x1c: {  	s18 =	simm.s32 $0x2680;
	s19 =	simm.s32 $0x1380;
	[dreg:$0xf] =	wrdreg s2  }
0x1d: {  	v0 =	vimm.f32 $0.0e+00;
	s20 =	simm.s32 $0x2780;
	[dreg:$0x10] =	wrdreg s25;
	s25 =	simm.s32 $0x2600  }
.LBB2_1:
0x1e: {  	s0 =	simm.s32 $0x0;
	s2 =	simm.s32 $0x200  }
.LBB2_2:
0x1f: {  	p0 =	sne.s32 s2, $0x7E00;
	[tilespmem:s0+$0x2870] =	vst v0  }
0x20: {  	[tilespmem:s0+$0x2800] =	vst v0  }
0x21: {  	[tilespmem:s0+$0x2810] =	vst v0  }
.Ltmp0:
0x22: {  	[tilespmem:s0+$0x2820] =	vst v0;
	(pc) =	sbr.rel @p0 .LBB2_2-.Ltmp0, $4  }
0x23: {  	[tilespmem:s0+$0x2830] =	vst v0  }
0x24: {  	[tilespmem:s0+$0x2840] =	vst v0  }
0x25: {  	[tilespmem:s0+$0x2850] =	vst v0  }
0x26: {  	[tilespmem:s0+$0x2860] =	vst v0;
	s0 =	sshra.s32 s2, $0x2;
	s2 =	sadd.s32 $0x200, s2  }
0x27: {  	[tilespmem:s0+$0x2870] =	vst v0  }
0x28: {  	[tilespmem:s0+$0x2800] =	vst v0  }
0x29: {  	[tilespmem:s0+$0x2810] =	vst v0  }
0x2a: {  	[tilespmem:s0+$0x2820] =	vst v0  }
0x2b: {  	[tilespmem:s0+$0x2830] =	vst v0  }
0x2c: {  	[tilespmem:s0+$0x2840] =	vst v0  }
0x2d: {  	[tilespmem:s0+$0x2850] =	vst v0  }
0x2e: {  	[tilespmem:s0+$0x2860] =	vst v0  }
0x2f: {  	[spmem:s5] =	stream.linear.scatter [tilespmem:s21], [sflag:$0x9], $0x2000, $0x38;
	[tilespmem:$0x1E800] =	vst v63  }
0x30: {  	_ =	swait.ge [sflag:s22], $0x2000  }
0x31: {  	[sflag:s22] =	ssyncset.done $0x0  }
0x32: {  	s2 =	rddreg [dreg:$0x4];
	[sflag:s22] =	ssyncadd.s32 $0xFFFFE000  }
0x33: {  	[spmem:s2] =	stream.linear.scatter [tilespmem:s21], [sflag:$0x9], $0x2000, $0x38;
	[tilespmem:$0x1E800] =	vst v63  }
0x34: {  	_ =	swait.ge [sflag:s22], $0x2000  }
0x35: {  	[sflag:s22] =	ssyncset.done $0x0  }
0x36: {  	s8 =	rddreg [dreg:$0x5];
	[sflag:s22] =	ssyncadd.s32 $0xFFFFE000  }
0x37: {  	[spmem:s8] =	stream.linear.scatter [tilespmem:s21], [sflag:$0x9], $0x2000, $0x38;
	[tilespmem:$0x1E800] =	vst v63  }
0x38: {  	_ =	swait.ge [sflag:s22], $0x2000  }
0x39: {  	[sflag:s22] =	ssyncset.done $0x0  }
0x3a: {  	s2 =	rddreg [dreg:$0x6];
	[sflag:s22] =	ssyncadd.s32 $0xFFFFE000  }
0x3b: {  	[spmem:s2] =	stream.linear.scatter [tilespmem:s21], [sflag:$0x9], $0x2000, $0x38;
	[tilespmem:$0x1E800] =	vst v63  }
0x3c: {  	_ =	swait.ge [sflag:s22], $0x2000  }
0x3d: {  	[sflag:s22] =	ssyncset.done $0x0  }
0x3e: {  	s8 =	rddreg [dreg:$0x7];
	[sflag:s22] =	ssyncadd.s32 $0xFFFFE000  }
0x3f: {  	[spmem:s8] =	stream.linear.scatter [tilespmem:s21], [sflag:$0x9], $0x2000, $0x38;
	[tilespmem:$0x1E800] =	vst v63  }
0x40: {  	_ =	swait.ge [sflag:s22], $0x2000  }
0x41: {  	[sflag:s22] =	ssyncset.done $0x0  }
0x42: {  	s2 =	rddreg [dreg:$0x8];
	[sflag:s22] =	ssyncadd.s32 $0xFFFFE000  }
0x43: {  	[spmem:s2] =	stream.linear.scatter [tilespmem:s21], [sflag:$0x9], $0x2000, $0x38;
	[tilespmem:$0x1E800] =	vst v63  }
0x44: {  	_ =	swait.ge [sflag:s22], $0x2000  }
0x45: {  	[sflag:s22] =	ssyncset.done $0x0  }
0x46: {  	s8 =	rddreg [dreg:$0x9];
	[sflag:s22] =	ssyncadd.s32 $0xFFFFE000  }
0x47: {  	[spmem:s8] =	stream.linear.scatter [tilespmem:s21], [sflag:$0x9], $0x2000, $0x38;
	[tilespmem:$0x1E800] =	vst v63  }
0x48: {  	_ =	swait.ge [sflag:s22], $0x2000  }
0x49: {  	[sflag:s22] =	ssyncset.done $0x0  }
0x4a: {  	s2 =	rddreg [dreg:$0xa];
	[sflag:s22] =	ssyncadd.s32 $0xFFFFE000  }
0x4b: {  	[spmem:s2] =	stream.linear.scatter [tilespmem:s21], [sflag:$0x9], $0x2000, $0x38;
	[tilespmem:$0x1E800] =	vst v63  }
0x4c: {  	_ =	swait.ge [sflag:s22], $0x2000  }
0x4d: {  	[sflag:s22] =	ssyncset.done $0x0  }
0x4e: {  	s8 =	rddreg [dreg:$0xb];
	[sflag:s22] =	ssyncadd.s32 $0xFFFFE000  }
0x4f: {  	[spmem:s8] =	stream.linear.scatter [tilespmem:s21], [sflag:$0x9], $0x2000, $0x38;
	[tilespmem:$0x1E800] =	vst v63  }
0x50: {  	_ =	swait.ge [sflag:s22], $0x2000  }
0x51: {  	[sflag:s22] =	ssyncset.done $0x0  }
0x52: {  	s2 =	rddreg [dreg:$0xc];
	[sflag:s22] =	ssyncadd.s32 $0xFFFFE000  }
0x53: {  	[spmem:s2] =	stream.linear.scatter [tilespmem:s21], [sflag:$0x9], $0x2000, $0x38;
	[tilespmem:$0x1E800] =	vst v63  }
0x54: {  	_ =	swait.ge [sflag:s22], $0x2000  }
0x55: {  	[sflag:s22] =	ssyncset.done $0x0  }
0x56: {  	[sflag:s22] =	ssyncadd.s32 $0xFFFFE000  }
0x57: {  	[bflag:$0x0] =	sbarrier.arrive $0xFFFF  }
0x58: {  	s0 =	simm.s32 $0x0;
	s2 =	rddreg [dreg:$0xd]  }
0x59: {  	[tilespmem:s0], [sflag:$0x9] =	stream.linear.gather [hbm4b:s2+s0], $0x1400, $0x38;
	[tilespmem:$0x1E800] =	vst v63  }
0x5a: {  	_ =	swait.ge [sflag:s22], $0x1400  }
0x5b: {  	[sflag:s22] =	ssyncset.done $0x0  }
0x5c: {  	s8 =	rddreg [dreg:$0xe];
	[sflag:s22] =	ssyncadd.s32 $0xFFFFEC00  }
0x5d: {  	[tilespmem:s23], [sflag:$0x9] =	stream.linear.gather [hbm4b:s8+s0], $0x1400, $0x38;
	[tilespmem:$0x1E800] =	vst v63  }
0x5e: {  	_ =	swait.ge [sflag:s22], $0x1400  }
0x5f: {  	[sflag:s22] =	ssyncset.done $0x0  }
0x60: {  	[sflag:s22] =	ssyncadd.s32 $0xFFFFEC00  }
0x61: {  	[tilespmem:s21], [sflag:$0x1] =	stream.indirect.gather [hbm4b:s4+s24], $0x80, s0, s24, $0xb8;
	[tilespmem:$0x1E800] =	vst v63  }
0x62: {  	s2 =	simm.s32 $0x80  }
0x63: {  	[tilespmem:s26], [sflag:$0x2] =	stream.indirect.gather [hbm4b:s4+s24], $0x80, s2, s24, $0xb8;
	[tilespmem:$0x1E800] =	vst v63  }
0x64: {  	_ =	swait.ge [sflag:s28], $0x2000  }
0x65: {  	[sflag:s28] =	ssyncset.done $0x0  }
0x66: {  	[sflag:s28] =	ssyncadd.s32 $0xFFFFE000  }
0x67: {  	[spmem:s1] =	stream.indirect.scatter.add.f32 [tilespmem:s21], [sflag:$0x5], $0x80, s23, s24, $0xb8;
	[tilespmem:$0x1E800] =	vst v63  }
0x68: {  	s8 =	simm.s32 $0x100  }
0x69: {  	[tilespmem:s30], [sflag:$0x3] =	stream.indirect.gather [hbm4b:s4+s24], $0x80, s8, s24, $0xb8;
	[tilespmem:$0x1E800] =	vst v63  }
0x6a: {  	_ =	swait.ge [sflag:s31], $0x2000  }
0x6b: {  	[sflag:s31] =	ssyncset.done $0x0  }
0x6c: {  	s2 =	simm.s32 $0x1480;
	[sflag:s31] =	ssyncadd.s32 $0xFFFFE000  }
0x6d: {  	[spmem:s1] =	stream.indirect.scatter.add.f32 [tilespmem:s26], [sflag:$0x6], $0x80, s2, s24, $0xb8;
	[tilespmem:$0x1E800] =	vst v63  }
0x6e: {  	s8 =	simm.s32 $0x180  }
0x6f: {  	[tilespmem:s6], [sflag:$0x4] =	stream.indirect.gather [hbm4b:s4+s24], $0x80, s8, s24, $0xb8;
	[tilespmem:$0x1E800] =	vst v63  }
0x70: {  	_ =	swait.ge [sflag:s7], $0x2000  }
0x71: {  	[sflag:s7] =	ssyncset.done $0x0  }
0x72: {  	s2 =	simm.s32 $0x1500;
	[sflag:s7] =	ssyncadd.s32 $0xFFFFE000  }
0x73: {  	[spmem:s1] =	stream.indirect.scatter.add.f32 [tilespmem:s30], [sflag:$0x7], $0x80, s2, s24, $0xb8;
	[tilespmem:$0x1E800] =	vst v63  }
0x74: {  	_ =	swait.ge [sflag:s9], $0x2000  }
0x75: {  	[sflag:s9] =	ssyncset.done $0x0  }
0x76: {  	[sflag:s9] =	ssyncadd.s32 $0xFFFFE000  }
0x77: {  	[tilespmem:s21], [sflag:$0x1] =	stream.indirect.gather [hbm4b:s4+s24], $0x80, s10, s24, $0xb8;
	[tilespmem:$0x1E800] =	vst v63  }
0x78: {  	_ =	swait.ge [sflag:s11], $0x2000  }
0x79: {  	[sflag:s11] =	ssyncset.done $0x0  }
0x7a: {  	[sflag:s11] =	ssyncadd.s32 $0xFFFFE000  }
0x7b: {  	[spmem:s1] =	stream.indirect.scatter.add.f32 [tilespmem:s6], [sflag:$0x8], $0x80, s12, s24, $0xb8;
	[tilespmem:$0x1E800] =	vst v63  }
0x7c: {  	_ =	swait.ge [sflag:s13], $0x2000  }
0x7d: {  	[sflag:s13] =	ssyncset.done $0x0  }
0x7e: {  	[sflag:s13] =	ssyncadd.s32 $0xFFFFE000  }
0x7f: {  	[tilespmem:s26], [sflag:$0x2] =	stream.indirect.gather [hbm4b:s4+s24], $0x80, s14, s24, $0xb8;
	[tilespmem:$0x1E800] =	vst v63  }
0x80: {  	_ =	swait.ge [sflag:s28], $0x2000  }
0x81: {  	[sflag:s28] =	ssyncset.done $0x0  }
0x82: {  	s8 =	simm.s32 $0x1600;
	[sflag:s28] =	ssyncadd.s32 $0xFFFFE000  }
0x83: {  	[spmem:s1] =	stream.indirect.scatter.add.f32 [tilespmem:s21], [sflag:$0x5], $0x80, s8, s24, $0xb8;
	[tilespmem:$0x1E800] =	vst v63  }
0x84: {  	_ =	swait.ge [sflag:s15], $0x2000  }
0x85: {  	[sflag:s15] =	ssyncset.done $0x0  }
0x86: {  	s2 =	simm.s32 $0x300;
	[sflag:s15] =	ssyncadd.s32 $0xFFFFE000  }
0x87: {  	[tilespmem:s30], [sflag:$0x3] =	stream.indirect.gather [hbm4b:s4+s24], $0x80, s2, s24, $0xb8;
	[tilespmem:$0x1E800] =	vst v63  }
0x88: {  	_ =	swait.ge [sflag:s31], $0x2000  }
0x89: {  	[sflag:s31] =	ssyncset.done $0x0  }
0x8a: {  	s8 =	simm.s32 $0x1680;
	[sflag:s31] =	ssyncadd.s32 $0xFFFFE000  }
0x8b: {  	[spmem:s1] =	stream.indirect.scatter.add.f32 [tilespmem:s26], [sflag:$0x6], $0x80, s8, s24, $0xb8;
	[tilespmem:$0x1E800] =	vst v63  }
0x8c: {  	_ =	swait.ge [sflag:s16], $0x2000  }
0x8d: {  	[sflag:s16] =	ssyncset.done $0x0  }
0x8e: {  	s2 =	simm.s32 $0x380;
	[sflag:s16] =	ssyncadd.s32 $0xFFFFE000  }
0x8f: {  	[tilespmem:s6], [sflag:$0x4] =	stream.indirect.gather [hbm4b:s4+s24], $0x80, s2, s24, $0xb8;
	[tilespmem:$0x1E800] =	vst v63  }
0x90: {  	_ =	swait.ge [sflag:s7], $0x2000  }
0x91: {  	[sflag:s7] =	ssyncset.done $0x0  }
0x92: {  	s8 =	simm.s32 $0x1700;
	[sflag:s7] =	ssyncadd.s32 $0xFFFFE000  }
0x93: {  	[spmem:s1] =	stream.indirect.scatter.add.f32 [tilespmem:s30], [sflag:$0x7], $0x80, s8, s24, $0xb8;
	[tilespmem:$0x1E800] =	vst v63  }
0x94: {  	_ =	swait.ge [sflag:s9], $0x2000  }
0x95: {  	[sflag:s9] =	ssyncset.done $0x0  }
0x96: {  	s2 =	simm.s32 $0x400;
	[sflag:s9] =	ssyncadd.s32 $0xFFFFE000  }
0x97: {  	[tilespmem:s21], [sflag:$0x1] =	stream.indirect.gather [hbm4b:s4+s24], $0x80, s2, s24, $0xb8;
	[tilespmem:$0x1E800] =	vst v63  }
0x98: {  	_ =	swait.ge [sflag:s11], $0x2000  }
0x99: {  	[sflag:s11] =	ssyncset.done $0x0  }
0x9a: {  	s8 =	simm.s32 $0x1780;
	[sflag:s11] =	ssyncadd.s32 $0xFFFFE000  }
0x9b: {  	[spmem:s1] =	stream.indirect.scatter.add.f32 [tilespmem:s6], [sflag:$0x8], $0x80, s8, s24, $0xb8;
	[tilespmem:$0x1E800] =	vst v63  }
0x9c: {  	_ =	swait.ge [sflag:s13], $0x2000  }
0x9d: {  	[sflag:s13] =	ssyncset.done $0x0  }
0x9e: {  	s0 =	simm.s32 $0x800;
	s2 =	simm.s32 $0x480;
	[sflag:s13] =	ssyncadd.s32 $0xFFFFE000  }
.LBB2_4:
0x9f: {  	[tilespmem:s26], [sflag:$0x2] =	stream.indirect.gather [hbm4b:s4+s24], $0x80, s2, s24, $0xb8;
	[tilespmem:$0x1E800] =	vst v63  }
0xa0: {  	s2 =	smov.u32 s0  }
0xa1: {  	p0 =	sne.s32 s0, $0x3800;
	s0 =	sadd.s32 $0x800, s0;
	_ =	swait.ge [sflag:s28], $0x2000  }
0xa2: {  	s2 =	sshra.s32 s2, $0x2;
	[sflag:s28] =	ssyncset.done $0x0  }
0xa3: {  	s8 =	sadd.s32 $0x1600, s2;
	[sflag:s28] =	ssyncadd.s32 $0xFFFFE000  }
0xa4: {  	[spmem:s1] =	stream.indirect.scatter.add.f32 [tilespmem:s21], [sflag:$0x5], $0x80, s8, s24, $0xb8;
	[tilespmem:$0x1E800] =	vst v63  }
0xa5: {  	_ =	swait.ge [sflag:s15], $0x2000  }
0xa6: {  	[sflag:s15] =	ssyncset.done $0x0  }
0xa7: {  	s8 =	sadd.s32 $0x300, s2;
	[sflag:s15] =	ssyncadd.s32 $0xFFFFE000  }
0xa8: {  	[tilespmem:s30], [sflag:$0x3] =	stream.indirect.gather [hbm4b:s4+s24], $0x80, s8, s24, $0xb8;
	[tilespmem:$0x1E800] =	vst v63  }
0xa9: {  	_ =	swait.ge [sflag:s31], $0x2000  }
0xaa: {  	[sflag:s31] =	ssyncset.done $0x0  }
0xab: {  	s8 =	sadd.s32 $0x1680, s2;
	[sflag:s31] =	ssyncadd.s32 $0xFFFFE000  }
0xac: {  	[spmem:s1] =	stream.indirect.scatter.add.f32 [tilespmem:s26], [sflag:$0x6], $0x80, s8, s24, $0xb8;
	[tilespmem:$0x1E800] =	vst v63  }
0xad: {  	_ =	swait.ge [sflag:s16], $0x2000  }
0xae: {  	[sflag:s16] =	ssyncset.done $0x0  }
0xaf: {  	s8 =	sadd.s32 $0x380, s2;
	[sflag:s16] =	ssyncadd.s32 $0xFFFFE000  }
0xb0: {  	[tilespmem:s6], [sflag:$0x4] =	stream.indirect.gather [hbm4b:s4+s24], $0x80, s8, s24, $0xb8;
	[tilespmem:$0x1E800] =	vst v63  }
0xb1: {  	_ =	swait.ge [sflag:s7], $0x2000  }
0xb2: {  	[sflag:s7] =	ssyncset.done $0x0  }
0xb3: {  	s8 =	sadd.s32 $0x1700, s2;
	[sflag:s7] =	ssyncadd.s32 $0xFFFFE000  }
0xb4: {  	[spmem:s1] =	stream.indirect.scatter.add.f32 [tilespmem:s30], [sflag:$0x7], $0x80, s8, s24, $0xb8;
	[tilespmem:$0x1E800] =	vst v63  }
0xb5: {  	_ =	swait.ge [sflag:s9], $0x2000  }
0xb6: {  	[sflag:s9] =	ssyncset.done $0x0  }
0xb7: {  	s8 =	sadd.s32 $0x400, s2;
	[sflag:s9] =	ssyncadd.s32 $0xFFFFE000  }
0xb8: {  	[tilespmem:s21], [sflag:$0x1] =	stream.indirect.gather [hbm4b:s4+s24], $0x80, s8, s24, $0xb8;
	[tilespmem:$0x1E800] =	vst v63  }
0xb9: {  	_ =	swait.ge [sflag:s11], $0x2000  }
0xba: {  	[sflag:s11] =	ssyncset.done $0x0  }
.Ltmp1:
0xbb: {  	s8 =	sadd.s32 $0x1780, s2;
	[sflag:s11] =	ssyncadd.s32 $0xFFFFE000;
	(pc) =	sbr.rel @p0 .LBB2_4-.Ltmp1, $4  }
0xbc: {  	[spmem:s1] =	stream.indirect.scatter.add.f32 [tilespmem:s6], [sflag:$0x8], $0x80, s8, s24, $0xb8;
	[tilespmem:$0x1E800] =	vst v63  }
0xbd: {  	_ =	swait.ge [sflag:s13], $0x2000  }
0xbe: {  	[sflag:s13] =	ssyncset.done $0x0  }
0xbf: {  	s2 =	sadd.s32 $0x480, s2;
	[sflag:s13] =	ssyncadd.s32 $0xFFFFE000  }
0xc0: {  	[tilespmem:s26], [sflag:$0x2] =	stream.indirect.gather [hbm4b:s4+s24], $0x80, s2, s24, $0xb8;
	[tilespmem:$0x1E800] =	vst v63  }
0xc1: {  	_ =	swait.ge [sflag:s28], $0x2000  }
0xc2: {  	[sflag:s28] =	ssyncset.done $0x0  }
0xc3: {  	[sflag:s28] =	ssyncadd.s32 $0xFFFFE000  }
0xc4: {  	[spmem:s1] =	stream.indirect.scatter.add.f32 [tilespmem:s21], [sflag:$0x5], $0x80, s25, s24, $0xb8;
	[tilespmem:$0x1E800] =	vst v63  }
0xc5: {  	_ =	swait.ge [sflag:s15], $0x2000  }
0xc6: {  	[sflag:s15] =	ssyncset.done $0x0  }
0xc7: {  	[sflag:s15] =	ssyncadd.s32 $0xFFFFE000  }
0xc8: {  	[tilespmem:s30], [sflag:$0x3] =	stream.indirect.gather [hbm4b:s4+s24], $0x80, s17, s24, $0xb8;
	[tilespmem:$0x1E800] =	vst v63  }
0xc9: {  	_ =	swait.ge [sflag:s31], $0x2000  }
0xca: {  	[sflag:s31] =	ssyncset.done $0x0  }
0xcb: {  	[sflag:s31] =	ssyncadd.s32 $0xFFFFE000  }
0xcc: {  	[spmem:s1] =	stream.indirect.scatter.add.f32 [tilespmem:s26], [sflag:$0x6], $0x80, s18, s24, $0xb8;
	[tilespmem:$0x1E800] =	vst v63  }
0xcd: {  	_ =	swait.ge [sflag:s16], $0x2000  }
0xce: {  	[sflag:s16] =	ssyncset.done $0x0  }
0xcf: {  	[sflag:s16] =	ssyncadd.s32 $0xFFFFE000  }
0xd0: {  	[tilespmem:s6], [sflag:$0x4] =	stream.indirect.gather [hbm4b:s4+s24], $0x80, s19, s24, $0xb8;
	[tilespmem:$0x1E800] =	vst v63  }
0xd1: {  	_ =	swait.ge [sflag:s7], $0x2000  }
0xd2: {  	[sflag:s7] =	ssyncset.done $0x0  }
0xd3: {  	[sflag:s7] =	ssyncadd.s32 $0xFFFFE000  }
0xd4: {  	[spmem:s1] =	stream.indirect.scatter.add.f32 [tilespmem:s30], [sflag:$0x7], $0x80, s29, s24, $0xb8;
	[tilespmem:$0x1E800] =	vst v63  }
0xd5: {  	_ =	swait.ge [sflag:s9], $0x2000  }
0xd6: {  	[sflag:s9] =	ssyncset.done $0x0  }
0xd7: {  	[sflag:s9] =	ssyncadd.s32 $0xFFFFE000  }
0xd8: {  	_ =	swait.ge [sflag:s11], $0x2000  }
0xd9: {  	[sflag:s11] =	ssyncset.done $0x0  }
0xda: {  	[sflag:s11] =	ssyncadd.s32 $0xFFFFE000  }
0xdb: {  	[spmem:s1] =	stream.indirect.scatter.add.f32 [tilespmem:s6], [sflag:$0x8], $0x80, s20, s24, $0xb8;
	[tilespmem:$0x1E800] =	vst v63  }
0xdc: {  	_ =	swait.ge [sflag:s13], $0x2000  }
0xdd: {  	[sflag:s13] =	ssyncset.done $0x0  }
0xde: {  	[sflag:s13] =	ssyncadd.s32 $0xFFFFE000  }
0xdf: {  	_ =	swait.ge [sflag:s15], $0x2000  }
0xe0: {  	[sflag:s15] =	ssyncset.done $0x0  }
0xe1: {  	[sflag:s15] =	ssyncadd.s32 $0xFFFFE000  }
0xe2: {  	_ =	swait.ge [sflag:s16], $0x2000  }
0xe3: {  	[sflag:s16] =	ssyncset.done $0x0  }
0xe4: {  	s0 =	simm.s32 $0x0;
	s8 =	rddreg [dreg:$0xf];
	[sflag:s16] =	ssyncadd.s32 $0xFFFFE000  }
0xe5: {  	[tilespmem:s0], [sflag:$0x9] =	stream.linear.gather [hbm4b:s8+s0], $0x1400, $0x38;
	[tilespmem:$0x1E800] =	vst v63  }
0xe6: {  	_ =	swait.ge [sflag:s22], $0x1400  }
0xe7: {  	[sflag:s22] =	ssyncset.done $0x0  }
0xe8: {  	s8 =	rddreg [dreg:$0x10];
	[sflag:s22] =	ssyncadd.s32 $0xFFFFEC00  }
0xe9: {  	[tilespmem:s23], [sflag:$0x9] =	stream.linear.gather [hbm4b:s8+s0], $0x1400, $0x38;
	[tilespmem:$0x1E800] =	vst v63  }
0xea: {  	_ =	swait.ge [sflag:s22], $0x1400  }
0xeb: {  	[sflag:s22] =	ssyncset.done $0x0  }
0xec: {  	[sflag:s22] =	ssyncadd.s32 $0xFFFFEC00  }
0xed: {  	[tilespmem:s21], [sflag:$0x1] =	stream.indirect.gather [hbm4b:s4+s24], $0x80, s0, s24, $0xb8;
	[tilespmem:$0x1E800] =	vst v63  }
0xee: {  	s2 =	simm.s32 $0x80  }
0xef: {  	[tilespmem:s26], [sflag:$0x2] =	stream.indirect.gather [hbm4b:s4+s24], $0x80, s2, s24, $0xb8;
	[tilespmem:$0x1E800] =	vst v63  }
0xf0: {  	_ =	swait.ge [sflag:s28], $0x2000  }
0xf1: {  	[sflag:s28] =	ssyncset.done $0x0  }
0xf2: {  	[sflag:s28] =	ssyncadd.s32 $0xFFFFE000  }
0xf3: {  	[spmem:s1] =	stream.indirect.scatter.add.f32 [tilespmem:s21], [sflag:$0x5], $0x80, s23, s24, $0xb8;
	[tilespmem:$0x1E800] =	vst v63  }
0xf4: {  	s8 =	simm.s32 $0x100  }
0xf5: {  	[tilespmem:s30], [sflag:$0x3] =	stream.indirect.gather [hbm4b:s4+s24], $0x80, s8, s24, $0xb8;
	[tilespmem:$0x1E800] =	vst v63  }
0xf6: {  	_ =	swait.ge [sflag:s31], $0x2000  }
0xf7: {  	[sflag:s31] =	ssyncset.done $0x0  }
0xf8: {  	s2 =	simm.s32 $0x1480;
	[sflag:s31] =	ssyncadd.s32 $0xFFFFE000  }
0xf9: {  	[spmem:s1] =	stream.indirect.scatter.add.f32 [tilespmem:s26], [sflag:$0x6], $0x80, s2, s24, $0xb8;
	[tilespmem:$0x1E800] =	vst v63  }
0xfa: {  	s8 =	simm.s32 $0x180  }
0xfb: {  	[tilespmem:s6], [sflag:$0x4] =	stream.indirect.gather [hbm4b:s4+s24], $0x80, s8, s24, $0xb8;
	[tilespmem:$0x1E800] =	vst v63  }
0xfc: {  	_ =	swait.ge [sflag:s7], $0x2000  }
0xfd: {  	[sflag:s7] =	ssyncset.done $0x0  }
0xfe: {  	s2 =	simm.s32 $0x1500;
	[sflag:s7] =	ssyncadd.s32 $0xFFFFE000  }
0xff: {  	[spmem:s1] =	stream.indirect.scatter.add.f32 [tilespmem:s30], [sflag:$0x7], $0x80, s2, s24, $0xb8;
	[tilespmem:$0x1E800] =	vst v63  }
0x100: {  	_ =	swait.ge [sflag:s9], $0x2000  }
0x101: {  	[sflag:s9] =	ssyncset.done $0x0  }
0x102: {  	[sflag:s9] =	ssyncadd.s32 $0xFFFFE000  }
0x103: {  	[tilespmem:s21], [sflag:$0x1] =	stream.indirect.gather [hbm4b:s4+s24], $0x80, s10, s24, $0xb8;
	[tilespmem:$0x1E800] =	vst v63  }
0x104: {  	_ =	swait.ge [sflag:s11], $0x2000  }
0x105: {  	[sflag:s11] =	ssyncset.done $0x0  }
0x106: {  	[sflag:s11] =	ssyncadd.s32 $0xFFFFE000  }
0x107: {  	[spmem:s1] =	stream.indirect.scatter.add.f32 [tilespmem:s6], [sflag:$0x8], $0x80, s12, s24, $0xb8;
	[tilespmem:$0x1E800] =	vst v63  }
0x108: {  	_ =	swait.ge [sflag:s13], $0x2000  }
0x109: {  	[sflag:s13] =	ssyncset.done $0x0  }
0x10a: {  	[sflag:s13] =	ssyncadd.s32 $0xFFFFE000  }
0x10b: {  	[tilespmem:s26], [sflag:$0x2] =	stream.indirect.gather [hbm4b:s4+s24], $0x80, s14, s24, $0xb8;
	[tilespmem:$0x1E800] =	vst v63  }
0x10c: {  	_ =	swait.ge [sflag:s28], $0x2000  }
0x10d: {  	[sflag:s28] =	ssyncset.done $0x0  }
0x10e: {  	s8 =	simm.s32 $0x1600;
	[sflag:s28] =	ssyncadd.s32 $0xFFFFE000  }
0x10f: {  	[spmem:s1] =	stream.indirect.scatter.add.f32 [tilespmem:s21], [sflag:$0x5], $0x80, s8, s24, $0xb8;
	[tilespmem:$0x1E800] =	vst v63  }
0x110: {  	_ =	swait.ge [sflag:s15], $0x2000  }
0x111: {  	[sflag:s15] =	ssyncset.done $0x0  }
0x112: {  	s2 =	simm.s32 $0x300;
	[sflag:s15] =	ssyncadd.s32 $0xFFFFE000  }
0x113: {  	[tilespmem:s30], [sflag:$0x3] =	stream.indirect.gather [hbm4b:s4+s24], $0x80, s2, s24, $0xb8;
	[tilespmem:$0x1E800] =	vst v63  }
0x114: {  	_ =	swait.ge [sflag:s31], $0x2000  }
0x115: {  	[sflag:s31] =	ssyncset.done $0x0  }
0x116: {  	s8 =	simm.s32 $0x1680;
	[sflag:s31] =	ssyncadd.s32 $0xFFFFE000  }
0x117: {  	[spmem:s1] =	stream.indirect.scatter.add.f32 [tilespmem:s26], [sflag:$0x6], $0x80, s8, s24, $0xb8;
	[tilespmem:$0x1E800] =	vst v63  }
0x118: {  	_ =	swait.ge [sflag:s16], $0x2000  }
0x119: {  	[sflag:s16] =	ssyncset.done $0x0  }
0x11a: {  	s2 =	simm.s32 $0x380;
	[sflag:s16] =	ssyncadd.s32 $0xFFFFE000  }
0x11b: {  	[tilespmem:s6], [sflag:$0x4] =	stream.indirect.gather [hbm4b:s4+s24], $0x80, s2, s24, $0xb8;
	[tilespmem:$0x1E800] =	vst v63  }
0x11c: {  	_ =	swait.ge [sflag:s7], $0x2000  }
0x11d: {  	[sflag:s7] =	ssyncset.done $0x0  }
0x11e: {  	s8 =	simm.s32 $0x1700;
	[sflag:s7] =	ssyncadd.s32 $0xFFFFE000  }
0x11f: {  	[spmem:s1] =	stream.indirect.scatter.add.f32 [tilespmem:s30], [sflag:$0x7], $0x80, s8, s24, $0xb8;
	[tilespmem:$0x1E800] =	vst v63  }
0x120: {  	_ =	swait.ge [sflag:s9], $0x2000  }
0x121: {  	[sflag:s9] =	ssyncset.done $0x0  }
0x122: {  	s2 =	simm.s32 $0x400;
	[sflag:s9] =	ssyncadd.s32 $0xFFFFE000  }
0x123: {  	[tilespmem:s21], [sflag:$0x1] =	stream.indirect.gather [hbm4b:s4+s24], $0x80, s2, s24, $0xb8;
	[tilespmem:$0x1E800] =	vst v63  }
0x124: {  	_ =	swait.ge [sflag:s11], $0x2000  }
0x125: {  	[sflag:s11] =	ssyncset.done $0x0  }
0x126: {  	s8 =	simm.s32 $0x1780;
	[sflag:s11] =	ssyncadd.s32 $0xFFFFE000  }
0x127: {  	[spmem:s1] =	stream.indirect.scatter.add.f32 [tilespmem:s6], [sflag:$0x8], $0x80, s8, s24, $0xb8;
	[tilespmem:$0x1E800] =	vst v63  }
0x128: {  	_ =	swait.ge [sflag:s13], $0x2000  }
0x129: {  	[sflag:s13] =	ssyncset.done $0x0  }
0x12a: {  	s0 =	simm.s32 $0x800;
	s2 =	simm.s32 $0x480;
	[sflag:s13] =	ssyncadd.s32 $0xFFFFE000  }
.LBB2_6:
0x12b: {  	[tilespmem:s26], [sflag:$0x2] =	stream.indirect.gather [hbm4b:s4+s24], $0x80, s2, s24, $0xb8;
	[tilespmem:$0x1E800] =	vst v63  }
0x12c: {  	s2 =	smov.u32 s0  }
0x12d: {  	p0 =	sne.s32 s0, $0x3800;
	s0 =	sadd.s32 $0x800, s0;
	_ =	swait.ge [sflag:s28], $0x2000  }
0x12e: {  	s2 =	sshra.s32 s2, $0x2;
	[sflag:s28] =	ssyncset.done $0x0  }
0x12f: {  	s8 =	sadd.s32 $0x1600, s2;
	[sflag:s28] =	ssyncadd.s32 $0xFFFFE000  }
0x130: {  	[spmem:s1] =	stream.indirect.scatter.add.f32 [tilespmem:s21], [sflag:$0x5], $0x80, s8, s24, $0xb8;
	[tilespmem:$0x1E800] =	vst v63  }
0x131: {  	_ =	swait.ge [sflag:s15], $0x2000  }
0x132: {  	[sflag:s15] =	ssyncset.done $0x0  }
0x133: {  	s8 =	sadd.s32 $0x300, s2;
	[sflag:s15] =	ssyncadd.s32 $0xFFFFE000  }
0x134: {  	[tilespmem:s30], [sflag:$0x3] =	stream.indirect.gather [hbm4b:s4+s24], $0x80, s8, s24, $0xb8;
	[tilespmem:$0x1E800] =	vst v63  }
0x135: {  	_ =	swait.ge [sflag:s31], $0x2000  }
0x136: {  	[sflag:s31] =	ssyncset.done $0x0  }
0x137: {  	s8 =	sadd.s32 $0x1680, s2;
	[sflag:s31] =	ssyncadd.s32 $0xFFFFE000  }
0x138: {  	[spmem:s1] =	stream.indirect.scatter.add.f32 [tilespmem:s26], [sflag:$0x6], $0x80, s8, s24, $0xb8;
	[tilespmem:$0x1E800] =	vst v63  }
0x139: {  	_ =	swait.ge [sflag:s16], $0x2000  }
0x13a: {  	[sflag:s16] =	ssyncset.done $0x0  }
0x13b: {  	s8 =	sadd.s32 $0x380, s2;
	[sflag:s16] =	ssyncadd.s32 $0xFFFFE000  }
0x13c: {  	[tilespmem:s6], [sflag:$0x4] =	stream.indirect.gather [hbm4b:s4+s24], $0x80, s8, s24, $0xb8;
	[tilespmem:$0x1E800] =	vst v63  }
0x13d: {  	_ =	swait.ge [sflag:s7], $0x2000  }
0x13e: {  	[sflag:s7] =	ssyncset.done $0x0  }
0x13f: {  	s8 =	sadd.s32 $0x1700, s2;
	[sflag:s7] =	ssyncadd.s32 $0xFFFFE000  }
0x140: {  	[spmem:s1] =	stream.indirect.scatter.add.f32 [tilespmem:s30], [sflag:$0x7], $0x80, s8, s24, $0xb8;
	[tilespmem:$0x1E800] =	vst v63  }
0x141: {  	_ =	swait.ge [sflag:s9], $0x2000  }
0x142: {  	[sflag:s9] =	ssyncset.done $0x0  }
0x143: {  	s8 =	sadd.s32 $0x400, s2;
	[sflag:s9] =	ssyncadd.s32 $0xFFFFE000  }
0x144: {  	[tilespmem:s21], [sflag:$0x1] =	stream.indirect.gather [hbm4b:s4+s24], $0x80, s8, s24, $0xb8;
	[tilespmem:$0x1E800] =	vst v63  }
0x145: {  	_ =	swait.ge [sflag:s11], $0x2000  }
0x146: {  	[sflag:s11] =	ssyncset.done $0x0  }
.Ltmp2:
0x147: {  	s8 =	sadd.s32 $0x1780, s2;
	[sflag:s11] =	ssyncadd.s32 $0xFFFFE000;
	(pc) =	sbr.rel @p0 .LBB2_6-.Ltmp2, $4  }
0x148: {  	[spmem:s1] =	stream.indirect.scatter.add.f32 [tilespmem:s6], [sflag:$0x8], $0x80, s8, s24, $0xb8;
	[tilespmem:$0x1E800] =	vst v63  }
0x149: {  	_ =	swait.ge [sflag:s13], $0x2000  }
0x14a: {  	[sflag:s13] =	ssyncset.done $0x0  }
0x14b: {  	s2 =	sadd.s32 $0x480, s2;
	[sflag:s13] =	ssyncadd.s32 $0xFFFFE000  }
0x14c: {  	[tilespmem:s26], [sflag:$0x2] =	stream.indirect.gather [hbm4b:s4+s24], $0x80, s2, s24, $0xb8;
	[tilespmem:$0x1E800] =	vst v63  }
0x14d: {  	_ =	swait.ge [sflag:s28], $0x2000  }
0x14e: {  	[sflag:s28] =	ssyncset.done $0x0  }
0x14f: {  	[sflag:s28] =	ssyncadd.s32 $0xFFFFE000  }
0x150: {  	[spmem:s1] =	stream.indirect.scatter.add.f32 [tilespmem:s21], [sflag:$0x5], $0x80, s25, s24, $0xb8;
	[tilespmem:$0x1E800] =	vst v63  }
0x151: {  	_ =	swait.ge [sflag:s15], $0x2000  }
0x152: {  	[sflag:s15] =	ssyncset.done $0x0  }
0x153: {  	[sflag:s15] =	ssyncadd.s32 $0xFFFFE000  }
0x154: {  	[tilespmem:s30], [sflag:$0x3] =	stream.indirect.gather [hbm4b:s4+s24], $0x80, s17, s24, $0xb8;
	[tilespmem:$0x1E800] =	vst v63  }
0x155: {  	_ =	swait.ge [sflag:s31], $0x2000  }
0x156: {  	[sflag:s31] =	ssyncset.done $0x0  }
0x157: {  	[sflag:s31] =	ssyncadd.s32 $0xFFFFE000  }
0x158: {  	[spmem:s1] =	stream.indirect.scatter.add.f32 [tilespmem:s26], [sflag:$0x6], $0x80, s18, s24, $0xb8;
	[tilespmem:$0x1E800] =	vst v63  }
0x159: {  	_ =	swait.ge [sflag:s16], $0x2000  }
0x15a: {  	[sflag:s16] =	ssyncset.done $0x0  }
0x15b: {  	[sflag:s16] =	ssyncadd.s32 $0xFFFFE000  }
0x15c: {  	[tilespmem:s6], [sflag:$0x4] =	stream.indirect.gather [hbm4b:s4+s24], $0x80, s19, s24, $0xb8;
	[tilespmem:$0x1E800] =	vst v63  }
0x15d: {  	_ =	swait.ge [sflag:s7], $0x2000  }
0x15e: {  	[sflag:s7] =	ssyncset.done $0x0  }
0x15f: {  	[sflag:s7] =	ssyncadd.s32 $0xFFFFE000  }
0x160: {  	[spmem:s1] =	stream.indirect.scatter.add.f32 [tilespmem:s30], [sflag:$0x7], $0x80, s29, s24, $0xb8;
	[tilespmem:$0x1E800] =	vst v63  }
0x161: {  	_ =	swait.ge [sflag:s9], $0x2000  }
0x162: {  	[sflag:s9] =	ssyncset.done $0x0  }
0x163: {  	[sflag:s9] =	ssyncadd.s32 $0xFFFFE000  }
0x164: {  	_ =	swait.ge [sflag:s11], $0x2000  }
0x165: {  	[sflag:s11] =	ssyncset.done $0x0  }
0x166: {  	[sflag:s11] =	ssyncadd.s32 $0xFFFFE000  }
0x167: {  	[spmem:s1] =	stream.indirect.scatter.add.f32 [tilespmem:s6], [sflag:$0x8], $0x80, s20, s24, $0xb8;
	[tilespmem:$0x1E800] =	vst v63  }
0x168: {  	_ =	swait.ge [sflag:s13], $0x2000  }
0x169: {  	[sflag:s13] =	ssyncset.done $0x0  }
0x16a: {  	[sflag:s13] =	ssyncadd.s32 $0xFFFFE000  }
0x16b: {  	_ =	swait.ge [sflag:s15], $0x2000  }
0x16c: {  	[sflag:s15] =	ssyncset.done $0x0  }
0x16d: {  	[sflag:s15] =	ssyncadd.s32 $0xFFFFE000  }
0x16e: {  	_ =	swait.ge [sflag:s16], $0x2000  }
0x16f: {  	[sflag:s16] =	ssyncset.done $0x0  }
0x170: {  	s0 =	stileid.u32;
	[sflag:s16] =	ssyncadd.s32 $0xFFFFE000  }
0x171: {  	s0 =	sshll.u32 s0, $0x6;
	[bflag:$0x0] =	sbarrier.arrive $0xFFFF  }
0x172: {  	s2 =	sshrl.u32 s5, $0x3;
	s0 =	sor.u32 $0x1C09, s0;
	s8 =	rddreg [dreg:$0x11]  }
0x173: {  	[hbm:s8], [sflag:s0] =	dma.local [spmem:s2], $0x2800  }
0x174: {  	_ =	swait.ge [sflag:s22], $0x2800  }
0x175: {  	s3 =	sadd.s32 $0x1, s3;
	s8 =	rddreg [dreg:$0x12]  }
0x176: {  	p0 =	sne.s32 s3, s8  }
.Ltmp3:
0x177: {  	_ = 	snop;
	(pc) =	sbr.rel @p0 .LBB2_1-.Ltmp3, $3  }
0x178: {  	_ =	sdelay $0x1  }
0x179: {  	[sflag:s22] =	ssyncset.done $0x0  }
0x17a: {  	[sflag:s22] =	ssyncadd.s32 $0xFFFFD800  }
0x17b: {  	_ =	sfence.sel $0x180000  }
0x17c: {  	[bflag:$0x0] =	sbarrier.arrive $0xFFFF  }
0x17d: {  	_ =	strace $0x9000004D  }
0x17e: {  	s0 =	stileid.u32;
	[bflag:$0x2] =	sbarrier.arrive $0xFFFF  }
0x17f: {  	p0 =	sne.s32 s0, $0x0;
	s0 =	rddreg [dreg:$0x3]  }
0x180: {  	s0 =	sadd.s32 @!p0 $0x100000, s0  }
0x181: {  	[sflag:s0] =	ssyncadd.tile.s32 @!p0 $0x1;
	_ =	shalt  }
.Lfunc_end2:
_tile_overlayer_lowered:
.L_overlay_start_2:
0x182: {  	(tag) =	ssettag $0x2  }
0x183: {  	s0 =	rddreg [dreg:$0x0];
	s2 =	stileid.u32  }
0x184: {  	s1 =	rddreg [dreg:$0x1];
	p0 =	sne.s32 s2, $0x0  }
0x185: {  	s3 =	rddreg [dreg:$0x2];
	[bflag:$0x3] =	sbarrier.arrive $0xFFFF;
	s2 =	simm.s32 @!p0 $0x1C09  }
0x186: {  	[timem:s3], [sflag:s2] =	dma.local @!p0 [hbm:s0], s1  }
0x187: {  	s0 =	simm.s32 @!p0 $0x9  }
0x188: {  	_ =	swait.ge @!p0 [sflag:s0], s1  }
0x189: {  	s1 =	ssub.s32 @!p0 $0x0, s1;
	[sflag:s0] =	ssyncset.done @!p0 $0x0  }
0x18a: {  	[sflag:s0] =	ssyncadd.s32 @!p0 s1  }
0x18b: {  	[bflag:$0x3] =	sbarrier.arrive $0xFFFF  }
0x18c: {  	_ =	shalt  }

// kernel: kernel.8.cloned.1.call-start
scs
__scs_entry_jumppad:
0x0: {  	(pc) =	sbr.rel $0x88, $3  }
0x1: {  	(tag) =	ssettag $0x0;
	lr =	simm.s32 $0x1  }
0x2: {  	[smem:$0x3F99] =	sst lr;
	_ =	strace $0xD0000000  }
0x3: {  	_ = 	snop  }
0x4: {  	_ = 	snop  }
0x5: {  	_ = 	snop  }
0x6: {  	_ = 	snop  }
0x7: {  	_ = 	snop  }
__scs_overlays_trampoline_lowered:
0x8: {  	[smem:$0x3FA8] =	sst s0  }
0x9: {  	[smem:$0x3FA9] =	sst s1  }
0xa: {  	[smem:$0x3FAA] =	sst s2  }
0xb: {  	[smem:$0x3FAB] =	sst s3  }
0xc: {  	[smem:$0x3FAC] =	sst s4  }
0xd: {  	[smem:$0x3FAD] =	sst s5  }
0xe: {  	[smem:$0x3FAE] =	sst s6  }
0xf: {  	[smem:$0x3FAF] =	sst s7  }
0x10: {  	[smem:$0x3FB0] =	sst s8  }
0x11: {  	[smem:$0x3FB1] =	sst s9;
	s0 =	simm.s32 @!p0 $0x0  }
0x12: {  	s1 =	sld [smem:$0x3F97];
	s0 =	simm.s32 @p0 $0x1  }
0x13: {  	[smem:$0x3FB2] =	sst s0;
	s0 =	simm.s32 @!p1 $0x0  }
0x14: {  	s2 =	sld [smem:$0x3F96];
	s0 =	simm.s32 @p1 $0x1  }
0x15: {  	[smem:$0x3FB3] =	sst s0;
	s0 =	simm.s32 @!p2 $0x0  }
0x16: {  	s3 =	sld [smem:$0x3FDB];
	s0 =	simm.s32 @p2 $0x1  }
0x17: {  	s4 =	simm.s32 $0x1BF5;
	[smem:$0x3FB5] =	sst s0  }
0x18: {  	s0 =	sld [smem:$0x3F98];
	_ =	swait.ge [sflag:s4], $0x0  }
0x19: {  	s7 =	sld [smem:$0x3F99]  }
0x1a: {  	s8 =	sadd.s32 $0xFFFFE003, lr  }
0x1b: {  	s9 =	sadd.s32 $0xFFFFFEF7, lr;
	s5 =	simm.s32 $0xFFFFFFFF;
	p2 =	slt.u32 s8, $0xFFFFF086  }
0x1c: {  	p1 =	slt.u32 s9, $0xF7A;
	s5 =	simm.s32 @!p2 $0x0  }
0x1d: {  	s5 =	simm.s32 @p1 $0x1;
	p0 =	seq.s32 s7, s2  }
0x1e: {  	s7 =	smul.u32 @!p0 $0xF7A, s2;
	p2 =	seq.s32 @!p0 s5, $0x0  }
0x1f: {  	s9 =	smul.u32 $0xF7A, s1;
	s8 =	simm.s32 @!p0 $0x1BF5;
	p2 =	por !p2, p0  }
0x20: {  	[sflag:s8] =	ssyncset.s32 @!p0 $0xFFFFF086;
	s6 =	sadd.s32 @!p0 s3, s7;
	s7 =	simm.s32 @!p0 $0x108  }
0x21: {  	s3 =	sadd.s32 s3, s9;
	s6 =	sadd.s32 @!p0 $0x88, s6;
	s7 =	simm.s32 @p2 $0x1082  }
0x22: {  	[simem:s7], [sflag:s8] =	dma.local @!p0 [hbm:s6], $0xF7A  }
0x23: {  	s9 =	sor.u32 $0xD0000000, s2;
	s6 =	simm.s32 $0x108;
	_ =	swait.ge @!p0 [sflag:s8], $0x0  }
0x24: {  	s3 =	sadd.s32 $0x88, s3;
	s6 =	simm.s32 @!p1 $0x1082;
	[sflag:s4] =	ssyncset.s32 $0xFFFFF086  }
0x25: {  	[simem:s6], [sflag:s4] =	dma.local [hbm:s3], $0xF7A  }
0x26: {  	[smem:$0x3F99] =	sst s1;
	(tag) =	ssettag s2;
	_ =	strace s9  }
0x27: {  	s1 =	sld [smem:$0x3FA9]  }
0x28: {  	s2 =	sld [smem:$0x3FAA]  }
0x29: {  	s4 =	sld [smem:$0x3FAC]  }
0x2a: {  	p0 =	seq.s32 s5, $0x0;
	s5 =	sld [smem:$0x3FAD]  }
0x2b: {  	s6 =	sld [smem:$0x3FAE]  }
0x2c: {  	s7 =	sld [smem:$0x3FAF]  }
0x2d: {  	s3 =	simm.s32 $0x108;
	s8 =	sld [smem:$0x3FB0]  }
0x2e: {  	s3 =	simm.s32 @!p0 $0x1082;
	s9 =	sld [smem:$0x3FB1]  }
0x2f: {  	lr =	sadd.s32 s0, s3;
	s0 =	sld [smem:$0x3FA8]  }
0x30: {  	s3 =	sld [smem:$0x3FAB]  }
0x31: {  	[smem:$0x3FB4] =	sst s10  }
0x32: {  	s10 =	sld [smem:$0x3FB2];
	_ =	sdelay $0x3  }
0x33: {  	p0 =	seq.s32 s10, $0x1;
	s10 =	sld [smem:$0x3FB4];
	_ =	sdelay $0x3  }
0x34: {  	[smem:$0x3FB4] =	sst s10  }
0x35: {  	s10 =	sld [smem:$0x3FB3];
	_ =	sdelay $0x3  }
0x36: {  	p1 =	seq.s32 s10, $0x1;
	s10 =	sld [smem:$0x3FB4];
	_ =	sdelay $0x3  }
0x37: {  	[smem:$0x3FB4] =	sst s10  }
0x38: {  	s10 =	sld [smem:$0x3FB5]  }
0x39: {  	_ = 	snop;
	(pc) =	sbr.ind lr, $3  }
0x3a: {  	_ = 	snop  }
0x3b: {  	_ = 	snop  }
0x3c: {  	p2 =	seq.s32 s10, $0x1;
	s10 =	sld [smem:$0x3FB4]  }
0x3d: {  	_ =	shalt  }
0x3e: {  	_ =	shalt  }
0x3f: {  	_ =	shalt  }
0x40: {  	_ =	shalt  }
0x41: {  	_ =	shalt  }
0x42: {  	_ =	shalt  }
0x43: {  	_ =	shalt  }
0x44: {  	_ =	shalt  }
0x45: {  	_ =	shalt  }
0x46: {  	_ =	shalt  }
0x47: {  	_ =	shalt  }
0x48: {  	_ =	shalt  }
0x49: {  	_ =	shalt  }
0x4a: {  	_ =	shalt  }
0x4b: {  	_ =	shalt  }
0x4c: {  	_ =	shalt  }
0x4d: {  	_ =	shalt  }
0x4e: {  	_ =	shalt  }
0x4f: {  	_ =	shalt  }
0x50: {  	_ =	shalt  }
0x51: {  	_ =	shalt  }
0x52: {  	_ =	shalt  }
0x53: {  	_ =	shalt  }
0x54: {  	_ =	shalt  }
0x55: {  	_ =	shalt  }
0x56: {  	_ =	shalt  }
0x57: {  	_ =	shalt  }
0x58: {  	_ =	shalt  }
0x59: {  	_ =	shalt  }
0x5a: {  	_ =	shalt  }
0x5b: {  	_ =	shalt  }
0x5c: {  	_ =	shalt  }
0x5d: {  	_ =	shalt  }
0x5e: {  	_ =	shalt  }
0x5f: {  	_ =	shalt  }
0x60: {  	_ =	shalt  }
0x61: {  	_ =	shalt  }
0x62: {  	_ =	shalt  }
0x63: {  	_ =	shalt  }
0x64: {  	_ =	shalt  }
0x65: {  	_ =	shalt  }
0x66: {  	_ =	shalt  }
0x67: {  	_ =	shalt  }
0x68: {  	_ =	shalt  }
0x69: {  	_ =	shalt  }
0x6a: {  	_ =	shalt  }
0x6b: {  	_ =	shalt  }
0x6c: {  	_ =	shalt  }
0x6d: {  	_ =	shalt  }
0x6e: {  	_ =	shalt  }
0x6f: {  	_ =	shalt  }
0x70: {  	_ =	shalt  }
0x71: {  	_ =	shalt  }
0x72: {  	_ =	shalt  }
0x73: {  	_ =	shalt  }
0x74: {  	_ =	shalt  }
0x75: {  	_ =	shalt  }
0x76: {  	_ =	shalt  }
0x77: {  	_ =	shalt  }
0x78: {  	_ =	shalt  }
0x79: {  	_ =	shalt  }
0x7a: {  	_ =	shalt  }
0x7b: {  	_ =	shalt  }
0x7c: {  	_ =	shalt  }
0x7d: {  	_ =	shalt  }
0x7e: {  	_ =	shalt  }
0x7f: {  	_ =	shalt  }
0x80: {  	_ =	shalt  }
0x81: {  	_ =	shalt  }
0x82: {  	_ =	shalt  }
0x83: {  	_ =	shalt  }
0x84: {  	_ =	shalt  }
0x85: {  	_ =	shalt  }
0x86: {  	_ =	shalt  }
0x87: {  	_ =	shalt  }
.Lfunc_end0:
.L_simem_size_0:
called_computation_lowered:
.L_overlay_start_0:
0x88: {  	s2 =	sld [smem:$0x3FD9]  }
0x89: {  	s3 =	sld [smem:$0x3FFE];
	_ =	sdelay $0x1  }
0x8a: {  	s1 =	srdreg.scid  }
0x8b: {  	s0 =	sand.u32 $0x1, s1  }
0x8c: {  	s17 =	sshll.u32 s0, $0xA;
	s2 =	sadd.s32 s3, s2  }
0x8d: {  	s2 =	sadd.s32 s2, s17  }
0x8e: {  	[smem:$0x3FC0] =	sst s2  }
0x8f: {  	_ = 	snop  }
0x90: {  	s2 =	sld [smem:$0x3FC6]  }
0x91: {  	s18 =	sld [smem:$0x3FD0];
	(tm) =	ssettm $0x1  }
0x92: {  	s4 =	sld [smem:$0x3FFB];
	_ =	sdelay $0x3  }
0x93: {  	_ =	strace s4  }
0x94: {  	s4 =	sld [smem:$0x3FFC];
	_ =	sdelay $0x3  }
0x95: {  	_ =	strace s4  }
0x96: {  	s4 =	sld [smem:$0x3FFD];
	_ =	sdelay $0x3  }
0x97: {  	_ =	strace s4  }
0x98: {  	_ =	strace $0x8FFFFFFF  }
0x99: {  	s19 =	sld [smem:$0x3FDB];
	_ =	sdelay $0x1  }
0x9a: {  	s5 =	simm.s32 $_scs_section_size  }
0x9b: {  	s6 =	simm.s32 $_size__tile_overlayer_lowered;
	s7 =	simm.s32 $_tile_overlayer_lowered  }
0x9c: {  	s22 =	simm.s32 $0x1BFF;
	s21 =	sshll.u32 s7, $0x1;
	s4 =	sadd.s32 s5, s19  }
0x9d: {  	s8 =	simm.s32 $0x0;
	s20 =	sshll.u32 s6, $0x1;
	s6 =	sadd.s32 s21, s4  }
0x9e: {  	[timem:s8], [sflag:s22] =	dma.local [hbm:s6], s20  }
0x9f: {  	_ =	swait.ge [sflag:s22], s20  }
0xa0: {  	s5 =	ssub.s32 $0x0, s20;
	[sflag:s22] =	ssyncset.done $0x0  }
0xa1: {  	[sflag:s22] =	ssyncadd.s32 s5;
	_ =	sdelay $0x1  }
0xa2: {  	s23 =	simm.s32 $0x1B8B  }
0xa3: {  	_ =	swait.ge [sflag:s23], $0x1  }
0xa4: {  	[sflag:s23] =	ssyncset.done $0x0  }
0xa5: {  	s25 =	simm.s32 $0x1B8E;
	s24 =	sld [smem:$0x3FFE];
	[sflag:s23] =	ssyncadd.s32 $0xFFFFFFFF  }
0xa6: {  	s26 =	simm.s32 $execute0_lowered;
	[smem:$0x3FD2] =	sst s25  }
0xa7: {  	s6 =	sshll.u32 s26, $0x1;
	_ =	strace $0x80000046;
	[dreg:$0x1] =	wrdreg $0xFFFFFFFF  }
0xa8: {  	s28 =	simm.s32 $_size_execute0_lowered;
	s4 =	sadd.s32 s4, s6;
	[dreg:$0x0] =	wrdreg $0x0  }
0xa9: {  	s6 =	sshll.u32 s28, $0x1;
	[dreg:$0x2] =	wrdreg s4  }
0xaa: {  	[dreg:$0x3] =	wrdreg s6  }
0xab: {  	[dreg:$0x4] =	wrdreg $0xC0  }
0xac: {  	_ =	task [dreg:s8], $0x5FFFF  }
0xad: {  	[dreg:$0x1] =	wrdreg $0xFFFFFFFF  }
0xae: {  	[dreg:$0x0] =	wrdreg $0x60  }
0xaf: {  	[dreg:$0x2] =	wrdreg s2  }
0xb0: {  	[dreg:$0x3] =	wrdreg s24  }
0xb1: {  	[dreg:$0x4] =	wrdreg s18  }
0xb2: {  	[dreg:$0x5] =	wrdreg $0x9  }
0xb3: {  	_ =	task.clear_ibuf [dreg:s8], $0x6FFFF;
	_ =	strace $0x90000046  }
0xb4: {  	s29 =	simm.s32 $0x9;
	_ =	strace $0x80000048  }
0xb5: {  	_ =	swait.ge [sflag:s29], $0x1  }
0xb6: {  	[sflag:s29] =	ssyncadd.s32 $0xFFFFFFFF  }
0xb7: {  	_ =	strace $0x90000048  }
0xb8: {  	_ =	sfence  }
0xb9: {  	s30 =	sld [smem:$0x0];
	_ =	sdelay $0x2  }
0xba: {  	s31 =	sshll.u32 s1, $0xD;
	s1 =	sshrl.u32 s1, $0x2  }
0xbb: {  	s3 =	sand.u32 $0x4000, s31;
	s1 =	sadd.s32 s1, s30  }
0xbc: {  	s0 =	sor.u32 s3, s0;
	s1 =	sshll.u32 s1, $0x11  }
0xbd: {  	s0 =	sor.u32 s1, s0  }
0xbe: {  	s0 =	sadd.s32 $0x8F2B, s0  }
0xbf: {  	[sflag:s0] =	ssyncadd.remote.s32 $0x1  }
0xc0: {  	_ =	sfence.sel $0xFFFF  }
0xc1: {  	[dreg:$0x0] =	wrdreg $0xFFFFFFFF;
	(pc) =	sbr.abs _section_cstart, $3  }
0xc2: {  	[dreg:$0x1] =	wrdreg $0xFFFFFFFF  }
0xc3: {  	_ =	task.clear_ibuf [dreg:s8], $0x2FFFF;
	_ =	strace $0x9FFFFFFF  }
0xc4: {  	(tm) =	ssettm $0x7FFFFFFF  }
0xc5: {  	_ =	shalt  }
tec
execute0_lowered:
.L_overlay_start_1:
0x0: {  	(tag) =	ssettag $0x1  }
0x1: {  	s1 =	rddreg [dreg:$0x0]  }
0x2: {  	s0 =	rddreg [dreg:$0x1]  }
0x3: {  	s2 =	rddreg [dreg:$0x2]  }
0x4: {  	s4 =	srdreg.scid;
	s3 =	simm.s32 $0x0;
	s9 =	stileid.u32  }
0x5: {  	s14 =	simm.s32 $0x6;
	s15 =	simm.s32 $0x200;
	s18 =	simm.s32 $0xA200  }
0x6: {  	s30 =	simm.s32 $0xF200;
	s28 =	simm.s32 $0x19200;
	s29 =	simm.s32 $0x1  }
0x7: {  	s31 =	simm.s32 $0x2;
	s16 =	simm.s32 $0x5;
	s17 =	simm.s32 $0x0  }
0x8: {  	s4 =	sand.u32 $0x1, s4;
	[smem:$0x7FF] =	sst s3;
	s6 =	smul.u32 $0xA000, s9  }
0x9: {  	s10 =	sadd.s32 $0x15600, s0;
	s5 =	sshll.u32 s4, $0x4;
	_ =	strace $0x80000047  }
0xa: {  	s20 =	sshll.u32 s4, $0x8;
	s21 =	smul.u32 $0x50000, s4;
	s4 =	ssub.s32 $0x2, s4  }
0xb: {  	s7 =	sor.u32 s9, s5;
	s5 =	sor.u32 s20, s6;
	s9 =	smul.u32 $0x2800, s9  }
0xc: {  	s22 =	sshrl.u32 s4, $0x1;
	s8 =	sshll.u32 s7, $0x6;
	s23 =	smul.u32 $0x14000, s7  }
0xd: {  	s5 =	sshrl.u32 s5, $0x3;
	s13 =	ssub.s32 s4, s22;
	s25 =	smul.u32 $0x2800, s7  }
0xe: {  	s22 =	simm.s32 $0x13A00;
	s8 =	sadd.s32 s8, s0;
	s0 =	sadd.s32 s5, s0  }
0xf: {  	s6 =	sadd.s32 s9, s21;
	s13 =	smax.u32 s13, $0x1;
	s21 =	simm.s32 $0x13200  }
0x10: {  	s4 =	sadd.s32 $0xE00, s8;
	s24 =	sshrl.u32 s6, $0x3;
	s26 =	sshrl.u32 s23, $0x3  }
0x11: {  	s6 =	sadd.s32 $0x1600, s0;
	s8 =	sadd.s32 $0x1610, s0;
	s9 =	sadd.s32 s10, s25  }
0x12: {  	s25 =	simm.s32 $0x5200;
	s23 =	simm.s32 $0x14200;
	s0 =	simm.s32 $0x3  }
0x13: {  	v2 =	vlaneseq.u32;
	vm0 =	vmmov $0xffff;
	s5 =	sadd.s32 s2, s24;
	s12 =	sadd.s32 s10, s26;
	s24 =	simm.s32 $0x16A00  }
0x14: {  	v3 =	vimm.f32 $0.0e+00;
	v4 =	vimm.f32 $1.000000000e+00;
	v1 =	vshrl.u32 v2, $0x3;
	s26 =	simm.s32 $0x80;
	s2 =	simm.s32 $0x4;
	s7 =	sadd.s32 $0x5000, s5  }
0x15: {  	v0 =	vand.u32 $0x7, v2;
	v2 =	vor.u32 $0x8, v2;
	v1 =	vmul.u32 $0x8, v1;
	s10 =	sadd.s32 $0xA00, s12;
	s11 =	sadd.s32 $0x1400, s12;
	s12 =	sadd.s32 $0x1E00, s12  }
.LBB2_1:
0x16: {  	[tilespmem:s3], [sflag:$0x6] =	stream.linear.gather [hbm4b:s4+s3], $0x200, $0x38;
	[tilespmem:$0x1BA00] =	vst v63  }
0x17: {  	_ =	swait.ge [sflag:s14], $0x200  }
0x18: {  	[sflag:s14] =	ssyncset.done $0x0  }
0x19: {  	[sflag:s14] =	ssyncadd.s32 $0xFFFFFE00  }
0x1a: {  	v5 =	vld [tilespmem:$0x0];
	_ =	sdelay $0x4  }
0x1b: {  	v6 =	vshll.u32 v5, $0x1  }
0x1c: {  	v5 =	vand.u32 $0x7, v5;
	v6 =	vand.u32 $0xFFFFFFF0, v6  }
0x1d: {  	v5 =	vor.u32 v5, v6  }
0x1e: {  	v6 =	vperm.xlane v5, v0;
	_ =	sdelay $0x1  }
0x1f: {  	v5 =	vperm.xlane v5, v2;
	v6 =	vadd.s32 v1, v6;
	_ =	sdelay $0x1  }
0x20: {  	v5 =	vadd.s32 v1, v5;
	_ =	sdelay $0x2  }
0x21: {  	[tilespmem:s15], [sflag:$0x1] =	stream.indirect_vreg.gather [hbm4b:s1+s3], $0x80, v6, vm0, $0xb8;
	[tilespmem:$0x1BA00] =	vst v63  }
0x22: {  	s19 =	simm.s32 $0xA00  }
0x23: {  	[tilespmem:s19], [sflag:$0x1] =	stream.indirect_vreg.gather [hbm4b:s1+s3], $0x80, v5, vm0, $0xb8;
	[tilespmem:$0x1BA00] =	vst v63  }
0x24: {  	v5 =	vld [tilespmem:$0x10];
	_ =	sdelay $0x4  }
0x25: {  	v6 =	vshll.u32 v5, $0x1  }
0x26: {  	v5 =	vand.u32 $0x7, v5;
	v6 =	vand.u32 $0xFFFFFFF0, v6  }
0x27: {  	v5 =	vor.u32 v5, v6  }
0x28: {  	v6 =	vperm.xlane v5, v0;
	_ =	sdelay $0x1  }
0x29: {  	v5 =	vperm.xlane v5, v2;
	v6 =	vadd.s32 v1, v6;
	_ =	sdelay $0x1  }
0x2a: {  	v5 =	vadd.s32 v1, v5;
	_ =	sdelay $0x1  }
0x2b: {  	s20 =	simm.s32 $0x1200  }
0x2c: {  	[tilespmem:s20], [sflag:$0x1] =	stream.indirect_vreg.gather [hbm4b:s1+s3], $0x80, v6, vm0, $0xb8;
	[tilespmem:$0x1BA00] =	vst v63  }
0x2d: {  	s20 =	simm.s32 $0x1A00  }
0x2e: {  	[tilespmem:s20], [sflag:$0x1] =	stream.indirect_vreg.gather [hbm4b:s1+s3], $0x80, v5, vm0, $0xb8;
	[tilespmem:$0x1BA00] =	vst v63  }
0x2f: {  	v5 =	vld [tilespmem:$0x20];
	_ =	sdelay $0x4  }
0x30: {  	v6 =	vshll.u32 v5, $0x1  }
0x31: {  	v5 =	vand.u32 $0x7, v5;
	v6 =	vand.u32 $0xFFFFFFF0, v6  }
0x32: {  	v5 =	vor.u32 v5, v6  }
0x33: {  	v6 =	vperm.xlane v5, v0;
	_ =	sdelay $0x1  }
0x34: {  	v5 =	vperm.xlane v5, v2;
	v6 =	vadd.s32 v1, v6;
	_ =	sdelay $0x1  }
0x35: {  	v5 =	vadd.s32 v1, v5;
	_ =	sdelay $0x1  }
0x36: {  	s20 =	simm.s32 $0x2200  }
0x37: {  	[tilespmem:s20], [sflag:$0x1] =	stream.indirect_vreg.gather [hbm4b:s1+s3], $0x80, v6, vm0, $0xb8;
	[tilespmem:$0x1BA00] =	vst v63  }
0x38: {  	s20 =	simm.s32 $0x2A00  }
0x39: {  	[tilespmem:s20], [sflag:$0x1] =	stream.indirect_vreg.gather [hbm4b:s1+s3], $0x80, v5, vm0, $0xb8;
	[tilespmem:$0x1BA00] =	vst v63  }
0x3a: {  	v5 =	vld [tilespmem:$0x30];
	_ =	sdelay $0x4  }
0x3b: {  	v6 =	vshll.u32 v5, $0x1  }
0x3c: {  	v5 =	vand.u32 $0x7, v5;
	v6 =	vand.u32 $0xFFFFFFF0, v6  }
0x3d: {  	v5 =	vor.u32 v5, v6  }
0x3e: {  	v6 =	vperm.xlane v5, v0;
	_ =	sdelay $0x1  }
0x3f: {  	v5 =	vperm.xlane v5, v2;
	v6 =	vadd.s32 v1, v6;
	_ =	sdelay $0x1  }
0x40: {  	v5 =	vadd.s32 v1, v5;
	_ =	sdelay $0x1  }
0x41: {  	s20 =	simm.s32 $0x3200  }
0x42: {  	[tilespmem:s20], [sflag:$0x1] =	stream.indirect_vreg.gather [hbm4b:s1+s3], $0x80, v6, vm0, $0xb8;
	[tilespmem:$0x1BA00] =	vst v63  }
0x43: {  	s20 =	simm.s32 $0x3A00  }
0x44: {  	[tilespmem:s20], [sflag:$0x1] =	stream.indirect_vreg.gather [hbm4b:s1+s3], $0x80, v5, vm0, $0xb8;
	[tilespmem:$0x1BA00] =	vst v63  }
0x45: {  	v5 =	vld [tilespmem:$0x40];
	_ =	sdelay $0x4  }
0x46: {  	v6 =	vshll.u32 v5, $0x1  }
0x47: {  	v5 =	vand.u32 $0x7, v5;
	v6 =	vand.u32 $0xFFFFFFF0, v6  }
0x48: {  	v5 =	vor.u32 v5, v6  }
0x49: {  	v6 =	vperm.xlane v5, v0;
	_ =	sdelay $0x1  }
0x4a: {  	v5 =	vperm.xlane v5, v2;
	v6 =	vadd.s32 v1, v6;
	_ =	sdelay $0x1  }
0x4b: {  	v5 =	vadd.s32 v1, v5;
	_ =	sdelay $0x1  }
0x4c: {  	s20 =	simm.s32 $0x4200  }
0x4d: {  	[tilespmem:s20], [sflag:$0x1] =	stream.indirect_vreg.gather [hbm4b:s1+s3], $0x80, v6, vm0, $0xb8;
	[tilespmem:$0x1BA00] =	vst v63  }
0x4e: {  	s20 =	simm.s32 $0x4A00  }
0x4f: {  	[tilespmem:s20], [sflag:$0x1] =	stream.indirect_vreg.gather [hbm4b:s1+s3], $0x80, v5, vm0, $0xb8;
	[tilespmem:$0x1BA00] =	vst v63  }
0x50: {  	v5 =	vld [tilespmem:$0x80];
	_ =	sdelay $0x4  }
0x51: {  	v6 =	vshll.u32 v5, $0x1  }
0x52: {  	v5 =	vand.u32 $0x7, v5;
	v6 =	vand.u32 $0xFFFFFFF0, v6  }
0x53: {  	v5 =	vor.u32 v5, v6  }
0x54: {  	v6 =	vperm.xlane v5, v0;
	_ =	sdelay $0x1  }
0x55: {  	v5 =	vperm.xlane v5, v2;
	v6 =	vadd.s32 v1, v6;
	_ =	sdelay $0x1  }
0x56: {  	v5 =	vadd.s32 v1, v5;
	_ =	sdelay $0x2  }
0x57: {  	[tilespmem:s25], [sflag:$0x2] =	stream.indirect_vreg.gather [hbm4b:s1+s3], $0x80, v6, vm0, $0xb8;
	[tilespmem:$0x1BA00] =	vst v63  }
0x58: {  	s20 =	simm.s32 $0x5A00  }
0x59: {  	[tilespmem:s20], [sflag:$0x2] =	stream.indirect_vreg.gather [hbm4b:s1+s3], $0x80, v5, vm0, $0xb8;
	[tilespmem:$0x1BA00] =	vst v63  }
0x5a: {  	v5 =	vld [tilespmem:$0x90];
	_ =	sdelay $0x4  }
0x5b: {  	v6 =	vshll.u32 v5, $0x1  }
0x5c: {  	v5 =	vand.u32 $0x7, v5;
	v6 =	vand.u32 $0xFFFFFFF0, v6  }
0x5d: {  	v5 =	vor.u32 v5, v6  }
0x5e: {  	v6 =	vperm.xlane v5, v0;
	_ =	sdelay $0x1  }
0x5f: {  	v5 =	vperm.xlane v5, v2;
	v6 =	vadd.s32 v1, v6;
	_ =	sdelay $0x1  }
0x60: {  	v5 =	vadd.s32 v1, v5;
	_ =	sdelay $0x1  }
0x61: {  	s20 =	simm.s32 $0x6200  }
0x62: {  	[tilespmem:s20], [sflag:$0x2] =	stream.indirect_vreg.gather [hbm4b:s1+s3], $0x80, v6, vm0, $0xb8;
	[tilespmem:$0x1BA00] =	vst v63  }
0x63: {  	s20 =	simm.s32 $0x6A00  }
0x64: {  	[tilespmem:s20], [sflag:$0x2] =	stream.indirect_vreg.gather [hbm4b:s1+s3], $0x80, v5, vm0, $0xb8;
	[tilespmem:$0x1BA00] =	vst v63  }
0x65: {  	v5 =	vld [tilespmem:$0xA0];
	_ =	sdelay $0x4  }
0x66: {  	v6 =	vshll.u32 v5, $0x1  }
0x67: {  	v5 =	vand.u32 $0x7, v5;
	v6 =	vand.u32 $0xFFFFFFF0, v6  }
0x68: {  	v5 =	vor.u32 v5, v6  }
0x69: {  	v6 =	vperm.xlane v5, v0;
	_ =	sdelay $0x1  }
0x6a: {  	v5 =	vperm.xlane v5, v2;
	v6 =	vadd.s32 v1, v6;
	_ =	sdelay $0x1  }
0x6b: {  	v5 =	vadd.s32 v1, v5;
	_ =	sdelay $0x1  }
0x6c: {  	s20 =	simm.s32 $0x7200  }
0x6d: {  	[tilespmem:s20], [sflag:$0x2] =	stream.indirect_vreg.gather [hbm4b:s1+s3], $0x80, v6, vm0, $0xb8;
	[tilespmem:$0x1BA00] =	vst v63  }
0x6e: {  	s20 =	simm.s32 $0x7A00  }
0x6f: {  	[tilespmem:s20], [sflag:$0x2] =	stream.indirect_vreg.gather [hbm4b:s1+s3], $0x80, v5, vm0, $0xb8;
	[tilespmem:$0x1BA00] =	vst v63  }
0x70: {  	v5 =	vld [tilespmem:$0xB0];
	_ =	sdelay $0x4  }
0x71: {  	v6 =	vshll.u32 v5, $0x1  }
0x72: {  	v5 =	vand.u32 $0x7, v5;
	v6 =	vand.u32 $0xFFFFFFF0, v6  }
0x73: {  	v5 =	vor.u32 v5, v6  }
0x74: {  	v6 =	vperm.xlane v5, v0;
	_ =	sdelay $0x1  }
0x75: {  	v5 =	vperm.xlane v5, v2;
	v6 =	vadd.s32 v1, v6;
	_ =	sdelay $0x1  }
0x76: {  	v5 =	vadd.s32 v1, v5;
	_ =	sdelay $0x1  }
0x77: {  	s20 =	simm.s32 $0x8200  }
0x78: {  	[tilespmem:s20], [sflag:$0x2] =	stream.indirect_vreg.gather [hbm4b:s1+s3], $0x80, v6, vm0, $0xb8;
	[tilespmem:$0x1BA00] =	vst v63  }
0x79: {  	s20 =	simm.s32 $0x8A00  }
0x7a: {  	[tilespmem:s20], [sflag:$0x2] =	stream.indirect_vreg.gather [hbm4b:s1+s3], $0x80, v5, vm0, $0xb8;
	[tilespmem:$0x1BA00] =	vst v63  }
0x7b: {  	v5 =	vld [tilespmem:$0xC0];
	_ =	sdelay $0x4  }
0x7c: {  	v6 =	vshll.u32 v5, $0x1  }
0x7d: {  	v5 =	vand.u32 $0x7, v5;
	v6 =	vand.u32 $0xFFFFFFF0, v6  }
0x7e: {  	v5 =	vor.u32 v5, v6  }
0x7f: {  	v6 =	vperm.xlane v5, v0;
	_ =	sdelay $0x1  }
0x80: {  	v5 =	vperm.xlane v5, v2;
	v6 =	vadd.s32 v1, v6;
	_ =	sdelay $0x1  }
0x81: {  	v5 =	vadd.s32 v1, v5;
	_ =	sdelay $0x1  }
0x82: {  	s20 =	simm.s32 $0x9200  }
0x83: {  	[tilespmem:s20], [sflag:$0x2] =	stream.indirect_vreg.gather [hbm4b:s1+s3], $0x80, v6, vm0, $0xb8;
	[tilespmem:$0x1BA00] =	vst v63  }
0x84: {  	s20 =	simm.s32 $0x9A00  }
0x85: {  	[tilespmem:s20], [sflag:$0x2] =	stream.indirect_vreg.gather [hbm4b:s1+s3], $0x80, v5, vm0, $0xb8;
	[tilespmem:$0x1BA00] =	vst v63  }
0x86: {  	v5 =	vld [tilespmem:$0x100];
	_ =	sdelay $0x4  }
0x87: {  	v6 =	vshll.u32 v5, $0x1  }
0x88: {  	v5 =	vand.u32 $0x7, v5;
	v6 =	vand.u32 $0xFFFFFFF0, v6  }
0x89: {  	v5 =	vor.u32 v5, v6  }
0x8a: {  	v6 =	vperm.xlane v5, v0;
	_ =	sdelay $0x1  }
0x8b: {  	v5 =	vperm.xlane v5, v2;
	v6 =	vadd.s32 v1, v6;
	_ =	sdelay $0x1  }
0x8c: {  	v5 =	vadd.s32 v1, v5;
	_ =	sdelay $0x2  }
0x8d: {  	[tilespmem:s18], [sflag:$0x3] =	stream.indirect_vreg.gather [hbm4b:s1+s3], $0x80, v6, vm0, $0xb8;
	[tilespmem:$0x1BA00] =	vst v63  }
0x8e: {  	s20 =	simm.s32 $0xAA00  }
0x8f: {  	[tilespmem:s20], [sflag:$0x3] =	stream.indirect_vreg.gather [hbm4b:s1+s3], $0x80, v5, vm0, $0xb8;
	[tilespmem:$0x1BA00] =	vst v63  }
0x90: {  	v5 =	vld [tilespmem:$0x110];
	_ =	sdelay $0x4  }
0x91: {  	v6 =	vshll.u32 v5, $0x1  }
0x92: {  	v5 =	vand.u32 $0x7, v5;
	v6 =	vand.u32 $0xFFFFFFF0, v6  }
0x93: {  	v5 =	vor.u32 v5, v6  }
0x94: {  	v6 =	vperm.xlane v5, v0;
	_ =	sdelay $0x1  }
0x95: {  	v5 =	vperm.xlane v5, v2;
	v6 =	vadd.s32 v1, v6;
	_ =	sdelay $0x1  }
0x96: {  	v5 =	vadd.s32 v1, v5;
	_ =	sdelay $0x1  }
0x97: {  	s20 =	simm.s32 $0xB200  }
0x98: {  	[tilespmem:s20], [sflag:$0x3] =	stream.indirect_vreg.gather [hbm4b:s1+s3], $0x80, v6, vm0, $0xb8;
	[tilespmem:$0x1BA00] =	vst v63  }
0x99: {  	s20 =	simm.s32 $0xBA00  }
0x9a: {  	[tilespmem:s20], [sflag:$0x3] =	stream.indirect_vreg.gather [hbm4b:s1+s3], $0x80, v5, vm0, $0xb8;
	[tilespmem:$0x1BA00] =	vst v63  }
0x9b: {  	v5 =	vld [tilespmem:$0x120];
	_ =	sdelay $0x4  }
0x9c: {  	v6 =	vshll.u32 v5, $0x1  }
0x9d: {  	v5 =	vand.u32 $0x7, v5;
	v6 =	vand.u32 $0xFFFFFFF0, v6  }
0x9e: {  	v5 =	vor.u32 v5, v6  }
0x9f: {  	v6 =	vperm.xlane v5, v0;
	_ =	sdelay $0x1  }
0xa0: {  	v5 =	vperm.xlane v5, v2;
	v6 =	vadd.s32 v1, v6;
	_ =	sdelay $0x1  }
0xa1: {  	v5 =	vadd.s32 v1, v5;
	_ =	sdelay $0x1  }
0xa2: {  	s20 =	simm.s32 $0xC200  }
0xa3: {  	[tilespmem:s20], [sflag:$0x3] =	stream.indirect_vreg.gather [hbm4b:s1+s3], $0x80, v6, vm0, $0xb8;
	[tilespmem:$0x1BA00] =	vst v63  }
0xa4: {  	s20 =	simm.s32 $0xCA00  }
0xa5: {  	[tilespmem:s20], [sflag:$0x3] =	stream.indirect_vreg.gather [hbm4b:s1+s3], $0x80, v5, vm0, $0xb8;
	[tilespmem:$0x1BA00] =	vst v63  }
0xa6: {  	v5 =	vld [tilespmem:$0x130];
	_ =	sdelay $0x4  }
0xa7: {  	v6 =	vshll.u32 v5, $0x1  }
0xa8: {  	v5 =	vand.u32 $0x7, v5;
	v6 =	vand.u32 $0xFFFFFFF0, v6  }
0xa9: {  	v5 =	vor.u32 v5, v6  }
0xaa: {  	v6 =	vperm.xlane v5, v0;
	_ =	sdelay $0x1  }
0xab: {  	v5 =	vperm.xlane v5, v2;
	v6 =	vadd.s32 v1, v6;
	_ =	sdelay $0x1  }
0xac: {  	v5 =	vadd.s32 v1, v5;
	_ =	sdelay $0x1  }
0xad: {  	s20 =	simm.s32 $0xD200  }
0xae: {  	[tilespmem:s20], [sflag:$0x3] =	stream.indirect_vreg.gather [hbm4b:s1+s3], $0x80, v6, vm0, $0xb8;
	[tilespmem:$0x1BA00] =	vst v63  }
0xaf: {  	s20 =	simm.s32 $0xDA00  }
0xb0: {  	[tilespmem:s20], [sflag:$0x3] =	stream.indirect_vreg.gather [hbm4b:s1+s3], $0x80, v5, vm0, $0xb8;
	[tilespmem:$0x1BA00] =	vst v63  }
0xb1: {  	v5 =	vld [tilespmem:$0x140];
	_ =	sdelay $0x4  }
0xb2: {  	v6 =	vshll.u32 v5, $0x1  }
0xb3: {  	v5 =	vand.u32 $0x7, v5;
	v6 =	vand.u32 $0xFFFFFFF0, v6  }
0xb4: {  	v5 =	vor.u32 v5, v6  }
0xb5: {  	v6 =	vperm.xlane v5, v0;
	_ =	sdelay $0x1  }
0xb6: {  	v5 =	vperm.xlane v5, v2;
	v6 =	vadd.s32 v1, v6;
	_ =	sdelay $0x1  }
0xb7: {  	v5 =	vadd.s32 v1, v5;
	_ =	sdelay $0x1  }
0xb8: {  	s20 =	simm.s32 $0xE200  }
0xb9: {  	[tilespmem:s20], [sflag:$0x3] =	stream.indirect_vreg.gather [hbm4b:s1+s3], $0x80, v6, vm0, $0xb8;
	[tilespmem:$0x1BA00] =	vst v63  }
0xba: {  	s20 =	simm.s32 $0xEA00  }
0xbb: {  	[tilespmem:s20], [sflag:$0x3] =	stream.indirect_vreg.gather [hbm4b:s1+s3], $0x80, v5, vm0, $0xb8;
	[tilespmem:$0x1BA00] =	vst v63  }
0xbc: {  	v5 =	vld [tilespmem:$0x180];
	_ =	sdelay $0x4  }
0xbd: {  	v6 =	vshll.u32 v5, $0x1  }
0xbe: {  	v5 =	vand.u32 $0x7, v5;
	v6 =	vand.u32 $0xFFFFFFF0, v6  }
0xbf: {  	v5 =	vor.u32 v5, v6  }
0xc0: {  	v6 =	vperm.xlane v5, v0;
	_ =	sdelay $0x1  }
0xc1: {  	v5 =	vperm.xlane v5, v2;
	v6 =	vadd.s32 v1, v6;
	_ =	sdelay $0x1  }
0xc2: {  	v5 =	vadd.s32 v1, v5;
	_ =	sdelay $0x2  }
0xc3: {  	[tilespmem:s30], [sflag:$0x4] =	stream.indirect_vreg.gather [hbm4b:s1+s3], $0x80, v6, vm0, $0xb8;
	[tilespmem:$0x1BA00] =	vst v63  }
0xc4: {  	s20 =	simm.s32 $0xFA00  }
0xc5: {  	[tilespmem:s20], [sflag:$0x4] =	stream.indirect_vreg.gather [hbm4b:s1+s3], $0x80, v5, vm0, $0xb8;
	[tilespmem:$0x1BA00] =	vst v63  }
0xc6: {  	v5 =	vld [tilespmem:$0x190];
	_ =	sdelay $0x4  }
0xc7: {  	v6 =	vshll.u32 v5, $0x1  }
0xc8: {  	v5 =	vand.u32 $0x7, v5;
	v6 =	vand.u32 $0xFFFFFFF0, v6  }
0xc9: {  	v5 =	vor.u32 v5, v6  }
0xca: {  	v6 =	vperm.xlane v5, v0;
	_ =	sdelay $0x1  }
0xcb: {  	v5 =	vperm.xlane v5, v2;
	v6 =	vadd.s32 v1, v6;
	_ =	sdelay $0x1  }
0xcc: {  	v5 =	vadd.s32 v1, v5;
	_ =	sdelay $0x1  }
0xcd: {  	s20 =	simm.s32 $0x10200  }
0xce: {  	[tilespmem:s20], [sflag:$0x4] =	stream.indirect_vreg.gather [hbm4b:s1+s3], $0x80, v6, vm0, $0xb8;
	[tilespmem:$0x1BA00] =	vst v63  }
0xcf: {  	s20 =	simm.s32 $0x10A00  }
0xd0: {  	[tilespmem:s20], [sflag:$0x4] =	stream.indirect_vreg.gather [hbm4b:s1+s3], $0x80, v5, vm0, $0xb8;
	[tilespmem:$0x1BA00] =	vst v63  }
0xd1: {  	v5 =	vld [tilespmem:$0x1A0];
	_ =	sdelay $0x4  }
0xd2: {  	v6 =	vshll.u32 v5, $0x1  }
0xd3: {  	v5 =	vand.u32 $0x7, v5;
	v6 =	vand.u32 $0xFFFFFFF0, v6  }
0xd4: {  	v5 =	vor.u32 v5, v6  }
0xd5: {  	v6 =	vperm.xlane v5, v0;
	_ =	sdelay $0x1  }
0xd6: {  	v5 =	vperm.xlane v5, v2;
	v6 =	vadd.s32 v1, v6;
	_ =	sdelay $0x1  }
0xd7: {  	v5 =	vadd.s32 v1, v5;
	_ =	sdelay $0x1  }
0xd8: {  	s20 =	simm.s32 $0x11200  }
0xd9: {  	[tilespmem:s20], [sflag:$0x4] =	stream.indirect_vreg.gather [hbm4b:s1+s3], $0x80, v6, vm0, $0xb8;
	[tilespmem:$0x1BA00] =	vst v63  }
0xda: {  	s20 =	simm.s32 $0x11A00  }
0xdb: {  	[tilespmem:s20], [sflag:$0x4] =	stream.indirect_vreg.gather [hbm4b:s1+s3], $0x80, v5, vm0, $0xb8;
	[tilespmem:$0x1BA00] =	vst v63  }
0xdc: {  	v5 =	vld [tilespmem:$0x1B0];
	_ =	sdelay $0x4  }
0xdd: {  	v6 =	vshll.u32 v5, $0x1  }
0xde: {  	v5 =	vand.u32 $0x7, v5;
	v6 =	vand.u32 $0xFFFFFFF0, v6  }
0xdf: {  	v5 =	vor.u32 v5, v6  }
0xe0: {  	v6 =	vperm.xlane v5, v0;
	_ =	sdelay $0x1  }
0xe1: {  	v5 =	vperm.xlane v5, v2;
	v6 =	vadd.s32 v1, v6;
	_ =	sdelay $0x1  }
0xe2: {  	v5 =	vadd.s32 v1, v5;
	_ =	sdelay $0x1  }
0xe3: {  	s20 =	simm.s32 $0x12200  }
0xe4: {  	[tilespmem:s20], [sflag:$0x4] =	stream.indirect_vreg.gather [hbm4b:s1+s3], $0x80, v6, vm0, $0xb8;
	[tilespmem:$0x1BA00] =	vst v63  }
0xe5: {  	s20 =	simm.s32 $0x12A00  }
0xe6: {  	[tilespmem:s20], [sflag:$0x4] =	stream.indirect_vreg.gather [hbm4b:s1+s3], $0x80, v5, vm0, $0xb8;
	[tilespmem:$0x1BA00] =	vst v63  }
0xe7: {  	v5 =	vld [tilespmem:$0x1C0];
	_ =	sdelay $0x4  }
0xe8: {  	v6 =	vshll.u32 v5, $0x1  }
0xe9: {  	v5 =	vand.u32 $0x7, v5;
	v6 =	vand.u32 $0xFFFFFFF0, v6  }
0xea: {  	v5 =	vor.u32 v5, v6  }
0xeb: {  	v6 =	vperm.xlane v5, v0;
	_ =	sdelay $0x1  }
0xec: {  	v5 =	vperm.xlane v5, v2;
	v6 =	vadd.s32 v1, v6;
	_ =	sdelay $0x1  }
0xed: {  	v5 =	vadd.s32 v1, v5;
	_ =	sdelay $0x2  }
0xee: {  	[tilespmem:s21], [sflag:$0x4] =	stream.indirect_vreg.gather [hbm4b:s1+s3], $0x80, v6, vm0, $0xb8;
	[tilespmem:$0x1BA00] =	vst v63  }
0xef: {  	s19 =	simm.s32 $0x40;
	s20 =	simm.s32 $0x0  }
0xf0: {  	[tilespmem:s22], [sflag:$0x4] =	stream.indirect_vreg.gather [hbm4b:s1+s3], $0x80, v5, vm0, $0xb8;
	[tilespmem:$0x1BA00] =	vst v63  }
.LBB2_2:
0xf1: {  	p0 =	sne.s32 s19, $0x9FC0;
	[tilespmem:s20+$0x16A00] =	vst v3;
	s20 =	smov.u32 s19;
	s19 =	sadd.s32 $0x40, s19  }
.Ltmp0:
0xf2: {  	(pc) =	sbr.rel @p0 .LBB2_2-.Ltmp0, $2  }
0xf3: {  	_ =	sdelay $0x2  }
0xf4: {  	s20 =	sshra.s32 s20, $0x2  }
0xf5: {  	[tilespmem:s20+$0x16A00] =	vst v3;
	s19 =	simm.s32 $0x0  }
0xf6: {  	[tilespmem:s23], [sflag:$0x6] =	stream.linear.gather [hbm4b:s5+s19], $0x2800, $0x38;
	[tilespmem:$0x1BA00] =	vst v63  }
0xf7: {  	_ =	swait.ge [sflag:s14], $0x2800  }
0xf8: {  	[sflag:s14] =	ssyncset.done $0x0  }
0xf9: {  	[sflag:s14] =	ssyncadd.s32 $0xFFFFD800  }
.LBB2_4:
0xfa: {  	s20 =	sshra.s32 s19, $0x2  }
0xfb: {  	v5 =	vld [tilespmem:s20+$0x14200];
	_ =	sdelay $0x7  }
0xfc: {  	[tilespmem:v5+s24+$0x0] =	vst.idx.add.f32.msk $0xffff, v4  }
0xfd: {  	v5 =	vld [tilespmem:s20+$0x14210];
	_ =	sdelay $0x7  }
0xfe: {  	[tilespmem:v5+s24+$0x0] =	vst.idx.add.f32.msk $0xffff, v4  }
0xff: {  	v5 =	vld [tilespmem:s20+$0x14220];
	_ =	sdelay $0x7  }
0x100: {  	[tilespmem:v5+s24+$0x0] =	vst.idx.add.f32.msk $0xffff, v4  }
0x101: {  	v5 =	vld [tilespmem:s20+$0x14230];
	_ =	sdelay $0x7  }
0x102: {  	[tilespmem:v5+s24+$0x0] =	vst.idx.add.f32.msk $0xffff, v4  }
0x103: {  	v5 =	vld [tilespmem:s20+$0x14240];
	_ =	sdelay $0x7  }
0x104: {  	[tilespmem:v5+s24+$0x0] =	vst.idx.add.f32.msk $0xffff, v4  }
0x105: {  	v5 =	vld [tilespmem:s20+$0x14250];
	_ =	sdelay $0x7  }
0x106: {  	[tilespmem:v5+s24+$0x0] =	vst.idx.add.f32.msk $0xffff, v4  }
0x107: {  	v5 =	vld [tilespmem:s20+$0x14260];
	_ =	sdelay $0x7  }
0x108: {  	[tilespmem:v5+s24+$0x0] =	vst.idx.add.f32.msk $0xffff, v4  }
0x109: {  	v5 =	vld [tilespmem:s20+$0x14270];
	_ =	sdelay $0x2  }
0x10a: {  	p0 =	sne.s32 s19, $0x9E00  }
.Ltmp1:
0x10b: {  	_ = 	snop;
	(pc) =	sbr.rel @p0 .LBB2_4-.Ltmp1, $2  }
0x10c: {  	_ =	sdelay $0x2  }
0x10d: {  	s19 =	sadd.s32 $0x200, s19;
	[tilespmem:v5+s24+$0x0] =	vst.idx.add.f32.msk $0xffff, v4  }
0x10e: {  	[hbm4b:s6+s26] =	stream.strided.scatter [tilespmem:s24], [sflag:$0x6], $0x2800, s15, s26, $0x38;
	[tilespmem:$0x1BA00] =	vst v63  }
0x10f: {  	_ =	swait.ge [sflag:s14], $0x2800  }
0x110: {  	[sflag:s14] =	ssyncset.done $0x0  }
0x111: {  	s19 =	simm.s32 $0x40;
	s20 =	simm.s32 $0x0;
	[sflag:s14] =	ssyncadd.s32 $0xFFFFD800  }
.LBB2_6:
0x112: {  	p0 =	sne.s32 s19, $0x9FC0;
	[tilespmem:s20+$0x19200] =	vst v3;
	s20 =	smov.u32 s19;
	s19 =	sadd.s32 $0x40, s19  }
.Ltmp2:
0x113: {  	(pc) =	sbr.rel @p0 .LBB2_6-.Ltmp2, $2  }
0x114: {  	_ =	sdelay $0x2  }
0x115: {  	s20 =	sshra.s32 s20, $0x2  }
0x116: {  	[tilespmem:s20+$0x19200] =	vst v3;
	s19 =	simm.s32 $0x0  }
0x117: {  	[tilespmem:s23], [sflag:$0x6] =	stream.linear.gather [hbm4b:s7+s19], $0x2800, $0x38;
	[tilespmem:$0x1BA00] =	vst v63  }
0x118: {  	_ =	swait.ge [sflag:s14], $0x2800  }
0x119: {  	[sflag:s14] =	ssyncset.done $0x0  }
0x11a: {  	[sflag:s14] =	ssyncadd.s32 $0xFFFFD800  }
.LBB2_8:
0x11b: {  	s20 =	sshra.s32 s19, $0x2  }
0x11c: {  	v5 =	vld [tilespmem:s20+$0x14200];
	_ =	sdelay $0x7  }
0x11d: {  	[tilespmem:v5+s28+$0x0] =	vst.idx.add.f32.msk $0xffff, v4  }
0x11e: {  	v5 =	vld [tilespmem:s20+$0x14210];
	_ =	sdelay $0x7  }
0x11f: {  	[tilespmem:v5+s28+$0x0] =	vst.idx.add.f32.msk $0xffff, v4  }
0x120: {  	v5 =	vld [tilespmem:s20+$0x14220];
	_ =	sdelay $0x7  }
0x121: {  	[tilespmem:v5+s28+$0x0] =	vst.idx.add.f32.msk $0xffff, v4  }
0x122: {  	v5 =	vld [tilespmem:s20+$0x14230];
	_ =	sdelay $0x7  }
0x123: {  	[tilespmem:v5+s28+$0x0] =	vst.idx.add.f32.msk $0xffff, v4  }
0x124: {  	v5 =	vld [tilespmem:s20+$0x14240];
	_ =	sdelay $0x7  }
0x125: {  	[tilespmem:v5+s28+$0x0] =	vst.idx.add.f32.msk $0xffff, v4  }
0x126: {  	v5 =	vld [tilespmem:s20+$0x14250];
	_ =	sdelay $0x7  }
0x127: {  	[tilespmem:v5+s28+$0x0] =	vst.idx.add.f32.msk $0xffff, v4  }
0x128: {  	v5 =	vld [tilespmem:s20+$0x14260];
	_ =	sdelay $0x7  }
0x129: {  	[tilespmem:v5+s28+$0x0] =	vst.idx.add.f32.msk $0xffff, v4  }
0x12a: {  	v5 =	vld [tilespmem:s20+$0x14270];
	_ =	sdelay $0x2  }
0x12b: {  	p0 =	sne.s32 s19, $0x9E00  }
.Ltmp3:
0x12c: {  	_ = 	snop;
	(pc) =	sbr.rel @p0 .LBB2_8-.Ltmp3, $2  }
0x12d: {  	_ =	sdelay $0x2  }
0x12e: {  	s19 =	sadd.s32 $0x200, s19;
	[tilespmem:v5+s28+$0x0] =	vst.idx.add.f32.msk $0xffff, v4  }
0x12f: {  	[hbm4b:s8+s26] =	stream.strided.scatter [tilespmem:s28], [sflag:$0x6], $0x2800, s15, s26, $0x38;
	[tilespmem:$0x1BA00] =	vst v63  }
0x130: {  	_ =	swait.ge [sflag:s14], $0x2800  }
0x131: {  	[sflag:s14] =	ssyncset.done $0x0  }
0x132: {  	[sflag:s14] =	ssyncadd.s32 $0xFFFFD800  }
0x133: {  	_ =	swait.ge [sflag:s29], $0x5000  }
0x134: {  	[sflag:s29] =	ssyncset.done $0x0  }
0x135: {  	[sflag:s29] =	ssyncadd.s32 $0xFFFFB000  }
0x136: {  	[hbm4b:s9+s3] =	stream.linear.scatter [tilespmem:s15], [sflag:$0x5], $0x5000, $0x38;
	[tilespmem:$0x1BA00] =	vst v63  }
0x137: {  	_ =	swait.ge [sflag:s31], $0x5000  }
0x138: {  	[sflag:s31] =	ssyncset.done $0x0  }
0x139: {  	[sflag:s31] =	ssyncadd.s32 $0xFFFFB000  }
0x13a: {  	[hbm4b:s10+s3] =	stream.linear.scatter [tilespmem:s25], [sflag:$0x5], $0x5000, $0x38;
	[tilespmem:$0x1BA00] =	vst v63  }
0x13b: {  	_ =	swait.ge [sflag:s0], $0x5000  }
0x13c: {  	[sflag:s0] =	ssyncset.done $0x0  }
0x13d: {  	[sflag:s0] =	ssyncadd.s32 $0xFFFFB000  }
0x13e: {  	[hbm4b:s11+s3] =	stream.linear.scatter [tilespmem:s18], [sflag:$0x5], $0x5000, $0x38;
	[tilespmem:$0x1BA00] =	vst v63  }
0x13f: {  	_ =	swait.ge [sflag:s2], $0x5000  }
0x140: {  	[sflag:s2] =	ssyncset.done $0x0  }
0x141: {  	[sflag:s2] =	ssyncadd.s32 $0xFFFFB000  }
0x142: {  	[hbm4b:s12+s3] =	stream.linear.scatter [tilespmem:s30], [sflag:$0x5], $0x5000, $0x38;
	[tilespmem:$0x1BA00] =	vst v63  }
0x143: {  	_ =	swait.ge [sflag:s16], $0x5000  }
0x144: {  	[sflag:s16] =	ssyncset.done $0x0  }
0x145: {  	[sflag:s16] =	ssyncadd.s32 $0xFFFFB000  }
0x146: {  	_ =	swait.ge [sflag:s16], $0x5000  }
0x147: {  	[sflag:s16] =	ssyncset.done $0x0  }
0x148: {  	s17 =	sadd.s32 $0x1, s17;
	[sflag:s16] =	ssyncadd.s32 $0xFFFFB000  }
0x149: {  	p0 =	sne.s32 s17, s13;
	_ =	swait.ge [sflag:s16], $0x5000  }
.Ltmp4:
0x14a: {  	[sflag:s16] =	ssyncset.done $0x0;
	(pc) =	sbr.rel @p0 .LBB2_1-.Ltmp4, $4  }
0x14b: {  	[sflag:s16] =	ssyncadd.s32 $0xFFFFB000  }
0x14c: {  	_ =	swait.ge [sflag:s16], $0x5000  }
0x14d: {  	[sflag:s16] =	ssyncset.done $0x0  }
0x14e: {  	[sflag:s16] =	ssyncadd.s32 $0xFFFFB000  }
0x14f: {  	_ =	sfence.sel $0x180000  }
0x150: {  	[bflag:$0x0] =	sbarrier.arrive $0xFFFF  }
0x151: {  	_ =	strace $0x90000047  }
0x152: {  	s0 =	stileid.u32;
	[bflag:$0x2] =	sbarrier.arrive $0xFFFF  }
0x153: {  	p0 =	sne.s32 s0, $0x0;
	s0 =	rddreg [dreg:$0x3]  }
0x154: {  	s0 =	sadd.s32 @!p0 $0x100000, s0  }
0x155: {  	[sflag:s0] =	ssyncadd.tile.s32 @!p0 $0x1;
	_ =	shalt  }
.Lfunc_end2:
_tile_overlayer_lowered:
.L_overlay_start_2:
0x156: {  	(tag) =	ssettag $0x2  }
0x157: {  	s0 =	rddreg [dreg:$0x0];
	s2 =	stileid.u32  }
0x158: {  	s1 =	rddreg [dreg:$0x1];
	p0 =	sne.s32 s2, $0x0  }
0x159: {  	s3 =	rddreg [dreg:$0x2];
	[bflag:$0x3] =	sbarrier.arrive $0xFFFF;
	s2 =	simm.s32 @!p0 $0x1C06  }
0x15a: {  	[timem:s3], [sflag:s2] =	dma.local @!p0 [hbm:s0], s1  }
0x15b: {  	s0 =	simm.s32 @!p0 $0x6  }
0x15c: {  	_ =	swait.ge @!p0 [sflag:s0], s1  }
0x15d: {  	s1 =	ssub.s32 @!p0 $0x0, s1;
	[sflag:s0] =	ssyncset.done @!p0 $0x0  }
0x15e: {  	[sflag:s0] =	ssyncadd.s32 @!p0 s1  }
0x15f: {  	[bflag:$0x3] =	sbarrier.arrive $0xFFFF  }
0x160: {  	_ =	shalt  }

</sc_bundles>
